<compile_context>
chip_gen: v7x
topology: tpu7x:2x2x1
jax: 0.10.2.dev20260603
libtpu: 0.0.44.dev20260713+nightly
codegen_flags: <defaults>
</compile_context>

<pallas_src>
import functools

import jax
import jax.numpy as jnp
from jax import lax
from jax.experimental import pallas as pl
from jax.experimental.pallas import tpu as pltpu
from jax.experimental.pallas import tpu_sc as plsc

_B, _H, _W, _D = 16, 32, 32, 256
_NC, _NS, _L = 2, 16, 16


def _sc_map_body(col_hbm, row_hbm, map_hbm, chunk, row_buf, sem):
    i = lax.axis_index("s") * _NC + lax.axis_index("c")
    pltpu.sync_copy(col_hbm.at[pl.ds(0, _W), :], chunk.at[:, pl.ds(0, _D)])
    pltpu.sync_copy(row_hbm.at[i, :], row_buf)
    for t in range(_D // _L):
        v = row_buf[pl.ds(t * _L, _L)]
        for j in range(_W):
            chunk[j, pl.ds(_D + t * _L, _L)] = v
    pltpu.async_copy(chunk, map_hbm.at[i], sem).wait()


def _tc_rep_body(map_ref, out_ref, sems):
    b = out_ref.shape[0]
    copies = [pltpu.make_async_copy(map_ref, out_ref.at[i],
                                    sems.at[i % sems.shape[0]])
              for i in range(b)]
    for c in copies:
        c.start()
    for c in copies:
        c.wait()


def kernel(x, row_embed, col_embed):
    b = x.shape[0]
    h, w = x.shape[-2], x.shape[-1]
    d = row_embed.shape[1]
    mesh = plsc.VectorSubcoreMesh(core_axis_name="c", subcore_axis_name="s")
    build_map = functools.partial(
        pl.kernel,
        mesh=mesh,
        out_type=jax.ShapeDtypeStruct((h, w, 2 * d), jnp.float32),
        scratch_types=[
            pltpu.VMEM((w, 2 * d), jnp.float32),
            pltpu.VMEM((d,), jnp.float32),
            pltpu.SemaphoreType.DMA,
        ],
    )(_sc_map_body)
    pos_map = build_map(col_embed, row_embed)
    out = pl.pallas_call(
        _tc_rep_body,
        in_specs=[pl.BlockSpec(memory_space=pltpu.MemorySpace.VMEM)],
        out_specs=pl.BlockSpec(memory_space=pl.ANY),
        out_shape=jax.ShapeDtypeStruct((b, h, w, 2 * d), jnp.float32),
        scratch_shapes=[pltpu.SemaphoreType.DMA((8,))],
    )(pos_map)
    return jnp.transpose(out, (0, 3, 1, 2))

# --- scband reference (transcript-rebuilt; emitter-appended) ---
"""Pipeline reference for scband-position-embedding-learned-28638841930097 (READ-ONLY COPY).

The authoritative reference and input builder live on the scoring server;
editing this copy changes nothing except your own understanding.
"""

import jax, jax.numpy as jnp
import numpy as np

NUM_POS_FEATS = 256

def setup_inputs(seed: int = 0) -> dict:
    key = jax.random.key(seed)
    k1, k2, k3 = jax.random.split(key, 3)
    x = jax.random.normal(k1, (16, 768, 32, 32), dtype=jnp.float32)
    row_embed = jax.random.uniform(k2, (512, NUM_POS_FEATS), dtype=jnp.float32, minval=-1.0, maxval=1.0)
    col_embed = jax.random.uniform(k3, (512, NUM_POS_FEATS), dtype=jnp.float32, minval=-1.0, maxval=1.0)
    return {"x": x, "row_embed": row_embed, "col_embed": col_embed}

def reference(x, row_embed, col_embed):
    b = x.shape[0]
    h, w = x.shape[-2], x.shape[-1]
    i = jnp.arange(w, dtype=jnp.int32)
    j = jnp.arange(h, dtype=jnp.int32)
    x_emb = jnp.take(col_embed, i, axis=0)  # [w, d]
    y_emb = jnp.take(row_embed, j, axis=0)  # [h, d]
    a = jnp.broadcast_to(x_emb[None, :, :], (h, w, x_emb.shape[-1]))
    bb = jnp.broadcast_to(y_emb[:, None, :], (h, w, y_emb.shape[-1]))
    pos = jnp.concatenate([a, bb], axis=-1)            # [h, w, 2d]
    pos = jnp.transpose(pos, (2, 0, 1))                 # [2d, h, w]
    pos = jnp.broadcast_to(pos[None, :, :, :], (b,) + pos.shape)  # [b, 2d, h, w]
    return pos

if __name__ == "__main__":
    import jax
    _d = setup_inputs()
    print(jax.jit(kernel)(*tuple(_d.values())))

</pallas_src>

<mosaic_0001>
#map = affine_map<(d0, d1) -> (0, 0)>
#map1 = affine_map<(d0, d1) -> (0, 0, 0)>
module attributes {stable_mosaic.version = 14 : i64} {
  func.func @_sc_map_body(%arg0: i32, %arg1: i32, %arg2: memref<512x256xf32, #tpu.memory_space<hbm>>, %arg3: memref<512x256xf32, #tpu.memory_space<hbm>>, %arg4: memref<32x32x512xf32, #tpu.memory_space<hbm>>, %arg5: memref<32x512xf32, #tpu.memory_space<vmem>>, %arg6: memref<256xf32, #tpu.memory_space<vmem>>, %arg7: memref<!tpu.dma_semaphore, #tpu.memory_space<semaphore_mem>>) attributes {dimension_semantics = [#tpu.dimension_semantics<core_parallel>, #tpu.dimension_semantics<subcore_parallel>], iteration_bounds = array<i64: 2, 16>, scalar_prefetch = 0 : i64, scratch_operands = 3 : i64, tpu.core_type = #tpu.core_type<sc_vector_subcore>, window_params = [{transform_indices = #map}, {transform_indices = #map}, {transform_indices = #map1}]} {
    %mul3A = arith.constant 2 : i32
    %mul3A_0 = arith.muli %arg1, %mul3A : i32
    %add3A = arith.addi %mul3A_0, %arg0 : i32
    "tpu.region"() ({
      %run_scoped3A = tpu.sem_alloc : memref<!tpu.dma_semaphore, #tpu.memory_space<semaphore_mem>>
      %dma_start3A_3133 = arith.constant 0 : i32
      %dma_start3A_3134 = arith.constant 0 : i32
      %dma_start3A_3135 = tpu.memref_slice %arg5[%dma_start3A_3133, %dma_start3A_3134] : memref<32x512xf32, #tpu.memory_space<vmem>> -> memref<32x256xf32, #tpu.memory_space<vmem>>
      %dma_start3A_3136 = arith.constant 0 : i32
      %dma_start3A_3137 = arith.constant 0 : i32
      %dma_start3A_3138 = tpu.memref_slice %arg2[%dma_start3A_3136, %dma_start3A_3137] : memref<512x256xf32, #tpu.memory_space<hbm>> -> memref<32x256xf32, #tpu.memory_space<hbm>>
      %dma_start3A_3139 = arith.constant 0 : i32
      %dma_start3A_3140 = arith.constant 0 : i32
      %dma_start3A_3141 = tpu.memref_slice %arg5[%dma_start3A_3139, %dma_start3A_3140] : memref<32x512xf32, #tpu.memory_space<vmem>> -> memref<32x256xf32, #tpu.memory_space<vmem>>
      %dma_start3A_3142 = arith.constant 0 : i32
      %dma_start3A_3143 = arith.constant 0 : i32
      %dma_start3A_3144 = tpu.memref_slice %arg2[%dma_start3A_3142, %dma_start3A_3143] : memref<512x256xf32, #tpu.memory_space<hbm>> -> memref<32x256xf32, #tpu.memory_space<hbm>>
      tpu.enqueue_dma source(%dma_start3A_3144 : memref<32x256xf32, #tpu.memory_space<hbm>>) target(%dma_start3A_3141 : memref<32x256xf32, #tpu.memory_space<vmem>>) target_semaphore(%run_scoped3A : memref<!tpu.dma_semaphore, #tpu.memory_space<semaphore_mem>>)
      %dma_wait3A_3145 = arith.constant 0 : i32
      %dma_wait3A_3146 = arith.constant 0 : i32
      %dma_wait3A_3147 = tpu.memref_slice %arg5[%dma_wait3A_3145, %dma_wait3A_3146] : memref<32x512xf32, #tpu.memory_space<vmem>> -> memref<32x256xf32, #tpu.memory_space<vmem>>
      %dma_wait3A_3148 = arith.constant 0 : i32
      %dma_wait3A_3149 = arith.constant 0 : i32
      %dma_wait3A_3150 = tpu.memref_slice %arg2[%dma_wait3A_3148, %dma_wait3A_3149] : memref<512x256xf32, #tpu.memory_space<hbm>> -> memref<32x256xf32, #tpu.memory_space<hbm>>
      %dma_wait3A_3151 = arith.constant 0 : i32
      %dma_wait3A_3152 = arith.constant 0 : i32
      %dma_wait3A_3153 = tpu.memref_slice %arg5[%dma_wait3A_3151, %dma_wait3A_3152] : memref<32x512xf32, #tpu.memory_space<vmem>> -> memref<32x256xf32, #tpu.memory_space<vmem>>
      %dma_wait3A_3154 = arith.constant 0 : i32
      %dma_wait3A_3155 = arith.constant 0 : i32
      %dma_wait3A_3156 = tpu.memref_slice %arg2[%dma_wait3A_3154, %dma_wait3A_3155] : memref<512x256xf32, #tpu.memory_space<hbm>> -> memref<32x256xf32, #tpu.memory_space<hbm>>
      tpu.wait_dma2 semaphore(%run_scoped3A : memref<!tpu.dma_semaphore, #tpu.memory_space<semaphore_mem>>) src(%dma_wait3A_3156 : memref<32x256xf32, #tpu.memory_space<hbm>>) dst(%dma_wait3A_3153 : memref<32x256xf32, #tpu.memory_space<vmem>>)
      tpu.yield
    }) : () -> ()
    "tpu.region"() ({
      %run_scoped3A = tpu.sem_alloc : memref<!tpu.dma_semaphore, #tpu.memory_space<semaphore_mem>>
      %dma_start3A_3133 = arith.constant 0 : i32
      %dma_start3A_3134 = tpu.memref_slice %arg3[%add3A, %dma_start3A_3133] : memref<512x256xf32, #tpu.memory_space<hbm>> -> memref<1x256xf32, #tpu.memory_space<hbm>>
      %dma_start3A_3135 = tpu.memref_squeeze %dma_start3A_3134 : memref<1x256xf32, #tpu.memory_space<hbm>> -> memref<256xf32, #tpu.memory_space<hbm>>
      %dma_start3A_3136 = arith.constant 0 : i32
      %dma_start3A_3137 = tpu.memref_slice %arg3[%add3A, %dma_start3A_3136] : memref<512x256xf32, #tpu.memory_space<hbm>> -> memref<1x256xf32, #tpu.memory_space<hbm>>
      %dma_start3A_3138 = tpu.memref_squeeze %dma_start3A_3137 : memref<1x256xf32, #tpu.memory_space<hbm>> -> memref<256xf32, #tpu.memory_space<hbm>>
      tpu.enqueue_dma source(%dma_start3A_3138 : memref<256xf32, #tpu.memory_space<hbm>>) target(%arg6 : memref<256xf32, #tpu.memory_space<vmem>>) target_semaphore(%run_scoped3A : memref<!tpu.dma_semaphore, #tpu.memory_space<semaphore_mem>>)
      %dma_wait3A_3139 = arith.constant 0 : i32
      %dma_wait3A_3140 = tpu.memref_slice %arg3[%add3A, %dma_wait3A_3139] : memref<512x256xf32, #tpu.memory_space<hbm>> -> memref<1x256xf32, #tpu.memory_space<hbm>>
      %dma_wait3A_3141 = tpu.memref_squeeze %dma_wait3A_3140 : memref<1x256xf32, #tpu.memory_space<hbm>> -> memref<256xf32, #tpu.memory_space<hbm>>
      %dma_wait3A_3142 = arith.constant 0 : i32
      %dma_wait3A_3143 = tpu.memref_slice %arg3[%add3A, %dma_wait3A_3142] : memref<512x256xf32, #tpu.memory_space<hbm>> -> memref<1x256xf32, #tpu.memory_space<hbm>>
      %dma_wait3A_3144 = tpu.memref_squeeze %dma_wait3A_3143 : memref<1x256xf32, #tpu.memory_space<hbm>> -> memref<256xf32, #tpu.memory_space<hbm>>
      tpu.wait_dma2 semaphore(%run_scoped3A : memref<!tpu.dma_semaphore, #tpu.memory_space<semaphore_mem>>) src(%dma_wait3A_3144 : memref<256xf32, #tpu.memory_space<hbm>>) dst(%arg6 : memref<256xf32, #tpu.memory_space<vmem>>)
      tpu.yield
    }) : () -> ()
    %get3A = arith.constant 0 : index
    %get3A_1 = tpu.vector_load %arg6[%get3A] {strides = array<i32>} : memref<256xf32, #tpu.memory_space<vmem>>, vector<16xf32>,
    %get3A_2 = vector.shape_cast %get3A_1 : vector<16xf32> to vector<16xf32>
    %swap3A = arith.constant 0 : i32
    %swap3A_3 = arith.index_cast %swap3A : i32 to index
    %swap3A_4 = arith.constant 256 : index
    %swap3A_5 = tpu.vector_load %arg5[%swap3A_3, %swap3A_4] {strides = array<i32>} : memref<32x512xf32, #tpu.memory_space<vmem>>, vector<1x16xf32>,
    %swap3A_6 = vector.shape_cast %swap3A_5 : vector<1x16xf32> to vector<16xf32>
    %swap3A_7 = vector.shape_cast %get3A_2 : vector<16xf32> to vector<1x16xf32>
    tpu.vector_store %arg5[%swap3A_3, %swap3A_4], %swap3A_7 {strides = array<i32>} : memref<32x512xf32, #tpu.memory_space<vmem>>, vector<1x16xf32>,
    %swap3A_8 = arith.constant 1 : i32
    %swap3A_9 = arith.index_cast %swap3A_8 : i32 to index
    %swap3A_10 = arith.constant 256 : index
    %swap3A_11 = tpu.vector_load %arg5[%swap3A_9, %swap3A_10] {strides = array<i32>} : memref<32x512xf32, #tpu.memory_space<vmem>>, vector<1x16xf32>,
    %swap3A_12 = vector.shape_cast %swap3A_11 : vector<1x16xf32> to vector<16xf32>
    %swap3A_13 = vector.shape_cast %get3A_2 : vector<16xf32> to vector<1x16xf32>
    tpu.vector_store %arg5[%swap3A_9, %swap3A_10], %swap3A_13 {strides = array<i32>} : memref<32x512xf32, #tpu.memory_space<vmem>>, vector<1x16xf32>,
    %swap3A_14 = arith.constant 2 : i32
    %swap3A_15 = arith.index_cast %swap3A_14 : i32 to index
    %swap3A_16 = arith.constant 256 : index
    %swap3A_17 = tpu.vector_load %arg5[%swap3A_15, %swap3A_16] {strides = array<i32>} : memref<32x512xf32, #tpu.memory_space<vmem>>, vector<1x16xf32>,
    %swap3A_18 = vector.shape_cast %swap3A_17 : vector<1x16xf32> to vector<16xf32>
    %swap3A_19 = vector.shape_cast %get3A_2 : vector<16xf32> to vector<1x16xf32>
    tpu.vector_store %arg5[%swap3A_15, %swap3A_16], %swap3A_19 {strides = array<i32>} : memref<32x512xf32, #tpu.memory_space<vmem>>, vector<1x16xf32>,
    %swap3A_20 = arith.constant 3 : i32
    %swap3A_21 = arith.index_cast %swap3A_20 : i32 to index
    %swap3A_22 = arith.constant 256 : index
    %swap3A_23 = tpu.vector_load %arg5[%swap3A_21, %swap3A_22] {strides = array<i32>} : memref<32x512xf32, #tpu.memory_space<vmem>>, vector<1x16xf32>,
    %swap3A_24 = vector.shape_cast %swap3A_23 : vector<1x16xf32> to vector<16xf32>
    %swap3A_25 = vector.shape_cast %get3A_2 : vector<16xf32> to vector<1x16xf32>
    tpu.vector_store %arg5[%swap3A_21, %swap3A_22], %swap3A_25 {strides = array<i32>} : memref<32x512xf32, #tpu.memory_space<vmem>>, vector<1x16xf32>,
    %swap3A_26 = arith.constant 4 : i32
    %swap3A_27 = arith.index_cast %swap3A_26 : i32 to index
    %swap3A_28 = arith.constant 256 : index
    %swap3A_29 = tpu.vector_load %arg5[%swap3A_27, %swap3A_28] {strides = array<i32>} : memref<32x512xf32, #tpu.memory_space<vmem>>, vector<1x16xf32>,
    %swap3A_30 = vector.shape_cast %swap3A_29 : vector<1x16xf32> to vector<16xf32>
    %swap3A_31 = vector.shape_cast %get3A_2 : vector<16xf32> to vector<1x16xf32>
    tpu.vector_store %arg5[%swap3A_27, %swap3A_28], %swap3A_31 {strides = array<i32>} : memref<32x512xf32, #tpu.memory_space<vmem>>, vector<1x16xf32>,
    %swap3A_32 = arith.constant 5 : i32
    %swap3A_33 = arith.index_cast %swap3A_32 : i32 to index
    %swap3A_34 = arith.constant 256 : index
    %swap3A_35 = tpu.vector_load %arg5[%swap3A_33, %swap3A_34] {strides = array<i32>} : memref<32x512xf32, #tpu.memory_space<vmem>>, vector<1x16xf32>,
    %swap3A_36 = vector.shape_cast %swap3A_35 : vector<1x16xf32> to vector<16xf32>
    %swap3A_37 = vector.shape_cast %get3A_2 : vector<16xf32> to vector<1x16xf32>
    tpu.vector_store %arg5[%swap3A_33, %swap3A_34], %swap3A_37 {strides = array<i32>} : memref<32x512xf32, #tpu.memory_space<vmem>>, vector<1x16xf32>,
    %swap3A_38 = arith.constant 6 : i32
    %swap3A_39 = arith.index_cast %swap3A_38 : i32 to index
    %swap3A_40 = arith.constant 256 : index
    %swap3A_41 = tpu.vector_load %arg5[%swap3A_39, %swap3A_40] {strides = array<i32>} : memref<32x512xf32, #tpu.memory_space<vmem>>, vector<1x16xf32>,
    %swap3A_42 = vector.shape_cast %swap3A_41 : vector<1x16xf32> to vector<16xf32>
    %swap3A_43 = vector.shape_cast %get3A_2 : vector<16xf32> to vector<1x16xf32>
    tpu.vector_store %arg5[%swap3A_39, %swap3A_40], %swap3A_43 {strides = array<i32>} : memref<32x512xf32, #tpu.memory_space<vmem>>, vector<1x16xf32>,
    %swap3A_44 = arith.constant 7 : i32
    %swap3A_45 = arith.index_cast %swap3A_44 : i32 to index
    %swap3A_46 = arith.constant 256 : index
    %swap3A_47 = tpu.vector_load %arg5[%swap3A_45, %swap3A_46] {strides = array<i32>} : memref<32x512xf32, #tpu.memory_space<vmem>>, vector<1x16xf32>,
    %swap3A_48 = vector.shape_cast %swap3A_47 : vector<1x16xf32> to vector<16xf32>
    %swap3A_49 = vector.shape_cast %get3A_2 : vector<16xf32> to vector<1x16xf32>
    tpu.vector_store %arg5[%swap3A_45, %swap3A_46], %swap3A_49 {strides = array<i32>} : memref<32x512xf32, #tpu.memory_space<vmem>>, vector<1x16xf32>,
    %swap3A_50 = arith.constant 8 : i32
    %swap3A_51 = arith.index_cast %swap3A_50 : i32 to index
    %swap3A_52 = arith.constant 256 : index
    %swap3A_53 = tpu.vector_load %arg5[%swap3A_51, %swap3A_52] {strides = array<i32>} : memref<32x512xf32, #tpu.memory_space<vmem>>, vector<1x16xf32>,
    %swap3A_54 = vector.shape_cast %swap3A_53 : vector<1x16xf32> to vector<16xf32>
    %swap3A_55 = vector.shape_cast %get3A_2 : vector<16xf32> to vector<1x16xf32>
    tpu.vector_store %arg5[%swap3A_51, %swap3A_52], %swap3A_55 {strides = array<i32>} : memref<32x512xf32, #tpu.memory_space<vmem>>, vector<1x16xf32>,
    %swap3A_56 = arith.constant 9 : i32
    %swap3A_57 = arith.index_cast %swap3A_56 : i32 to index
    %swap3A_58 = arith.constant 256 : index
    %swap3A_59 = tpu.vector_load %arg5[%swap3A_57, %swap3A_58] {strides = array<i32>} : memref<32x512xf32, #tpu.memory_space<vmem>>, vector<1x16xf32>,
    %swap3A_60 = vector.shape_cast %swap3A_59 : vector<1x16xf32> to vector<16xf32>
    %swap3A_61 = vector.shape_cast %get3A_2 : vector<16xf32> to vector<1x16xf32>
    tpu.vector_store %arg5[%swap3A_57, %swap3A_58], %swap3A_61 {strides = array<i32>} : memref<32x512xf32, #tpu.memory_space<vmem>>, vector<1x16xf32>,
    %swap3A_62 = arith.constant 10 : i32
    %swap3A_63 = arith.index_cast %swap3A_62 : i32 to index
    %swap3A_64 = arith.constant 256 : index
    %swap3A_65 = tpu.vector_load %arg5[%swap3A_63, %swap3A_64] {strides = array<i32>} : memref<32x512xf32, #tpu.memory_space<vmem>>, vector<1x16xf32>,
    %swap3A_66 = vector.shape_cast %swap3A_65 : vector<1x16xf32> to vector<16xf32>
    %swap3A_67 = vector.shape_cast %get3A_2 : vector<16xf32> to vector<1x16xf32>
    tpu.vector_store %arg5[%swap3A_63, %swap3A_64], %swap3A_67 {strides = array<i32>} : memref<32x512xf32, #tpu.memory_space<vmem>>, vector<1x16xf32>,
    %swap3A_68 = arith.constant 11 : i32
    %swap3A_69 = arith.index_cast %swap3A_68 : i32 to index
    %swap3A_70 = arith.constant 256 : index
    %swap3A_71 = tpu.vector_load %arg5[%swap3A_69, %swap3A_70] {strides = array<i32>} : memref<32x512xf32, #tpu.memory_space<vmem>>, vector<1x16xf32>,
    %swap3A_72 = vector.shape_cast %swap3A_71 : vector<1x16xf32> to vector<16xf32>
    %swap3A_73 = vector.shape_cast %get3A_2 : vector<16xf32> to vector<1x16xf32>
    tpu.vector_store %arg5[%swap3A_69, %swap3A_70], %swap3A_73 {strides = array<i32>} : memref<32x512xf32, #tpu.memory_space<vmem>>, vector<1x16xf32>,
    %swap3A_74 = arith.constant 12 : i32
    %swap3A_75 = arith.index_cast %swap3A_74 : i32 to index
    %swap3A_76 = arith.constant 256 : index
    %swap3A_77 = tpu.vector_load %arg5[%swap3A_75, %swap3A_76] {strides = array<i32>} : memref<32x512xf32, #tpu.memory_space<vmem>>, vector<1x16xf32>,
    %swap3A_78 = vector.shape_cast %swap3A_77 : vector<1x16xf32> to vector<16xf32>
    %swap3A_79 = vector.shape_cast %get3A_2 : vector<16xf32> to vector<1x16xf32>
    tpu.vector_store %arg5[%swap3A_75, %swap3A_76], %swap3A_79 {strides = array<i32>} : memref<32x512xf32, #tpu.memory_space<vmem>>, vector<1x16xf32>,
    %swap3A_80 = arith.constant 13 : i32
    %swap3A_81 = arith.index_cast %swap3A_80 : i32 to index
    %swap3A_82 = arith.constant 256 : index
    %swap3A_83 = tpu.vector_load %arg5[%swap3A_81, %swap3A_82] {strides = array<i32>} : memref<32x512xf32, #tpu.memory_space<vmem>>, vector<1x16xf32>,
    %swap3A_84 = vector.shape_cast %swap3A_83 : vector<1x16xf32> to vector<16xf32>
    %swap3A_85 = vector.shape_cast %get3A_2 : vector<16xf32> to vector<1x16xf32>
    tpu.vector_store %arg5[%swap3A_81, %swap3A_82], %swap3A_85 {strides = array<i32>} : memref<32x512xf32, #tpu.memory_space<vmem>>, vector<1x16xf32>,
    %swap3A_86 = arith.constant 14 : i32
    %swap3A_87 = arith.index_cast %swap3A_86 : i32 to index
    %swap3A_88 = arith.constant 256 : index
    %swap3A_89 = tpu.vector_load %arg5[%swap3A_87, %swap3A_88] {strides = array<i32>} : memref<32x512xf32, #tpu.memory_space<vmem>>, vector<1x16xf32>,
    %swap3A_90 = vector.shape_cast %swap3A_89 : vector<1x16xf32> to vector<16xf32>
    %swap3A_91 = vector.shape_cast %get3A_2 : vector<16xf32> to vector<1x16xf32>
    tpu.vector_store %arg5[%swap3A_87, %swap3A_88], %swap3A_91 {strides = array<i32>} : memref<32x512xf32, #tpu.memory_space<vmem>>, vector<1x16xf32>,
    %swap3A_92 = arith.constant 15 : i32
    %swap3A_93 = arith.index_cast %swap3A_92 : i32 to index
    %swap3A_94 = arith.constant 256 : index
    %swap3A_95 = tpu.vector_load %arg5[%swap3A_93, %swap3A_94] {strides = array<i32>} : memref<32x512xf32, #tpu.memory_space<vmem>>, vector<1x16xf32>,
    %swap3A_96 = vector.shape_cast %swap3A_95 : vector<1x16xf32> to vector<16xf32>
    %swap3A_97 = vector.shape_cast %get3A_2 : vector<16xf32> to vector<1x16xf32>
    tpu.vector_store %arg5[%swap3A_93, %swap3A_94], %swap3A_97 {strides = array<i32>} : memref<32x512xf32, #tpu.memory_space<vmem>>, vector<1x16xf32>,
    %swap3A_98 = arith.constant 16 : i32
    %swap3A_99 = arith.index_cast %swap3A_98 : i32 to index
    %swap3A_100 = arith.constant 256 : index
    %swap3A_101 = tpu.vector_load %arg5[%swap3A_99, %swap3A_100] {strides = array<i32>} : memref<32x512xf32, #tpu.memory_space<vmem>>, vector<1x16xf32>,
    %swap3A_102 = vector.shape_cast %swap3A_101 : vector<1x16xf32> to vector<16xf32>
    %swap3A_103 = vector.shape_cast %get3A_2 : vector<16xf32> to vector<1x16xf32>
    tpu.vector_store %arg5[%swap3A_99, %swap3A_100], %swap3A_103 {strides = array<i32>} : memref<32x512xf32, #tpu.memory_space<vmem>>, vector<1x16xf32>,
    %swap3A_104 = arith.constant 17 : i32
    %swap3A_105 = arith.index_cast %swap3A_104 : i32 to index
    %swap3A_106 = arith.constant 256 : index
    %swap3A_107 = tpu.vector_load %arg5[%swap3A_105, %swap3A_106] {strides = array<i32>} : memref<32x512xf32, #tpu.memory_space<vmem>>, vector<1x16xf32>,
    %swap3A_108 = vector.shape_cast %swap3A_107 : vector<1x16xf32> to vector<16xf32>
    %swap3A_109 = vector.shape_cast %get3A_2 : vector<16xf32> to vector<1x16xf32>
    tpu.vector_store %arg5[%swap3A_105, %swap3A_106], %swap3A_109 {strides = array<i32>} : memref<32x512xf32, #tpu.memory_space<vmem>>, vector<1x16xf32>,
    %swap3A_110 = arith.constant 18 : i32
    %swap3A_111 = arith.index_cast %swap3A_110 : i32 to index
    %swap3A_112 = arith.constant 256 : index
    %swap3A_113 = tpu.vector_load %arg5[%swap3A_111, %swap3A_112] {strides = array<i32>} : memref<32x512xf32, #tpu.memory_space<vmem>>, vector<1x16xf32>,
    %swap3A_114 = vector.shape_cast %swap3A_113 : vector<1x16xf32> to vector<16xf32>
    %swap3A_115 = vector.shape_cast %get3A_2 : vector<16xf32> to vector<1x16xf32>
    tpu.vector_store %arg5[%swap3A_111, %swap3A_112], %swap3A_115 {strides = array<i32>} : memref<32x512xf32, #tpu.memory_space<vmem>>, vector<1x16xf32>,
    %swap3A_116 = arith.constant 19 : i32
    %swap3A_117 = arith.index_cast %swap3A_116 : i32 to index
    %swap3A_118 = arith.constant 256 : index
    %swap3A_119 = tpu.vector_load %arg5[%swap3A_117, %swap3A_118] {strides = array<i32>} : memref<32x512xf32, #tpu.memory_space<vmem>>, vector<1x16xf32>,
    %swap3A_120 = vector.shape_cast %swap3A_119 : vector<1x16xf32> to vector<16xf32>
    %swap3A_121 = vector.shape_cast %get3A_2 : vector<16xf32> to vector<1x16xf32>
    tpu.vector_store %arg5[%swap3A_117, %swap3A_118], %swap3A_121 {strides = array<i32>} : memref<32x512xf32, #tpu.memory_space<vmem>>, vector<1x16xf32>,
    %swap3A_122 = arith.constant 20 : i32
    %swap3A_123 = arith.index_cast %swap3A_122 : i32 to index
    %swap3A_124 = arith.constant 256 : index
    %swap3A_125 = tpu.vector_load %arg5[%swap3A_123, %swap3A_124] {strides = array<i32>} : memref<32x512xf32, #tpu.memory_space<vmem>>, vector<1x16xf32>,
    %swap3A_126 = vector.shape_cast %swap3A_125 : vector<1x16xf32> to vector<16xf32>
    %swap3A_127 = vector.shape_cast %get3A_2 : vector<16xf32> to vector<1x16xf32>
    tpu.vector_store %arg5[%swap3A_123, %swap3A_124], %swap3A_127 {strides = array<i32>} : memref<32x512xf32, #tpu.memory_space<vmem>>, vector<1x16xf32>,
    %swap3A_128 = arith.constant 21 : i32
    %swap3A_129 = arith.index_cast %swap3A_128 : i32 to index
    %swap3A_130 = arith.constant 256 : index
    %swap3A_131 = tpu.vector_load %arg5[%swap3A_129, %swap3A_130] {strides = array<i32>} : memref<32x512xf32, #tpu.memory_space<vmem>>, vector<1x16xf32>,
    %swap3A_132 = vector.shape_cast %swap3A_131 : vector<1x16xf32> to vector<16xf32>
    %swap3A_133 = vector.shape_cast %get3A_2 : vector<16xf32> to vector<1x16xf32>
    tpu.vector_store %arg5[%swap3A_129, %swap3A_130], %swap3A_133 {strides = array<i32>} : memref<32x512xf32, #tpu.memory_space<vmem>>, vector<1x16xf32>,
    %swap3A_134 = arith.constant 22 : i32
    %swap3A_135 = arith.index_cast %swap3A_134 : i32 to index
    %swap3A_136 = arith.constant 256 : index
    %swap3A_137 = tpu.vector_load %arg5[%swap3A_135, %swap3A_136] {strides = array<i32>} : memref<32x512xf32, #tpu.memory_space<vmem>>, vector<1x16xf32>,
    %swap3A_138 = vector.shape_cast %swap3A_137 : vector<1x16xf32> to vector<16xf32>
    %swap3A_139 = vector.shape_cast %get3A_2 : vector<16xf32> to vector<1x16xf32>
    tpu.vector_store %arg5[%swap3A_135, %swap3A_136], %swap3A_139 {strides = array<i32>} : memref<32x512xf32, #tpu.memory_space<vmem>>, vector<1x16xf32>,
    %swap3A_140 = arith.constant 23 : i32
    %swap3A_141 = arith.index_cast %swap3A_140 : i32 to index
    %swap3A_142 = arith.constant 256 : index
    %swap3A_143 = tpu.vector_load %arg5[%swap3A_141, %swap3A_142] {strides = array<i32>} : memref<32x512xf32, #tpu.memory_space<vmem>>, vector<1x16xf32>,
    %swap3A_144 = vector.shape_cast %swap3A_143 : vector<1x16xf32> to vector<16xf32>
    %swap3A_145 = vector.shape_cast %get3A_2 : vector<16xf32> to vector<1x16xf32>
    tpu.vector_store %arg5[%swap3A_141, %swap3A_142], %swap3A_145 {strides = array<i32>} : memref<32x512xf32, #tpu.memory_space<vmem>>, vector<1x16xf32>,
    %swap3A_146 = arith.constant 24 : i32
    %swap3A_147 = arith.index_cast %swap3A_146 : i32 to index
    %swap3A_148 = arith.constant 256 : index
    %swap3A_149 = tpu.vector_load %arg5[%swap3A_147, %swap3A_148] {strides = array<i32>} : memref<32x512xf32, #tpu.memory_space<vmem>>, vector<1x16xf32>,
    %swap3A_150 = vector.shape_cast %swap3A_149 : vector<1x16xf32> to vector<16xf32>
    %swap3A_151 = vector.shape_cast %get3A_2 : vector<16xf32> to vector<1x16xf32>
    tpu.vector_store %arg5[%swap3A_147, %swap3A_148], %swap3A_151 {strides = array<i32>} : memref<32x512xf32, #tpu.memory_space<vmem>>, vector<1x16xf32>,
    %swap3A_152 = arith.constant 25 : i32
    %swap3A_153 = arith.index_cast %swap3A_152 : i32 to index
    %swap3A_154 = arith.constant 256 : index
    %swap3A_155 = tpu.vector_load %arg5[%swap3A_153, %swap3A_154] {strides = array<i32>} : memref<32x512xf32, #tpu.memory_space<vmem>>, vector<1x16xf32>,
    %swap3A_156 = vector.shape_cast %swap3A_155 : vector<1x16xf32> to vector<16xf32>
    %swap3A_157 = vector.shape_cast %get3A_2 : vector<16xf32> to vector<1x16xf32>
    tpu.vector_store %arg5[%swap3A_153, %swap3A_154], %swap3A_157 {strides = array<i32>} : memref<32x512xf32, #tpu.memory_space<vmem>>, vector<1x16xf32>,
    %swap3A_158 = arith.constant 26 : i32
    %swap3A_159 = arith.index_cast %swap3A_158 : i32 to index
    %swap3A_160 = arith.constant 256 : index
    %swap3A_161 = tpu.vector_load %arg5[%swap3A_159, %swap3A_160] {strides = array<i32>} : memref<32x512xf32, #tpu.memory_space<vmem>>, vector<1x16xf32>,
    %swap3A_162 = vector.shape_cast %swap3A_161 : vector<1x16xf32> to vector<16xf32>
    %swap3A_163 = vector.shape_cast %get3A_2 : vector<16xf32> to vector<1x16xf32>
    tpu.vector_store %arg5[%swap3A_159, %swap3A_160], %swap3A_163 {strides = array<i32>} : memref<32x512xf32, #tpu.memory_space<vmem>>, vector<1x16xf32>,
    %swap3A_164 = arith.constant 27 : i32
    %swap3A_165 = arith.index_cast %swap3A_164 : i32 to index
    %swap3A_166 = arith.constant 256 : index
    %swap3A_167 = tpu.vector_load %arg5[%swap3A_165, %swap3A_166] {strides = array<i32>} : memref<32x512xf32, #tpu.memory_space<vmem>>, vector<1x16xf32>,
    %swap3A_168 = vector.shape_cast %swap3A_167 : vector<1x16xf32> to vector<16xf32>
    %swap3A_169 = vector.shape_cast %get3A_2 : vector<16xf32> to vector<1x16xf32>
    tpu.vector_store %arg5[%swap3A_165, %swap3A_166], %swap3A_169 {strides = array<i32>} : memref<32x512xf32, #tpu.memory_space<vmem>>, vector<1x16xf32>,
    %swap3A_170 = arith.constant 28 : i32
    %swap3A_171 = arith.index_cast %swap3A_170 : i32 to index
    %swap3A_172 = arith.constant 256 : index
    %swap3A_173 = tpu.vector_load %arg5[%swap3A_171, %swap3A_172] {strides = array<i32>} : memref<32x512xf32, #tpu.memory_space<vmem>>, vector<1x16xf32>,
    %swap3A_174 = vector.shape_cast %swap3A_173 : vector<1x16xf32> to vector<16xf32>
    %swap3A_175 = vector.shape_cast %get3A_2 : vector<16xf32> to vector<1x16xf32>
    tpu.vector_store %arg5[%swap3A_171, %swap3A_172], %swap3A_175 {strides = array<i32>} : memref<32x512xf32, #tpu.memory_space<vmem>>, vector<1x16xf32>,
    %swap3A_176 = arith.constant 29 : i32
    %swap3A_177 = arith.index_cast %swap3A_176 : i32 to index
    %swap3A_178 = arith.constant 256 : index
    %swap3A_179 = tpu.vector_load %arg5[%swap3A_177, %swap3A_178] {strides = array<i32>} : memref<32x512xf32, #tpu.memory_space<vmem>>, vector<1x16xf32>,
    %swap3A_180 = vector.shape_cast %swap3A_179 : vector<1x16xf32> to vector<16xf32>
    %swap3A_181 = vector.shape_cast %get3A_2 : vector<16xf32> to vector<1x16xf32>
    tpu.vector_store %arg5[%swap3A_177, %swap3A_178], %swap3A_181 {strides = array<i32>} : memref<32x512xf32, #tpu.memory_space<vmem>>, vector<1x16xf32>,
    %swap3A_182 = arith.constant 30 : i32
    %swap3A_183 = arith.index_cast %swap3A_182 : i32 to index
    %swap3A_184 = arith.constant 256 : index
    %swap3A_185 = tpu.vector_load %arg5[%swap3A_183, %swap3A_184] {strides = array<i32>} : memref<32x512xf32, #tpu.memory_space<vmem>>, vector<1x16xf32>,
    %swap3A_186 = vector.shape_cast %swap3A_185 : vector<1x16xf32> to vector<16xf32>
    %swap3A_187 = vector.shape_cast %get3A_2 : vector<16xf32> to vector<1x16xf32>
    tpu.vector_store %arg5[%swap3A_183, %swap3A_184], %swap3A_187 {strides = array<i32>} : memref<32x512xf32, #tpu.memory_space<vmem>>, vector<1x16xf32>,
    %swap3A_188 = arith.constant 31 : i32
    %swap3A_189 = arith.index_cast %swap3A_188 : i32 to index
    %swap3A_190 = arith.constant 256 : index
    %swap3A_191 = tpu.vector_load %arg5[%swap3A_189, %swap3A_190] {strides = array<i32>} : memref<32x512xf32, #tpu.memory_space<vmem>>, vector<1x16xf32>,
    %swap3A_192 = vector.shape_cast %swap3A_191 : vector<1x16xf32> to vector<16xf32>
    %swap3A_193 = vector.shape_cast %get3A_2 : vector<16xf32> to vector<1x16xf32>
    tpu.vector_store %arg5[%swap3A_189, %swap3A_190], %swap3A_193 {strides = array<i32>} : memref<32x512xf32, #tpu.memory_space<vmem>>, vector<1x16xf32>,
    %get3A_194 = arith.constant 16 : index
    %get3A_195 = tpu.vector_load %arg6[%get3A_194] {strides = array<i32>} : memref<256xf32, #tpu.memory_space<vmem>>, vector<16xf32>,
    %get3A_196 = vector.shape_cast %get3A_195 : vector<16xf32> to vector<16xf32>
    %swap3A_197 = arith.constant 0 : i32
    %swap3A_198 = arith.index_cast %swap3A_197 : i32 to index
    %swap3A_199 = arith.constant 272 : index
    %swap3A_200 = tpu.vector_load %arg5[%swap3A_198, %swap3A_199] {strides = array<i32>} : memref<32x512xf32, #tpu.memory_space<vmem>>, vector<1x16xf32>,
    %swap3A_201 = vector.shape_cast %swap3A_200 : vector<1x16xf32> to vector<16xf32>
    %swap3A_202 = vector.shape_cast %get3A_196 : vector<16xf32> to vector<1x16xf32>
    tpu.vector_store %arg5[%swap3A_198, %swap3A_199], %swap3A_202 {strides = array<i32>} : memref<32x512xf32, #tpu.memory_space<vmem>>, vector<1x16xf32>,
    %swap3A_203 = arith.constant 1 : i32
    %swap3A_204 = arith.index_cast %swap3A_203 : i32 to index
    %swap3A_205 = arith.constant 272 : index
    %swap3A_206 = tpu.vector_load %arg5[%swap3A_204, %swap3A_205] {strides = array<i32>} : memref<32x512xf32, #tpu.memory_space<vmem>>, vector<1x16xf32>,
    %swap3A_207 = vector.shape_cast %swap3A_206 : vector<1x16xf32> to vector<16xf32>
    %swap3A_208 = vector.shape_cast %get3A_196 : vector<16xf32> to vector<1x16xf32>
    tpu.vector_store %arg5[%swap3A_204, %swap3A_205], %swap3A_208 {strides = array<i32>} : memref<32x512xf32, #tpu.memory_space<vmem>>, vector<1x16xf32>,
    %swap3A_209 = arith.constant 2 : i32
    %swap3A_210 = arith.index_cast %swap3A_209 : i32 to index
    %swap3A_211 = arith.constant 272 : index
    %swap3A_212 = tpu.vector_load %arg5[%swap3A_210, %swap3A_211] {strides = array<i32>} : memref<32x512xf32, #tpu.memory_space<vmem>>, vector<1x16xf32>,
    %swap3A_213 = vector.shape_cast %swap3A_212 : vector<1x16xf32> to vector<16xf32>
    %swap3A_214 = vector.shape_cast %get3A_196 : vector<16xf32> to vector<1x16xf32>
    tpu.vector_store %arg5[%swap3A_210, %swap3A_211], %swap3A_214 {strides = array<i32>} : memref<32x512xf32, #tpu.memory_space<vmem>>, vector<1x16xf32>,
    %swap3A_215 = arith.constant 3 : i32
    %swap3A_216 = arith.index_cast %swap3A_215 : i32 to index
    %swap3A_217 = arith.constant 272 : index
    %swap3A_218 = tpu.vector_load %arg5[%swap3A_216, %swap3A_217] {strides = array<i32>} : memref<32x512xf32, #tpu.memory_space<vmem>>, vector<1x16xf32>,
    %swap3A_219 = vector.shape_cast %swap3A_218 : vector<1x16xf32> to vector<16xf32>
    %swap3A_220 = vector.shape_cast %get3A_196 : vector<16xf32> to vector<1x16xf32>
    tpu.vector_store %arg5[%swap3A_216, %swap3A_217], %swap3A_220 {strides = array<i32>} : memref<32x512xf32, #tpu.memory_space<vmem>>, vector<1x16xf32>,
    %swap3A_221 = arith.constant 4 : i32
    %swap3A_222 = arith.index_cast %swap3A_221 : i32 to index
    %swap3A_223 = arith.constant 272 : index
    %swap3A_224 = tpu.vector_load %arg5[%swap3A_222, %swap3A_223] {strides = array<i32>} : memref<32x512xf32, #tpu.memory_space<vmem>>, vector<1x16xf32>,
    %swap3A_225 = vector.shape_cast %swap3A_224 : vector<1x16xf32> to vector<16xf32>
    %swap3A_226 = vector.shape_cast %get3A_196 : vector<16xf32> to vector<1x16xf32>
    tpu.vector_store %arg5[%swap3A_222, %swap3A_223], %swap3A_226 {strides = array<i32>} : memref<32x512xf32, #tpu.memory_space<vmem>>, vector<1x16xf32>,
    %swap3A_227 = arith.constant 5 : i32
    %swap3A_228 = arith.index_cast %swap3A_227 : i32 to index
    %swap3A_229 = arith.constant 272 : index
    %swap3A_230 = tpu.vector_load %arg5[%swap3A_228, %swap3A_229] {strides = array<i32>} : memref<32x512xf32, #tpu.memory_space<vmem>>, vector<1x16xf32>,
    %swap3A_231 = vector.shape_cast %swap3A_230 : vector<1x16xf32> to vector<16xf32>
    %swap3A_232 = vector.shape_cast %get3A_196 : vector<16xf32> to vector<1x16xf32>
    tpu.vector_store %arg5[%swap3A_228, %swap3A_229], %swap3A_232 {strides = array<i32>} : memref<32x512xf32, #tpu.memory_space<vmem>>, vector<1x16xf32>,
    %swap3A_233 = arith.constant 6 : i32
    %swap3A_234 = arith.index_cast %swap3A_233 : i32 to index
    %swap3A_235 = arith.constant 272 : index
    %swap3A_236 = tpu.vector_load %arg5[%swap3A_234, %swap3A_235] {strides = array<i32>} : memref<32x512xf32, #tpu.memory_space<vmem>>, vector<1x16xf32>,
    %swap3A_237 = vector.shape_cast %swap3A_236 : vector<1x16xf32> to vector<16xf32>
    %swap3A_238 = vector.shape_cast %get3A_196 : vector<16xf32> to vector<1x16xf32>
    tpu.vector_store %arg5[%swap3A_234, %swap3A_235], %swap3A_238 {strides = array<i32>} : memref<32x512xf32, #tpu.memory_space<vmem>>, vector<1x16xf32>,
    %swap3A_239 = arith.constant 7 : i32
    %swap3A_240 = arith.index_cast %swap3A_239 : i32 to index
    %swap3A_241 = arith.constant 272 : index
    %swap3A_242 = tpu.vector_load %arg5[%swap3A_240, %swap3A_241] {strides = array<i32>} : memref<32x512xf32, #tpu.memory_space<vmem>>, vector<1x16xf32>,
    %swap3A_243 = vector.shape_cast %swap3A_242 : vector<1x16xf32> to vector<16xf32>
    %swap3A_244 = vector.shape_cast %get3A_196 : vector<16xf32> to vector<1x16xf32>
    tpu.vector_store %arg5[%swap3A_240, %swap3A_241], %swap3A_244 {strides = array<i32>} : memref<32x512xf32, #tpu.memory_space<vmem>>, vector<1x16xf32>,
    %swap3A_245 = arith.constant 8 : i32
    %swap3A_246 = arith.index_cast %swap3A_245 : i32 to index
    %swap3A_247 = arith.constant 272 : index
    %swap3A_248 = tpu.vector_load %arg5[%swap3A_246, %swap3A_247] {strides = array<i32>} : memref<32x512xf32, #tpu.memory_space<vmem>>, vector<1x16xf32>,
    %swap3A_249 = vector.shape_cast %swap3A_248 : vector<1x16xf32> to vector<16xf32>
    %swap3A_250 = vector.shape_cast %get3A_196 : vector<16xf32> to vector<1x16xf32>
    tpu.vector_store %arg5[%swap3A_246, %swap3A_247], %swap3A_250 {strides = array<i32>} : memref<32x512xf32, #tpu.memory_space<vmem>>, vector<1x16xf32>,
    %swap3A_251 = arith.constant 9 : i32
    %swap3A_252 = arith.index_cast %swap3A_251 : i32 to index
    %swap3A_253 = arith.constant 272 : index
    %swap3A_254 = tpu.vector_load %arg5[%swap3A_252, %swap3A_253] {strides = array<i32>} : memref<32x512xf32, #tpu.memory_space<vmem>>, vector<1x16xf32>,
    %swap3A_255 = vector.shape_cast %swap3A_254 : vector<1x16xf32> to vector<16xf32>
    %swap3A_256 = vector.shape_cast %get3A_196 : vector<16xf32> to vector<1x16xf32>
    tpu.vector_store %arg5[%swap3A_252, %swap3A_253], %swap3A_256 {strides = array<i32>} : memref<32x512xf32, #tpu.memory_space<vmem>>, vector<1x16xf32>,
    %swap3A_257 = arith.constant 10 : i32
    %swap3A_258 = arith.index_cast %swap3A_257 : i32 to index
    %swap3A_259 = arith.constant 272 : index
    %swap3A_260 = tpu.vector_load %arg5[%swap3A_258, %swap3A_259] {strides = array<i32>} : memref<32x512xf32, #tpu.memory_space<vmem>>, vector<1x16xf32>,
    %swap3A_261 = vector.shape_cast %swap3A_260 : vector<1x16xf32> to vector<16xf32>
    %swap3A_262 = vector.shape_cast %get3A_196 : vector<16xf32> to vector<1x16xf32>
    tpu.vector_store %arg5[%swap3A_258, %swap3A_259], %swap3A_262 {strides = array<i32>} : memref<32x512xf32, #tpu.memory_space<vmem>>, vector<1x16xf32>,
    %swap3A_263 = arith.constant 11 : i32
    %swap3A_264 = arith.index_cast %swap3A_263 : i32 to index
    %swap3A_265 = arith.constant 272 : index
    %swap3A_266 = tpu.vector_load %arg5[%swap3A_264, %swap3A_265] {strides = array<i32>} : memref<32x512xf32, #tpu.memory_space<vmem>>, vector<1x16xf32>,
    %swap3A_267 = vector.shape_cast %swap3A_266 : vector<1x16xf32> to vector<16xf32>
    %swap3A_268 = vector.shape_cast %get3A_196 : vector<16xf32> to vector<1x16xf32>
    tpu.vector_store %arg5[%swap3A_264, %swap3A_265], %swap3A_268 {strides = array<i32>} : memref<32x512xf32, #tpu.memory_space<vmem>>, vector<1x16xf32>,
    %swap3A_269 = arith.constant 12 : i32
    %swap3A_270 = arith.index_cast %swap3A_269 : i32 to index
    %swap3A_271 = arith.constant 272 : index
    %swap3A_272 = tpu.vector_load %arg5[%swap3A_270, %swap3A_271] {strides = array<i32>} : memref<32x512xf32, #tpu.memory_space<vmem>>, vector<1x16xf32>,
    %swap3A_273 = vector.shape_cast %swap3A_272 : vector<1x16xf32> to vector<16xf32>
    %swap3A_274 = vector.shape_cast %get3A_196 : vector<16xf32> to vector<1x16xf32>
    tpu.vector_store %arg5[%swap3A_270, %swap3A_271], %swap3A_274 {strides = array<i32>} : memref<32x512xf32, #tpu.memory_space<vmem>>, vector<1x16xf32>,
    %swap3A_275 = arith.constant 13 : i32
    %swap3A_276 = arith.index_cast %swap3A_275 : i32 to index
    %swap3A_277 = arith.constant 272 : index
    %swap3A_278 = tpu.vector_load %arg5[%swap3A_276, %swap3A_277] {strides = array<i32>} : memref<32x512xf32, #tpu.memory_space<vmem>>, vector<1x16xf32>,
    %swap3A_279 = vector.shape_cast %swap3A_278 : vector<1x16xf32> to vector<16xf32>
    %swap3A_280 = vector.shape_cast %get3A_196 : vector<16xf32> to vector<1x16xf32>
    tpu.vector_store %arg5[%swap3A_276, %swap3A_277], %swap3A_280 {strides = array<i32>} : memref<32x512xf32, #tpu.memory_space<vmem>>, vector<1x16xf32>,
    %swap3A_281 = arith.constant 14 : i32
    %swap3A_282 = arith.index_cast %swap3A_281 : i32 to index
    %swap3A_283 = arith.constant 272 : index
    %swap3A_284 = tpu.vector_load %arg5[%swap3A_282, %swap3A_283] {strides = array<i32>} : memref<32x512xf32, #tpu.memory_space<vmem>>, vector<1x16xf32>,
    %swap3A_285 = vector.shape_cast %swap3A_284 : vector<1x16xf32> to vector<16xf32>
    %swap3A_286 = vector.shape_cast %get3A_196 : vector<16xf32> to vector<1x16xf32>
    tpu.vector_store %arg5[%swap3A_282, %swap3A_283], %swap3A_286 {strides = array<i32>} : memref<32x512xf32, #tpu.memory_space<vmem>>, vector<1x16xf32>,
    %swap3A_287 = arith.constant 15 : i32
    %swap3A_288 = arith.index_cast %swap3A_287 : i32 to index
    %swap3A_289 = arith.constant 272 : index
    %swap3A_290 = tpu.vector_load %arg5[%swap3A_288, %swap3A_289] {strides = array<i32>} : memref<32x512xf32, #tpu.memory_space<vmem>>, vector<1x16xf32>,
    %swap3A_291 = vector.shape_cast %swap3A_290 : vector<1x16xf32> to vector<16xf32>
    %swap3A_292 = vector.shape_cast %get3A_196 : vector<16xf32> to vector<1x16xf32>
    tpu.vector_store %arg5[%swap3A_288, %swap3A_289], %swap3A_292 {strides = array<i32>} : memref<32x512xf32, #tpu.memory_space<vmem>>, vector<1x16xf32>,
    %swap3A_293 = arith.constant 16 : i32
    %swap3A_294 = arith.index_cast %swap3A_293 : i32 to index
    %swap3A_295 = arith.constant 272 : index
    %swap3A_296 = tpu.vector_load %arg5[%swap3A_294, %swap3A_295] {strides = array<i32>} : memref<32x512xf32, #tpu.memory_space<vmem>>, vector<1x16xf32>,
    %swap3A_297 = vector.shape_cast %swap3A_296 : vector<1x16xf32> to vector<16xf32>
    %swap3A_298 = vector.shape_cast %get3A_196 : vector<16xf32> to vector<1x16xf32>
    tpu.vector_store %arg5[%swap3A_294, %swap3A_295], %swap3A_298 {strides = array<i32>} : memref<32x512xf32, #tpu.memory_space<vmem>>, vector<1x16xf32>,
    %swap3A_299 = arith.constant 17 : i32
    %swap3A_300 = arith.index_cast %swap3A_299 : i32 to index
    %swap3A_301 = arith.constant 272 : index
    %swap3A_302 = tpu.vector_load %arg5[%swap3A_300, %swap3A_301] {strides = array<i32>} : memref<32x512xf32, #tpu.memory_space<vmem>>, vector<1x16xf32>,
    %swap3A_303 = vector.shape_cast %swap3A_302 : vector<1x16xf32> to vector<16xf32>
    %swap3A_304 = vector.shape_cast %get3A_196 : vector<16xf32> to vector<1x16xf32>
    tpu.vector_store %arg5[%swap3A_300, %swap3A_301], %swap3A_304 {strides = array<i32>} : memref<32x512xf32, #tpu.memory_space<vmem>>, vector<1x16xf32>,
    %swap3A_305 = arith.constant 18 : i32
    %swap3A_306 = arith.index_cast %swap3A_305 : i32 to index
    %swap3A_307 = arith.constant 272 : index
    %swap3A_308 = tpu.vector_load %arg5[%swap3A_306, %swap3A_307] {strides = array<i32>} : memref<32x512xf32, #tpu.memory_space<vmem>>, vector<1x16xf32>,
    %swap3A_309 = vector.shape_cast %swap3A_308 : vector<1x16xf32> to vector<16xf32>
    %swap3A_310 = vector.shape_cast %get3A_196 : vector<16xf32> to vector<1x16xf32>
    tpu.vector_store %arg5[%swap3A_306, %swap3A_307], %swap3A_310 {strides = array<i32>} : memref<32x512xf32, #tpu.memory_space<vmem>>, vector<1x16xf32>,
    %swap3A_311 = arith.constant 19 : i32
    %swap3A_312 = arith.index_cast %swap3A_311 : i32 to index
    %swap3A_313 = arith.constant 272 : index
    %swap3A_314 = tpu.vector_load %arg5[%swap3A_312, %swap3A_313] {strides = array<i32>} : memref<32x512xf32, #tpu.memory_space<vmem>>, vector<1x16xf32>,
    %swap3A_315 = vector.shape_cast %swap3A_314 : vector<1x16xf32> to vector<16xf32>
    %swap3A_316 = vector.shape_cast %get3A_196 : vector<16xf32> to vector<1x16xf32>
    tpu.vector_store %arg5[%swap3A_312, %swap3A_313], %swap3A_316 {strides = array<i32>} : memref<32x512xf32, #tpu.memory_space<vmem>>, vector<1x16xf32>,
    %swap3A_317 = arith.constant 20 : i32
    %swap3A_318 = arith.index_cast %swap3A_317 : i32 to index
    %swap3A_319 = arith.constant 272 : index
    %swap3A_320 = tpu.vector_load %arg5[%swap3A_318, %swap3A_319] {strides = array<i32>} : memref<32x512xf32, #tpu.memory_space<vmem>>, vector<1x16xf32>,
    %swap3A_321 = vector.shape_cast %swap3A_320 : vector<1x16xf32> to vector<16xf32>
    %swap3A_322 = vector.shape_cast %get3A_196 : vector<16xf32> to vector<1x16xf32>
    tpu.vector_store %arg5[%swap3A_318, %swap3A_319], %swap3A_322 {strides = array<i32>} : memref<32x512xf32, #tpu.memory_space<vmem>>, vector<1x16xf32>,
    %swap3A_323 = arith.constant 21 : i32
    %swap3A_324 = arith.index_cast %swap3A_323 : i32 to index
    %swap3A_325 = arith.constant 272 : index
    %swap3A_326 = tpu.vector_load %arg5[%swap3A_324, %swap3A_325] {strides = array<i32>} : memref<32x512xf32, #tpu.memory_space<vmem>>, vector<1x16xf32>,
    %swap3A_327 = vector.shape_cast %swap3A_326 : vector<1x16xf32> to vector<16xf32>
    %swap3A_328 = vector.shape_cast %get3A_196 : vector<16xf32> to vector<1x16xf32>
    tpu.vector_store %arg5[%swap3A_324, %swap3A_325], %swap3A_328 {strides = array<i32>} : memref<32x512xf32, #tpu.memory_space<vmem>>, vector<1x16xf32>,
    %swap3A_329 = arith.constant 22 : i32
    %swap3A_330 = arith.index_cast %swap3A_329 : i32 to index
    %swap3A_331 = arith.constant 272 : index
    %swap3A_332 = tpu.vector_load %arg5[%swap3A_330, %swap3A_331] {strides = array<i32>} : memref<32x512xf32, #tpu.memory_space<vmem>>, vector<1x16xf32>,
    %swap3A_333 = vector.shape_cast %swap3A_332 : vector<1x16xf32> to vector<16xf32>
    %swap3A_334 = vector.shape_cast %get3A_196 : vector<16xf32> to vector<1x16xf32>
    tpu.vector_store %arg5[%swap3A_330, %swap3A_331], %swap3A_334 {strides = array<i32>} : memref<32x512xf32, #tpu.memory_space<vmem>>, vector<1x16xf32>,
    %swap3A_335 = arith.constant 23 : i32
    %swap3A_336 = arith.index_cast %swap3A_335 : i32 to index
    %swap3A_337 = arith.constant 272 : index
    %swap3A_338 = tpu.vector_load %arg5[%swap3A_336, %swap3A_337] {strides = array<i32>} : memref<32x512xf32, #tpu.memory_space<vmem>>, vector<1x16xf32>,
    %swap3A_339 = vector.shape_cast %swap3A_338 : vector<1x16xf32> to vector<16xf32>
    %swap3A_340 = vector.shape_cast %get3A_196 : vector<16xf32> to vector<1x16xf32>
    tpu.vector_store %arg5[%swap3A_336, %swap3A_337], %swap3A_340 {strides = array<i32>} : memref<32x512xf32, #tpu.memory_space<vmem>>, vector<1x16xf32>,
    %swap3A_341 = arith.constant 24 : i32
    %swap3A_342 = arith.index_cast %swap3A_341 : i32 to index
    %swap3A_343 = arith.constant 272 : index
    %swap3A_344 = tpu.vector_load %arg5[%swap3A_342, %swap3A_343] {strides = array<i32>} : memref<32x512xf32, #tpu.memory_space<vmem>>, vector<1x16xf32>,
    %swap3A_345 = vector.shape_cast %swap3A_344 : vector<1x16xf32> to vector<16xf32>
    %swap3A_346 = vector.shape_cast %get3A_196 : vector<16xf32> to vector<1x16xf32>
    tpu.vector_store %arg5[%swap3A_342, %swap3A_343], %swap3A_346 {strides = array<i32>} : memref<32x512xf32, #tpu.memory_space<vmem>>, vector<1x16xf32>,
    %swap3A_347 = arith.constant 25 : i32
    %swap3A_348 = arith.index_cast %swap3A_347 : i32 to index
    %swap3A_349 = arith.constant 272 : index
    %swap3A_350 = tpu.vector_load %arg5[%swap3A_348, %swap3A_349] {strides = array<i32>} : memref<32x512xf32, #tpu.memory_space<vmem>>, vector<1x16xf32>,
    %swap3A_351 = vector.shape_cast %swap3A_350 : vector<1x16xf32> to vector<16xf32>
    %swap3A_352 = vector.shape_cast %get3A_196 : vector<16xf32> to vector<1x16xf32>
    tpu.vector_store %arg5[%swap3A_348, %swap3A_349], %swap3A_352 {strides = array<i32>} : memref<32x512xf32, #tpu.memory_space<vmem>>, vector<1x16xf32>,
    %swap3A_353 = arith.constant 26 : i32
    %swap3A_354 = arith.index_cast %swap3A_353 : i32 to index
    %swap3A_355 = arith.constant 272 : index
    %swap3A_356 = tpu.vector_load %arg5[%swap3A_354, %swap3A_355] {strides = array<i32>} : memref<32x512xf32, #tpu.memory_space<vmem>>, vector<1x16xf32>,
    %swap3A_357 = vector.shape_cast %swap3A_356 : vector<1x16xf32> to vector<16xf32>
    %swap3A_358 = vector.shape_cast %get3A_196 : vector<16xf32> to vector<1x16xf32>
    tpu.vector_store %arg5[%swap3A_354, %swap3A_355], %swap3A_358 {strides = array<i32>} : memref<32x512xf32, #tpu.memory_space<vmem>>, vector<1x16xf32>,
    %swap3A_359 = arith.constant 27 : i32
    %swap3A_360 = arith.index_cast %swap3A_359 : i32 to index
    %swap3A_361 = arith.constant 272 : index
    %swap3A_362 = tpu.vector_load %arg5[%swap3A_360, %swap3A_361] {strides = array<i32>} : memref<32x512xf32, #tpu.memory_space<vmem>>, vector<1x16xf32>,
    %swap3A_363 = vector.shape_cast %swap3A_362 : vector<1x16xf32> to vector<16xf32>
    %swap3A_364 = vector.shape_cast %get3A_196 : vector<16xf32> to vector<1x16xf32>
    tpu.vector_store %arg5[%swap3A_360, %swap3A_361], %swap3A_364 {strides = array<i32>} : memref<32x512xf32, #tpu.memory_space<vmem>>, vector<1x16xf32>,
    %swap3A_365 = arith.constant 28 : i32
    %swap3A_366 = arith.index_cast %swap3A_365 : i32 to index
    %swap3A_367 = arith.constant 272 : index
    %swap3A_368 = tpu.vector_load %arg5[%swap3A_366, %swap3A_367] {strides = array<i32>} : memref<32x512xf32, #tpu.memory_space<vmem>>, vector<1x16xf32>,
    %swap3A_369 = vector.shape_cast %swap3A_368 : vector<1x16xf32> to vector<16xf32>
    %swap3A_370 = vector.shape_cast %get3A_196 : vector<16xf32> to vector<1x16xf32>
    tpu.vector_store %arg5[%swap3A_366, %swap3A_367], %swap3A_370 {strides = array<i32>} : memref<32x512xf32, #tpu.memory_space<vmem>>, vector<1x16xf32>,
    %swap3A_371 = arith.constant 29 : i32
    %swap3A_372 = arith.index_cast %swap3A_371 : i32 to index
    %swap3A_373 = arith.constant 272 : index
    %swap3A_374 = tpu.vector_load %arg5[%swap3A_372, %swap3A_373] {strides = array<i32>} : memref<32x512xf32, #tpu.memory_space<vmem>>, vector<1x16xf32>,
    %swap3A_375 = vector.shape_cast %swap3A_374 : vector<1x16xf32> to vector<16xf32>
    %swap3A_376 = vector.shape_cast %get3A_196 : vector<16xf32> to vector<1x16xf32>
    tpu.vector_store %arg5[%swap3A_372, %swap3A_373], %swap3A_376 {strides = array<i32>} : memref<32x512xf32, #tpu.memory_space<vmem>>, vector<1x16xf32>,
    %swap3A_377 = arith.constant 30 : i32
    %swap3A_378 = arith.index_cast %swap3A_377 : i32 to index
    %swap3A_379 = arith.constant 272 : index
    %swap3A_380 = tpu.vector_load %arg5[%swap3A_378, %swap3A_379] {strides = array<i32>} : memref<32x512xf32, #tpu.memory_space<vmem>>, vector<1x16xf32>,
    %swap3A_381 = vector.shape_cast %swap3A_380 : vector<1x16xf32> to vector<16xf32>
    %swap3A_382 = vector.shape_cast %get3A_196 : vector<16xf32> to vector<1x16xf32>
    tpu.vector_store %arg5[%swap3A_378, %swap3A_379], %swap3A_382 {strides = array<i32>} : memref<32x512xf32, #tpu.memory_space<vmem>>, vector<1x16xf32>,
    %swap3A_383 = arith.constant 31 : i32
    %swap3A_384 = arith.index_cast %swap3A_383 : i32 to index
    %swap3A_385 = arith.constant 272 : index
    %swap3A_386 = tpu.vector_load %arg5[%swap3A_384, %swap3A_385] {strides = array<i32>} : memref<32x512xf32, #tpu.memory_space<vmem>>, vector<1x16xf32>,
    %swap3A_387 = vector.shape_cast %swap3A_386 : vector<1x16xf32> to vector<16xf32>
    %swap3A_388 = vector.shape_cast %get3A_196 : vector<16xf32> to vector<1x16xf32>
    tpu.vector_store %arg5[%swap3A_384, %swap3A_385], %swap3A_388 {strides = array<i32>} : memref<32x512xf32, #tpu.memory_space<vmem>>, vector<1x16xf32>,
    %get3A_389 = arith.constant 32 : index
    %get3A_390 = tpu.vector_load %arg6[%get3A_389] {strides = array<i32>} : memref<256xf32, #tpu.memory_space<vmem>>, vector<16xf32>,
    %get3A_391 = vector.shape_cast %get3A_390 : vector<16xf32> to vector<16xf32>
    %swap3A_392 = arith.constant 0 : i32
    %swap3A_393 = arith.index_cast %swap3A_392 : i32 to index
    %swap3A_394 = arith.constant 288 : index
    %swap3A_395 = tpu.vector_load %arg5[%swap3A_393, %swap3A_394] {strides = array<i32>} : memref<32x512xf32, #tpu.memory_space<vmem>>, vector<1x16xf32>,
    %swap3A_396 = vector.shape_cast %swap3A_395 : vector<1x16xf32> to vector<16xf32>
    %swap3A_397 = vector.shape_cast %get3A_391 : vector<16xf32> to vector<1x16xf32>
    tpu.vector_store %arg5[%swap3A_393, %swap3A_394], %swap3A_397 {strides = array<i32>} : memref<32x512xf32, #tpu.memory_space<vmem>>, vector<1x16xf32>,
    %swap3A_398 = arith.constant 1 : i32
    %swap3A_399 = arith.index_cast %swap3A_398 : i32 to index
    %swap3A_400 = arith.constant 288 : index
    %swap3A_401 = tpu.vector_load %arg5[%swap3A_399, %swap3A_400] {strides = array<i32>} : memref<32x512xf32, #tpu.memory_space<vmem>>, vector<1x16xf32>,
    %swap3A_402 = vector.shape_cast %swap3A_401 : vector<1x16xf32> to vector<16xf32>
    %swap3A_403 = vector.shape_cast %get3A_391 : vector<16xf32> to vector<1x16xf32>
    tpu.vector_store %arg5[%swap3A_399, %swap3A_400], %swap3A_403 {strides = array<i32>} : memref<32x512xf32, #tpu.memory_space<vmem>>, vector<1x16xf32>,
    %swap3A_404 = arith.constant 2 : i32
    %swap3A_405 = arith.index_cast %swap3A_404 : i32 to index
    %swap3A_406 = arith.constant 288 : index
    %swap3A_407 = tpu.vector_load %arg5[%swap3A_405, %swap3A_406] {strides = array<i32>} : memref<32x512xf32, #tpu.memory_space<vmem>>, vector<1x16xf32>,
    %swap3A_408 = vector.shape_cast %swap3A_407 : vector<1x16xf32> to vector<16xf32>
    %swap3A_409 = vector.shape_cast %get3A_391 : vector<16xf32> to vector<1x16xf32>
    tpu.vector_store %arg5[%swap3A_405, %swap3A_406], %swap3A_409 {strides = array<i32>} : memref<32x512xf32, #tpu.memory_space<vmem>>, vector<1x16xf32>,
    %swap3A_410 = arith.constant 3 : i32
    %swap3A_411 = arith.index_cast %swap3A_410 : i32 to index
    %swap3A_412 = arith.constant 288 : index
    %swap3A_413 = tpu.vector_load %arg5[%swap3A_411, %swap3A_412] {strides = array<i32>} : memref<32x512xf32, #tpu.memory_space<vmem>>, vector<1x16xf32>,
    %swap3A_414 = vector.shape_cast %swap3A_413 : vector<1x16xf32> to vector<16xf32>
    %swap3A_415 = vector.shape_cast %get3A_391 : vector<16xf32> to vector<1x16xf32>
    tpu.vector_store %arg5[%swap3A_411, %swap3A_412], %swap3A_415 {strides = array<i32>} : memref<32x512xf32, #tpu.memory_space<vmem>>, vector<1x16xf32>,
    %swap3A_416 = arith.constant 4 : i32
    %swap3A_417 = arith.index_cast %swap3A_416 : i32 to index
    %swap3A_418 = arith.constant 288 : index
    %swap3A_419 = tpu.vector_load %arg5[%swap3A_417, %swap3A_418] {strides = array<i32>} : memref<32x512xf32, #tpu.memory_space<vmem>>, vector<1x16xf32>,
    %swap3A_420 = vector.shape_cast %swap3A_419 : vector<1x16xf32> to vector<16xf32>
    %swap3A_421 = vector.shape_cast %get3A_391 : vector<16xf32> to vector<1x16xf32>
    tpu.vector_store %arg5[%swap3A_417, %swap3A_418], %swap3A_421 {strides = array<i32>} : memref<32x512xf32, #tpu.memory_space<vmem>>, vector<1x16xf32>,
    %swap3A_422 = arith.constant 5 : i32
    %swap3A_423 = arith.index_cast %swap3A_422 : i32 to index
    %swap3A_424 = arith.constant 288 : index
    %swap3A_425 = tpu.vector_load %arg5[%swap3A_423, %swap3A_424] {strides = array<i32>} : memref<32x512xf32, #tpu.memory_space<vmem>>, vector<1x16xf32>,
    %swap3A_426 = vector.shape_cast %swap3A_425 : vector<1x16xf32> to vector<16xf32>
    %swap3A_427 = vector.shape_cast %get3A_391 : vector<16xf32> to vector<1x16xf32>
    tpu.vector_store %arg5[%swap3A_423, %swap3A_424], %swap3A_427 {strides = array<i32>} : memref<32x512xf32, #tpu.memory_space<vmem>>, vector<1x16xf32>,
    %swap3A_428 = arith.constant 6 : i32
    %swap3A_429 = arith.index_cast %swap3A_428 : i32 to index
    %swap3A_430 = arith.constant 288 : index
    %swap3A_431 = tpu.vector_load %arg5[%swap3A_429, %swap3A_430] {strides = array<i32>} : memref<32x512xf32, #tpu.memory_space<vmem>>, vector<1x16xf32>,
    %swap3A_432 = vector.shape_cast %swap3A_431 : vector<1x16xf32> to vector<16xf32>
    %swap3A_433 = vector.shape_cast %get3A_391 : vector<16xf32> to vector<1x16xf32>
    tpu.vector_store %arg5[%swap3A_429, %swap3A_430], %swap3A_433 {strides = array<i32>} : memref<32x512xf32, #tpu.memory_space<vmem>>, vector<1x16xf32>,
    %swap3A_434 = arith.constant 7 : i32
    %swap3A_435 = arith.index_cast %swap3A_434 : i32 to index
    %swap3A_436 = arith.constant 288 : index
    %swap3A_437 = tpu.vector_load %arg5[%swap3A_435, %swap3A_436] {strides = array<i32>} : memref<32x512xf32, #tpu.memory_space<vmem>>, vector<1x16xf32>,
    %swap3A_438 = vector.shape_cast %swap3A_437 : vector<1x16xf32> to vector<16xf32>
    %swap3A_439 = vector.shape_cast %get3A_391 : vector<16xf32> to vector<1x16xf32>
    tpu.vector_store %arg5[%swap3A_435, %swap3A_436], %swap3A_439 {strides = array<i32>} : memref<32x512xf32, #tpu.memory_space<vmem>>, vector<1x16xf32>,
    %swap3A_440 = arith.constant 8 : i32
    %swap3A_441 = arith.index_cast %swap3A_440 : i32 to index
    %swap3A_442 = arith.constant 288 : index
    %swap3A_443 = tpu.vector_load %arg5[%swap3A_441, %swap3A_442] {strides = array<i32>} : memref<32x512xf32, #tpu.memory_space<vmem>>, vector<1x16xf32>,
    %swap3A_444 = vector.shape_cast %swap3A_443 : vector<1x16xf32> to vector<16xf32>
    %swap3A_445 = vector.shape_cast %get3A_391 : vector<16xf32> to vector<1x16xf32>
    tpu.vector_store %arg5[%swap3A_441, %swap3A_442], %swap3A_445 {strides = array<i32>} : memref<32x512xf32, #tpu.memory_space<vmem>>, vector<1x16xf32>,
    %swap3A_446 = arith.constant 9 : i32
    %swap3A_447 = arith.index_cast %swap3A_446 : i32 to index
    %swap3A_448 = arith.constant 288 : index
    %swap3A_449 = tpu.vector_load %arg5[%swap3A_447, %swap3A_448] {strides = array<i32>} : memref<32x512xf32, #tpu.memory_space<vmem>>, vector<1x16xf32>,
    %swap3A_450 = vector.shape_cast %swap3A_449 : vector<1x16xf32> to vector<16xf32>
    %swap3A_451 = vector.shape_cast %get3A_391 : vector<16xf32> to vector<1x16xf32>
    tpu.vector_store %arg5[%swap3A_447, %swap3A_448], %swap3A_451 {strides = array<i32>} : memref<32x512xf32, #tpu.memory_space<vmem>>, vector<1x16xf32>,
    %swap3A_452 = arith.constant 10 : i32
    %swap3A_453 = arith.index_cast %swap3A_452 : i32 to index
    %swap3A_454 = arith.constant 288 : index
    %swap3A_455 = tpu.vector_load %arg5[%swap3A_453, %swap3A_454] {strides = array<i32>} : memref<32x512xf32, #tpu.memory_space<vmem>>, vector<1x16xf32>,
    %swap3A_456 = vector.shape_cast %swap3A_455 : vector<1x16xf32> to vector<16xf32>
    %swap3A_457 = vector.shape_cast %get3A_391 : vector<16xf32> to vector<1x16xf32>
    tpu.vector_store %arg5[%swap3A_453, %swap3A_454], %swap3A_457 {strides = array<i32>} : memref<32x512xf32, #tpu.memory_space<vmem>>, vector<1x16xf32>,
    %swap3A_458 = arith.constant 11 : i32
    %swap3A_459 = arith.index_cast %swap3A_458 : i32 to index
    %swap3A_460 = arith.constant 288 : index
    %swap3A_461 = tpu.vector_load %arg5[%swap3A_459, %swap3A_460] {strides = array<i32>} : memref<32x512xf32, #tpu.memory_space<vmem>>, vector<1x16xf32>,
    %swap3A_462 = vector.shape_cast %swap3A_461 : vector<1x16xf32> to vector<16xf32>
    %swap3A_463 = vector.shape_cast %get3A_391 : vector<16xf32> to vector<1x16xf32>
    tpu.vector_store %arg5[%swap3A_459, %swap3A_460], %swap3A_463 {strides = array<i32>} : memref<32x512xf32, #tpu.memory_space<vmem>>, vector<1x16xf32>,
    %swap3A_464 = arith.constant 12 : i32
    %swap3A_465 = arith.index_cast %swap3A_464 : i32 to index
    %swap3A_466 = arith.constant 288 : index
    %swap3A_467 = tpu.vector_load %arg5[%swap3A_465, %swap3A_466] {strides = array<i32>} : memref<32x512xf32, #tpu.memory_space<vmem>>, vector<1x16xf32>,
    %swap3A_468 = vector.shape_cast %swap3A_467 : vector<1x16xf32> to vector<16xf32>
    %swap3A_469 = vector.shape_cast %get3A_391 : vector<16xf32> to vector<1x16xf32>
    tpu.vector_store %arg5[%swap3A_465, %swap3A_466], %swap3A_469 {strides = array<i32>} : memref<32x512xf32, #tpu.memory_space<vmem>>, vector<1x16xf32>,
    %swap3A_470 = arith.constant 13 : i32
    %swap3A_471 = arith.index_cast %swap3A_470 : i32 to index
    %swap3A_472 = arith.constant 288 : index
    %swap3A_473 = tpu.vector_load %arg5[%swap3A_471, %swap3A_472] {strides = array<i32>} : memref<32x512xf32, #tpu.memory_space<vmem>>, vector<1x16xf32>,
    %swap3A_474 = vector.shape_cast %swap3A_473 : vector<1x16xf32> to vector<16xf32>
    %swap3A_475 = vector.shape_cast %get3A_391 : vector<16xf32> to vector<1x16xf32>
    tpu.vector_store %arg5[%swap3A_471, %swap3A_472], %swap3A_475 {strides = array<i32>} : memref<32x512xf32, #tpu.memory_space<vmem>>, vector<1x16xf32>,
    %swap3A_476 = arith.constant 14 : i32
    %swap3A_477 = arith.index_cast %swap3A_476 : i32 to index
    %swap3A_478 = arith.constant 288 : index
    %swap3A_479 = tpu.vector_load %arg5[%swap3A_477, %swap3A_478] {strides = array<i32>} : memref<32x512xf32, #tpu.memory_space<vmem>>, vector<1x16xf32>,
    %swap3A_480 = vector.shape_cast %swap3A_479 : vector<1x16xf32> to vector<16xf32>
    %swap3A_481 = vector.shape_cast %get3A_391 : vector<16xf32> to vector<1x16xf32>
    tpu.vector_store %arg5[%swap3A_477, %swap3A_478], %swap3A_481 {strides = array<i32>} : memref<32x512xf32, #tpu.memory_space<vmem>>, vector<1x16xf32>,
    %swap3A_482 = arith.constant 15 : i32
    %swap3A_483 = arith.index_cast %swap3A_482 : i32 to index
    %swap3A_484 = arith.constant 288 : index
    %swap3A_485 = tpu.vector_load %arg5[%swap3A_483, %swap3A_484] {strides = array<i32>} : memref<32x512xf32, #tpu.memory_space<vmem>>, vector<1x16xf32>,
    %swap3A_486 = vector.shape_cast %swap3A_485 : vector<1x16xf32> to vector<16xf32>
    %swap3A_487 = vector.shape_cast %get3A_391 : vector<16xf32> to vector<1x16xf32>
    tpu.vector_store %arg5[%swap3A_483, %swap3A_484], %swap3A_487 {strides = array<i32>} : memref<32x512xf32, #tpu.memory_space<vmem>>, vector<1x16xf32>,
    %swap3A_488 = arith.constant 16 : i32
    %swap3A_489 = arith.index_cast %swap3A_488 : i32 to index
    %swap3A_490 = arith.constant 288 : index
    %swap3A_491 = tpu.vector_load %arg5[%swap3A_489, %swap3A_490] {strides = array<i32>} : memref<32x512xf32, #tpu.memory_space<vmem>>, vector<1x16xf32>,
    %swap3A_492 = vector.shape_cast %swap3A_491 : vector<1x16xf32> to vector<16xf32>
    %swap3A_493 = vector.shape_cast %get3A_391 : vector<16xf32> to vector<1x16xf32>
    tpu.vector_store %arg5[%swap3A_489, %swap3A_490], %swap3A_493 {strides = array<i32>} : memref<32x512xf32, #tpu.memory_space<vmem>>, vector<1x16xf32>,
    %swap3A_494 = arith.constant 17 : i32
    %swap3A_495 = arith.index_cast %swap3A_494 : i32 to index
    %swap3A_496 = arith.constant 288 : index
    %swap3A_497 = tpu.vector_load %arg5[%swap3A_495, %swap3A_496] {strides = array<i32>} : memref<32x512xf32, #tpu.memory_space<vmem>>, vector<1x16xf32>,
    %swap3A_498 = vector.shape_cast %swap3A_497 : vector<1x16xf32> to vector<16xf32>
    %swap3A_499 = vector.shape_cast %get3A_391 : vector<16xf32> to vector<1x16xf32>
    tpu.vector_store %arg5[%swap3A_495, %swap3A_496], %swap3A_499 {strides = array<i32>} : memref<32x512xf32, #tpu.memory_space<vmem>>, vector<1x16xf32>,
    %swap3A_500 = arith.constant 18 : i32
    %swap3A_501 = arith.index_cast %swap3A_500 : i32 to index
    %swap3A_502 = arith.constant 288 : index
    %swap3A_503 = tpu.vector_load %arg5[%swap3A_501, %swap3A_502] {strides = array<i32>} : memref<32x512xf32, #tpu.memory_space<vmem>>, vector<1x16xf32>,
    %swap3A_504 = vector.shape_cast %swap3A_503 : vector<1x16xf32> to vector<16xf32>
    %swap3A_505 = vector.shape_cast %get3A_391 : vector<16xf32> to vector<1x16xf32>
    tpu.vector_store %arg5[%swap3A_501, %swap3A_502], %swap3A_505 {strides = array<i32>} : memref<32x512xf32, #tpu.memory_space<vmem>>, vector<1x16xf32>,
    %swap3A_506 = arith.constant 19 : i32
    %swap3A_507 = arith.index_cast %swap3A_506 : i32 to index
    %swap3A_508 = arith.constant 288 : index
    %swap3A_509 = tpu.vector_load %arg5[%swap3A_507, %swap3A_508] {strides = array<i32>} : memref<32x512xf32, #tpu.memory_space<vmem>>, vector<1x16xf32>,
    %swap3A_510 = vector.shape_cast %swap3A_509 : vector<1x16xf32> to vector<16xf32>
    %swap3A_511 = vector.shape_cast %get3A_391 : vector<16xf32> to vector<1x16xf32>
    tpu.vector_store %arg5[%swap3A_507, %swap3A_508], %swap3A_511 {strides = array<i32>} : memref<32x512xf32, #tpu.memory_space<vmem>>, vector<1x16xf32>,
    %swap3A_512 = arith.constant 20 : i32
    %swap3A_513 = arith.index_cast %swap3A_512 : i32 to index
    %swap3A_514 = arith.constant 288 : index
    %swap3A_515 = tpu.vector_load %arg5[%swap3A_513, %swap3A_514] {strides = array<i32>} : memref<32x512xf32, #tpu.memory_space<vmem>>, vector<1x16xf32>,
    %swap3A_516 = vector.shape_cast %swap3A_515 : vector<1x16xf32> to vector<16xf32>
    %swap3A_517 = vector.shape_cast %get3A_391 : vector<16xf32> to vector<1x16xf32>
    tpu.vector_store %arg5[%swap3A_513, %swap3A_514], %swap3A_517 {strides = array<i32>} : memref<32x512xf32, #tpu.memory_space<vmem>>, vector<1x16xf32>,
    %swap3A_518 = arith.constant 21 : i32
    %swap3A_519 = arith.index_cast %swap3A_518 : i32 to index
    %swap3A_520 = arith.constant 288 : index
    %swap3A_521 = tpu.vector_load %arg5[%swap3A_519, %swap3A_520] {strides = array<i32>} : memref<32x512xf32, #tpu.memory_space<vmem>>, vector<1x16xf32>,
    %swap3A_522 = vector.shape_cast %swap3A_521 : vector<1x16xf32> to vector<16xf32>
    %swap3A_523 = vector.shape_cast %get3A_391 : vector<16xf32> to vector<1x16xf32>
    tpu.vector_store %arg5[%swap3A_519, %swap3A_520], %swap3A_523 {strides = array<i32>} : memref<32x512xf32, #tpu.memory_space<vmem>>, vector<1x16xf32>,
    %swap3A_524 = arith.constant 22 : i32
    %swap3A_525 = arith.index_cast %swap3A_524 : i32 to index
    %swap3A_526 = arith.constant 288 : index
    %swap3A_527 = tpu.vector_load %arg5[%swap3A_525, %swap3A_526] {strides = array<i32>} : memref<32x512xf32, #tpu.memory_space<vmem>>, vector<1x16xf32>,
    %swap3A_528 = vector.shape_cast %swap3A_527 : vector<1x16xf32> to vector<16xf32>
    %swap3A_529 = vector.shape_cast %get3A_391 : vector<16xf32> to vector<1x16xf32>
    tpu.vector_store %arg5[%swap3A_525, %swap3A_526], %swap3A_529 {strides = array<i32>} : memref<32x512xf32, #tpu.memory_space<vmem>>, vector<1x16xf32>,
    %swap3A_530 = arith.constant 23 : i32
    %swap3A_531 = arith.index_cast %swap3A_530 : i32 to index
    %swap3A_532 = arith.constant 288 : index
    %swap3A_533 = tpu.vector_load %arg5[%swap3A_531, %swap3A_532] {strides = array<i32>} : memref<32x512xf32, #tpu.memory_space<vmem>>, vector<1x16xf32>,
    %swap3A_534 = vector.shape_cast %swap3A_533 : vector<1x16xf32> to vector<16xf32>
    %swap3A_535 = vector.shape_cast %get3A_391 : vector<16xf32> to vector<1x16xf32>
    tpu.vector_store %arg5[%swap3A_531, %swap3A_532], %swap3A_535 {strides = array<i32>} : memref<32x512xf32, #tpu.memory_space<vmem>>, vector<1x16xf32>,
    %swap3A_536 = arith.constant 24 : i32
    %swap3A_537 = arith.index_cast %swap3A_536 : i32 to index
    %swap3A_538 = arith.constant 288 : index
    %swap3A_539 = tpu.vector_load %arg5[%swap3A_537, %swap3A_538] {strides = array<i32>} : memref<32x512xf32, #tpu.memory_space<vmem>>, vector<1x16xf32>,
    %swap3A_540 = vector.shape_cast %swap3A_539 : vector<1x16xf32> to vector<16xf32>
    %swap3A_541 = vector.shape_cast %get3A_391 : vector<16xf32> to vector<1x16xf32>
    tpu.vector_store %arg5[%swap3A_537, %swap3A_538], %swap3A_541 {strides = array<i32>} : memref<32x512xf32, #tpu.memory_space<vmem>>, vector<1x16xf32>,
    %swap3A_542 = arith.constant 25 : i32
    %swap3A_543 = arith.index_cast %swap3A_542 : i32 to index
    %swap3A_544 = arith.constant 288 : index
    %swap3A_545 = tpu.vector_load %arg5[%swap3A_543, %swap3A_544] {strides = array<i32>} : memref<32x512xf32, #tpu.memory_space<vmem>>, vector<1x16xf32>,
    %swap3A_546 = vector.shape_cast %swap3A_545 : vector<1x16xf32> to vector<16xf32>
    %swap3A_547 = vector.shape_cast %get3A_391 : vector<16xf32> to vector<1x16xf32>
    tpu.vector_store %arg5[%swap3A_543, %swap3A_544], %swap3A_547 {strides = array<i32>} : memref<32x512xf32, #tpu.memory_space<vmem>>, vector<1x16xf32>,
    %swap3A_548 = arith.constant 26 : i32
    %swap3A_549 = arith.index_cast %swap3A_548 : i32 to index
    %swap3A_550 = arith.constant 288 : index
    %swap3A_551 = tpu.vector_load %arg5[%swap3A_549, %swap3A_550] {strides = array<i32>} : memref<32x512xf32, #tpu.memory_space<vmem>>, vector<1x16xf32>,
    %swap3A_552 = vector.shape_cast %swap3A_551 : vector<1x16xf32> to vector<16xf32>
    %swap3A_553 = vector.shape_cast %get3A_391 : vector<16xf32> to vector<1x16xf32>
    tpu.vector_store %arg5[%swap3A_549, %swap3A_550], %swap3A_553 {strides = array<i32>} : memref<32x512xf32, #tpu.memory_space<vmem>>, vector<1x16xf32>,
    %swap3A_554 = arith.constant 27 : i32
    %swap3A_555 = arith.index_cast %swap3A_554 : i32 to index
    %swap3A_556 = arith.constant 288 : index
    %swap3A_557 = tpu.vector_load %arg5[%swap3A_555, %swap3A_556] {strides = array<i32>} : memref<32x512xf32, #tpu.memory_space<vmem>>, vector<1x16xf32>,
    %swap3A_558 = vector.shape_cast %swap3A_557 : vector<1x16xf32> to vector<16xf32>
    %swap3A_559 = vector.shape_cast %get3A_391 : vector<16xf32> to vector<1x16xf32>
    tpu.vector_store %arg5[%swap3A_555, %swap3A_556], %swap3A_559 {strides = array<i32>} : memref<32x512xf32, #tpu.memory_space<vmem>>, vector<1x16xf32>,
    %swap3A_560 = arith.constant 28 : i32
    %swap3A_561 = arith.index_cast %swap3A_560 : i32 to index
    %swap3A_562 = arith.constant 288 : index
    %swap3A_563 = tpu.vector_load %arg5[%swap3A_561, %swap3A_562] {strides = array<i32>} : memref<32x512xf32, #tpu.memory_space<vmem>>, vector<1x16xf32>,
    %swap3A_564 = vector.shape_cast %swap3A_563 : vector<1x16xf32> to vector<16xf32>
    %swap3A_565 = vector.shape_cast %get3A_391 : vector<16xf32> to vector<1x16xf32>
    tpu.vector_store %arg5[%swap3A_561, %swap3A_562], %swap3A_565 {strides = array<i32>} : memref<32x512xf32, #tpu.memory_space<vmem>>, vector<1x16xf32>,
    %swap3A_566 = arith.constant 29 : i32
    %swap3A_567 = arith.index_cast %swap3A_566 : i32 to index
    %swap3A_568 = arith.constant 288 : index
    %swap3A_569 = tpu.vector_load %arg5[%swap3A_567, %swap3A_568] {strides = array<i32>} : memref<32x512xf32, #tpu.memory_space<vmem>>, vector<1x16xf32>,
    %swap3A_570 = vector.shape_cast %swap3A_569 : vector<1x16xf32> to vector<16xf32>
    %swap3A_571 = vector.shape_cast %get3A_391 : vector<16xf32> to vector<1x16xf32>
    tpu.vector_store %arg5[%swap3A_567, %swap3A_568], %swap3A_571 {strides = array<i32>} : memref<32x512xf32, #tpu.memory_space<vmem>>, vector<1x16xf32>,
    %swap3A_572 = arith.constant 30 : i32
    %swap3A_573 = arith.index_cast %swap3A_572 : i32 to index
    %swap3A_574 = arith.constant 288 : index
    %swap3A_575 = tpu.vector_load %arg5[%swap3A_573, %swap3A_574] {strides = array<i32>} : memref<32x512xf32, #tpu.memory_space<vmem>>, vector<1x16xf32>,
    %swap3A_576 = vector.shape_cast %swap3A_575 : vector<1x16xf32> to vector<16xf32>
    %swap3A_577 = vector.shape_cast %get3A_391 : vector<16xf32> to vector<1x16xf32>
    tpu.vector_store %arg5[%swap3A_573, %swap3A_574], %swap3A_577 {strides = array<i32>} : memref<32x512xf32, #tpu.memory_space<vmem>>, vector<1x16xf32>,
    %swap3A_578 = arith.constant 31 : i32
    %swap3A_579 = arith.index_cast %swap3A_578 : i32 to index
    %swap3A_580 = arith.constant 288 : index
    %swap3A_581 = tpu.vector_load %arg5[%swap3A_579, %swap3A_580] {strides = array<i32>} : memref<32x512xf32, #tpu.memory_space<vmem>>, vector<1x16xf32>,
    %swap3A_582 = vector.shape_cast %swap3A_581 : vector<1x16xf32> to vector<16xf32>
    %swap3A_583 = vector.shape_cast %get3A_391 : vector<16xf32> to vector<1x16xf32>
    tpu.vector_store %arg5[%swap3A_579, %swap3A_580], %swap3A_583 {strides = array<i32>} : memref<32x512xf32, #tpu.memory_space<vmem>>, vector<1x16xf32>,
    %get3A_584 = arith.constant 48 : index
    %get3A_585 = tpu.vector_load %arg6[%get3A_584] {strides = array<i32>} : memref<256xf32, #tpu.memory_space<vmem>>, vector<16xf32>,
    %get3A_586 = vector.shape_cast %get3A_585 : vector<16xf32> to vector<16xf32>
    %swap3A_587 = arith.constant 0 : i32
    %swap3A_588 = arith.index_cast %swap3A_587 : i32 to index
    %swap3A_589 = arith.constant 304 : index
    %swap3A_590 = tpu.vector_load %arg5[%swap3A_588, %swap3A_589] {strides = array<i32>} : memref<32x512xf32, #tpu.memory_space<vmem>>, vector<1x16xf32>,
    %swap3A_591 = vector.shape_cast %swap3A_590 : vector<1x16xf32> to vector<16xf32>
    %swap3A_592 = vector.shape_cast %get3A_586 : vector<16xf32> to vector<1x16xf32>
    tpu.vector_store %arg5[%swap3A_588, %swap3A_589], %swap3A_592 {strides = array<i32>} : memref<32x512xf32, #tpu.memory_space<vmem>>, vector<1x16xf32>,
    %swap3A_593 = arith.constant 1 : i32
    %swap3A_594 = arith.index_cast %swap3A_593 : i32 to index
    %swap3A_595 = arith.constant 304 : index
    %swap3A_596 = tpu.vector_load %arg5[%swap3A_594, %swap3A_595] {strides = array<i32>} : memref<32x512xf32, #tpu.memory_space<vmem>>, vector<1x16xf32>,
    %swap3A_597 = vector.shape_cast %swap3A_596 : vector<1x16xf32> to vector<16xf32>
    %swap3A_598 = vector.shape_cast %get3A_586 : vector<16xf32> to vector<1x16xf32>
    tpu.vector_store %arg5[%swap3A_594, %swap3A_595], %swap3A_598 {strides = array<i32>} : memref<32x512xf32, #tpu.memory_space<vmem>>, vector<1x16xf32>,
    %swap3A_599 = arith.constant 2 : i32
    %swap3A_600 = arith.index_cast %swap3A_599 : i32 to index
    %swap3A_601 = arith.constant 304 : index
    %swap3A_602 = tpu.vector_load %arg5[%swap3A_600, %swap3A_601] {strides = array<i32>} : memref<32x512xf32, #tpu.memory_space<vmem>>, vector<1x16xf32>,
    %swap3A_603 = vector.shape_cast %swap3A_602 : vector<1x16xf32> to vector<16xf32>
    %swap3A_604 = vector.shape_cast %get3A_586 : vector<16xf32> to vector<1x16xf32>
    tpu.vector_store %arg5[%swap3A_600, %swap3A_601], %swap3A_604 {strides = array<i32>} : memref<32x512xf32, #tpu.memory_space<vmem>>, vector<1x16xf32>,
    %swap3A_605 = arith.constant 3 : i32
    %swap3A_606 = arith.index_cast %swap3A_605 : i32 to index
    %swap3A_607 = arith.constant 304 : index
    %swap3A_608 = tpu.vector_load %arg5[%swap3A_606, %swap3A_607] {strides = array<i32>} : memref<32x512xf32, #tpu.memory_space<vmem>>, vector<1x16xf32>,
    %swap3A_609 = vector.shape_cast %swap3A_608 : vector<1x16xf32> to vector<16xf32>
    %swap3A_610 = vector.shape_cast %get3A_586 : vector<16xf32> to vector<1x16xf32>
    tpu.vector_store %arg5[%swap3A_606, %swap3A_607], %swap3A_610 {strides = array<i32>} : memref<32x512xf32, #tpu.memory_space<vmem>>, vector<1x16xf32>,
    %swap3A_611 = arith.constant 4 : i32
    %swap3A_612 = arith.index_cast %swap3A_611 : i32 to index
    %swap3A_613 = arith.constant 304 : index
    %swap3A_614 = tpu.vector_load %arg5[%swap3A_612, %swap3A_613] {strides = array<i32>} : memref<32x512xf32, #tpu.memory_space<vmem>>, vector<1x16xf32>,
    %swap3A_615 = vector.shape_cast %swap3A_614 : vector<1x16xf32> to vector<16xf32>
    %swap3A_616 = vector.shape_cast %get3A_586 : vector<16xf32> to vector<1x16xf32>
    tpu.vector_store %arg5[%swap3A_612, %swap3A_613], %swap3A_616 {strides = array<i32>} : memref<32x512xf32, #tpu.memory_space<vmem>>, vector<1x16xf32>,
    %swap3A_617 = arith.constant 5 : i32
    %swap3A_618 = arith.index_cast %swap3A_617 : i32 to index
    %swap3A_619 = arith.constant 304 : index
    %swap3A_620 = tpu.vector_load %arg5[%swap3A_618, %swap3A_619] {strides = array<i32>} : memref<32x512xf32, #tpu.memory_space<vmem>>, vector<1x16xf32>,
    %swap3A_621 = vector.shape_cast %swap3A_620 : vector<1x16xf32> to vector<16xf32>
    %swap3A_622 = vector.shape_cast %get3A_586 : vector<16xf32> to vector<1x16xf32>
    tpu.vector_store %arg5[%swap3A_618, %swap3A_619], %swap3A_622 {strides = array<i32>} : memref<32x512xf32, #tpu.memory_space<vmem>>, vector<1x16xf32>,
    %swap3A_623 = arith.constant 6 : i32
    %swap3A_624 = arith.index_cast %swap3A_623 : i32 to index
    %swap3A_625 = arith.constant 304 : index
    %swap3A_626 = tpu.vector_load %arg5[%swap3A_624, %swap3A_625] {strides = array<i32>} : memref<32x512xf32, #tpu.memory_space<vmem>>, vector<1x16xf32>,
    %swap3A_627 = vector.shape_cast %swap3A_626 : vector<1x16xf32> to vector<16xf32>
    %swap3A_628 = vector.shape_cast %get3A_586 : vector<16xf32> to vector<1x16xf32>
    tpu.vector_store %arg5[%swap3A_624, %swap3A_625], %swap3A_628 {strides = array<i32>} : memref<32x512xf32, #tpu.memory_space<vmem>>, vector<1x16xf32>,
    %swap3A_629 = arith.constant 7 : i32
    %swap3A_630 = arith.index_cast %swap3A_629 : i32 to index
    %swap3A_631 = arith.constant 304 : index
    %swap3A_632 = tpu.vector_load %arg5[%swap3A_630, %swap3A_631] {strides = array<i32>} : memref<32x512xf32, #tpu.memory_space<vmem>>, vector<1x16xf32>,
    %swap3A_633 = vector.shape_cast %swap3A_632 : vector<1x16xf32> to vector<16xf32>
    %swap3A_634 = vector.shape_cast %get3A_586 : vector<16xf32> to vector<1x16xf32>
    tpu.vector_store %arg5[%swap3A_630, %swap3A_631], %swap3A_634 {strides = array<i32>} : memref<32x512xf32, #tpu.memory_space<vmem>>, vector<1x16xf32>,
    %swap3A_635 = arith.constant 8 : i32
    %swap3A_636 = arith.index_cast %swap3A_635 : i32 to index
    %swap3A_637 = arith.constant 304 : index
    %swap3A_638 = tpu.vector_load %arg5[%swap3A_636, %swap3A_637] {strides = array<i32>} : memref<32x512xf32, #tpu.memory_space<vmem>>, vector<1x16xf32>,
    %swap3A_639 = vector.shape_cast %swap3A_638 : vector<1x16xf32> to vector<16xf32>
    %swap3A_640 = vector.shape_cast %get3A_586 : vector<16xf32> to vector<1x16xf32>
    tpu.vector_store %arg5[%swap3A_636, %swap3A_637], %swap3A_640 {strides = array<i32>} : memref<32x512xf32, #tpu.memory_space<vmem>>, vector<1x16xf32>,
    %swap3A_641 = arith.constant 9 : i32
    %swap3A_642 = arith.index_cast %swap3A_641 : i32 to index
    %swap3A_643 = arith.constant 304 : index
    %swap3A_644 = tpu.vector_load %arg5[%swap3A_642, %swap3A_643] {strides = array<i32>} : memref<32x512xf32, #tpu.memory_space<vmem>>, vector<1x16xf32>,
    %swap3A_645 = vector.shape_cast %swap3A_644 : vector<1x16xf32> to vector<16xf32>
    %swap3A_646 = vector.shape_cast %get3A_586 : vector<16xf32> to vector<1x16xf32>
    tpu.vector_store %arg5[%swap3A_642, %swap3A_643], %swap3A_646 {strides = array<i32>} : memref<32x512xf32, #tpu.memory_space<vmem>>, vector<1x16xf32>,
    %swap3A_647 = arith.constant 10 : i32
    %swap3A_648 = arith.index_cast %swap3A_647 : i32 to index
    %swap3A_649 = arith.constant 304 : index
    %swap3A_650 = tpu.vector_load %arg5[%swap3A_648, %swap3A_649] {strides = array<i32>} : memref<32x512xf32, #tpu.memory_space<vmem>>, vector<1x16xf32>,
    %swap3A_651 = vector.shape_cast %swap3A_650 : vector<1x16xf32> to vector<16xf32>
    %swap3A_652 = vector.shape_cast %get3A_586 : vector<16xf32> to vector<1x16xf32>
    tpu.vector_store %arg5[%swap3A_648, %swap3A_649], %swap3A_652 {strides = array<i32>} : memref<32x512xf32, #tpu.memory_space<vmem>>, vector<1x16xf32>,
    %swap3A_653 = arith.constant 11 : i32
    %swap3A_654 = arith.index_cast %swap3A_653 : i32 to index
    %swap3A_655 = arith.constant 304 : index
    %swap3A_656 = tpu.vector_load %arg5[%swap3A_654, %swap3A_655] {strides = array<i32>} : memref<32x512xf32, #tpu.memory_space<vmem>>, vector<1x16xf32>,
    %swap3A_657 = vector.shape_cast %swap3A_656 : vector<1x16xf32> to vector<16xf32>
    %swap3A_658 = vector.shape_cast %get3A_586 : vector<16xf32> to vector<1x16xf32>
    tpu.vector_store %arg5[%swap3A_654, %swap3A_655], %swap3A_658 {strides = array<i32>} : memref<32x512xf32, #tpu.memory_space<vmem>>, vector<1x16xf32>,
    %swap3A_659 = arith.constant 12 : i32
    %swap3A_660 = arith.index_cast %swap3A_659 : i32 to index
    %swap3A_661 = arith.constant 304 : index
    %swap3A_662 = tpu.vector_load %arg5[%swap3A_660, %swap3A_661] {strides = array<i32>} : memref<32x512xf32, #tpu.memory_space<vmem>>, vector<1x16xf32>,
    %swap3A_663 = vector.shape_cast %swap3A_662 : vector<1x16xf32> to vector<16xf32>
    %swap3A_664 = vector.shape_cast %get3A_586 : vector<16xf32> to vector<1x16xf32>
    tpu.vector_store %arg5[%swap3A_660, %swap3A_661], %swap3A_664 {strides = array<i32>} : memref<32x512xf32, #tpu.memory_space<vmem>>, vector<1x16xf32>,
    %swap3A_665 = arith.constant 13 : i32
    %swap3A_666 = arith.index_cast %swap3A_665 : i32 to index
    %swap3A_667 = arith.constant 304 : index
    %swap3A_668 = tpu.vector_load %arg5[%swap3A_666, %swap3A_667] {strides = array<i32>} : memref<32x512xf32, #tpu.memory_space<vmem>>, vector<1x16xf32>,
    %swap3A_669 = vector.shape_cast %swap3A_668 : vector<1x16xf32> to vector<16xf32>
    %swap3A_670 = vector.shape_cast %get3A_586 : vector<16xf32> to vector<1x16xf32>
    tpu.vector_store %arg5[%swap3A_666, %swap3A_667], %swap3A_670 {strides = array<i32>} : memref<32x512xf32, #tpu.memory_space<vmem>>, vector<1x16xf32>,
    %swap3A_671 = arith.constant 14 : i32
    %swap3A_672 = arith.index_cast %swap3A_671 : i32 to index
    %swap3A_673 = arith.constant 304 : index
    %swap3A_674 = tpu.vector_load %arg5[%swap3A_672, %swap3A_673] {strides = array<i32>} : memref<32x512xf32, #tpu.memory_space<vmem>>, vector<1x16xf32>,
    %swap3A_675 = vector.shape_cast %swap3A_674 : vector<1x16xf32> to vector<16xf32>
    %swap3A_676 = vector.shape_cast %get3A_586 : vector<16xf32> to vector<1x16xf32>
    tpu.vector_store %arg5[%swap3A_672, %swap3A_673], %swap3A_676 {strides = array<i32>} : memref<32x512xf32, #tpu.memory_space<vmem>>, vector<1x16xf32>,
    %swap3A_677 = arith.constant 15 : i32
    %swap3A_678 = arith.index_cast %swap3A_677 : i32 to index
    %swap3A_679 = arith.constant 304 : index
    %swap3A_680 = tpu.vector_load %arg5[%swap3A_678, %swap3A_679] {strides = array<i32>} : memref<32x512xf32, #tpu.memory_space<vmem>>, vector<1x16xf32>,
    %swap3A_681 = vector.shape_cast %swap3A_680 : vector<1x16xf32> to vector<16xf32>
    %swap3A_682 = vector.shape_cast %get3A_586 : vector<16xf32> to vector<1x16xf32>
    tpu.vector_store %arg5[%swap3A_678, %swap3A_679], %swap3A_682 {strides = array<i32>} : memref<32x512xf32, #tpu.memory_space<vmem>>, vector<1x16xf32>,
    %swap3A_683 = arith.constant 16 : i32
    %swap3A_684 = arith.index_cast %swap3A_683 : i32 to index
    %swap3A_685 = arith.constant 304 : index
    %swap3A_686 = tpu.vector_load %arg5[%swap3A_684, %swap3A_685] {strides = array<i32>} : memref<32x512xf32, #tpu.memory_space<vmem>>, vector<1x16xf32>,
    %swap3A_687 = vector.shape_cast %swap3A_686 : vector<1x16xf32> to vector<16xf32>
    %swap3A_688 = vector.shape_cast %get3A_586 : vector<16xf32> to vector<1x16xf32>
    tpu.vector_store %arg5[%swap3A_684, %swap3A_685], %swap3A_688 {strides = array<i32>} : memref<32x512xf32, #tpu.memory_space<vmem>>, vector<1x16xf32>,
    %swap3A_689 = arith.constant 17 : i32
    %swap3A_690 = arith.index_cast %swap3A_689 : i32 to index
    %swap3A_691 = arith.constant 304 : index
    %swap3A_692 = tpu.vector_load %arg5[%swap3A_690, %swap3A_691] {strides = array<i32>} : memref<32x512xf32, #tpu.memory_space<vmem>>, vector<1x16xf32>,
    %swap3A_693 = vector.shape_cast %swap3A_692 : vector<1x16xf32> to vector<16xf32>
    %swap3A_694 = vector.shape_cast %get3A_586 : vector<16xf32> to vector<1x16xf32>
    tpu.vector_store %arg5[%swap3A_690, %swap3A_691], %swap3A_694 {strides = array<i32>} : memref<32x512xf32, #tpu.memory_space<vmem>>, vector<1x16xf32>,
    %swap3A_695 = arith.constant 18 : i32
    %swap3A_696 = arith.index_cast %swap3A_695 : i32 to index
    %swap3A_697 = arith.constant 304 : index
    %swap3A_698 = tpu.vector_load %arg5[%swap3A_696, %swap3A_697] {strides = array<i32>} : memref<32x512xf32, #tpu.memory_space<vmem>>, vector<1x16xf32>,
    %swap3A_699 = vector.shape_cast %swap3A_698 : vector<1x16xf32> to vector<16xf32>
    %swap3A_700 = vector.shape_cast %get3A_586 : vector<16xf32> to vector<1x16xf32>
    tpu.vector_store %arg5[%swap3A_696, %swap3A_697], %swap3A_700 {strides = array<i32>} : memref<32x512xf32, #tpu.memory_space<vmem>>, vector<1x16xf32>,
    %swap3A_701 = arith.constant 19 : i32
    %swap3A_702 = arith.index_cast %swap3A_701 : i32 to index
    %swap3A_703 = arith.constant 304 : index
    %swap3A_704 = tpu.vector_load %arg5[%swap3A_702, %swap3A_703] {strides = array<i32>} : memref<32x512xf32, #tpu.memory_space<vmem>>, vector<1x16xf32>,
    %swap3A_705 = vector.shape_cast %swap3A_704 : vector<1x16xf32> to vector<16xf32>
    %swap3A_706 = vector.shape_cast %get3A_586 : vector<16xf32> to vector<1x16xf32>
    tpu.vector_store %arg5[%swap3A_702, %swap3A_703], %swap3A_706 {strides = array<i32>} : memref<32x512xf32, #tpu.memory_space<vmem>>, vector<1x16xf32>,
    %swap3A_707 = arith.constant 20 : i32
    %swap3A_708 = arith.index_cast %swap3A_707 : i32 to index
    %swap3A_709 = arith.constant 304 : index
    %swap3A_710 = tpu.vector_load %arg5[%swap3A_708, %swap3A_709] {strides = array<i32>} : memref<32x512xf32, #tpu.memory_space<vmem>>, vector<1x16xf32>,
    %swap3A_711 = vector.shape_cast %swap3A_710 : vector<1x16xf32> to vector<16xf32>
    %swap3A_712 = vector.shape_cast %get3A_586 : vector<16xf32> to vector<1x16xf32>
    tpu.vector_store %arg5[%swap3A_708, %swap3A_709], %swap3A_712 {strides = array<i32>} : memref<32x512xf32, #tpu.memory_space<vmem>>, vector<1x16xf32>,
    %swap3A_713 = arith.constant 21 : i32
    %swap3A_714 = arith.index_cast %swap3A_713 : i32 to index
    %swap3A_715 = arith.constant 304 : index
    %swap3A_716 = tpu.vector_load %arg5[%swap3A_714, %swap3A_715] {strides = array<i32>} : memref<32x512xf32, #tpu.memory_space<vmem>>, vector<1x16xf32>,
    %swap3A_717 = vector.shape_cast %swap3A_716 : vector<1x16xf32> to vector<16xf32>
    %swap3A_718 = vector.shape_cast %get3A_586 : vector<16xf32> to vector<1x16xf32>
    tpu.vector_store %arg5[%swap3A_714, %swap3A_715], %swap3A_718 {strides = array<i32>} : memref<32x512xf32, #tpu.memory_space<vmem>>, vector<1x16xf32>,
    %swap3A_719 = arith.constant 22 : i32
    %swap3A_720 = arith.index_cast %swap3A_719 : i32 to index
    %swap3A_721 = arith.constant 304 : index
    %swap3A_722 = tpu.vector_load %arg5[%swap3A_720, %swap3A_721] {strides = array<i32>} : memref<32x512xf32, #tpu.memory_space<vmem>>, vector<1x16xf32>,
    %swap3A_723 = vector.shape_cast %swap3A_722 : vector<1x16xf32> to vector<16xf32>
    %swap3A_724 = vector.shape_cast %get3A_586 : vector<16xf32> to vector<1x16xf32>
    tpu.vector_store %arg5[%swap3A_720, %swap3A_721], %swap3A_724 {strides = array<i32>} : memref<32x512xf32, #tpu.memory_space<vmem>>, vector<1x16xf32>,
    %swap3A_725 = arith.constant 23 : i32
    %swap3A_726 = arith.index_cast %swap3A_725 : i32 to index
    %swap3A_727 = arith.constant 304 : index
    %swap3A_728 = tpu.vector_load %arg5[%swap3A_726, %swap3A_727] {strides = array<i32>} : memref<32x512xf32, #tpu.memory_space<vmem>>, vector<1x16xf32>,
    %swap3A_729 = vector.shape_cast %swap3A_728 : vector<1x16xf32> to vector<16xf32>
    %swap3A_730 = vector.shape_cast %get3A_586 : vector<16xf32> to vector<1x16xf32>
    tpu.vector_store %arg5[%swap3A_726, %swap3A_727], %swap3A_730 {strides = array<i32>} : memref<32x512xf32, #tpu.memory_space<vmem>>, vector<1x16xf32>,
    %swap3A_731 = arith.constant 24 : i32
    %swap3A_732 = arith.index_cast %swap3A_731 : i32 to index
    %swap3A_733 = arith.constant 304 : index
    %swap3A_734 = tpu.vector_load %arg5[%swap3A_732, %swap3A_733] {strides = array<i32>} : memref<32x512xf32, #tpu.memory_space<vmem>>, vector<1x16xf32>,
    %swap3A_735 = vector.shape_cast %swap3A_734 : vector<1x16xf32> to vector<16xf32>
    %swap3A_736 = vector.shape_cast %get3A_586 : vector<16xf32> to vector<1x16xf32>
    tpu.vector_store %arg5[%swap3A_732, %swap3A_733], %swap3A_736 {strides = array<i32>} : memref<32x512xf32, #tpu.memory_space<vmem>>, vector<1x16xf32>,
    %swap3A_737 = arith.constant 25 : i32
    %swap3A_738 = arith.index_cast %swap3A_737 : i32 to index
    %swap3A_739 = arith.constant 304 : index
    %swap3A_740 = tpu.vector_load %arg5[%swap3A_738, %swap3A_739] {strides = array<i32>} : memref<32x512xf32, #tpu.memory_space<vmem>>, vector<1x16xf32>,
    %swap3A_741 = vector.shape_cast %swap3A_740 : vector<1x16xf32> to vector<16xf32>
    %swap3A_742 = vector.shape_cast %get3A_586 : vector<16xf32> to vector<1x16xf32>
    tpu.vector_store %arg5[%swap3A_738, %swap3A_739], %swap3A_742 {strides = array<i32>} : memref<32x512xf32, #tpu.memory_space<vmem>>, vector<1x16xf32>,
    %swap3A_743 = arith.constant 26 : i32
    %swap3A_744 = arith.index_cast %swap3A_743 : i32 to index
    %swap3A_745 = arith.constant 304 : index
    %swap3A_746 = tpu.vector_load %arg5[%swap3A_744, %swap3A_745] {strides = array<i32>} : memref<32x512xf32, #tpu.memory_space<vmem>>, vector<1x16xf32>,
    %swap3A_747 = vector.shape_cast %swap3A_746 : vector<1x16xf32> to vector<16xf32>
    %swap3A_748 = vector.shape_cast %get3A_586 : vector<16xf32> to vector<1x16xf32>
    tpu.vector_store %arg5[%swap3A_744, %swap3A_745], %swap3A_748 {strides = array<i32>} : memref<32x512xf32, #tpu.memory_space<vmem>>, vector<1x16xf32>,
    %swap3A_749 = arith.constant 27 : i32
    %swap3A_750 = arith.index_cast %swap3A_749 : i32 to index
    %swap3A_751 = arith.constant 304 : index
    %swap3A_752 = tpu.vector_load %arg5[%swap3A_750, %swap3A_751] {strides = array<i32>} : memref<32x512xf32, #tpu.memory_space<vmem>>, vector<1x16xf32>,
    %swap3A_753 = vector.shape_cast %swap3A_752 : vector<1x16xf32> to vector<16xf32>
    %swap3A_754 = vector.shape_cast %get3A_586 : vector<16xf32> to vector<1x16xf32>
    tpu.vector_store %arg5[%swap3A_750, %swap3A_751], %swap3A_754 {strides = array<i32>} : memref<32x512xf32, #tpu.memory_space<vmem>>, vector<1x16xf32>,
    %swap3A_755 = arith.constant 28 : i32
    %swap3A_756 = arith.index_cast %swap3A_755 : i32 to index
    %swap3A_757 = arith.constant 304 : index
    %swap3A_758 = tpu.vector_load %arg5[%swap3A_756, %swap3A_757] {strides = array<i32>} : memref<32x512xf32, #tpu.memory_space<vmem>>, vector<1x16xf32>,
    %swap3A_759 = vector.shape_cast %swap3A_758 : vector<1x16xf32> to vector<16xf32>
    %swap3A_760 = vector.shape_cast %get3A_586 : vector<16xf32> to vector<1x16xf32>
    tpu.vector_store %arg5[%swap3A_756, %swap3A_757], %swap3A_760 {strides = array<i32>} : memref<32x512xf32, #tpu.memory_space<vmem>>, vector<1x16xf32>,
    %swap3A_761 = arith.constant 29 : i32
    %swap3A_762 = arith.index_cast %swap3A_761 : i32 to index
    %swap3A_763 = arith.constant 304 : index
    %swap3A_764 = tpu.vector_load %arg5[%swap3A_762, %swap3A_763] {strides = array<i32>} : memref<32x512xf32, #tpu.memory_space<vmem>>, vector<1x16xf32>,
    %swap3A_765 = vector.shape_cast %swap3A_764 : vector<1x16xf32> to vector<16xf32>
    %swap3A_766 = vector.shape_cast %get3A_586 : vector<16xf32> to vector<1x16xf32>
    tpu.vector_store %arg5[%swap3A_762, %swap3A_763], %swap3A_766 {strides = array<i32>} : memref<32x512xf32, #tpu.memory_space<vmem>>, vector<1x16xf32>,
    %swap3A_767 = arith.constant 30 : i32
    %swap3A_768 = arith.index_cast %swap3A_767 : i32 to index
    %swap3A_769 = arith.constant 304 : index
    %swap3A_770 = tpu.vector_load %arg5[%swap3A_768, %swap3A_769] {strides = array<i32>} : memref<32x512xf32, #tpu.memory_space<vmem>>, vector<1x16xf32>,
    %swap3A_771 = vector.shape_cast %swap3A_770 : vector<1x16xf32> to vector<16xf32>
    %swap3A_772 = vector.shape_cast %get3A_586 : vector<16xf32> to vector<1x16xf32>
    tpu.vector_store %arg5[%swap3A_768, %swap3A_769], %swap3A_772 {strides = array<i32>} : memref<32x512xf32, #tpu.memory_space<vmem>>, vector<1x16xf32>,
    %swap3A_773 = arith.constant 31 : i32
    %swap3A_774 = arith.index_cast %swap3A_773 : i32 to index
    %swap3A_775 = arith.constant 304 : index
    %swap3A_776 = tpu.vector_load %arg5[%swap3A_774, %swap3A_775] {strides = array<i32>} : memref<32x512xf32, #tpu.memory_space<vmem>>, vector<1x16xf32>,
    %swap3A_777 = vector.shape_cast %swap3A_776 : vector<1x16xf32> to vector<16xf32>
    %swap3A_778 = vector.shape_cast %get3A_586 : vector<16xf32> to vector<1x16xf32>
    tpu.vector_store %arg5[%swap3A_774, %swap3A_775], %swap3A_778 {strides = array<i32>} : memref<32x512xf32, #tpu.memory_space<vmem>>, vector<1x16xf32>,
    %get3A_779 = arith.constant 64 : index
    %get3A_780 = tpu.vector_load %arg6[%get3A_779] {strides = array<i32>} : memref<256xf32, #tpu.memory_space<vmem>>, vector<16xf32>,
    %get3A_781 = vector.shape_cast %get3A_780 : vector<16xf32> to vector<16xf32>
    %swap3A_782 = arith.constant 0 : i32
    %swap3A_783 = arith.index_cast %swap3A_782 : i32 to index
    %swap3A_784 = arith.constant 320 : index
    %swap3A_785 = tpu.vector_load %arg5[%swap3A_783, %swap3A_784] {strides = array<i32>} : memref<32x512xf32, #tpu.memory_space<vmem>>, vector<1x16xf32>,
    %swap3A_786 = vector.shape_cast %swap3A_785 : vector<1x16xf32> to vector<16xf32>
    %swap3A_787 = vector.shape_cast %get3A_781 : vector<16xf32> to vector<1x16xf32>
    tpu.vector_store %arg5[%swap3A_783, %swap3A_784], %swap3A_787 {strides = array<i32>} : memref<32x512xf32, #tpu.memory_space<vmem>>, vector<1x16xf32>,
    %swap3A_788 = arith.constant 1 : i32
    %swap3A_789 = arith.index_cast %swap3A_788 : i32 to index
    %swap3A_790 = arith.constant 320 : index
    %swap3A_791 = tpu.vector_load %arg5[%swap3A_789, %swap3A_790] {strides = array<i32>} : memref<32x512xf32, #tpu.memory_space<vmem>>, vector<1x16xf32>,
    %swap3A_792 = vector.shape_cast %swap3A_791 : vector<1x16xf32> to vector<16xf32>
    %swap3A_793 = vector.shape_cast %get3A_781 : vector<16xf32> to vector<1x16xf32>
    tpu.vector_store %arg5[%swap3A_789, %swap3A_790], %swap3A_793 {strides = array<i32>} : memref<32x512xf32, #tpu.memory_space<vmem>>, vector<1x16xf32>,
    %swap3A_794 = arith.constant 2 : i32
    %swap3A_795 = arith.index_cast %swap3A_794 : i32 to index
    %swap3A_796 = arith.constant 320 : index
    %swap3A_797 = tpu.vector_load %arg5[%swap3A_795, %swap3A_796] {strides = array<i32>} : memref<32x512xf32, #tpu.memory_space<vmem>>, vector<1x16xf32>,
    %swap3A_798 = vector.shape_cast %swap3A_797 : vector<1x16xf32> to vector<16xf32>
    %swap3A_799 = vector.shape_cast %get3A_781 : vector<16xf32> to vector<1x16xf32>
    tpu.vector_store %arg5[%swap3A_795, %swap3A_796], %swap3A_799 {strides = array<i32>} : memref<32x512xf32, #tpu.memory_space<vmem>>, vector<1x16xf32>,
    %swap3A_800 = arith.constant 3 : i32
    %swap3A_801 = arith.index_cast %swap3A_800 : i32 to index
    %swap3A_802 = arith.constant 320 : index
    %swap3A_803 = tpu.vector_load %arg5[%swap3A_801, %swap3A_802] {strides = array<i32>} : memref<32x512xf32, #tpu.memory_space<vmem>>, vector<1x16xf32>,
    %swap3A_804 = vector.shape_cast %swap3A_803 : vector<1x16xf32> to vector<16xf32>
    %swap3A_805 = vector.shape_cast %get3A_781 : vector<16xf32> to vector<1x16xf32>
    tpu.vector_store %arg5[%swap3A_801, %swap3A_802], %swap3A_805 {strides = array<i32>} : memref<32x512xf32, #tpu.memory_space<vmem>>, vector<1x16xf32>,
    %swap3A_806 = arith.constant 4 : i32
    %swap3A_807 = arith.index_cast %swap3A_806 : i32 to index
    %swap3A_808 = arith.constant 320 : index
    %swap3A_809 = tpu.vector_load %arg5[%swap3A_807, %swap3A_808] {strides = array<i32>} : memref<32x512xf32, #tpu.memory_space<vmem>>, vector<1x16xf32>,
    %swap3A_810 = vector.shape_cast %swap3A_809 : vector<1x16xf32> to vector<16xf32>
    %swap3A_811 = vector.shape_cast %get3A_781 : vector<16xf32> to vector<1x16xf32>
    tpu.vector_store %arg5[%swap3A_807, %swap3A_808], %swap3A_811 {strides = array<i32>} : memref<32x512xf32, #tpu.memory_space<vmem>>, vector<1x16xf32>,
    %swap3A_812 = arith.constant 5 : i32
    %swap3A_813 = arith.index_cast %swap3A_812 : i32 to index
    %swap3A_814 = arith.constant 320 : index
    %swap3A_815 = tpu.vector_load %arg5[%swap3A_813, %swap3A_814] {strides = array<i32>} : memref<32x512xf32, #tpu.memory_space<vmem>>, vector<1x16xf32>,
    %swap3A_816 = vector.shape_cast %swap3A_815 : vector<1x16xf32> to vector<16xf32>
    %swap3A_817 = vector.shape_cast %get3A_781 : vector<16xf32> to vector<1x16xf32>
    tpu.vector_store %arg5[%swap3A_813, %swap3A_814], %swap3A_817 {strides = array<i32>} : memref<32x512xf32, #tpu.memory_space<vmem>>, vector<1x16xf32>,
    %swap3A_818 = arith.constant 6 : i32
    %swap3A_819 = arith.index_cast %swap3A_818 : i32 to index
    %swap3A_820 = arith.constant 320 : index
    %swap3A_821 = tpu.vector_load %arg5[%swap3A_819, %swap3A_820] {strides = array<i32>} : memref<32x512xf32, #tpu.memory_space<vmem>>, vector<1x16xf32>,
    %swap3A_822 = vector.shape_cast %swap3A_821 : vector<1x16xf32> to vector<16xf32>
    %swap3A_823 = vector.shape_cast %get3A_781 : vector<16xf32> to vector<1x16xf32>
    tpu.vector_store %arg5[%swap3A_819, %swap3A_820], %swap3A_823 {strides = array<i32>} : memref<32x512xf32, #tpu.memory_space<vmem>>, vector<1x16xf32>,
    %swap3A_824 = arith.constant 7 : i32
    %swap3A_825 = arith.index_cast %swap3A_824 : i32 to index
    %swap3A_826 = arith.constant 320 : index
    %swap3A_827 = tpu.vector_load %arg5[%swap3A_825, %swap3A_826] {strides = array<i32>} : memref<32x512xf32, #tpu.memory_space<vmem>>, vector<1x16xf32>,
    %swap3A_828 = vector.shape_cast %swap3A_827 : vector<1x16xf32> to vector<16xf32>
    %swap3A_829 = vector.shape_cast %get3A_781 : vector<16xf32> to vector<1x16xf32>
    tpu.vector_store %arg5[%swap3A_825, %swap3A_826], %swap3A_829 {strides = array<i32>} : memref<32x512xf32, #tpu.memory_space<vmem>>, vector<1x16xf32>,
    %swap3A_830 = arith.constant 8 : i32
    %swap3A_831 = arith.index_cast %swap3A_830 : i32 to index
    %swap3A_832 = arith.constant 320 : index
    %swap3A_833 = tpu.vector_load %arg5[%swap3A_831, %swap3A_832] {strides = array<i32>} : memref<32x512xf32, #tpu.memory_space<vmem>>, vector<1x16xf32>,
    %swap3A_834 = vector.shape_cast %swap3A_833 : vector<1x16xf32> to vector<16xf32>
    %swap3A_835 = vector.shape_cast %get3A_781 : vector<16xf32> to vector<1x16xf32>
    tpu.vector_store %arg5[%swap3A_831, %swap3A_832], %swap3A_835 {strides = array<i32>} : memref<32x512xf32, #tpu.memory_space<vmem>>, vector<1x16xf32>,
    %swap3A_836 = arith.constant 9 : i32
    %swap3A_837 = arith.index_cast %swap3A_836 : i32 to index
    %swap3A_838 = arith.constant 320 : index
    %swap3A_839 = tpu.vector_load %arg5[%swap3A_837, %swap3A_838] {strides = array<i32>} : memref<32x512xf32, #tpu.memory_space<vmem>>, vector<1x16xf32>,
    %swap3A_840 = vector.shape_cast %swap3A_839 : vector<1x16xf32> to vector<16xf32>
    %swap3A_841 = vector.shape_cast %get3A_781 : vector<16xf32> to vector<1x16xf32>
    tpu.vector_store %arg5[%swap3A_837, %swap3A_838], %swap3A_841 {strides = array<i32>} : memref<32x512xf32, #tpu.memory_space<vmem>>, vector<1x16xf32>,
    %swap3A_842 = arith.constant 10 : i32
    %swap3A_843 = arith.index_cast %swap3A_842 : i32 to index
    %swap3A_844 = arith.constant 320 : index
    %swap3A_845 = tpu.vector_load %arg5[%swap3A_843, %swap3A_844] {strides = array<i32>} : memref<32x512xf32, #tpu.memory_space<vmem>>, vector<1x16xf32>,
    %swap3A_846 = vector.shape_cast %swap3A_845 : vector<1x16xf32> to vector<16xf32>
    %swap3A_847 = vector.shape_cast %get3A_781 : vector<16xf32> to vector<1x16xf32>
    tpu.vector_store %arg5[%swap3A_843, %swap3A_844], %swap3A_847 {strides = array<i32>} : memref<32x512xf32, #tpu.memory_space<vmem>>, vector<1x16xf32>,
    %swap3A_848 = arith.constant 11 : i32
    %swap3A_849 = arith.index_cast %swap3A_848 : i32 to index
    %swap3A_850 = arith.constant 320 : index
    %swap3A_851 = tpu.vector_load %arg5[%swap3A_849, %swap3A_850] {strides = array<i32>} : memref<32x512xf32, #tpu.memory_space<vmem>>, vector<1x16xf32>,
    %swap3A_852 = vector.shape_cast %swap3A_851 : vector<1x16xf32> to vector<16xf32>
    %swap3A_853 = vector.shape_cast %get3A_781 : vector<16xf32> to vector<1x16xf32>
    tpu.vector_store %arg5[%swap3A_849, %swap3A_850], %swap3A_853 {strides = array<i32>} : memref<32x512xf32, #tpu.memory_space<vmem>>, vector<1x16xf32>,
    %swap3A_854 = arith.constant 12 : i32
    %swap3A_855 = arith.index_cast %swap3A_854 : i32 to index
    %swap3A_856 = arith.constant 320 : index
    %swap3A_857 = tpu.vector_load %arg5[%swap3A_855, %swap3A_856] {strides = array<i32>} : memref<32x512xf32, #tpu.memory_space<vmem>>, vector<1x16xf32>,
    %swap3A_858 = vector.shape_cast %swap3A_857 : vector<1x16xf32> to vector<16xf32>
    %swap3A_859 = vector.shape_cast %get3A_781 : vector<16xf32> to vector<1x16xf32>
    tpu.vector_store %arg5[%swap3A_855, %swap3A_856], %swap3A_859 {strides = array<i32>} : memref<32x512xf32, #tpu.memory_space<vmem>>, vector<1x16xf32>,
    %swap3A_860 = arith.constant 13 : i32
    %swap3A_861 = arith.index_cast %swap3A_860 : i32 to index
    %swap3A_862 = arith.constant 320 : index
    %swap3A_863 = tpu.vector_load %arg5[%swap3A_861, %swap3A_862] {strides = array<i32>} : memref<32x512xf32, #tpu.memory_space<vmem>>, vector<1x16xf32>,
    %swap3A_864 = vector.shape_cast %swap3A_863 : vector<1x16xf32> to vector<16xf32>
    %swap3A_865 = vector.shape_cast %get3A_781 : vector<16xf32> to vector<1x16xf32>
    tpu.vector_store %arg5[%swap3A_861, %swap3A_862], %swap3A_865 {strides = array<i32>} : memref<32x512xf32, #tpu.memory_space<vmem>>, vector<1x16xf32>,
    %swap3A_866 = arith.constant 14 : i32
    %swap3A_867 = arith.index_cast %swap3A_866 : i32 to index
    %swap3A_868 = arith.constant 320 : index
    %swap3A_869 = tpu.vector_load %arg5[%swap3A_867, %swap3A_868] {strides = array<i32>} : memref<32x512xf32, #tpu.memory_space<vmem>>, vector<1x16xf32>,
    %swap3A_870 = vector.shape_cast %swap3A_869 : vector<1x16xf32> to vector<16xf32>
    %swap3A_871 = vector.shape_cast %get3A_781 : vector<16xf32> to vector<1x16xf32>
    tpu.vector_store %arg5[%swap3A_867, %swap3A_868], %swap3A_871 {strides = array<i32>} : memref<32x512xf32, #tpu.memory_space<vmem>>, vector<1x16xf32>,
    %swap3A_872 = arith.constant 15 : i32
    %swap3A_873 = arith.index_cast %swap3A_872 : i32 to index
    %swap3A_874 = arith.constant 320 : index
    %swap3A_875 = tpu.vector_load %arg5[%swap3A_873, %swap3A_874] {strides = array<i32>} : memref<32x512xf32, #tpu.memory_space<vmem>>, vector<1x16xf32>,
    %swap3A_876 = vector.shape_cast %swap3A_875 : vector<1x16xf32> to vector<16xf32>
    %swap3A_877 = vector.shape_cast %get3A_781 : vector<16xf32> to vector<1x16xf32>
    tpu.vector_store %arg5[%swap3A_873, %swap3A_874], %swap3A_877 {strides = array<i32>} : memref<32x512xf32, #tpu.memory_space<vmem>>, vector<1x16xf32>,
    %swap3A_878 = arith.constant 16 : i32
    %swap3A_879 = arith.index_cast %swap3A_878 : i32 to index
    %swap3A_880 = arith.constant 320 : index
    %swap3A_881 = tpu.vector_load %arg5[%swap3A_879, %swap3A_880] {strides = array<i32>} : memref<32x512xf32, #tpu.memory_space<vmem>>, vector<1x16xf32>,
    %swap3A_882 = vector.shape_cast %swap3A_881 : vector<1x16xf32> to vector<16xf32>
    %swap3A_883 = vector.shape_cast %get3A_781 : vector<16xf32> to vector<1x16xf32>
    tpu.vector_store %arg5[%swap3A_879, %swap3A_880], %swap3A_883 {strides = array<i32>} : memref<32x512xf32, #tpu.memory_space<vmem>>, vector<1x16xf32>,
    %swap3A_884 = arith.constant 17 : i32
    %swap3A_885 = arith.index_cast %swap3A_884 : i32 to index
    %swap3A_886 = arith.constant 320 : index
    %swap3A_887 = tpu.vector_load %arg5[%swap3A_885, %swap3A_886] {strides = array<i32>} : memref<32x512xf32, #tpu.memory_space<vmem>>, vector<1x16xf32>,
    %swap3A_888 = vector.shape_cast %swap3A_887 : vector<1x16xf32> to vector<16xf32>
    %swap3A_889 = vector.shape_cast %get3A_781 : vector<16xf32> to vector<1x16xf32>
    tpu.vector_store %arg5[%swap3A_885, %swap3A_886], %swap3A_889 {strides = array<i32>} : memref<32x512xf32, #tpu.memory_space<vmem>>, vector<1x16xf32>,
    %swap3A_890 = arith.constant 18 : i32
    %swap3A_891 = arith.index_cast %swap3A_890 : i32 to index
    %swap3A_892 = arith.constant 320 : index
    %swap3A_893 = tpu.vector_load %arg5[%swap3A_891, %swap3A_892] {strides = array<i32>} : memref<32x512xf32, #tpu.memory_space<vmem>>, vector<1x16xf32>,
    %swap3A_894 = vector.shape_cast %swap3A_893 : vector<1x16xf32> to vector<16xf32>
    %swap3A_895 = vector.shape_cast %get3A_781 : vector<16xf32> to vector<1x16xf32>
    tpu.vector_store %arg5[%swap3A_891, %swap3A_892], %swap3A_895 {strides = array<i32>} : memref<32x512xf32, #tpu.memory_space<vmem>>, vector<1x16xf32>,
    %swap3A_896 = arith.constant 19 : i32
    %swap3A_897 = arith.index_cast %swap3A_896 : i32 to index
    %swap3A_898 = arith.constant 320 : index
    %swap3A_899 = tpu.vector_load %arg5[%swap3A_897, %swap3A_898] {strides = array<i32>} : memref<32x512xf32, #tpu.memory_space<vmem>>, vector<1x16xf32>,
    %swap3A_900 = vector.shape_cast %swap3A_899 : vector<1x16xf32> to vector<16xf32>
    %swap3A_901 = vector.shape_cast %get3A_781 : vector<16xf32> to vector<1x16xf32>
    tpu.vector_store %arg5[%swap3A_897, %swap3A_898], %swap3A_901 {strides = array<i32>} : memref<32x512xf32, #tpu.memory_space<vmem>>, vector<1x16xf32>,
    %swap3A_902 = arith.constant 20 : i32
    %swap3A_903 = arith.index_cast %swap3A_902 : i32 to index
    %swap3A_904 = arith.constant 320 : index
    %swap3A_905 = tpu.vector_load %arg5[%swap3A_903, %swap3A_904] {strides = array<i32>} : memref<32x512xf32, #tpu.memory_space<vmem>>, vector<1x16xf32>,
    %swap3A_906 = vector.shape_cast %swap3A_905 : vector<1x16xf32> to vector<16xf32>
    %swap3A_907 = vector.shape_cast %get3A_781 : vector<16xf32> to vector<1x16xf32>
    tpu.vector_store %arg5[%swap3A_903, %swap3A_904], %swap3A_907 {strides = array<i32>} : memref<32x512xf32, #tpu.memory_space<vmem>>, vector<1x16xf32>,
    %swap3A_908 = arith.constant 21 : i32
    %swap3A_909 = arith.index_cast %swap3A_908 : i32 to index
    %swap3A_910 = arith.constant 320 : index
    %swap3A_911 = tpu.vector_load %arg5[%swap3A_909, %swap3A_910] {strides = array<i32>} : memref<32x512xf32, #tpu.memory_space<vmem>>, vector<1x16xf32>,
    %swap3A_912 = vector.shape_cast %swap3A_911 : vector<1x16xf32> to vector<16xf32>
    %swap3A_913 = vector.shape_cast %get3A_781 : vector<16xf32> to vector<1x16xf32>
    tpu.vector_store %arg5[%swap3A_909, %swap3A_910], %swap3A_913 {strides = array<i32>} : memref<32x512xf32, #tpu.memory_space<vmem>>, vector<1x16xf32>,
    %swap3A_914 = arith.constant 22 : i32
    %swap3A_915 = arith.index_cast %swap3A_914 : i32 to index
    %swap3A_916 = arith.constant 320 : index
    %swap3A_917 = tpu.vector_load %arg5[%swap3A_915, %swap3A_916] {strides = array<i32>} : memref<32x512xf32, #tpu.memory_space<vmem>>, vector<1x16xf32>,
    %swap3A_918 = vector.shape_cast %swap3A_917 : vector<1x16xf32> to vector<16xf32>
    %swap3A_919 = vector.shape_cast %get3A_781 : vector<16xf32> to vector<1x16xf32>
    tpu.vector_store %arg5[%swap3A_915, %swap3A_916], %swap3A_919 {strides = array<i32>} : memref<32x512xf32, #tpu.memory_space<vmem>>, vector<1x16xf32>,
    %swap3A_920 = arith.constant 23 : i32
    %swap3A_921 = arith.index_cast %swap3A_920 : i32 to index
    %swap3A_922 = arith.constant 320 : index
    %swap3A_923 = tpu.vector_load %arg5[%swap3A_921, %swap3A_922] {strides = array<i32>} : memref<32x512xf32, #tpu.memory_space<vmem>>, vector<1x16xf32>,
    %swap3A_924 = vector.shape_cast %swap3A_923 : vector<1x16xf32> to vector<16xf32>
    %swap3A_925 = vector.shape_cast %get3A_781 : vector<16xf32> to vector<1x16xf32>
    tpu.vector_store %arg5[%swap3A_921, %swap3A_922], %swap3A_925 {strides = array<i32>} : memref<32x512xf32, #tpu.memory_space<vmem>>, vector<1x16xf32>,
    %swap3A_926 = arith.constant 24 : i32
    %swap3A_927 = arith.index_cast %swap3A_926 : i32 to index
    %swap3A_928 = arith.constant 320 : index
    %swap3A_929 = tpu.vector_load %arg5[%swap3A_927, %swap3A_928] {strides = array<i32>} : memref<32x512xf32, #tpu.memory_space<vmem>>, vector<1x16xf32>,
    %swap3A_930 = vector.shape_cast %swap3A_929 : vector<1x16xf32> to vector<16xf32>
    %swap3A_931 = vector.shape_cast %get3A_781 : vector<16xf32> to vector<1x16xf32>
    tpu.vector_store %arg5[%swap3A_927, %swap3A_928], %swap3A_931 {strides = array<i32>} : memref<32x512xf32, #tpu.memory_space<vmem>>, vector<1x16xf32>,
    %swap3A_932 = arith.constant 25 : i32
    %swap3A_933 = arith.index_cast %swap3A_932 : i32 to index
    %swap3A_934 = arith.constant 320 : index
    %swap3A_935 = tpu.vector_load %arg5[%swap3A_933, %swap3A_934] {strides = array<i32>} : memref<32x512xf32, #tpu.memory_space<vmem>>, vector<1x16xf32>,
    %swap3A_936 = vector.shape_cast %swap3A_935 : vector<1x16xf32> to vector<16xf32>
    %swap3A_937 = vector.shape_cast %get3A_781 : vector<16xf32> to vector<1x16xf32>
    tpu.vector_store %arg5[%swap3A_933, %swap3A_934], %swap3A_937 {strides = array<i32>} : memref<32x512xf32, #tpu.memory_space<vmem>>, vector<1x16xf32>,
    %swap3A_938 = arith.constant 26 : i32
    %swap3A_939 = arith.index_cast %swap3A_938 : i32 to index
    %swap3A_940 = arith.constant 320 : index
    %swap3A_941 = tpu.vector_load %arg5[%swap3A_939, %swap3A_940] {strides = array<i32>} : memref<32x512xf32, #tpu.memory_space<vmem>>, vector<1x16xf32>,
    %swap3A_942 = vector.shape_cast %swap3A_941 : vector<1x16xf32> to vector<16xf32>
    %swap3A_943 = vector.shape_cast %get3A_781 : vector<16xf32> to vector<1x16xf32>
    tpu.vector_store %arg5[%swap3A_939, %swap3A_940], %swap3A_943 {strides = array<i32>} : memref<32x512xf32, #tpu.memory_space<vmem>>, vector<1x16xf32>,
    %swap3A_944 = arith.constant 27 : i32
    %swap3A_945 = arith.index_cast %swap3A_944 : i32 to index
    %swap3A_946 = arith.constant 320 : index
    %swap3A_947 = tpu.vector_load %arg5[%swap3A_945, %swap3A_946] {strides = array<i32>} : memref<32x512xf32, #tpu.memory_space<vmem>>, vector<1x16xf32>,
    %swap3A_948 = vector.shape_cast %swap3A_947 : vector<1x16xf32> to vector<16xf32>
    %swap3A_949 = vector.shape_cast %get3A_781 : vector<16xf32> to vector<1x16xf32>
    tpu.vector_store %arg5[%swap3A_945, %swap3A_946], %swap3A_949 {strides = array<i32>} : memref<32x512xf32, #tpu.memory_space<vmem>>, vector<1x16xf32>,
    %swap3A_950 = arith.constant 28 : i32
    %swap3A_951 = arith.index_cast %swap3A_950 : i32 to index
    %swap3A_952 = arith.constant 320 : index
    %swap3A_953 = tpu.vector_load %arg5[%swap3A_951, %swap3A_952] {strides = array<i32>} : memref<32x512xf32, #tpu.memory_space<vmem>>, vector<1x16xf32>,
    %swap3A_954 = vector.shape_cast %swap3A_953 : vector<1x16xf32> to vector<16xf32>
    %swap3A_955 = vector.shape_cast %get3A_781 : vector<16xf32> to vector<1x16xf32>
    tpu.vector_store %arg5[%swap3A_951, %swap3A_952], %swap3A_955 {strides = array<i32>} : memref<32x512xf32, #tpu.memory_space<vmem>>, vector<1x16xf32>,
    %swap3A_956 = arith.constant 29 : i32
    %swap3A_957 = arith.index_cast %swap3A_956 : i32 to index
    %swap3A_958 = arith.constant 320 : index
    %swap3A_959 = tpu.vector_load %arg5[%swap3A_957, %swap3A_958] {strides = array<i32>} : memref<32x512xf32, #tpu.memory_space<vmem>>, vector<1x16xf32>,
    %swap3A_960 = vector.shape_cast %swap3A_959 : vector<1x16xf32> to vector<16xf32>
    %swap3A_961 = vector.shape_cast %get3A_781 : vector<16xf32> to vector<1x16xf32>
    tpu.vector_store %arg5[%swap3A_957, %swap3A_958], %swap3A_961 {strides = array<i32>} : memref<32x512xf32, #tpu.memory_space<vmem>>, vector<1x16xf32>,
    %swap3A_962 = arith.constant 30 : i32
    %swap3A_963 = arith.index_cast %swap3A_962 : i32 to index
    %swap3A_964 = arith.constant 320 : index
    %swap3A_965 = tpu.vector_load %arg5[%swap3A_963, %swap3A_964] {strides = array<i32>} : memref<32x512xf32, #tpu.memory_space<vmem>>, vector<1x16xf32>,
    %swap3A_966 = vector.shape_cast %swap3A_965 : vector<1x16xf32> to vector<16xf32>
    %swap3A_967 = vector.shape_cast %get3A_781 : vector<16xf32> to vector<1x16xf32>
    tpu.vector_store %arg5[%swap3A_963, %swap3A_964], %swap3A_967 {strides = array<i32>} : memref<32x512xf32, #tpu.memory_space<vmem>>, vector<1x16xf32>,
    %swap3A_968 = arith.constant 31 : i32
    %swap3A_969 = arith.index_cast %swap3A_968 : i32 to index
    %swap3A_970 = arith.constant 320 : index
    %swap3A_971 = tpu.vector_load %arg5[%swap3A_969, %swap3A_970] {strides = array<i32>} : memref<32x512xf32, #tpu.memory_space<vmem>>, vector<1x16xf32>,
    %swap3A_972 = vector.shape_cast %swap3A_971 : vector<1x16xf32> to vector<16xf32>
    %swap3A_973 = vector.shape_cast %get3A_781 : vector<16xf32> to vector<1x16xf32>
    tpu.vector_store %arg5[%swap3A_969, %swap3A_970], %swap3A_973 {strides = array<i32>} : memref<32x512xf32, #tpu.memory_space<vmem>>, vector<1x16xf32>,
    %get3A_974 = arith.constant 80 : index
    %get3A_975 = tpu.vector_load %arg6[%get3A_974] {strides = array<i32>} : memref<256xf32, #tpu.memory_space<vmem>>, vector<16xf32>,
    %get3A_976 = vector.shape_cast %get3A_975 : vector<16xf32> to vector<16xf32>
    %swap3A_977 = arith.constant 0 : i32
    %swap3A_978 = arith.index_cast %swap3A_977 : i32 to index
    %swap3A_979 = arith.constant 336 : index
    %swap3A_980 = tpu.vector_load %arg5[%swap3A_978, %swap3A_979] {strides = array<i32>} : memref<32x512xf32, #tpu.memory_space<vmem>>, vector<1x16xf32>,
    %swap3A_981 = vector.shape_cast %swap3A_980 : vector<1x16xf32> to vector<16xf32>
    %swap3A_982 = vector.shape_cast %get3A_976 : vector<16xf32> to vector<1x16xf32>
    tpu.vector_store %arg5[%swap3A_978, %swap3A_979], %swap3A_982 {strides = array<i32>} : memref<32x512xf32, #tpu.memory_space<vmem>>, vector<1x16xf32>,
    %swap3A_983 = arith.constant 1 : i32
    %swap3A_984 = arith.index_cast %swap3A_983 : i32 to index
    %swap3A_985 = arith.constant 336 : index
    %swap3A_986 = tpu.vector_load %arg5[%swap3A_984, %swap3A_985] {strides = array<i32>} : memref<32x512xf32, #tpu.memory_space<vmem>>, vector<1x16xf32>,
    %swap3A_987 = vector.shape_cast %swap3A_986 : vector<1x16xf32> to vector<16xf32>
    %swap3A_988 = vector.shape_cast %get3A_976 : vector<16xf32> to vector<1x16xf32>
    tpu.vector_store %arg5[%swap3A_984, %swap3A_985], %swap3A_988 {strides = array<i32>} : memref<32x512xf32, #tpu.memory_space<vmem>>, vector<1x16xf32>,
    %swap3A_989 = arith.constant 2 : i32
    %swap3A_990 = arith.index_cast %swap3A_989 : i32 to index
    %swap3A_991 = arith.constant 336 : index
    %swap3A_992 = tpu.vector_load %arg5[%swap3A_990, %swap3A_991] {strides = array<i32>} : memref<32x512xf32, #tpu.memory_space<vmem>>, vector<1x16xf32>,
    %swap3A_993 = vector.shape_cast %swap3A_992 : vector<1x16xf32> to vector<16xf32>
    %swap3A_994 = vector.shape_cast %get3A_976 : vector<16xf32> to vector<1x16xf32>
    tpu.vector_store %arg5[%swap3A_990, %swap3A_991], %swap3A_994 {strides = array<i32>} : memref<32x512xf32, #tpu.memory_space<vmem>>, vector<1x16xf32>,
    %swap3A_995 = arith.constant 3 : i32
    %swap3A_996 = arith.index_cast %swap3A_995 : i32 to index
    %swap3A_997 = arith.constant 336 : index
    %swap3A_998 = tpu.vector_load %arg5[%swap3A_996, %swap3A_997] {strides = array<i32>} : memref<32x512xf32, #tpu.memory_space<vmem>>, vector<1x16xf32>,
    %swap3A_999 = vector.shape_cast %swap3A_998 : vector<1x16xf32> to vector<16xf32>
    %swap3A_1000 = vector.shape_cast %get3A_976 : vector<16xf32> to vector<1x16xf32>
    tpu.vector_store %arg5[%swap3A_996, %swap3A_997], %swap3A_1000 {strides = array<i32>} : memref<32x512xf32, #tpu.memory_space<vmem>>, vector<1x16xf32>,
    %swap3A_1001 = arith.constant 4 : i32
    %swap3A_1002 = arith.index_cast %swap3A_1001 : i32 to index
    %swap3A_1003 = arith.constant 336 : index
    %swap3A_1004 = tpu.vector_load %arg5[%swap3A_1002, %swap3A_1003] {strides = array<i32>} : memref<32x512xf32, #tpu.memory_space<vmem>>, vector<1x16xf32>,
    %swap3A_1005 = vector.shape_cast %swap3A_1004 : vector<1x16xf32> to vector<16xf32>
    %swap3A_1006 = vector.shape_cast %get3A_976 : vector<16xf32> to vector<1x16xf32>
    tpu.vector_store %arg5[%swap3A_1002, %swap3A_1003], %swap3A_1006 {strides = array<i32>} : memref<32x512xf32, #tpu.memory_space<vmem>>, vector<1x16xf32>,
    %swap3A_1007 = arith.constant 5 : i32
    %swap3A_1008 = arith.index_cast %swap3A_1007 : i32 to index
    %swap3A_1009 = arith.constant 336 : index
    %swap3A_1010 = tpu.vector_load %arg5[%swap3A_1008, %swap3A_1009] {strides = array<i32>} : memref<32x512xf32, #tpu.memory_space<vmem>>, vector<1x16xf32>,
    %swap3A_1011 = vector.shape_cast %swap3A_1010 : vector<1x16xf32> to vector<16xf32>
    %swap3A_1012 = vector.shape_cast %get3A_976 : vector<16xf32> to vector<1x16xf32>
    tpu.vector_store %arg5[%swap3A_1008, %swap3A_1009], %swap3A_1012 {strides = array<i32>} : memref<32x512xf32, #tpu.memory_space<vmem>>, vector<1x16xf32>,
    %swap3A_1013 = arith.constant 6 : i32
    %swap3A_1014 = arith.index_cast %swap3A_1013 : i32 to index
    %swap3A_1015 = arith.constant 336 : index
    %swap3A_1016 = tpu.vector_load %arg5[%swap3A_1014, %swap3A_1015] {strides = array<i32>} : memref<32x512xf32, #tpu.memory_space<vmem>>, vector<1x16xf32>,
    %swap3A_1017 = vector.shape_cast %swap3A_1016 : vector<1x16xf32> to vector<16xf32>
    %swap3A_1018 = vector.shape_cast %get3A_976 : vector<16xf32> to vector<1x16xf32>
    tpu.vector_store %arg5[%swap3A_1014, %swap3A_1015], %swap3A_1018 {strides = array<i32>} : memref<32x512xf32, #tpu.memory_space<vmem>>, vector<1x16xf32>,
    %swap3A_1019 = arith.constant 7 : i32
    %swap3A_1020 = arith.index_cast %swap3A_1019 : i32 to index
    %swap3A_1021 = arith.constant 336 : index
    %swap3A_1022 = tpu.vector_load %arg5[%swap3A_1020, %swap3A_1021] {strides = array<i32>} : memref<32x512xf32, #tpu.memory_space<vmem>>, vector<1x16xf32>,
    %swap3A_1023 = vector.shape_cast %swap3A_1022 : vector<1x16xf32> to vector<16xf32>
    %swap3A_1024 = vector.shape_cast %get3A_976 : vector<16xf32> to vector<1x16xf32>
    tpu.vector_store %arg5[%swap3A_1020, %swap3A_1021], %swap3A_1024 {strides = array<i32>} : memref<32x512xf32, #tpu.memory_space<vmem>>, vector<1x16xf32>,
    %swap3A_1025 = arith.constant 8 : i32
    %swap3A_1026 = arith.index_cast %swap3A_1025 : i32 to index
    %swap3A_1027 = arith.constant 336 : index
    %swap3A_1028 = tpu.vector_load %arg5[%swap3A_1026, %swap3A_1027] {strides = array<i32>} : memref<32x512xf32, #tpu.memory_space<vmem>>, vector<1x16xf32>,
    %swap3A_1029 = vector.shape_cast %swap3A_1028 : vector<1x16xf32> to vector<16xf32>
    %swap3A_1030 = vector.shape_cast %get3A_976 : vector<16xf32> to vector<1x16xf32>
    tpu.vector_store %arg5[%swap3A_1026, %swap3A_1027], %swap3A_1030 {strides = array<i32>} : memref<32x512xf32, #tpu.memory_space<vmem>>, vector<1x16xf32>,
    %swap3A_1031 = arith.constant 9 : i32
    %swap3A_1032 = arith.index_cast %swap3A_1031 : i32 to index
    %swap3A_1033 = arith.constant 336 : index
    %swap3A_1034 = tpu.vector_load %arg5[%swap3A_1032, %swap3A_1033] {strides = array<i32>} : memref<32x512xf32, #tpu.memory_space<vmem>>, vector<1x16xf32>,
    %swap3A_1035 = vector.shape_cast %swap3A_1034 : vector<1x16xf32> to vector<16xf32>
    %swap3A_1036 = vector.shape_cast %get3A_976 : vector<16xf32> to vector<1x16xf32>
    tpu.vector_store %arg5[%swap3A_1032, %swap3A_1033], %swap3A_1036 {strides = array<i32>} : memref<32x512xf32, #tpu.memory_space<vmem>>, vector<1x16xf32>,
    %swap3A_1037 = arith.constant 10 : i32
    %swap3A_1038 = arith.index_cast %swap3A_1037 : i32 to index
    %swap3A_1039 = arith.constant 336 : index
    %swap3A_1040 = tpu.vector_load %arg5[%swap3A_1038, %swap3A_1039] {strides = array<i32>} : memref<32x512xf32, #tpu.memory_space<vmem>>, vector<1x16xf32>,
    %swap3A_1041 = vector.shape_cast %swap3A_1040 : vector<1x16xf32> to vector<16xf32>
    %swap3A_1042 = vector.shape_cast %get3A_976 : vector<16xf32> to vector<1x16xf32>
    tpu.vector_store %arg5[%swap3A_1038, %swap3A_1039], %swap3A_1042 {strides = array<i32>} : memref<32x512xf32, #tpu.memory_space<vmem>>, vector<1x16xf32>,
    %swap3A_1043 = arith.constant 11 : i32
    %swap3A_1044 = arith.index_cast %swap3A_1043 : i32 to index
    %swap3A_1045 = arith.constant 336 : index
    %swap3A_1046 = tpu.vector_load %arg5[%swap3A_1044, %swap3A_1045] {strides = array<i32>} : memref<32x512xf32, #tpu.memory_space<vmem>>, vector<1x16xf32>,
    %swap3A_1047 = vector.shape_cast %swap3A_1046 : vector<1x16xf32> to vector<16xf32>
    %swap3A_1048 = vector.shape_cast %get3A_976 : vector<16xf32> to vector<1x16xf32>
    tpu.vector_store %arg5[%swap3A_1044, %swap3A_1045], %swap3A_1048 {strides = array<i32>} : memref<32x512xf32, #tpu.memory_space<vmem>>, vector<1x16xf32>,
    %swap3A_1049 = arith.constant 12 : i32
    %swap3A_1050 = arith.index_cast %swap3A_1049 : i32 to index
    %swap3A_1051 = arith.constant 336 : index
    %swap3A_1052 = tpu.vector_load %arg5[%swap3A_1050, %swap3A_1051] {strides = array<i32>} : memref<32x512xf32, #tpu.memory_space<vmem>>, vector<1x16xf32>,
    %swap3A_1053 = vector.shape_cast %swap3A_1052 : vector<1x16xf32> to vector<16xf32>
    %swap3A_1054 = vector.shape_cast %get3A_976 : vector<16xf32> to vector<1x16xf32>
    tpu.vector_store %arg5[%swap3A_1050, %swap3A_1051], %swap3A_1054 {strides = array<i32>} : memref<32x512xf32, #tpu.memory_space<vmem>>, vector<1x16xf32>,
    %swap3A_1055 = arith.constant 13 : i32
    %swap3A_1056 = arith.index_cast %swap3A_1055 : i32 to index
    %swap3A_1057 = arith.constant 336 : index
    %swap3A_1058 = tpu.vector_load %arg5[%swap3A_1056, %swap3A_1057] {strides = array<i32>} : memref<32x512xf32, #tpu.memory_space<vmem>>, vector<1x16xf32>,
    %swap3A_1059 = vector.shape_cast %swap3A_1058 : vector<1x16xf32> to vector<16xf32>
    %swap3A_1060 = vector.shape_cast %get3A_976 : vector<16xf32> to vector<1x16xf32>
    tpu.vector_store %arg5[%swap3A_1056, %swap3A_1057], %swap3A_1060 {strides = array<i32>} : memref<32x512xf32, #tpu.memory_space<vmem>>, vector<1x16xf32>,
    %swap3A_1061 = arith.constant 14 : i32
    %swap3A_1062 = arith.index_cast %swap3A_1061 : i32 to index
    %swap3A_1063 = arith.constant 336 : index
    %swap3A_1064 = tpu.vector_load %arg5[%swap3A_1062, %swap3A_1063] {strides = array<i32>} : memref<32x512xf32, #tpu.memory_space<vmem>>, vector<1x16xf32>,
    %swap3A_1065 = vector.shape_cast %swap3A_1064 : vector<1x16xf32> to vector<16xf32>
    %swap3A_1066 = vector.shape_cast %get3A_976 : vector<16xf32> to vector<1x16xf32>
    tpu.vector_store %arg5[%swap3A_1062, %swap3A_1063], %swap3A_1066 {strides = array<i32>} : memref<32x512xf32, #tpu.memory_space<vmem>>, vector<1x16xf32>,
    %swap3A_1067 = arith.constant 15 : i32
    %swap3A_1068 = arith.index_cast %swap3A_1067 : i32 to index
    %swap3A_1069 = arith.constant 336 : index
    %swap3A_1070 = tpu.vector_load %arg5[%swap3A_1068, %swap3A_1069] {strides = array<i32>} : memref<32x512xf32, #tpu.memory_space<vmem>>, vector<1x16xf32>,
    %swap3A_1071 = vector.shape_cast %swap3A_1070 : vector<1x16xf32> to vector<16xf32>
    %swap3A_1072 = vector.shape_cast %get3A_976 : vector<16xf32> to vector<1x16xf32>
    tpu.vector_store %arg5[%swap3A_1068, %swap3A_1069], %swap3A_1072 {strides = array<i32>} : memref<32x512xf32, #tpu.memory_space<vmem>>, vector<1x16xf32>,
    %swap3A_1073 = arith.constant 16 : i32
    %swap3A_1074 = arith.index_cast %swap3A_1073 : i32 to index
    %swap3A_1075 = arith.constant 336 : index
    %swap3A_1076 = tpu.vector_load %arg5[%swap3A_1074, %swap3A_1075] {strides = array<i32>} : memref<32x512xf32, #tpu.memory_space<vmem>>, vector<1x16xf32>,
    %swap3A_1077 = vector.shape_cast %swap3A_1076 : vector<1x16xf32> to vector<16xf32>
    %swap3A_1078 = vector.shape_cast %get3A_976 : vector<16xf32> to vector<1x16xf32>
    tpu.vector_store %arg5[%swap3A_1074, %swap3A_1075], %swap3A_1078 {strides = array<i32>} : memref<32x512xf32, #tpu.memory_space<vmem>>, vector<1x16xf32>,
    %swap3A_1079 = arith.constant 17 : i32
    %swap3A_1080 = arith.index_cast %swap3A_1079 : i32 to index
    %swap3A_1081 = arith.constant 336 : index
    %swap3A_1082 = tpu.vector_load %arg5[%swap3A_1080, %swap3A_1081] {strides = array<i32>} : memref<32x512xf32, #tpu.memory_space<vmem>>, vector<1x16xf32>,
    %swap3A_1083 = vector.shape_cast %swap3A_1082 : vector<1x16xf32> to vector<16xf32>
    %swap3A_1084 = vector.shape_cast %get3A_976 : vector<16xf32> to vector<1x16xf32>
    tpu.vector_store %arg5[%swap3A_1080, %swap3A_1081], %swap3A_1084 {strides = array<i32>} : memref<32x512xf32, #tpu.memory_space<vmem>>, vector<1x16xf32>,
    %swap3A_1085 = arith.constant 18 : i32
    %swap3A_1086 = arith.index_cast %swap3A_1085 : i32 to index
    %swap3A_1087 = arith.constant 336 : index
    %swap3A_1088 = tpu.vector_load %arg5[%swap3A_1086, %swap3A_1087] {strides = array<i32>} : memref<32x512xf32, #tpu.memory_space<vmem>>, vector<1x16xf32>,
    %swap3A_1089 = vector.shape_cast %swap3A_1088 : vector<1x16xf32> to vector<16xf32>
    %swap3A_1090 = vector.shape_cast %get3A_976 : vector<16xf32> to vector<1x16xf32>
    tpu.vector_store %arg5[%swap3A_1086, %swap3A_1087], %swap3A_1090 {strides = array<i32>} : memref<32x512xf32, #tpu.memory_space<vmem>>, vector<1x16xf32>,
    %swap3A_1091 = arith.constant 19 : i32
    %swap3A_1092 = arith.index_cast %swap3A_1091 : i32 to index
    %swap3A_1093 = arith.constant 336 : index
    %swap3A_1094 = tpu.vector_load %arg5[%swap3A_1092, %swap3A_1093] {strides = array<i32>} : memref<32x512xf32, #tpu.memory_space<vmem>>, vector<1x16xf32>,
    %swap3A_1095 = vector.shape_cast %swap3A_1094 : vector<1x16xf32> to vector<16xf32>
    %swap3A_1096 = vector.shape_cast %get3A_976 : vector<16xf32> to vector<1x16xf32>
    tpu.vector_store %arg5[%swap3A_1092, %swap3A_1093], %swap3A_1096 {strides = array<i32>} : memref<32x512xf32, #tpu.memory_space<vmem>>, vector<1x16xf32>,
    %swap3A_1097 = arith.constant 20 : i32
    %swap3A_1098 = arith.index_cast %swap3A_1097 : i32 to index
    %swap3A_1099 = arith.constant 336 : index
    %swap3A_1100 = tpu.vector_load %arg5[%swap3A_1098, %swap3A_1099] {strides = array<i32>} : memref<32x512xf32, #tpu.memory_space<vmem>>, vector<1x16xf32>,
    %swap3A_1101 = vector.shape_cast %swap3A_1100 : vector<1x16xf32> to vector<16xf32>
    %swap3A_1102 = vector.shape_cast %get3A_976 : vector<16xf32> to vector<1x16xf32>
    tpu.vector_store %arg5[%swap3A_1098, %swap3A_1099], %swap3A_1102 {strides = array<i32>} : memref<32x512xf32, #tpu.memory_space<vmem>>, vector<1x16xf32>,
    %swap3A_1103 = arith.constant 21 : i32
    %swap3A_1104 = arith.index_cast %swap3A_1103 : i32 to index
    %swap3A_1105 = arith.constant 336 : index
    %swap3A_1106 = tpu.vector_load %arg5[%swap3A_1104, %swap3A_1105] {strides = array<i32>} : memref<32x512xf32, #tpu.memory_space<vmem>>, vector<1x16xf32>,
    %swap3A_1107 = vector.shape_cast %swap3A_1106 : vector<1x16xf32> to vector<16xf32>
    %swap3A_1108 = vector.shape_cast %get3A_976 : vector<16xf32> to vector<1x16xf32>
    tpu.vector_store %arg5[%swap3A_1104, %swap3A_1105], %swap3A_1108 {strides = array<i32>} : memref<32x512xf32, #tpu.memory_space<vmem>>, vector<1x16xf32>,
    %swap3A_1109 = arith.constant 22 : i32
    %swap3A_1110 = arith.index_cast %swap3A_1109 : i32 to index
    %swap3A_1111 = arith.constant 336 : index
    %swap3A_1112 = tpu.vector_load %arg5[%swap3A_1110, %swap3A_1111] {strides = array<i32>} : memref<32x512xf32, #tpu.memory_space<vmem>>, vector<1x16xf32>,
    %swap3A_1113 = vector.shape_cast %swap3A_1112 : vector<1x16xf32> to vector<16xf32>
    %swap3A_1114 = vector.shape_cast %get3A_976 : vector<16xf32> to vector<1x16xf32>
    tpu.vector_store %arg5[%swap3A_1110, %swap3A_1111], %swap3A_1114 {strides = array<i32>} : memref<32x512xf32, #tpu.memory_space<vmem>>, vector<1x16xf32>,
    %swap3A_1115 = arith.constant 23 : i32
    %swap3A_1116 = arith.index_cast %swap3A_1115 : i32 to index
    %swap3A_1117 = arith.constant 336 : index
    %swap3A_1118 = tpu.vector_load %arg5[%swap3A_1116, %swap3A_1117] {strides = array<i32>} : memref<32x512xf32, #tpu.memory_space<vmem>>, vector<1x16xf32>,
    %swap3A_1119 = vector.shape_cast %swap3A_1118 : vector<1x16xf32> to vector<16xf32>
    %swap3A_1120 = vector.shape_cast %get3A_976 : vector<16xf32> to vector<1x16xf32>
    tpu.vector_store %arg5[%swap3A_1116, %swap3A_1117], %swap3A_1120 {strides = array<i32>} : memref<32x512xf32, #tpu.memory_space<vmem>>, vector<1x16xf32>,
    %swap3A_1121 = arith.constant 24 : i32
    %swap3A_1122 = arith.index_cast %swap3A_1121 : i32 to index
    %swap3A_1123 = arith.constant 336 : index
    %swap3A_1124 = tpu.vector_load %arg5[%swap3A_1122, %swap3A_1123] {strides = array<i32>} : memref<32x512xf32, #tpu.memory_space<vmem>>, vector<1x16xf32>,
    %swap3A_1125 = vector.shape_cast %swap3A_1124 : vector<1x16xf32> to vector<16xf32>
    %swap3A_1126 = vector.shape_cast %get3A_976 : vector<16xf32> to vector<1x16xf32>
    tpu.vector_store %arg5[%swap3A_1122, %swap3A_1123], %swap3A_1126 {strides = array<i32>} : memref<32x512xf32, #tpu.memory_space<vmem>>, vector<1x16xf32>,
    %swap3A_1127 = arith.constant 25 : i32
    %swap3A_1128 = arith.index_cast %swap3A_1127 : i32 to index
    %swap3A_1129 = arith.constant 336 : index
    %swap3A_1130 = tpu.vector_load %arg5[%swap3A_1128, %swap3A_1129] {strides = array<i32>} : memref<32x512xf32, #tpu.memory_space<vmem>>, vector<1x16xf32>,
    %swap3A_1131 = vector.shape_cast %swap3A_1130 : vector<1x16xf32> to vector<16xf32>
    %swap3A_1132 = vector.shape_cast %get3A_976 : vector<16xf32> to vector<1x16xf32>
    tpu.vector_store %arg5[%swap3A_1128, %swap3A_1129], %swap3A_1132 {strides = array<i32>} : memref<32x512xf32, #tpu.memory_space<vmem>>, vector<1x16xf32>,
    %swap3A_1133 = arith.constant 26 : i32
    %swap3A_1134 = arith.index_cast %swap3A_1133 : i32 to index
    %swap3A_1135 = arith.constant 336 : index
    %swap3A_1136 = tpu.vector_load %arg5[%swap3A_1134, %swap3A_1135] {strides = array<i32>} : memref<32x512xf32, #tpu.memory_space<vmem>>, vector<1x16xf32>,
    %swap3A_1137 = vector.shape_cast %swap3A_1136 : vector<1x16xf32> to vector<16xf32>
    %swap3A_1138 = vector.shape_cast %get3A_976 : vector<16xf32> to vector<1x16xf32>
    tpu.vector_store %arg5[%swap3A_1134, %swap3A_1135], %swap3A_1138 {strides = array<i32>} : memref<32x512xf32, #tpu.memory_space<vmem>>, vector<1x16xf32>,
    %swap3A_1139 = arith.constant 27 : i32
    %swap3A_1140 = arith.index_cast %swap3A_1139 : i32 to index
    %swap3A_1141 = arith.constant 336 : index
    %swap3A_1142 = tpu.vector_load %arg5[%swap3A_1140, %swap3A_1141] {strides = array<i32>} : memref<32x512xf32, #tpu.memory_space<vmem>>, vector<1x16xf32>,
    %swap3A_1143 = vector.shape_cast %swap3A_1142 : vector<1x16xf32> to vector<16xf32>
    %swap3A_1144 = vector.shape_cast %get3A_976 : vector<16xf32> to vector<1x16xf32>
    tpu.vector_store %arg5[%swap3A_1140, %swap3A_1141], %swap3A_1144 {strides = array<i32>} : memref<32x512xf32, #tpu.memory_space<vmem>>, vector<1x16xf32>,
    %swap3A_1145 = arith.constant 28 : i32
    %swap3A_1146 = arith.index_cast %swap3A_1145 : i32 to index
    %swap3A_1147 = arith.constant 336 : index
    %swap3A_1148 = tpu.vector_load %arg5[%swap3A_1146, %swap3A_1147] {strides = array<i32>} : memref<32x512xf32, #tpu.memory_space<vmem>>, vector<1x16xf32>,
    %swap3A_1149 = vector.shape_cast %swap3A_1148 : vector<1x16xf32> to vector<16xf32>
    %swap3A_1150 = vector.shape_cast %get3A_976 : vector<16xf32> to vector<1x16xf32>
    tpu.vector_store %arg5[%swap3A_1146, %swap3A_1147], %swap3A_1150 {strides = array<i32>} : memref<32x512xf32, #tpu.memory_space<vmem>>, vector<1x16xf32>,
    %swap3A_1151 = arith.constant 29 : i32
    %swap3A_1152 = arith.index_cast %swap3A_1151 : i32 to index
    %swap3A_1153 = arith.constant 336 : index
    %swap3A_1154 = tpu.vector_load %arg5[%swap3A_1152, %swap3A_1153] {strides = array<i32>} : memref<32x512xf32, #tpu.memory_space<vmem>>, vector<1x16xf32>,
    %swap3A_1155 = vector.shape_cast %swap3A_1154 : vector<1x16xf32> to vector<16xf32>
    %swap3A_1156 = vector.shape_cast %get3A_976 : vector<16xf32> to vector<1x16xf32>
    tpu.vector_store %arg5[%swap3A_1152, %swap3A_1153], %swap3A_1156 {strides = array<i32>} : memref<32x512xf32, #tpu.memory_space<vmem>>, vector<1x16xf32>,
    %swap3A_1157 = arith.constant 30 : i32
    %swap3A_1158 = arith.index_cast %swap3A_1157 : i32 to index
    %swap3A_1159 = arith.constant 336 : index
    %swap3A_1160 = tpu.vector_load %arg5[%swap3A_1158, %swap3A_1159] {strides = array<i32>} : memref<32x512xf32, #tpu.memory_space<vmem>>, vector<1x16xf32>,
    %swap3A_1161 = vector.shape_cast %swap3A_1160 : vector<1x16xf32> to vector<16xf32>
    %swap3A_1162 = vector.shape_cast %get3A_976 : vector<16xf32> to vector<1x16xf32>
    tpu.vector_store %arg5[%swap3A_1158, %swap3A_1159], %swap3A_1162 {strides = array<i32>} : memref<32x512xf32, #tpu.memory_space<vmem>>, vector<1x16xf32>,
    %swap3A_1163 = arith.constant 31 : i32
    %swap3A_1164 = arith.index_cast %swap3A_1163 : i32 to index
    %swap3A_1165 = arith.constant 336 : index
    %swap3A_1166 = tpu.vector_load %arg5[%swap3A_1164, %swap3A_1165] {strides = array<i32>} : memref<32x512xf32, #tpu.memory_space<vmem>>, vector<1x16xf32>,
    %swap3A_1167 = vector.shape_cast %swap3A_1166 : vector<1x16xf32> to vector<16xf32>
    %swap3A_1168 = vector.shape_cast %get3A_976 : vector<16xf32> to vector<1x16xf32>
    tpu.vector_store %arg5[%swap3A_1164, %swap3A_1165], %swap3A_1168 {strides = array<i32>} : memref<32x512xf32, #tpu.memory_space<vmem>>, vector<1x16xf32>,
    %get3A_1169 = arith.constant 96 : index
    %get3A_1170 = tpu.vector_load %arg6[%get3A_1169] {strides = array<i32>} : memref<256xf32, #tpu.memory_space<vmem>>, vector<16xf32>,
    %get3A_1171 = vector.shape_cast %get3A_1170 : vector<16xf32> to vector<16xf32>
    %swap3A_1172 = arith.constant 0 : i32
    %swap3A_1173 = arith.index_cast %swap3A_1172 : i32 to index
    %swap3A_1174 = arith.constant 352 : index
    %swap3A_1175 = tpu.vector_load %arg5[%swap3A_1173, %swap3A_1174] {strides = array<i32>} : memref<32x512xf32, #tpu.memory_space<vmem>>, vector<1x16xf32>,
    %swap3A_1176 = vector.shape_cast %swap3A_1175 : vector<1x16xf32> to vector<16xf32>
    %swap3A_1177 = vector.shape_cast %get3A_1171 : vector<16xf32> to vector<1x16xf32>
    tpu.vector_store %arg5[%swap3A_1173, %swap3A_1174], %swap3A_1177 {strides = array<i32>} : memref<32x512xf32, #tpu.memory_space<vmem>>, vector<1x16xf32>,
    %swap3A_1178 = arith.constant 1 : i32
    %swap3A_1179 = arith.index_cast %swap3A_1178 : i32 to index
    %swap3A_1180 = arith.constant 352 : index
    %swap3A_1181 = tpu.vector_load %arg5[%swap3A_1179, %swap3A_1180] {strides = array<i32>} : memref<32x512xf32, #tpu.memory_space<vmem>>, vector<1x16xf32>,
    %swap3A_1182 = vector.shape_cast %swap3A_1181 : vector<1x16xf32> to vector<16xf32>
    %swap3A_1183 = vector.shape_cast %get3A_1171 : vector<16xf32> to vector<1x16xf32>
    tpu.vector_store %arg5[%swap3A_1179, %swap3A_1180], %swap3A_1183 {strides = array<i32>} : memref<32x512xf32, #tpu.memory_space<vmem>>, vector<1x16xf32>,
    %swap3A_1184 = arith.constant 2 : i32
    %swap3A_1185 = arith.index_cast %swap3A_1184 : i32 to index
    %swap3A_1186 = arith.constant 352 : index
    %swap3A_1187 = tpu.vector_load %arg5[%swap3A_1185, %swap3A_1186] {strides = array<i32>} : memref<32x512xf32, #tpu.memory_space<vmem>>, vector<1x16xf32>,
    %swap3A_1188 = vector.shape_cast %swap3A_1187 : vector<1x16xf32> to vector<16xf32>
    %swap3A_1189 = vector.shape_cast %get3A_1171 : vector<16xf32> to vector<1x16xf32>
    tpu.vector_store %arg5[%swap3A_1185, %swap3A_1186], %swap3A_1189 {strides = array<i32>} : memref<32x512xf32, #tpu.memory_space<vmem>>, vector<1x16xf32>,
    %swap3A_1190 = arith.constant 3 : i32
    %swap3A_1191 = arith.index_cast %swap3A_1190 : i32 to index
    %swap3A_1192 = arith.constant 352 : index
    %swap3A_1193 = tpu.vector_load %arg5[%swap3A_1191, %swap3A_1192] {strides = array<i32>} : memref<32x512xf32, #tpu.memory_space<vmem>>, vector<1x16xf32>,
    %swap3A_1194 = vector.shape_cast %swap3A_1193 : vector<1x16xf32> to vector<16xf32>
    %swap3A_1195 = vector.shape_cast %get3A_1171 : vector<16xf32> to vector<1x16xf32>
    tpu.vector_store %arg5[%swap3A_1191, %swap3A_1192], %swap3A_1195 {strides = array<i32>} : memref<32x512xf32, #tpu.memory_space<vmem>>, vector<1x16xf32>,
    %swap3A_1196 = arith.constant 4 : i32
    %swap3A_1197 = arith.index_cast %swap3A_1196 : i32 to index
    %swap3A_1198 = arith.constant 352 : index
    %swap3A_1199 = tpu.vector_load %arg5[%swap3A_1197, %swap3A_1198] {strides = array<i32>} : memref<32x512xf32, #tpu.memory_space<vmem>>, vector<1x16xf32>,
    %swap3A_1200 = vector.shape_cast %swap3A_1199 : vector<1x16xf32> to vector<16xf32>
    %swap3A_1201 = vector.shape_cast %get3A_1171 : vector<16xf32> to vector<1x16xf32>
    tpu.vector_store %arg5[%swap3A_1197, %swap3A_1198], %swap3A_1201 {strides = array<i32>} : memref<32x512xf32, #tpu.memory_space<vmem>>, vector<1x16xf32>,
    %swap3A_1202 = arith.constant 5 : i32
    %swap3A_1203 = arith.index_cast %swap3A_1202 : i32 to index
    %swap3A_1204 = arith.constant 352 : index
    %swap3A_1205 = tpu.vector_load %arg5[%swap3A_1203, %swap3A_1204] {strides = array<i32>} : memref<32x512xf32, #tpu.memory_space<vmem>>, vector<1x16xf32>,
    %swap3A_1206 = vector.shape_cast %swap3A_1205 : vector<1x16xf32> to vector<16xf32>
    %swap3A_1207 = vector.shape_cast %get3A_1171 : vector<16xf32> to vector<1x16xf32>
    tpu.vector_store %arg5[%swap3A_1203, %swap3A_1204], %swap3A_1207 {strides = array<i32>} : memref<32x512xf32, #tpu.memory_space<vmem>>, vector<1x16xf32>,
    %swap3A_1208 = arith.constant 6 : i32
    %swap3A_1209 = arith.index_cast %swap3A_1208 : i32 to index
    %swap3A_1210 = arith.constant 352 : index
    %swap3A_1211 = tpu.vector_load %arg5[%swap3A_1209, %swap3A_1210] {strides = array<i32>} : memref<32x512xf32, #tpu.memory_space<vmem>>, vector<1x16xf32>,
    %swap3A_1212 = vector.shape_cast %swap3A_1211 : vector<1x16xf32> to vector<16xf32>
    %swap3A_1213 = vector.shape_cast %get3A_1171 : vector<16xf32> to vector<1x16xf32>
    tpu.vector_store %arg5[%swap3A_1209, %swap3A_1210], %swap3A_1213 {strides = array<i32>} : memref<32x512xf32, #tpu.memory_space<vmem>>, vector<1x16xf32>,
    %swap3A_1214 = arith.constant 7 : i32
    %swap3A_1215 = arith.index_cast %swap3A_1214 : i32 to index
    %swap3A_1216 = arith.constant 352 : index
    %swap3A_1217 = tpu.vector_load %arg5[%swap3A_1215, %swap3A_1216] {strides = array<i32>} : memref<32x512xf32, #tpu.memory_space<vmem>>, vector<1x16xf32>,
    %swap3A_1218 = vector.shape_cast %swap3A_1217 : vector<1x16xf32> to vector<16xf32>
    %swap3A_1219 = vector.shape_cast %get3A_1171 : vector<16xf32> to vector<1x16xf32>
    tpu.vector_store %arg5[%swap3A_1215, %swap3A_1216], %swap3A_1219 {strides = array<i32>} : memref<32x512xf32, #tpu.memory_space<vmem>>, vector<1x16xf32>,
    %swap3A_1220 = arith.constant 8 : i32
    %swap3A_1221 = arith.index_cast %swap3A_1220 : i32 to index
    %swap3A_1222 = arith.constant 352 : index
    %swap3A_1223 = tpu.vector_load %arg5[%swap3A_1221, %swap3A_1222] {strides = array<i32>} : memref<32x512xf32, #tpu.memory_space<vmem>>, vector<1x16xf32>,
    %swap3A_1224 = vector.shape_cast %swap3A_1223 : vector<1x16xf32> to vector<16xf32>
    %swap3A_1225 = vector.shape_cast %get3A_1171 : vector<16xf32> to vector<1x16xf32>
    tpu.vector_store %arg5[%swap3A_1221, %swap3A_1222], %swap3A_1225 {strides = array<i32>} : memref<32x512xf32, #tpu.memory_space<vmem>>, vector<1x16xf32>,
    %swap3A_1226 = arith.constant 9 : i32
    %swap3A_1227 = arith.index_cast %swap3A_1226 : i32 to index
    %swap3A_1228 = arith.constant 352 : index
    %swap3A_1229 = tpu.vector_load %arg5[%swap3A_1227, %swap3A_1228] {strides = array<i32>} : memref<32x512xf32, #tpu.memory_space<vmem>>, vector<1x16xf32>,
    %swap3A_1230 = vector.shape_cast %swap3A_1229 : vector<1x16xf32> to vector<16xf32>
    %swap3A_1231 = vector.shape_cast %get3A_1171 : vector<16xf32> to vector<1x16xf32>
    tpu.vector_store %arg5[%swap3A_1227, %swap3A_1228], %swap3A_1231 {strides = array<i32>} : memref<32x512xf32, #tpu.memory_space<vmem>>, vector<1x16xf32>,
    %swap3A_1232 = arith.constant 10 : i32
    %swap3A_1233 = arith.index_cast %swap3A_1232 : i32 to index
    %swap3A_1234 = arith.constant 352 : index
    %swap3A_1235 = tpu.vector_load %arg5[%swap3A_1233, %swap3A_1234] {strides = array<i32>} : memref<32x512xf32, #tpu.memory_space<vmem>>, vector<1x16xf32>,
    %swap3A_1236 = vector.shape_cast %swap3A_1235 : vector<1x16xf32> to vector<16xf32>
    %swap3A_1237 = vector.shape_cast %get3A_1171 : vector<16xf32> to vector<1x16xf32>
    tpu.vector_store %arg5[%swap3A_1233, %swap3A_1234], %swap3A_1237 {strides = array<i32>} : memref<32x512xf32, #tpu.memory_space<vmem>>, vector<1x16xf32>,
    %swap3A_1238 = arith.constant 11 : i32
    %swap3A_1239 = arith.index_cast %swap3A_1238 : i32 to index
    %swap3A_1240 = arith.constant 352 : index
    %swap3A_1241 = tpu.vector_load %arg5[%swap3A_1239, %swap3A_1240] {strides = array<i32>} : memref<32x512xf32, #tpu.memory_space<vmem>>, vector<1x16xf32>,
    %swap3A_1242 = vector.shape_cast %swap3A_1241 : vector<1x16xf32> to vector<16xf32>
    %swap3A_1243 = vector.shape_cast %get3A_1171 : vector<16xf32> to vector<1x16xf32>
    tpu.vector_store %arg5[%swap3A_1239, %swap3A_1240], %swap3A_1243 {strides = array<i32>} : memref<32x512xf32, #tpu.memory_space<vmem>>, vector<1x16xf32>,
    %swap3A_1244 = arith.constant 12 : i32
    %swap3A_1245 = arith.index_cast %swap3A_1244 : i32 to index
    %swap3A_1246 = arith.constant 352 : index
    %swap3A_1247 = tpu.vector_load %arg5[%swap3A_1245, %swap3A_1246] {strides = array<i32>} : memref<32x512xf32, #tpu.memory_space<vmem>>, vector<1x16xf32>,
    %swap3A_1248 = vector.shape_cast %swap3A_1247 : vector<1x16xf32> to vector<16xf32>
    %swap3A_1249 = vector.shape_cast %get3A_1171 : vector<16xf32> to vector<1x16xf32>
    tpu.vector_store %arg5[%swap3A_1245, %swap3A_1246], %swap3A_1249 {strides = array<i32>} : memref<32x512xf32, #tpu.memory_space<vmem>>, vector<1x16xf32>,
    %swap3A_1250 = arith.constant 13 : i32
    %swap3A_1251 = arith.index_cast %swap3A_1250 : i32 to index
    %swap3A_1252 = arith.constant 352 : index
    %swap3A_1253 = tpu.vector_load %arg5[%swap3A_1251, %swap3A_1252] {strides = array<i32>} : memref<32x512xf32, #tpu.memory_space<vmem>>, vector<1x16xf32>,
    %swap3A_1254 = vector.shape_cast %swap3A_1253 : vector<1x16xf32> to vector<16xf32>
    %swap3A_1255 = vector.shape_cast %get3A_1171 : vector<16xf32> to vector<1x16xf32>
    tpu.vector_store %arg5[%swap3A_1251, %swap3A_1252], %swap3A_1255 {strides = array<i32>} : memref<32x512xf32, #tpu.memory_space<vmem>>, vector<1x16xf32>,
    %swap3A_1256 = arith.constant 14 : i32
    %swap3A_1257 = arith.index_cast %swap3A_1256 : i32 to index
    %swap3A_1258 = arith.constant 352 : index
    %swap3A_1259 = tpu.vector_load %arg5[%swap3A_1257, %swap3A_1258] {strides = array<i32>} : memref<32x512xf32, #tpu.memory_space<vmem>>, vector<1x16xf32>,
    %swap3A_1260 = vector.shape_cast %swap3A_1259 : vector<1x16xf32> to vector<16xf32>
    %swap3A_1261 = vector.shape_cast %get3A_1171 : vector<16xf32> to vector<1x16xf32>
    tpu.vector_store %arg5[%swap3A_1257, %swap3A_1258], %swap3A_1261 {strides = array<i32>} : memref<32x512xf32, #tpu.memory_space<vmem>>, vector<1x16xf32>,
    %swap3A_1262 = arith.constant 15 : i32
    %swap3A_1263 = arith.index_cast %swap3A_1262 : i32 to index
    %swap3A_1264 = arith.constant 352 : index
    %swap3A_1265 = tpu.vector_load %arg5[%swap3A_1263, %swap3A_1264] {strides = array<i32>} : memref<32x512xf32, #tpu.memory_space<vmem>>, vector<1x16xf32>,
    %swap3A_1266 = vector.shape_cast %swap3A_1265 : vector<1x16xf32> to vector<16xf32>
    %swap3A_1267 = vector.shape_cast %get3A_1171 : vector<16xf32> to vector<1x16xf32>
    tpu.vector_store %arg5[%swap3A_1263, %swap3A_1264], %swap3A_1267 {strides = array<i32>} : memref<32x512xf32, #tpu.memory_space<vmem>>, vector<1x16xf32>,
    %swap3A_1268 = arith.constant 16 : i32
    %swap3A_1269 = arith.index_cast %swap3A_1268 : i32 to index
    %swap3A_1270 = arith.constant 352 : index
    %swap3A_1271 = tpu.vector_load %arg5[%swap3A_1269, %swap3A_1270] {strides = array<i32>} : memref<32x512xf32, #tpu.memory_space<vmem>>, vector<1x16xf32>,
    %swap3A_1272 = vector.shape_cast %swap3A_1271 : vector<1x16xf32> to vector<16xf32>
    %swap3A_1273 = vector.shape_cast %get3A_1171 : vector<16xf32> to vector<1x16xf32>
    tpu.vector_store %arg5[%swap3A_1269, %swap3A_1270], %swap3A_1273 {strides = array<i32>} : memref<32x512xf32, #tpu.memory_space<vmem>>, vector<1x16xf32>,
    %swap3A_1274 = arith.constant 17 : i32
    %swap3A_1275 = arith.index_cast %swap3A_1274 : i32 to index
    %swap3A_1276 = arith.constant 352 : index
    %swap3A_1277 = tpu.vector_load %arg5[%swap3A_1275, %swap3A_1276] {strides = array<i32>} : memref<32x512xf32, #tpu.memory_space<vmem>>, vector<1x16xf32>,
    %swap3A_1278 = vector.shape_cast %swap3A_1277 : vector<1x16xf32> to vector<16xf32>
    %swap3A_1279 = vector.shape_cast %get3A_1171 : vector<16xf32> to vector<1x16xf32>
    tpu.vector_store %arg5[%swap3A_1275, %swap3A_1276], %swap3A_1279 {strides = array<i32>} : memref<32x512xf32, #tpu.memory_space<vmem>>, vector<1x16xf32>,
    %swap3A_1280 = arith.constant 18 : i32
    %swap3A_1281 = arith.index_cast %swap3A_1280 : i32 to index
    %swap3A_1282 = arith.constant 352 : index
    %swap3A_1283 = tpu.vector_load %arg5[%swap3A_1281, %swap3A_1282] {strides = array<i32>} : memref<32x512xf32, #tpu.memory_space<vmem>>, vector<1x16xf32>,
    %swap3A_1284 = vector.shape_cast %swap3A_1283 : vector<1x16xf32> to vector<16xf32>
    %swap3A_1285 = vector.shape_cast %get3A_1171 : vector<16xf32> to vector<1x16xf32>
    tpu.vector_store %arg5[%swap3A_1281, %swap3A_1282], %swap3A_1285 {strides = array<i32>} : memref<32x512xf32, #tpu.memory_space<vmem>>, vector<1x16xf32>,
    %swap3A_1286 = arith.constant 19 : i32
    %swap3A_1287 = arith.index_cast %swap3A_1286 : i32 to index
    %swap3A_1288 = arith.constant 352 : index
    %swap3A_1289 = tpu.vector_load %arg5[%swap3A_1287, %swap3A_1288] {strides = array<i32>} : memref<32x512xf32, #tpu.memory_space<vmem>>, vector<1x16xf32>,
    %swap3A_1290 = vector.shape_cast %swap3A_1289 : vector<1x16xf32> to vector<16xf32>
    %swap3A_1291 = vector.shape_cast %get3A_1171 : vector<16xf32> to vector<1x16xf32>
    tpu.vector_store %arg5[%swap3A_1287, %swap3A_1288], %swap3A_1291 {strides = array<i32>} : memref<32x512xf32, #tpu.memory_space<vmem>>, vector<1x16xf32>,
    %swap3A_1292 = arith.constant 20 : i32
    %swap3A_1293 = arith.index_cast %swap3A_1292 : i32 to index
    %swap3A_1294 = arith.constant 352 : index
    %swap3A_1295 = tpu.vector_load %arg5[%swap3A_1293, %swap3A_1294] {strides = array<i32>} : memref<32x512xf32, #tpu.memory_space<vmem>>, vector<1x16xf32>,
    %swap3A_1296 = vector.shape_cast %swap3A_1295 : vector<1x16xf32> to vector<16xf32>
    %swap3A_1297 = vector.shape_cast %get3A_1171 : vector<16xf32> to vector<1x16xf32>
    tpu.vector_store %arg5[%swap3A_1293, %swap3A_1294], %swap3A_1297 {strides = array<i32>} : memref<32x512xf32, #tpu.memory_space<vmem>>, vector<1x16xf32>,
    %swap3A_1298 = arith.constant 21 : i32
    %swap3A_1299 = arith.index_cast %swap3A_1298 : i32 to index
    %swap3A_1300 = arith.constant 352 : index
    %swap3A_1301 = tpu.vector_load %arg5[%swap3A_1299, %swap3A_1300] {strides = array<i32>} : memref<32x512xf32, #tpu.memory_space<vmem>>, vector<1x16xf32>,
    %swap3A_1302 = vector.shape_cast %swap3A_1301 : vector<1x16xf32> to vector<16xf32>
    %swap3A_1303 = vector.shape_cast %get3A_1171 : vector<16xf32> to vector<1x16xf32>
    tpu.vector_store %arg5[%swap3A_1299, %swap3A_1300], %swap3A_1303 {strides = array<i32>} : memref<32x512xf32, #tpu.memory_space<vmem>>, vector<1x16xf32>,
    %swap3A_1304 = arith.constant 22 : i32
    %swap3A_1305 = arith.index_cast %swap3A_1304 : i32 to index
    %swap3A_1306 = arith.constant 352 : index
    %swap3A_1307 = tpu.vector_load %arg5[%swap3A_1305, %swap3A_1306] {strides = array<i32>} : memref<32x512xf32, #tpu.memory_space<vmem>>, vector<1x16xf32>,
    %swap3A_1308 = vector.shape_cast %swap3A_1307 : vector<1x16xf32> to vector<16xf32>
    %swap3A_1309 = vector.shape_cast %get3A_1171 : vector<16xf32> to vector<1x16xf32>
    tpu.vector_store %arg5[%swap3A_1305, %swap3A_1306], %swap3A_1309 {strides = array<i32>} : memref<32x512xf32, #tpu.memory_space<vmem>>, vector<1x16xf32>,
    %swap3A_1310 = arith.constant 23 : i32
    %swap3A_1311 = arith.index_cast %swap3A_1310 : i32 to index
    %swap3A_1312 = arith.constant 352 : index
    %swap3A_1313 = tpu.vector_load %arg5[%swap3A_1311, %swap3A_1312] {strides = array<i32>} : memref<32x512xf32, #tpu.memory_space<vmem>>, vector<1x16xf32>,
    %swap3A_1314 = vector.shape_cast %swap3A_1313 : vector<1x16xf32> to vector<16xf32>
    %swap3A_1315 = vector.shape_cast %get3A_1171 : vector<16xf32> to vector<1x16xf32>
    tpu.vector_store %arg5[%swap3A_1311, %swap3A_1312], %swap3A_1315 {strides = array<i32>} : memref<32x512xf32, #tpu.memory_space<vmem>>, vector<1x16xf32>,
    %swap3A_1316 = arith.constant 24 : i32
    %swap3A_1317 = arith.index_cast %swap3A_1316 : i32 to index
    %swap3A_1318 = arith.constant 352 : index
    %swap3A_1319 = tpu.vector_load %arg5[%swap3A_1317, %swap3A_1318] {strides = array<i32>} : memref<32x512xf32, #tpu.memory_space<vmem>>, vector<1x16xf32>,
    %swap3A_1320 = vector.shape_cast %swap3A_1319 : vector<1x16xf32> to vector<16xf32>
    %swap3A_1321 = vector.shape_cast %get3A_1171 : vector<16xf32> to vector<1x16xf32>
    tpu.vector_store %arg5[%swap3A_1317, %swap3A_1318], %swap3A_1321 {strides = array<i32>} : memref<32x512xf32, #tpu.memory_space<vmem>>, vector<1x16xf32>,
    %swap3A_1322 = arith.constant 25 : i32
    %swap3A_1323 = arith.index_cast %swap3A_1322 : i32 to index
    %swap3A_1324 = arith.constant 352 : index
    %swap3A_1325 = tpu.vector_load %arg5[%swap3A_1323, %swap3A_1324] {strides = array<i32>} : memref<32x512xf32, #tpu.memory_space<vmem>>, vector<1x16xf32>,
    %swap3A_1326 = vector.shape_cast %swap3A_1325 : vector<1x16xf32> to vector<16xf32>
    %swap3A_1327 = vector.shape_cast %get3A_1171 : vector<16xf32> to vector<1x16xf32>
    tpu.vector_store %arg5[%swap3A_1323, %swap3A_1324], %swap3A_1327 {strides = array<i32>} : memref<32x512xf32, #tpu.memory_space<vmem>>, vector<1x16xf32>,
    %swap3A_1328 = arith.constant 26 : i32
    %swap3A_1329 = arith.index_cast %swap3A_1328 : i32 to index
    %swap3A_1330 = arith.constant 352 : index
    %swap3A_1331 = tpu.vector_load %arg5[%swap3A_1329, %swap3A_1330] {strides = array<i32>} : memref<32x512xf32, #tpu.memory_space<vmem>>, vector<1x16xf32>,
    %swap3A_1332 = vector.shape_cast %swap3A_1331 : vector<1x16xf32> to vector<16xf32>
    %swap3A_1333 = vector.shape_cast %get3A_1171 : vector<16xf32> to vector<1x16xf32>
    tpu.vector_store %arg5[%swap3A_1329, %swap3A_1330], %swap3A_1333 {strides = array<i32>} : memref<32x512xf32, #tpu.memory_space<vmem>>, vector<1x16xf32>,
    %swap3A_1334 = arith.constant 27 : i32
    %swap3A_1335 = arith.index_cast %swap3A_1334 : i32 to index
    %swap3A_1336 = arith.constant 352 : index
    %swap3A_1337 = tpu.vector_load %arg5[%swap3A_1335, %swap3A_1336] {strides = array<i32>} : memref<32x512xf32, #tpu.memory_space<vmem>>, vector<1x16xf32>,
    %swap3A_1338 = vector.shape_cast %swap3A_1337 : vector<1x16xf32> to vector<16xf32>
    %swap3A_1339 = vector.shape_cast %get3A_1171 : vector<16xf32> to vector<1x16xf32>
    tpu.vector_store %arg5[%swap3A_1335, %swap3A_1336], %swap3A_1339 {strides = array<i32>} : memref<32x512xf32, #tpu.memory_space<vmem>>, vector<1x16xf32>,
    %swap3A_1340 = arith.constant 28 : i32
    %swap3A_1341 = arith.index_cast %swap3A_1340 : i32 to index
    %swap3A_1342 = arith.constant 352 : index
    %swap3A_1343 = tpu.vector_load %arg5[%swap3A_1341, %swap3A_1342] {strides = array<i32>} : memref<32x512xf32, #tpu.memory_space<vmem>>, vector<1x16xf32>,
    %swap3A_1344 = vector.shape_cast %swap3A_1343 : vector<1x16xf32> to vector<16xf32>
    %swap3A_1345 = vector.shape_cast %get3A_1171 : vector<16xf32> to vector<1x16xf32>
    tpu.vector_store %arg5[%swap3A_1341, %swap3A_1342], %swap3A_1345 {strides = array<i32>} : memref<32x512xf32, #tpu.memory_space<vmem>>, vector<1x16xf32>,
    %swap3A_1346 = arith.constant 29 : i32
    %swap3A_1347 = arith.index_cast %swap3A_1346 : i32 to index
    %swap3A_1348 = arith.constant 352 : index
    %swap3A_1349 = tpu.vector_load %arg5[%swap3A_1347, %swap3A_1348] {strides = array<i32>} : memref<32x512xf32, #tpu.memory_space<vmem>>, vector<1x16xf32>,
    %swap3A_1350 = vector.shape_cast %swap3A_1349 : vector<1x16xf32> to vector<16xf32>
    %swap3A_1351 = vector.shape_cast %get3A_1171 : vector<16xf32> to vector<1x16xf32>
    tpu.vector_store %arg5[%swap3A_1347, %swap3A_1348], %swap3A_1351 {strides = array<i32>} : memref<32x512xf32, #tpu.memory_space<vmem>>, vector<1x16xf32>,
    %swap3A_1352 = arith.constant 30 : i32
    %swap3A_1353 = arith.index_cast %swap3A_1352 : i32 to index
    %swap3A_1354 = arith.constant 352 : index
    %swap3A_1355 = tpu.vector_load %arg5[%swap3A_1353, %swap3A_1354] {strides = array<i32>} : memref<32x512xf32, #tpu.memory_space<vmem>>, vector<1x16xf32>,
    %swap3A_1356 = vector.shape_cast %swap3A_1355 : vector<1x16xf32> to vector<16xf32>
    %swap3A_1357 = vector.shape_cast %get3A_1171 : vector<16xf32> to vector<1x16xf32>
    tpu.vector_store %arg5[%swap3A_1353, %swap3A_1354], %swap3A_1357 {strides = array<i32>} : memref<32x512xf32, #tpu.memory_space<vmem>>, vector<1x16xf32>,
    %swap3A_1358 = arith.constant 31 : i32
    %swap3A_1359 = arith.index_cast %swap3A_1358 : i32 to index
    %swap3A_1360 = arith.constant 352 : index
    %swap3A_1361 = tpu.vector_load %arg5[%swap3A_1359, %swap3A_1360] {strides = array<i32>} : memref<32x512xf32, #tpu.memory_space<vmem>>, vector<1x16xf32>,
    %swap3A_1362 = vector.shape_cast %swap3A_1361 : vector<1x16xf32> to vector<16xf32>
    %swap3A_1363 = vector.shape_cast %get3A_1171 : vector<16xf32> to vector<1x16xf32>
    tpu.vector_store %arg5[%swap3A_1359, %swap3A_1360], %swap3A_1363 {strides = array<i32>} : memref<32x512xf32, #tpu.memory_space<vmem>>, vector<1x16xf32>,
    %get3A_1364 = arith.constant 112 : index
    %get3A_1365 = tpu.vector_load %arg6[%get3A_1364] {strides = array<i32>} : memref<256xf32, #tpu.memory_space<vmem>>, vector<16xf32>,
    %get3A_1366 = vector.shape_cast %get3A_1365 : vector<16xf32> to vector<16xf32>
    %swap3A_1367 = arith.constant 0 : i32
    %swap3A_1368 = arith.index_cast %swap3A_1367 : i32 to index
    %swap3A_1369 = arith.constant 368 : index
    %swap3A_1370 = tpu.vector_load %arg5[%swap3A_1368, %swap3A_1369] {strides = array<i32>} : memref<32x512xf32, #tpu.memory_space<vmem>>, vector<1x16xf32>,
    %swap3A_1371 = vector.shape_cast %swap3A_1370 : vector<1x16xf32> to vector<16xf32>
    %swap3A_1372 = vector.shape_cast %get3A_1366 : vector<16xf32> to vector<1x16xf32>
    tpu.vector_store %arg5[%swap3A_1368, %swap3A_1369], %swap3A_1372 {strides = array<i32>} : memref<32x512xf32, #tpu.memory_space<vmem>>, vector<1x16xf32>,
    %swap3A_1373 = arith.constant 1 : i32
    %swap3A_1374 = arith.index_cast %swap3A_1373 : i32 to index
    %swap3A_1375 = arith.constant 368 : index
    %swap3A_1376 = tpu.vector_load %arg5[%swap3A_1374, %swap3A_1375] {strides = array<i32>} : memref<32x512xf32, #tpu.memory_space<vmem>>, vector<1x16xf32>,
    %swap3A_1377 = vector.shape_cast %swap3A_1376 : vector<1x16xf32> to vector<16xf32>
    %swap3A_1378 = vector.shape_cast %get3A_1366 : vector<16xf32> to vector<1x16xf32>
    tpu.vector_store %arg5[%swap3A_1374, %swap3A_1375], %swap3A_1378 {strides = array<i32>} : memref<32x512xf32, #tpu.memory_space<vmem>>, vector<1x16xf32>,
    %swap3A_1379 = arith.constant 2 : i32
    %swap3A_1380 = arith.index_cast %swap3A_1379 : i32 to index
    %swap3A_1381 = arith.constant 368 : index
    %swap3A_1382 = tpu.vector_load %arg5[%swap3A_1380, %swap3A_1381] {strides = array<i32>} : memref<32x512xf32, #tpu.memory_space<vmem>>, vector<1x16xf32>,
    %swap3A_1383 = vector.shape_cast %swap3A_1382 : vector<1x16xf32> to vector<16xf32>
    %swap3A_1384 = vector.shape_cast %get3A_1366 : vector<16xf32> to vector<1x16xf32>
    tpu.vector_store %arg5[%swap3A_1380, %swap3A_1381], %swap3A_1384 {strides = array<i32>} : memref<32x512xf32, #tpu.memory_space<vmem>>, vector<1x16xf32>,
    %swap3A_1385 = arith.constant 3 : i32
    %swap3A_1386 = arith.index_cast %swap3A_1385 : i32 to index
    %swap3A_1387 = arith.constant 368 : index
    %swap3A_1388 = tpu.vector_load %arg5[%swap3A_1386, %swap3A_1387] {strides = array<i32>} : memref<32x512xf32, #tpu.memory_space<vmem>>, vector<1x16xf32>,
    %swap3A_1389 = vector.shape_cast %swap3A_1388 : vector<1x16xf32> to vector<16xf32>
    %swap3A_1390 = vector.shape_cast %get3A_1366 : vector<16xf32> to vector<1x16xf32>
    tpu.vector_store %arg5[%swap3A_1386, %swap3A_1387], %swap3A_1390 {strides = array<i32>} : memref<32x512xf32, #tpu.memory_space<vmem>>, vector<1x16xf32>,
    %swap3A_1391 = arith.constant 4 : i32
    %swap3A_1392 = arith.index_cast %swap3A_1391 : i32 to index
    %swap3A_1393 = arith.constant 368 : index
    %swap3A_1394 = tpu.vector_load %arg5[%swap3A_1392, %swap3A_1393] {strides = array<i32>} : memref<32x512xf32, #tpu.memory_space<vmem>>, vector<1x16xf32>,
    %swap3A_1395 = vector.shape_cast %swap3A_1394 : vector<1x16xf32> to vector<16xf32>
    %swap3A_1396 = vector.shape_cast %get3A_1366 : vector<16xf32> to vector<1x16xf32>
    tpu.vector_store %arg5[%swap3A_1392, %swap3A_1393], %swap3A_1396 {strides = array<i32>} : memref<32x512xf32, #tpu.memory_space<vmem>>, vector<1x16xf32>,
    %swap3A_1397 = arith.constant 5 : i32
    %swap3A_1398 = arith.index_cast %swap3A_1397 : i32 to index
    %swap3A_1399 = arith.constant 368 : index
    %swap3A_1400 = tpu.vector_load %arg5[%swap3A_1398, %swap3A_1399] {strides = array<i32>} : memref<32x512xf32, #tpu.memory_space<vmem>>, vector<1x16xf32>,
    %swap3A_1401 = vector.shape_cast %swap3A_1400 : vector<1x16xf32> to vector<16xf32>
    %swap3A_1402 = vector.shape_cast %get3A_1366 : vector<16xf32> to vector<1x16xf32>
    tpu.vector_store %arg5[%swap3A_1398, %swap3A_1399], %swap3A_1402 {strides = array<i32>} : memref<32x512xf32, #tpu.memory_space<vmem>>, vector<1x16xf32>,
    %swap3A_1403 = arith.constant 6 : i32
    %swap3A_1404 = arith.index_cast %swap3A_1403 : i32 to index
    %swap3A_1405 = arith.constant 368 : index
    %swap3A_1406 = tpu.vector_load %arg5[%swap3A_1404, %swap3A_1405] {strides = array<i32>} : memref<32x512xf32, #tpu.memory_space<vmem>>, vector<1x16xf32>,
    %swap3A_1407 = vector.shape_cast %swap3A_1406 : vector<1x16xf32> to vector<16xf32>
    %swap3A_1408 = vector.shape_cast %get3A_1366 : vector<16xf32> to vector<1x16xf32>
    tpu.vector_store %arg5[%swap3A_1404, %swap3A_1405], %swap3A_1408 {strides = array<i32>} : memref<32x512xf32, #tpu.memory_space<vmem>>, vector<1x16xf32>,
    %swap3A_1409 = arith.constant 7 : i32
    %swap3A_1410 = arith.index_cast %swap3A_1409 : i32 to index
    %swap3A_1411 = arith.constant 368 : index
    %swap3A_1412 = tpu.vector_load %arg5[%swap3A_1410, %swap3A_1411] {strides = array<i32>} : memref<32x512xf32, #tpu.memory_space<vmem>>, vector<1x16xf32>,
    %swap3A_1413 = vector.shape_cast %swap3A_1412 : vector<1x16xf32> to vector<16xf32>
    %swap3A_1414 = vector.shape_cast %get3A_1366 : vector<16xf32> to vector<1x16xf32>
    tpu.vector_store %arg5[%swap3A_1410, %swap3A_1411], %swap3A_1414 {strides = array<i32>} : memref<32x512xf32, #tpu.memory_space<vmem>>, vector<1x16xf32>,
    %swap3A_1415 = arith.constant 8 : i32
    %swap3A_1416 = arith.index_cast %swap3A_1415 : i32 to index
    %swap3A_1417 = arith.constant 368 : index
    %swap3A_1418 = tpu.vector_load %arg5[%swap3A_1416, %swap3A_1417] {strides = array<i32>} : memref<32x512xf32, #tpu.memory_space<vmem>>, vector<1x16xf32>,
    %swap3A_1419 = vector.shape_cast %swap3A_1418 : vector<1x16xf32> to vector<16xf32>
    %swap3A_1420 = vector.shape_cast %get3A_1366 : vector<16xf32> to vector<1x16xf32>
    tpu.vector_store %arg5[%swap3A_1416, %swap3A_1417], %swap3A_1420 {strides = array<i32>} : memref<32x512xf32, #tpu.memory_space<vmem>>, vector<1x16xf32>,
    %swap3A_1421 = arith.constant 9 : i32
    %swap3A_1422 = arith.index_cast %swap3A_1421 : i32 to index
    %swap3A_1423 = arith.constant 368 : index
    %swap3A_1424 = tpu.vector_load %arg5[%swap3A_1422, %swap3A_1423] {strides = array<i32>} : memref<32x512xf32, #tpu.memory_space<vmem>>, vector<1x16xf32>,
    %swap3A_1425 = vector.shape_cast %swap3A_1424 : vector<1x16xf32> to vector<16xf32>
    %swap3A_1426 = vector.shape_cast %get3A_1366 : vector<16xf32> to vector<1x16xf32>
    tpu.vector_store %arg5[%swap3A_1422, %swap3A_1423], %swap3A_1426 {strides = array<i32>} : memref<32x512xf32, #tpu.memory_space<vmem>>, vector<1x16xf32>,
    %swap3A_1427 = arith.constant 10 : i32
    %swap3A_1428 = arith.index_cast %swap3A_1427 : i32 to index
    %swap3A_1429 = arith.constant 368 : index
    %swap3A_1430 = tpu.vector_load %arg5[%swap3A_1428, %swap3A_1429] {strides = array<i32>} : memref<32x512xf32, #tpu.memory_space<vmem>>, vector<1x16xf32>,
    %swap3A_1431 = vector.shape_cast %swap3A_1430 : vector<1x16xf32> to vector<16xf32>
    %swap3A_1432 = vector.shape_cast %get3A_1366 : vector<16xf32> to vector<1x16xf32>
    tpu.vector_store %arg5[%swap3A_1428, %swap3A_1429], %swap3A_1432 {strides = array<i32>} : memref<32x512xf32, #tpu.memory_space<vmem>>, vector<1x16xf32>,
    %swap3A_1433 = arith.constant 11 : i32
    %swap3A_1434 = arith.index_cast %swap3A_1433 : i32 to index
    %swap3A_1435 = arith.constant 368 : index
    %swap3A_1436 = tpu.vector_load %arg5[%swap3A_1434, %swap3A_1435] {strides = array<i32>} : memref<32x512xf32, #tpu.memory_space<vmem>>, vector<1x16xf32>,
    %swap3A_1437 = vector.shape_cast %swap3A_1436 : vector<1x16xf32> to vector<16xf32>
    %swap3A_1438 = vector.shape_cast %get3A_1366 : vector<16xf32> to vector<1x16xf32>
    tpu.vector_store %arg5[%swap3A_1434, %swap3A_1435], %swap3A_1438 {strides = array<i32>} : memref<32x512xf32, #tpu.memory_space<vmem>>, vector<1x16xf32>,
    %swap3A_1439 = arith.constant 12 : i32
    %swap3A_1440 = arith.index_cast %swap3A_1439 : i32 to index
    %swap3A_1441 = arith.constant 368 : index
    %swap3A_1442 = tpu.vector_load %arg5[%swap3A_1440, %swap3A_1441] {strides = array<i32>} : memref<32x512xf32, #tpu.memory_space<vmem>>, vector<1x16xf32>,
    %swap3A_1443 = vector.shape_cast %swap3A_1442 : vector<1x16xf32> to vector<16xf32>
    %swap3A_1444 = vector.shape_cast %get3A_1366 : vector<16xf32> to vector<1x16xf32>
    tpu.vector_store %arg5[%swap3A_1440, %swap3A_1441], %swap3A_1444 {strides = array<i32>} : memref<32x512xf32, #tpu.memory_space<vmem>>, vector<1x16xf32>,
    %swap3A_1445 = arith.constant 13 : i32
    %swap3A_1446 = arith.index_cast %swap3A_1445 : i32 to index
    %swap3A_1447 = arith.constant 368 : index
    %swap3A_1448 = tpu.vector_load %arg5[%swap3A_1446, %swap3A_1447] {strides = array<i32>} : memref<32x512xf32, #tpu.memory_space<vmem>>, vector<1x16xf32>,
    %swap3A_1449 = vector.shape_cast %swap3A_1448 : vector<1x16xf32> to vector<16xf32>
    %swap3A_1450 = vector.shape_cast %get3A_1366 : vector<16xf32> to vector<1x16xf32>
    tpu.vector_store %arg5[%swap3A_1446, %swap3A_1447], %swap3A_1450 {strides = array<i32>} : memref<32x512xf32, #tpu.memory_space<vmem>>, vector<1x16xf32>,
    %swap3A_1451 = arith.constant 14 : i32
    %swap3A_1452 = arith.index_cast %swap3A_1451 : i32 to index
    %swap3A_1453 = arith.constant 368 : index
    %swap3A_1454 = tpu.vector_load %arg5[%swap3A_1452, %swap3A_1453] {strides = array<i32>} : memref<32x512xf32, #tpu.memory_space<vmem>>, vector<1x16xf32>,
    %swap3A_1455 = vector.shape_cast %swap3A_1454 : vector<1x16xf32> to vector<16xf32>
    %swap3A_1456 = vector.shape_cast %get3A_1366 : vector<16xf32> to vector<1x16xf32>
    tpu.vector_store %arg5[%swap3A_1452, %swap3A_1453], %swap3A_1456 {strides = array<i32>} : memref<32x512xf32, #tpu.memory_space<vmem>>, vector<1x16xf32>,
    %swap3A_1457 = arith.constant 15 : i32
    %swap3A_1458 = arith.index_cast %swap3A_1457 : i32 to index
    %swap3A_1459 = arith.constant 368 : index
    %swap3A_1460 = tpu.vector_load %arg5[%swap3A_1458, %swap3A_1459] {strides = array<i32>} : memref<32x512xf32, #tpu.memory_space<vmem>>, vector<1x16xf32>,
    %swap3A_1461 = vector.shape_cast %swap3A_1460 : vector<1x16xf32> to vector<16xf32>
    %swap3A_1462 = vector.shape_cast %get3A_1366 : vector<16xf32> to vector<1x16xf32>
    tpu.vector_store %arg5[%swap3A_1458, %swap3A_1459], %swap3A_1462 {strides = array<i32>} : memref<32x512xf32, #tpu.memory_space<vmem>>, vector<1x16xf32>,
    %swap3A_1463 = arith.constant 16 : i32
    %swap3A_1464 = arith.index_cast %swap3A_1463 : i32 to index
    %swap3A_1465 = arith.constant 368 : index
    %swap3A_1466 = tpu.vector_load %arg5[%swap3A_1464, %swap3A_1465] {strides = array<i32>} : memref<32x512xf32, #tpu.memory_space<vmem>>, vector<1x16xf32>,
    %swap3A_1467 = vector.shape_cast %swap3A_1466 : vector<1x16xf32> to vector<16xf32>
    %swap3A_1468 = vector.shape_cast %get3A_1366 : vector<16xf32> to vector<1x16xf32>
    tpu.vector_store %arg5[%swap3A_1464, %swap3A_1465], %swap3A_1468 {strides = array<i32>} : memref<32x512xf32, #tpu.memory_space<vmem>>, vector<1x16xf32>,
    %swap3A_1469 = arith.constant 17 : i32
    %swap3A_1470 = arith.index_cast %swap3A_1469 : i32 to index
    %swap3A_1471 = arith.constant 368 : index
    %swap3A_1472 = tpu.vector_load %arg5[%swap3A_1470, %swap3A_1471] {strides = array<i32>} : memref<32x512xf32, #tpu.memory_space<vmem>>, vector<1x16xf32>,
    %swap3A_1473 = vector.shape_cast %swap3A_1472 : vector<1x16xf32> to vector<16xf32>
    %swap3A_1474 = vector.shape_cast %get3A_1366 : vector<16xf32> to vector<1x16xf32>
    tpu.vector_store %arg5[%swap3A_1470, %swap3A_1471], %swap3A_1474 {strides = array<i32>} : memref<32x512xf32, #tpu.memory_space<vmem>>, vector<1x16xf32>,
    %swap3A_1475 = arith.constant 18 : i32
    %swap3A_1476 = arith.index_cast %swap3A_1475 : i32 to index
    %swap3A_1477 = arith.constant 368 : index
    %swap3A_1478 = tpu.vector_load %arg5[%swap3A_1476, %swap3A_1477] {strides = array<i32>} : memref<32x512xf32, #tpu.memory_space<vmem>>, vector<1x16xf32>,
    %swap3A_1479 = vector.shape_cast %swap3A_1478 : vector<1x16xf32> to vector<16xf32>
    %swap3A_1480 = vector.shape_cast %get3A_1366 : vector<16xf32> to vector<1x16xf32>
    tpu.vector_store %arg5[%swap3A_1476, %swap3A_1477], %swap3A_1480 {strides = array<i32>} : memref<32x512xf32, #tpu.memory_space<vmem>>, vector<1x16xf32>,
    %swap3A_1481 = arith.constant 19 : i32
    %swap3A_1482 = arith.index_cast %swap3A_1481 : i32 to index
    %swap3A_1483 = arith.constant 368 : index
    %swap3A_1484 = tpu.vector_load %arg5[%swap3A_1482, %swap3A_1483] {strides = array<i32>} : memref<32x512xf32, #tpu.memory_space<vmem>>, vector<1x16xf32>,
    %swap3A_1485 = vector.shape_cast %swap3A_1484 : vector<1x16xf32> to vector<16xf32>
    %swap3A_1486 = vector.shape_cast %get3A_1366 : vector<16xf32> to vector<1x16xf32>
    tpu.vector_store %arg5[%swap3A_1482, %swap3A_1483], %swap3A_1486 {strides = array<i32>} : memref<32x512xf32, #tpu.memory_space<vmem>>, vector<1x16xf32>,
    %swap3A_1487 = arith.constant 20 : i32
    %swap3A_1488 = arith.index_cast %swap3A_1487 : i32 to index
    %swap3A_1489 = arith.constant 368 : index
    %swap3A_1490 = tpu.vector_load %arg5[%swap3A_1488, %swap3A_1489] {strides = array<i32>} : memref<32x512xf32, #tpu.memory_space<vmem>>, vector<1x16xf32>,
    %swap3A_1491 = vector.shape_cast %swap3A_1490 : vector<1x16xf32> to vector<16xf32>
    %swap3A_1492 = vector.shape_cast %get3A_1366 : vector<16xf32> to vector<1x16xf32>
    tpu.vector_store %arg5[%swap3A_1488, %swap3A_1489], %swap3A_1492 {strides = array<i32>} : memref<32x512xf32, #tpu.memory_space<vmem>>, vector<1x16xf32>,
    %swap3A_1493 = arith.constant 21 : i32
    %swap3A_1494 = arith.index_cast %swap3A_1493 : i32 to index
    %swap3A_1495 = arith.constant 368 : index
    %swap3A_1496 = tpu.vector_load %arg5[%swap3A_1494, %swap3A_1495] {strides = array<i32>} : memref<32x512xf32, #tpu.memory_space<vmem>>, vector<1x16xf32>,
    %swap3A_1497 = vector.shape_cast %swap3A_1496 : vector<1x16xf32> to vector<16xf32>
    %swap3A_1498 = vector.shape_cast %get3A_1366 : vector<16xf32> to vector<1x16xf32>
    tpu.vector_store %arg5[%swap3A_1494, %swap3A_1495], %swap3A_1498 {strides = array<i32>} : memref<32x512xf32, #tpu.memory_space<vmem>>, vector<1x16xf32>,
    %swap3A_1499 = arith.constant 22 : i32
    %swap3A_1500 = arith.index_cast %swap3A_1499 : i32 to index
    %swap3A_1501 = arith.constant 368 : index
    %swap3A_1502 = tpu.vector_load %arg5[%swap3A_1500, %swap3A_1501] {strides = array<i32>} : memref<32x512xf32, #tpu.memory_space<vmem>>, vector<1x16xf32>,
    %swap3A_1503 = vector.shape_cast %swap3A_1502 : vector<1x16xf32> to vector<16xf32>
    %swap3A_1504 = vector.shape_cast %get3A_1366 : vector<16xf32> to vector<1x16xf32>
    tpu.vector_store %arg5[%swap3A_1500, %swap3A_1501], %swap3A_1504 {strides = array<i32>} : memref<32x512xf32, #tpu.memory_space<vmem>>, vector<1x16xf32>,
    %swap3A_1505 = arith.constant 23 : i32
    %swap3A_1506 = arith.index_cast %swap3A_1505 : i32 to index
    %swap3A_1507 = arith.constant 368 : index
    %swap3A_1508 = tpu.vector_load %arg5[%swap3A_1506, %swap3A_1507] {strides = array<i32>} : memref<32x512xf32, #tpu.memory_space<vmem>>, vector<1x16xf32>,
    %swap3A_1509 = vector.shape_cast %swap3A_1508 : vector<1x16xf32> to vector<16xf32>
    %swap3A_1510 = vector.shape_cast %get3A_1366 : vector<16xf32> to vector<1x16xf32>
    tpu.vector_store %arg5[%swap3A_1506, %swap3A_1507], %swap3A_1510 {strides = array<i32>} : memref<32x512xf32, #tpu.memory_space<vmem>>, vector<1x16xf32>,
    %swap3A_1511 = arith.constant 24 : i32
    %swap3A_1512 = arith.index_cast %swap3A_1511 : i32 to index
    %swap3A_1513 = arith.constant 368 : index
    %swap3A_1514 = tpu.vector_load %arg5[%swap3A_1512, %swap3A_1513] {strides = array<i32>} : memref<32x512xf32, #tpu.memory_space<vmem>>, vector<1x16xf32>,
    %swap3A_1515 = vector.shape_cast %swap3A_1514 : vector<1x16xf32> to vector<16xf32>
    %swap3A_1516 = vector.shape_cast %get3A_1366 : vector<16xf32> to vector<1x16xf32>
    tpu.vector_store %arg5[%swap3A_1512, %swap3A_1513], %swap3A_1516 {strides = array<i32>} : memref<32x512xf32, #tpu.memory_space<vmem>>, vector<1x16xf32>,
    %swap3A_1517 = arith.constant 25 : i32
    %swap3A_1518 = arith.index_cast %swap3A_1517 : i32 to index
    %swap3A_1519 = arith.constant 368 : index
    %swap3A_1520 = tpu.vector_load %arg5[%swap3A_1518, %swap3A_1519] {strides = array<i32>} : memref<32x512xf32, #tpu.memory_space<vmem>>, vector<1x16xf32>,
    %swap3A_1521 = vector.shape_cast %swap3A_1520 : vector<1x16xf32> to vector<16xf32>
    %swap3A_1522 = vector.shape_cast %get3A_1366 : vector<16xf32> to vector<1x16xf32>
    tpu.vector_store %arg5[%swap3A_1518, %swap3A_1519], %swap3A_1522 {strides = array<i32>} : memref<32x512xf32, #tpu.memory_space<vmem>>, vector<1x16xf32>,
    %swap3A_1523 = arith.constant 26 : i32
    %swap3A_1524 = arith.index_cast %swap3A_1523 : i32 to index
    %swap3A_1525 = arith.constant 368 : index
    %swap3A_1526 = tpu.vector_load %arg5[%swap3A_1524, %swap3A_1525] {strides = array<i32>} : memref<32x512xf32, #tpu.memory_space<vmem>>, vector<1x16xf32>,
    %swap3A_1527 = vector.shape_cast %swap3A_1526 : vector<1x16xf32> to vector<16xf32>
    %swap3A_1528 = vector.shape_cast %get3A_1366 : vector<16xf32> to vector<1x16xf32>
    tpu.vector_store %arg5[%swap3A_1524, %swap3A_1525], %swap3A_1528 {strides = array<i32>} : memref<32x512xf32, #tpu.memory_space<vmem>>, vector<1x16xf32>,
    %swap3A_1529 = arith.constant 27 : i32
    %swap3A_1530 = arith.index_cast %swap3A_1529 : i32 to index
    %swap3A_1531 = arith.constant 368 : index
    %swap3A_1532 = tpu.vector_load %arg5[%swap3A_1530, %swap3A_1531] {strides = array<i32>} : memref<32x512xf32, #tpu.memory_space<vmem>>, vector<1x16xf32>,
    %swap3A_1533 = vector.shape_cast %swap3A_1532 : vector<1x16xf32> to vector<16xf32>
    %swap3A_1534 = vector.shape_cast %get3A_1366 : vector<16xf32> to vector<1x16xf32>
    tpu.vector_store %arg5[%swap3A_1530, %swap3A_1531], %swap3A_1534 {strides = array<i32>} : memref<32x512xf32, #tpu.memory_space<vmem>>, vector<1x16xf32>,
    %swap3A_1535 = arith.constant 28 : i32
    %swap3A_1536 = arith.index_cast %swap3A_1535 : i32 to index
    %swap3A_1537 = arith.constant 368 : index
    %swap3A_1538 = tpu.vector_load %arg5[%swap3A_1536, %swap3A_1537] {strides = array<i32>} : memref<32x512xf32, #tpu.memory_space<vmem>>, vector<1x16xf32>,
    %swap3A_1539 = vector.shape_cast %swap3A_1538 : vector<1x16xf32> to vector<16xf32>
    %swap3A_1540 = vector.shape_cast %get3A_1366 : vector<16xf32> to vector<1x16xf32>
    tpu.vector_store %arg5[%swap3A_1536, %swap3A_1537], %swap3A_1540 {strides = array<i32>} : memref<32x512xf32, #tpu.memory_space<vmem>>, vector<1x16xf32>,
    %swap3A_1541 = arith.constant 29 : i32
    %swap3A_1542 = arith.index_cast %swap3A_1541 : i32 to index
    %swap3A_1543 = arith.constant 368 : index
    %swap3A_1544 = tpu.vector_load %arg5[%swap3A_1542, %swap3A_1543] {strides = array<i32>} : memref<32x512xf32, #tpu.memory_space<vmem>>, vector<1x16xf32>,
    %swap3A_1545 = vector.shape_cast %swap3A_1544 : vector<1x16xf32> to vector<16xf32>
    %swap3A_1546 = vector.shape_cast %get3A_1366 : vector<16xf32> to vector<1x16xf32>
    tpu.vector_store %arg5[%swap3A_1542, %swap3A_1543], %swap3A_1546 {strides = array<i32>} : memref<32x512xf32, #tpu.memory_space<vmem>>, vector<1x16xf32>,
    %swap3A_1547 = arith.constant 30 : i32
    %swap3A_1548 = arith.index_cast %swap3A_1547 : i32 to index
    %swap3A_1549 = arith.constant 368 : index
    %swap3A_1550 = tpu.vector_load %arg5[%swap3A_1548, %swap3A_1549] {strides = array<i32>} : memref<32x512xf32, #tpu.memory_space<vmem>>, vector<1x16xf32>,
    %swap3A_1551 = vector.shape_cast %swap3A_1550 : vector<1x16xf32> to vector<16xf32>
    %swap3A_1552 = vector.shape_cast %get3A_1366 : vector<16xf32> to vector<1x16xf32>
    tpu.vector_store %arg5[%swap3A_1548, %swap3A_1549], %swap3A_1552 {strides = array<i32>} : memref<32x512xf32, #tpu.memory_space<vmem>>, vector<1x16xf32>,
    %swap3A_1553 = arith.constant 31 : i32
    %swap3A_1554 = arith.index_cast %swap3A_1553 : i32 to index
    %swap3A_1555 = arith.constant 368 : index
    %swap3A_1556 = tpu.vector_load %arg5[%swap3A_1554, %swap3A_1555] {strides = array<i32>} : memref<32x512xf32, #tpu.memory_space<vmem>>, vector<1x16xf32>,
    %swap3A_1557 = vector.shape_cast %swap3A_1556 : vector<1x16xf32> to vector<16xf32>
    %swap3A_1558 = vector.shape_cast %get3A_1366 : vector<16xf32> to vector<1x16xf32>
    tpu.vector_store %arg5[%swap3A_1554, %swap3A_1555], %swap3A_1558 {strides = array<i32>} : memref<32x512xf32, #tpu.memory_space<vmem>>, vector<1x16xf32>,
    %get3A_1559 = arith.constant 128 : index
    %get3A_1560 = tpu.vector_load %arg6[%get3A_1559] {strides = array<i32>} : memref<256xf32, #tpu.memory_space<vmem>>, vector<16xf32>,
    %get3A_1561 = vector.shape_cast %get3A_1560 : vector<16xf32> to vector<16xf32>
    %swap3A_1562 = arith.constant 0 : i32
    %swap3A_1563 = arith.index_cast %swap3A_1562 : i32 to index
    %swap3A_1564 = arith.constant 384 : index
    %swap3A_1565 = tpu.vector_load %arg5[%swap3A_1563, %swap3A_1564] {strides = array<i32>} : memref<32x512xf32, #tpu.memory_space<vmem>>, vector<1x16xf32>,
    %swap3A_1566 = vector.shape_cast %swap3A_1565 : vector<1x16xf32> to vector<16xf32>
    %swap3A_1567 = vector.shape_cast %get3A_1561 : vector<16xf32> to vector<1x16xf32>
    tpu.vector_store %arg5[%swap3A_1563, %swap3A_1564], %swap3A_1567 {strides = array<i32>} : memref<32x512xf32, #tpu.memory_space<vmem>>, vector<1x16xf32>,
    %swap3A_1568 = arith.constant 1 : i32
    %swap3A_1569 = arith.index_cast %swap3A_1568 : i32 to index
    %swap3A_1570 = arith.constant 384 : index
    %swap3A_1571 = tpu.vector_load %arg5[%swap3A_1569, %swap3A_1570] {strides = array<i32>} : memref<32x512xf32, #tpu.memory_space<vmem>>, vector<1x16xf32>,
    %swap3A_1572 = vector.shape_cast %swap3A_1571 : vector<1x16xf32> to vector<16xf32>
    %swap3A_1573 = vector.shape_cast %get3A_1561 : vector<16xf32> to vector<1x16xf32>
    tpu.vector_store %arg5[%swap3A_1569, %swap3A_1570], %swap3A_1573 {strides = array<i32>} : memref<32x512xf32, #tpu.memory_space<vmem>>, vector<1x16xf32>,
    %swap3A_1574 = arith.constant 2 : i32
    %swap3A_1575 = arith.index_cast %swap3A_1574 : i32 to index
    %swap3A_1576 = arith.constant 384 : index
    %swap3A_1577 = tpu.vector_load %arg5[%swap3A_1575, %swap3A_1576] {strides = array<i32>} : memref<32x512xf32, #tpu.memory_space<vmem>>, vector<1x16xf32>,
    %swap3A_1578 = vector.shape_cast %swap3A_1577 : vector<1x16xf32> to vector<16xf32>
    %swap3A_1579 = vector.shape_cast %get3A_1561 : vector<16xf32> to vector<1x16xf32>
    tpu.vector_store %arg5[%swap3A_1575, %swap3A_1576], %swap3A_1579 {strides = array<i32>} : memref<32x512xf32, #tpu.memory_space<vmem>>, vector<1x16xf32>,
    %swap3A_1580 = arith.constant 3 : i32
    %swap3A_1581 = arith.index_cast %swap3A_1580 : i32 to index
    %swap3A_1582 = arith.constant 384 : index
    %swap3A_1583 = tpu.vector_load %arg5[%swap3A_1581, %swap3A_1582] {strides = array<i32>} : memref<32x512xf32, #tpu.memory_space<vmem>>, vector<1x16xf32>,
    %swap3A_1584 = vector.shape_cast %swap3A_1583 : vector<1x16xf32> to vector<16xf32>
    %swap3A_1585 = vector.shape_cast %get3A_1561 : vector<16xf32> to vector<1x16xf32>
    tpu.vector_store %arg5[%swap3A_1581, %swap3A_1582], %swap3A_1585 {strides = array<i32>} : memref<32x512xf32, #tpu.memory_space<vmem>>, vector<1x16xf32>,
    %swap3A_1586 = arith.constant 4 : i32
    %swap3A_1587 = arith.index_cast %swap3A_1586 : i32 to index
    %swap3A_1588 = arith.constant 384 : index
    %swap3A_1589 = tpu.vector_load %arg5[%swap3A_1587, %swap3A_1588] {strides = array<i32>} : memref<32x512xf32, #tpu.memory_space<vmem>>, vector<1x16xf32>,
    %swap3A_1590 = vector.shape_cast %swap3A_1589 : vector<1x16xf32> to vector<16xf32>
    %swap3A_1591 = vector.shape_cast %get3A_1561 : vector<16xf32> to vector<1x16xf32>
    tpu.vector_store %arg5[%swap3A_1587, %swap3A_1588], %swap3A_1591 {strides = array<i32>} : memref<32x512xf32, #tpu.memory_space<vmem>>, vector<1x16xf32>,
    %swap3A_1592 = arith.constant 5 : i32
    %swap3A_1593 = arith.index_cast %swap3A_1592 : i32 to index
    %swap3A_1594 = arith.constant 384 : index
    %swap3A_1595 = tpu.vector_load %arg5[%swap3A_1593, %swap3A_1594] {strides = array<i32>} : memref<32x512xf32, #tpu.memory_space<vmem>>, vector<1x16xf32>,
    %swap3A_1596 = vector.shape_cast %swap3A_1595 : vector<1x16xf32> to vector<16xf32>
    %swap3A_1597 = vector.shape_cast %get3A_1561 : vector<16xf32> to vector<1x16xf32>
    tpu.vector_store %arg5[%swap3A_1593, %swap3A_1594], %swap3A_1597 {strides = array<i32>} : memref<32x512xf32, #tpu.memory_space<vmem>>, vector<1x16xf32>,
    %swap3A_1598 = arith.constant 6 : i32
    %swap3A_1599 = arith.index_cast %swap3A_1598 : i32 to index
    %swap3A_1600 = arith.constant 384 : index
    %swap3A_1601 = tpu.vector_load %arg5[%swap3A_1599, %swap3A_1600] {strides = array<i32>} : memref<32x512xf32, #tpu.memory_space<vmem>>, vector<1x16xf32>,
    %swap3A_1602 = vector.shape_cast %swap3A_1601 : vector<1x16xf32> to vector<16xf32>
    %swap3A_1603 = vector.shape_cast %get3A_1561 : vector<16xf32> to vector<1x16xf32>
    tpu.vector_store %arg5[%swap3A_1599, %swap3A_1600], %swap3A_1603 {strides = array<i32>} : memref<32x512xf32, #tpu.memory_space<vmem>>, vector<1x16xf32>,
    %swap3A_1604 = arith.constant 7 : i32
    %swap3A_1605 = arith.index_cast %swap3A_1604 : i32 to index
    %swap3A_1606 = arith.constant 384 : index
    %swap3A_1607 = tpu.vector_load %arg5[%swap3A_1605, %swap3A_1606] {strides = array<i32>} : memref<32x512xf32, #tpu.memory_space<vmem>>, vector<1x16xf32>,
    %swap3A_1608 = vector.shape_cast %swap3A_1607 : vector<1x16xf32> to vector<16xf32>
    %swap3A_1609 = vector.shape_cast %get3A_1561 : vector<16xf32> to vector<1x16xf32>
    tpu.vector_store %arg5[%swap3A_1605, %swap3A_1606], %swap3A_1609 {strides = array<i32>} : memref<32x512xf32, #tpu.memory_space<vmem>>, vector<1x16xf32>,
    %swap3A_1610 = arith.constant 8 : i32
    %swap3A_1611 = arith.index_cast %swap3A_1610 : i32 to index
    %swap3A_1612 = arith.constant 384 : index
    %swap3A_1613 = tpu.vector_load %arg5[%swap3A_1611, %swap3A_1612] {strides = array<i32>} : memref<32x512xf32, #tpu.memory_space<vmem>>, vector<1x16xf32>,
    %swap3A_1614 = vector.shape_cast %swap3A_1613 : vector<1x16xf32> to vector<16xf32>
    %swap3A_1615 = vector.shape_cast %get3A_1561 : vector<16xf32> to vector<1x16xf32>
    tpu.vector_store %arg5[%swap3A_1611, %swap3A_1612], %swap3A_1615 {strides = array<i32>} : memref<32x512xf32, #tpu.memory_space<vmem>>, vector<1x16xf32>,
    %swap3A_1616 = arith.constant 9 : i32
    %swap3A_1617 = arith.index_cast %swap3A_1616 : i32 to index
    %swap3A_1618 = arith.constant 384 : index
    %swap3A_1619 = tpu.vector_load %arg5[%swap3A_1617, %swap3A_1618] {strides = array<i32>} : memref<32x512xf32, #tpu.memory_space<vmem>>, vector<1x16xf32>,
    %swap3A_1620 = vector.shape_cast %swap3A_1619 : vector<1x16xf32> to vector<16xf32>
    %swap3A_1621 = vector.shape_cast %get3A_1561 : vector<16xf32> to vector<1x16xf32>
    tpu.vector_store %arg5[%swap3A_1617, %swap3A_1618], %swap3A_1621 {strides = array<i32>} : memref<32x512xf32, #tpu.memory_space<vmem>>, vector<1x16xf32>,
    %swap3A_1622 = arith.constant 10 : i32
    %swap3A_1623 = arith.index_cast %swap3A_1622 : i32 to index
    %swap3A_1624 = arith.constant 384 : index
    %swap3A_1625 = tpu.vector_load %arg5[%swap3A_1623, %swap3A_1624] {strides = array<i32>} : memref<32x512xf32, #tpu.memory_space<vmem>>, vector<1x16xf32>,
    %swap3A_1626 = vector.shape_cast %swap3A_1625 : vector<1x16xf32> to vector<16xf32>
    %swap3A_1627 = vector.shape_cast %get3A_1561 : vector<16xf32> to vector<1x16xf32>
    tpu.vector_store %arg5[%swap3A_1623, %swap3A_1624], %swap3A_1627 {strides = array<i32>} : memref<32x512xf32, #tpu.memory_space<vmem>>, vector<1x16xf32>,
    %swap3A_1628 = arith.constant 11 : i32
    %swap3A_1629 = arith.index_cast %swap3A_1628 : i32 to index
    %swap3A_1630 = arith.constant 384 : index
    %swap3A_1631 = tpu.vector_load %arg5[%swap3A_1629, %swap3A_1630] {strides = array<i32>} : memref<32x512xf32, #tpu.memory_space<vmem>>, vector<1x16xf32>,
    %swap3A_1632 = vector.shape_cast %swap3A_1631 : vector<1x16xf32> to vector<16xf32>
    %swap3A_1633 = vector.shape_cast %get3A_1561 : vector<16xf32> to vector<1x16xf32>
    tpu.vector_store %arg5[%swap3A_1629, %swap3A_1630], %swap3A_1633 {strides = array<i32>} : memref<32x512xf32, #tpu.memory_space<vmem>>, vector<1x16xf32>,
    %swap3A_1634 = arith.constant 12 : i32
    %swap3A_1635 = arith.index_cast %swap3A_1634 : i32 to index
    %swap3A_1636 = arith.constant 384 : index
    %swap3A_1637 = tpu.vector_load %arg5[%swap3A_1635, %swap3A_1636] {strides = array<i32>} : memref<32x512xf32, #tpu.memory_space<vmem>>, vector<1x16xf32>,
    %swap3A_1638 = vector.shape_cast %swap3A_1637 : vector<1x16xf32> to vector<16xf32>
    %swap3A_1639 = vector.shape_cast %get3A_1561 : vector<16xf32> to vector<1x16xf32>
    tpu.vector_store %arg5[%swap3A_1635, %swap3A_1636], %swap3A_1639 {strides = array<i32>} : memref<32x512xf32, #tpu.memory_space<vmem>>, vector<1x16xf32>,
    %swap3A_1640 = arith.constant 13 : i32
    %swap3A_1641 = arith.index_cast %swap3A_1640 : i32 to index
    %swap3A_1642 = arith.constant 384 : index
    %swap3A_1643 = tpu.vector_load %arg5[%swap3A_1641, %swap3A_1642] {strides = array<i32>} : memref<32x512xf32, #tpu.memory_space<vmem>>, vector<1x16xf32>,
    %swap3A_1644 = vector.shape_cast %swap3A_1643 : vector<1x16xf32> to vector<16xf32>
    %swap3A_1645 = vector.shape_cast %get3A_1561 : vector<16xf32> to vector<1x16xf32>
    tpu.vector_store %arg5[%swap3A_1641, %swap3A_1642], %swap3A_1645 {strides = array<i32>} : memref<32x512xf32, #tpu.memory_space<vmem>>, vector<1x16xf32>,
    %swap3A_1646 = arith.constant 14 : i32
    %swap3A_1647 = arith.index_cast %swap3A_1646 : i32 to index
    %swap3A_1648 = arith.constant 384 : index
    %swap3A_1649 = tpu.vector_load %arg5[%swap3A_1647, %swap3A_1648] {strides = array<i32>} : memref<32x512xf32, #tpu.memory_space<vmem>>, vector<1x16xf32>,
    %swap3A_1650 = vector.shape_cast %swap3A_1649 : vector<1x16xf32> to vector<16xf32>
    %swap3A_1651 = vector.shape_cast %get3A_1561 : vector<16xf32> to vector<1x16xf32>
    tpu.vector_store %arg5[%swap3A_1647, %swap3A_1648], %swap3A_1651 {strides = array<i32>} : memref<32x512xf32, #tpu.memory_space<vmem>>, vector<1x16xf32>,
    %swap3A_1652 = arith.constant 15 : i32
    %swap3A_1653 = arith.index_cast %swap3A_1652 : i32 to index
    %swap3A_1654 = arith.constant 384 : index
    %swap3A_1655 = tpu.vector_load %arg5[%swap3A_1653, %swap3A_1654] {strides = array<i32>} : memref<32x512xf32, #tpu.memory_space<vmem>>, vector<1x16xf32>,
    %swap3A_1656 = vector.shape_cast %swap3A_1655 : vector<1x16xf32> to vector<16xf32>
    %swap3A_1657 = vector.shape_cast %get3A_1561 : vector<16xf32> to vector<1x16xf32>
    tpu.vector_store %arg5[%swap3A_1653, %swap3A_1654], %swap3A_1657 {strides = array<i32>} : memref<32x512xf32, #tpu.memory_space<vmem>>, vector<1x16xf32>,
    %swap3A_1658 = arith.constant 16 : i32
    %swap3A_1659 = arith.index_cast %swap3A_1658 : i32 to index
    %swap3A_1660 = arith.constant 384 : index
    %swap3A_1661 = tpu.vector_load %arg5[%swap3A_1659, %swap3A_1660] {strides = array<i32>} : memref<32x512xf32, #tpu.memory_space<vmem>>, vector<1x16xf32>,
    %swap3A_1662 = vector.shape_cast %swap3A_1661 : vector<1x16xf32> to vector<16xf32>
    %swap3A_1663 = vector.shape_cast %get3A_1561 : vector<16xf32> to vector<1x16xf32>
    tpu.vector_store %arg5[%swap3A_1659, %swap3A_1660], %swap3A_1663 {strides = array<i32>} : memref<32x512xf32, #tpu.memory_space<vmem>>, vector<1x16xf32>,
    %swap3A_1664 = arith.constant 17 : i32
    %swap3A_1665 = arith.index_cast %swap3A_1664 : i32 to index
    %swap3A_1666 = arith.constant 384 : index
    %swap3A_1667 = tpu.vector_load %arg5[%swap3A_1665, %swap3A_1666] {strides = array<i32>} : memref<32x512xf32, #tpu.memory_space<vmem>>, vector<1x16xf32>,
    %swap3A_1668 = vector.shape_cast %swap3A_1667 : vector<1x16xf32> to vector<16xf32>
    %swap3A_1669 = vector.shape_cast %get3A_1561 : vector<16xf32> to vector<1x16xf32>
    tpu.vector_store %arg5[%swap3A_1665, %swap3A_1666], %swap3A_1669 {strides = array<i32>} : memref<32x512xf32, #tpu.memory_space<vmem>>, vector<1x16xf32>,
    %swap3A_1670 = arith.constant 18 : i32
    %swap3A_1671 = arith.index_cast %swap3A_1670 : i32 to index
    %swap3A_1672 = arith.constant 384 : index
    %swap3A_1673 = tpu.vector_load %arg5[%swap3A_1671, %swap3A_1672] {strides = array<i32>} : memref<32x512xf32, #tpu.memory_space<vmem>>, vector<1x16xf32>,
    %swap3A_1674 = vector.shape_cast %swap3A_1673 : vector<1x16xf32> to vector<16xf32>
    %swap3A_1675 = vector.shape_cast %get3A_1561 : vector<16xf32> to vector<1x16xf32>
    tpu.vector_store %arg5[%swap3A_1671, %swap3A_1672], %swap3A_1675 {strides = array<i32>} : memref<32x512xf32, #tpu.memory_space<vmem>>, vector<1x16xf32>,
    %swap3A_1676 = arith.constant 19 : i32
    %swap3A_1677 = arith.index_cast %swap3A_1676 : i32 to index
    %swap3A_1678 = arith.constant 384 : index
    %swap3A_1679 = tpu.vector_load %arg5[%swap3A_1677, %swap3A_1678] {strides = array<i32>} : memref<32x512xf32, #tpu.memory_space<vmem>>, vector<1x16xf32>,
    %swap3A_1680 = vector.shape_cast %swap3A_1679 : vector<1x16xf32> to vector<16xf32>
    %swap3A_1681 = vector.shape_cast %get3A_1561 : vector<16xf32> to vector<1x16xf32>
    tpu.vector_store %arg5[%swap3A_1677, %swap3A_1678], %swap3A_1681 {strides = array<i32>} : memref<32x512xf32, #tpu.memory_space<vmem>>, vector<1x16xf32>,
    %swap3A_1682 = arith.constant 20 : i32
    %swap3A_1683 = arith.index_cast %swap3A_1682 : i32 to index
    %swap3A_1684 = arith.constant 384 : index
    %swap3A_1685 = tpu.vector_load %arg5[%swap3A_1683, %swap3A_1684] {strides = array<i32>} : memref<32x512xf32, #tpu.memory_space<vmem>>, vector<1x16xf32>,
    %swap3A_1686 = vector.shape_cast %swap3A_1685 : vector<1x16xf32> to vector<16xf32>
    %swap3A_1687 = vector.shape_cast %get3A_1561 : vector<16xf32> to vector<1x16xf32>
    tpu.vector_store %arg5[%swap3A_1683, %swap3A_1684], %swap3A_1687 {strides = array<i32>} : memref<32x512xf32, #tpu.memory_space<vmem>>, vector<1x16xf32>,
    %swap3A_1688 = arith.constant 21 : i32
    %swap3A_1689 = arith.index_cast %swap3A_1688 : i32 to index
    %swap3A_1690 = arith.constant 384 : index
    %swap3A_1691 = tpu.vector_load %arg5[%swap3A_1689, %swap3A_1690] {strides = array<i32>} : memref<32x512xf32, #tpu.memory_space<vmem>>, vector<1x16xf32>,
    %swap3A_1692 = vector.shape_cast %swap3A_1691 : vector<1x16xf32> to vector<16xf32>
    %swap3A_1693 = vector.shape_cast %get3A_1561 : vector<16xf32> to vector<1x16xf32>
    tpu.vector_store %arg5[%swap3A_1689, %swap3A_1690], %swap3A_1693 {strides = array<i32>} : memref<32x512xf32, #tpu.memory_space<vmem>>, vector<1x16xf32>,
    %swap3A_1694 = arith.constant 22 : i32
    %swap3A_1695 = arith.index_cast %swap3A_1694 : i32 to index
    %swap3A_1696 = arith.constant 384 : index
    %swap3A_1697 = tpu.vector_load %arg5[%swap3A_1695, %swap3A_1696] {strides = array<i32>} : memref<32x512xf32, #tpu.memory_space<vmem>>, vector<1x16xf32>,
    %swap3A_1698 = vector.shape_cast %swap3A_1697 : vector<1x16xf32> to vector<16xf32>
    %swap3A_1699 = vector.shape_cast %get3A_1561 : vector<16xf32> to vector<1x16xf32>
    tpu.vector_store %arg5[%swap3A_1695, %swap3A_1696], %swap3A_1699 {strides = array<i32>} : memref<32x512xf32, #tpu.memory_space<vmem>>, vector<1x16xf32>,
    %swap3A_1700 = arith.constant 23 : i32
    %swap3A_1701 = arith.index_cast %swap3A_1700 : i32 to index
    %swap3A_1702 = arith.constant 384 : index
    %swap3A_1703 = tpu.vector_load %arg5[%swap3A_1701, %swap3A_1702] {strides = array<i32>} : memref<32x512xf32, #tpu.memory_space<vmem>>, vector<1x16xf32>,
    %swap3A_1704 = vector.shape_cast %swap3A_1703 : vector<1x16xf32> to vector<16xf32>
    %swap3A_1705 = vector.shape_cast %get3A_1561 : vector<16xf32> to vector<1x16xf32>
    tpu.vector_store %arg5[%swap3A_1701, %swap3A_1702], %swap3A_1705 {strides = array<i32>} : memref<32x512xf32, #tpu.memory_space<vmem>>, vector<1x16xf32>,
    %swap3A_1706 = arith.constant 24 : i32
    %swap3A_1707 = arith.index_cast %swap3A_1706 : i32 to index
    %swap3A_1708 = arith.constant 384 : index
    %swap3A_1709 = tpu.vector_load %arg5[%swap3A_1707, %swap3A_1708] {strides = array<i32>} : memref<32x512xf32, #tpu.memory_space<vmem>>, vector<1x16xf32>,
    %swap3A_1710 = vector.shape_cast %swap3A_1709 : vector<1x16xf32> to vector<16xf32>
    %swap3A_1711 = vector.shape_cast %get3A_1561 : vector<16xf32> to vector<1x16xf32>
    tpu.vector_store %arg5[%swap3A_1707, %swap3A_1708], %swap3A_1711 {strides = array<i32>} : memref<32x512xf32, #tpu.memory_space<vmem>>, vector<1x16xf32>,
    %swap3A_1712 = arith.constant 25 : i32
    %swap3A_1713 = arith.index_cast %swap3A_1712 : i32 to index
    %swap3A_1714 = arith.constant 384 : index
    %swap3A_1715 = tpu.vector_load %arg5[%swap3A_1713, %swap3A_1714] {strides = array<i32>} : memref<32x512xf32, #tpu.memory_space<vmem>>, vector<1x16xf32>,
    %swap3A_1716 = vector.shape_cast %swap3A_1715 : vector<1x16xf32> to vector<16xf32>
    %swap3A_1717 = vector.shape_cast %get3A_1561 : vector<16xf32> to vector<1x16xf32>
    tpu.vector_store %arg5[%swap3A_1713, %swap3A_1714], %swap3A_1717 {strides = array<i32>} : memref<32x512xf32, #tpu.memory_space<vmem>>, vector<1x16xf32>,
    %swap3A_1718 = arith.constant 26 : i32
    %swap3A_1719 = arith.index_cast %swap3A_1718 : i32 to index
    %swap3A_1720 = arith.constant 384 : index
    %swap3A_1721 = tpu.vector_load %arg5[%swap3A_1719, %swap3A_1720] {strides = array<i32>} : memref<32x512xf32, #tpu.memory_space<vmem>>, vector<1x16xf32>,
    %swap3A_1722 = vector.shape_cast %swap3A_1721 : vector<1x16xf32> to vector<16xf32>
    %swap3A_1723 = vector.shape_cast %get3A_1561 : vector<16xf32> to vector<1x16xf32>
    tpu.vector_store %arg5[%swap3A_1719, %swap3A_1720], %swap3A_1723 {strides = array<i32>} : memref<32x512xf32, #tpu.memory_space<vmem>>, vector<1x16xf32>,
    %swap3A_1724 = arith.constant 27 : i32
    %swap3A_1725 = arith.index_cast %swap3A_1724 : i32 to index
    %swap3A_1726 = arith.constant 384 : index
    %swap3A_1727 = tpu.vector_load %arg5[%swap3A_1725, %swap3A_1726] {strides = array<i32>} : memref<32x512xf32, #tpu.memory_space<vmem>>, vector<1x16xf32>,
    %swap3A_1728 = vector.shape_cast %swap3A_1727 : vector<1x16xf32> to vector<16xf32>
    %swap3A_1729 = vector.shape_cast %get3A_1561 : vector<16xf32> to vector<1x16xf32>
    tpu.vector_store %arg5[%swap3A_1725, %swap3A_1726], %swap3A_1729 {strides = array<i32>} : memref<32x512xf32, #tpu.memory_space<vmem>>, vector<1x16xf32>,
    %swap3A_1730 = arith.constant 28 : i32
    %swap3A_1731 = arith.index_cast %swap3A_1730 : i32 to index
    %swap3A_1732 = arith.constant 384 : index
    %swap3A_1733 = tpu.vector_load %arg5[%swap3A_1731, %swap3A_1732] {strides = array<i32>} : memref<32x512xf32, #tpu.memory_space<vmem>>, vector<1x16xf32>,
    %swap3A_1734 = vector.shape_cast %swap3A_1733 : vector<1x16xf32> to vector<16xf32>
    %swap3A_1735 = vector.shape_cast %get3A_1561 : vector<16xf32> to vector<1x16xf32>
    tpu.vector_store %arg5[%swap3A_1731, %swap3A_1732], %swap3A_1735 {strides = array<i32>} : memref<32x512xf32, #tpu.memory_space<vmem>>, vector<1x16xf32>,
    %swap3A_1736 = arith.constant 29 : i32
    %swap3A_1737 = arith.index_cast %swap3A_1736 : i32 to index
    %swap3A_1738 = arith.constant 384 : index
    %swap3A_1739 = tpu.vector_load %arg5[%swap3A_1737, %swap3A_1738] {strides = array<i32>} : memref<32x512xf32, #tpu.memory_space<vmem>>, vector<1x16xf32>,
    %swap3A_1740 = vector.shape_cast %swap3A_1739 : vector<1x16xf32> to vector<16xf32>
    %swap3A_1741 = vector.shape_cast %get3A_1561 : vector<16xf32> to vector<1x16xf32>
    tpu.vector_store %arg5[%swap3A_1737, %swap3A_1738], %swap3A_1741 {strides = array<i32>} : memref<32x512xf32, #tpu.memory_space<vmem>>, vector<1x16xf32>,
    %swap3A_1742 = arith.constant 30 : i32
    %swap3A_1743 = arith.index_cast %swap3A_1742 : i32 to index
    %swap3A_1744 = arith.constant 384 : index
    %swap3A_1745 = tpu.vector_load %arg5[%swap3A_1743, %swap3A_1744] {strides = array<i32>} : memref<32x512xf32, #tpu.memory_space<vmem>>, vector<1x16xf32>,
    %swap3A_1746 = vector.shape_cast %swap3A_1745 : vector<1x16xf32> to vector<16xf32>
    %swap3A_1747 = vector.shape_cast %get3A_1561 : vector<16xf32> to vector<1x16xf32>
    tpu.vector_store %arg5[%swap3A_1743, %swap3A_1744], %swap3A_1747 {strides = array<i32>} : memref<32x512xf32, #tpu.memory_space<vmem>>, vector<1x16xf32>,
    %swap3A_1748 = arith.constant 31 : i32
    %swap3A_1749 = arith.index_cast %swap3A_1748 : i32 to index
    %swap3A_1750 = arith.constant 384 : index
    %swap3A_1751 = tpu.vector_load %arg5[%swap3A_1749, %swap3A_1750] {strides = array<i32>} : memref<32x512xf32, #tpu.memory_space<vmem>>, vector<1x16xf32>,
    %swap3A_1752 = vector.shape_cast %swap3A_1751 : vector<1x16xf32> to vector<16xf32>
    %swap3A_1753 = vector.shape_cast %get3A_1561 : vector<16xf32> to vector<1x16xf32>
    tpu.vector_store %arg5[%swap3A_1749, %swap3A_1750], %swap3A_1753 {strides = array<i32>} : memref<32x512xf32, #tpu.memory_space<vmem>>, vector<1x16xf32>,
    %get3A_1754 = arith.constant 144 : index
    %get3A_1755 = tpu.vector_load %arg6[%get3A_1754] {strides = array<i32>} : memref<256xf32, #tpu.memory_space<vmem>>, vector<16xf32>,
    %get3A_1756 = vector.shape_cast %get3A_1755 : vector<16xf32> to vector<16xf32>
    %swap3A_1757 = arith.constant 0 : i32
    %swap3A_1758 = arith.index_cast %swap3A_1757 : i32 to index
    %swap3A_1759 = arith.constant 400 : index
    %swap3A_1760 = tpu.vector_load %arg5[%swap3A_1758, %swap3A_1759] {strides = array<i32>} : memref<32x512xf32, #tpu.memory_space<vmem>>, vector<1x16xf32>,
    %swap3A_1761 = vector.shape_cast %swap3A_1760 : vector<1x16xf32> to vector<16xf32>
    %swap3A_1762 = vector.shape_cast %get3A_1756 : vector<16xf32> to vector<1x16xf32>
    tpu.vector_store %arg5[%swap3A_1758, %swap3A_1759], %swap3A_1762 {strides = array<i32>} : memref<32x512xf32, #tpu.memory_space<vmem>>, vector<1x16xf32>,
    %swap3A_1763 = arith.constant 1 : i32
    %swap3A_1764 = arith.index_cast %swap3A_1763 : i32 to index
    %swap3A_1765 = arith.constant 400 : index
    %swap3A_1766 = tpu.vector_load %arg5[%swap3A_1764, %swap3A_1765] {strides = array<i32>} : memref<32x512xf32, #tpu.memory_space<vmem>>, vector<1x16xf32>,
    %swap3A_1767 = vector.shape_cast %swap3A_1766 : vector<1x16xf32> to vector<16xf32>
    %swap3A_1768 = vector.shape_cast %get3A_1756 : vector<16xf32> to vector<1x16xf32>
    tpu.vector_store %arg5[%swap3A_1764, %swap3A_1765], %swap3A_1768 {strides = array<i32>} : memref<32x512xf32, #tpu.memory_space<vmem>>, vector<1x16xf32>,
    %swap3A_1769 = arith.constant 2 : i32
    %swap3A_1770 = arith.index_cast %swap3A_1769 : i32 to index
    %swap3A_1771 = arith.constant 400 : index
    %swap3A_1772 = tpu.vector_load %arg5[%swap3A_1770, %swap3A_1771] {strides = array<i32>} : memref<32x512xf32, #tpu.memory_space<vmem>>, vector<1x16xf32>,
    %swap3A_1773 = vector.shape_cast %swap3A_1772 : vector<1x16xf32> to vector<16xf32>
    %swap3A_1774 = vector.shape_cast %get3A_1756 : vector<16xf32> to vector<1x16xf32>
    tpu.vector_store %arg5[%swap3A_1770, %swap3A_1771], %swap3A_1774 {strides = array<i32>} : memref<32x512xf32, #tpu.memory_space<vmem>>, vector<1x16xf32>,
    %swap3A_1775 = arith.constant 3 : i32
    %swap3A_1776 = arith.index_cast %swap3A_1775 : i32 to index
    %swap3A_1777 = arith.constant 400 : index
    %swap3A_1778 = tpu.vector_load %arg5[%swap3A_1776, %swap3A_1777] {strides = array<i32>} : memref<32x512xf32, #tpu.memory_space<vmem>>, vector<1x16xf32>,
    %swap3A_1779 = vector.shape_cast %swap3A_1778 : vector<1x16xf32> to vector<16xf32>
    %swap3A_1780 = vector.shape_cast %get3A_1756 : vector<16xf32> to vector<1x16xf32>
    tpu.vector_store %arg5[%swap3A_1776, %swap3A_1777], %swap3A_1780 {strides = array<i32>} : memref<32x512xf32, #tpu.memory_space<vmem>>, vector<1x16xf32>,
    %swap3A_1781 = arith.constant 4 : i32
    %swap3A_1782 = arith.index_cast %swap3A_1781 : i32 to index
    %swap3A_1783 = arith.constant 400 : index
    %swap3A_1784 = tpu.vector_load %arg5[%swap3A_1782, %swap3A_1783] {strides = array<i32>} : memref<32x512xf32, #tpu.memory_space<vmem>>, vector<1x16xf32>,
    %swap3A_1785 = vector.shape_cast %swap3A_1784 : vector<1x16xf32> to vector<16xf32>
    %swap3A_1786 = vector.shape_cast %get3A_1756 : vector<16xf32> to vector<1x16xf32>
    tpu.vector_store %arg5[%swap3A_1782, %swap3A_1783], %swap3A_1786 {strides = array<i32>} : memref<32x512xf32, #tpu.memory_space<vmem>>, vector<1x16xf32>,
    %swap3A_1787 = arith.constant 5 : i32
    %swap3A_1788 = arith.index_cast %swap3A_1787 : i32 to index
    %swap3A_1789 = arith.constant 400 : index
    %swap3A_1790 = tpu.vector_load %arg5[%swap3A_1788, %swap3A_1789] {strides = array<i32>} : memref<32x512xf32, #tpu.memory_space<vmem>>, vector<1x16xf32>,
    %swap3A_1791 = vector.shape_cast %swap3A_1790 : vector<1x16xf32> to vector<16xf32>
    %swap3A_1792 = vector.shape_cast %get3A_1756 : vector<16xf32> to vector<1x16xf32>
    tpu.vector_store %arg5[%swap3A_1788, %swap3A_1789], %swap3A_1792 {strides = array<i32>} : memref<32x512xf32, #tpu.memory_space<vmem>>, vector<1x16xf32>,
    %swap3A_1793 = arith.constant 6 : i32
    %swap3A_1794 = arith.index_cast %swap3A_1793 : i32 to index
    %swap3A_1795 = arith.constant 400 : index
    %swap3A_1796 = tpu.vector_load %arg5[%swap3A_1794, %swap3A_1795] {strides = array<i32>} : memref<32x512xf32, #tpu.memory_space<vmem>>, vector<1x16xf32>,
    %swap3A_1797 = vector.shape_cast %swap3A_1796 : vector<1x16xf32> to vector<16xf32>
    %swap3A_1798 = vector.shape_cast %get3A_1756 : vector<16xf32> to vector<1x16xf32>
    tpu.vector_store %arg5[%swap3A_1794, %swap3A_1795], %swap3A_1798 {strides = array<i32>} : memref<32x512xf32, #tpu.memory_space<vmem>>, vector<1x16xf32>,
    %swap3A_1799 = arith.constant 7 : i32
    %swap3A_1800 = arith.index_cast %swap3A_1799 : i32 to index
    %swap3A_1801 = arith.constant 400 : index
    %swap3A_1802 = tpu.vector_load %arg5[%swap3A_1800, %swap3A_1801] {strides = array<i32>} : memref<32x512xf32, #tpu.memory_space<vmem>>, vector<1x16xf32>,
    %swap3A_1803 = vector.shape_cast %swap3A_1802 : vector<1x16xf32> to vector<16xf32>
    %swap3A_1804 = vector.shape_cast %get3A_1756 : vector<16xf32> to vector<1x16xf32>
    tpu.vector_store %arg5[%swap3A_1800, %swap3A_1801], %swap3A_1804 {strides = array<i32>} : memref<32x512xf32, #tpu.memory_space<vmem>>, vector<1x16xf32>,
    %swap3A_1805 = arith.constant 8 : i32
    %swap3A_1806 = arith.index_cast %swap3A_1805 : i32 to index
    %swap3A_1807 = arith.constant 400 : index
    %swap3A_1808 = tpu.vector_load %arg5[%swap3A_1806, %swap3A_1807] {strides = array<i32>} : memref<32x512xf32, #tpu.memory_space<vmem>>, vector<1x16xf32>,
    %swap3A_1809 = vector.shape_cast %swap3A_1808 : vector<1x16xf32> to vector<16xf32>
    %swap3A_1810 = vector.shape_cast %get3A_1756 : vector<16xf32> to vector<1x16xf32>
    tpu.vector_store %arg5[%swap3A_1806, %swap3A_1807], %swap3A_1810 {strides = array<i32>} : memref<32x512xf32, #tpu.memory_space<vmem>>, vector<1x16xf32>,
    %swap3A_1811 = arith.constant 9 : i32
    %swap3A_1812 = arith.index_cast %swap3A_1811 : i32 to index
    %swap3A_1813 = arith.constant 400 : index
    %swap3A_1814 = tpu.vector_load %arg5[%swap3A_1812, %swap3A_1813] {strides = array<i32>} : memref<32x512xf32, #tpu.memory_space<vmem>>, vector<1x16xf32>,
    %swap3A_1815 = vector.shape_cast %swap3A_1814 : vector<1x16xf32> to vector<16xf32>
    %swap3A_1816 = vector.shape_cast %get3A_1756 : vector<16xf32> to vector<1x16xf32>
    tpu.vector_store %arg5[%swap3A_1812, %swap3A_1813], %swap3A_1816 {strides = array<i32>} : memref<32x512xf32, #tpu.memory_space<vmem>>, vector<1x16xf32>,
    %swap3A_1817 = arith.constant 10 : i32
    %swap3A_1818 = arith.index_cast %swap3A_1817 : i32 to index
    %swap3A_1819 = arith.constant 400 : index
    %swap3A_1820 = tpu.vector_load %arg5[%swap3A_1818, %swap3A_1819] {strides = array<i32>} : memref<32x512xf32, #tpu.memory_space<vmem>>, vector<1x16xf32>,
    %swap3A_1821 = vector.shape_cast %swap3A_1820 : vector<1x16xf32> to vector<16xf32>
    %swap3A_1822 = vector.shape_cast %get3A_1756 : vector<16xf32> to vector<1x16xf32>
    tpu.vector_store %arg5[%swap3A_1818, %swap3A_1819], %swap3A_1822 {strides = array<i32>} : memref<32x512xf32, #tpu.memory_space<vmem>>, vector<1x16xf32>,
    %swap3A_1823 = arith.constant 11 : i32
    %swap3A_1824 = arith.index_cast %swap3A_1823 : i32 to index
    %swap3A_1825 = arith.constant 400 : index
    %swap3A_1826 = tpu.vector_load %arg5[%swap3A_1824, %swap3A_1825] {strides = array<i32>} : memref<32x512xf32, #tpu.memory_space<vmem>>, vector<1x16xf32>,
    %swap3A_1827 = vector.shape_cast %swap3A_1826 : vector<1x16xf32> to vector<16xf32>
    %swap3A_1828 = vector.shape_cast %get3A_1756 : vector<16xf32> to vector<1x16xf32>
    tpu.vector_store %arg5[%swap3A_1824, %swap3A_1825], %swap3A_1828 {strides = array<i32>} : memref<32x512xf32, #tpu.memory_space<vmem>>, vector<1x16xf32>,
    %swap3A_1829 = arith.constant 12 : i32
    %swap3A_1830 = arith.index_cast %swap3A_1829 : i32 to index
    %swap3A_1831 = arith.constant 400 : index
    %swap3A_1832 = tpu.vector_load %arg5[%swap3A_1830, %swap3A_1831] {strides = array<i32>} : memref<32x512xf32, #tpu.memory_space<vmem>>, vector<1x16xf32>,
    %swap3A_1833 = vector.shape_cast %swap3A_1832 : vector<1x16xf32> to vector<16xf32>
    %swap3A_1834 = vector.shape_cast %get3A_1756 : vector<16xf32> to vector<1x16xf32>
    tpu.vector_store %arg5[%swap3A_1830, %swap3A_1831], %swap3A_1834 {strides = array<i32>} : memref<32x512xf32, #tpu.memory_space<vmem>>, vector<1x16xf32>,
    %swap3A_1835 = arith.constant 13 : i32
    %swap3A_1836 = arith.index_cast %swap3A_1835 : i32 to index
    %swap3A_1837 = arith.constant 400 : index
    %swap3A_1838 = tpu.vector_load %arg5[%swap3A_1836, %swap3A_1837] {strides = array<i32>} : memref<32x512xf32, #tpu.memory_space<vmem>>, vector<1x16xf32>,
    %swap3A_1839 = vector.shape_cast %swap3A_1838 : vector<1x16xf32> to vector<16xf32>
    %swap3A_1840 = vector.shape_cast %get3A_1756 : vector<16xf32> to vector<1x16xf32>
    tpu.vector_store %arg5[%swap3A_1836, %swap3A_1837], %swap3A_1840 {strides = array<i32>} : memref<32x512xf32, #tpu.memory_space<vmem>>, vector<1x16xf32>,
    %swap3A_1841 = arith.constant 14 : i32
    %swap3A_1842 = arith.index_cast %swap3A_1841 : i32 to index
    %swap3A_1843 = arith.constant 400 : index
    %swap3A_1844 = tpu.vector_load %arg5[%swap3A_1842, %swap3A_1843] {strides = array<i32>} : memref<32x512xf32, #tpu.memory_space<vmem>>, vector<1x16xf32>,
    %swap3A_1845 = vector.shape_cast %swap3A_1844 : vector<1x16xf32> to vector<16xf32>
    %swap3A_1846 = vector.shape_cast %get3A_1756 : vector<16xf32> to vector<1x16xf32>
    tpu.vector_store %arg5[%swap3A_1842, %swap3A_1843], %swap3A_1846 {strides = array<i32>} : memref<32x512xf32, #tpu.memory_space<vmem>>, vector<1x16xf32>,
    %swap3A_1847 = arith.constant 15 : i32
    %swap3A_1848 = arith.index_cast %swap3A_1847 : i32 to index
    %swap3A_1849 = arith.constant 400 : index
    %swap3A_1850 = tpu.vector_load %arg5[%swap3A_1848, %swap3A_1849] {strides = array<i32>} : memref<32x512xf32, #tpu.memory_space<vmem>>, vector<1x16xf32>,
    %swap3A_1851 = vector.shape_cast %swap3A_1850 : vector<1x16xf32> to vector<16xf32>
    %swap3A_1852 = vector.shape_cast %get3A_1756 : vector<16xf32> to vector<1x16xf32>
    tpu.vector_store %arg5[%swap3A_1848, %swap3A_1849], %swap3A_1852 {strides = array<i32>} : memref<32x512xf32, #tpu.memory_space<vmem>>, vector<1x16xf32>,
    %swap3A_1853 = arith.constant 16 : i32
    %swap3A_1854 = arith.index_cast %swap3A_1853 : i32 to index
    %swap3A_1855 = arith.constant 400 : index
    %swap3A_1856 = tpu.vector_load %arg5[%swap3A_1854, %swap3A_1855] {strides = array<i32>} : memref<32x512xf32, #tpu.memory_space<vmem>>, vector<1x16xf32>,
    %swap3A_1857 = vector.shape_cast %swap3A_1856 : vector<1x16xf32> to vector<16xf32>
    %swap3A_1858 = vector.shape_cast %get3A_1756 : vector<16xf32> to vector<1x16xf32>
    tpu.vector_store %arg5[%swap3A_1854, %swap3A_1855], %swap3A_1858 {strides = array<i32>} : memref<32x512xf32, #tpu.memory_space<vmem>>, vector<1x16xf32>,
    %swap3A_1859 = arith.constant 17 : i32
    %swap3A_1860 = arith.index_cast %swap3A_1859 : i32 to index
    %swap3A_1861 = arith.constant 400 : index
    %swap3A_1862 = tpu.vector_load %arg5[%swap3A_1860, %swap3A_1861] {strides = array<i32>} : memref<32x512xf32, #tpu.memory_space<vmem>>, vector<1x16xf32>,
    %swap3A_1863 = vector.shape_cast %swap3A_1862 : vector<1x16xf32> to vector<16xf32>
    %swap3A_1864 = vector.shape_cast %get3A_1756 : vector<16xf32> to vector<1x16xf32>
    tpu.vector_store %arg5[%swap3A_1860, %swap3A_1861], %swap3A_1864 {strides = array<i32>} : memref<32x512xf32, #tpu.memory_space<vmem>>, vector<1x16xf32>,
    %swap3A_1865 = arith.constant 18 : i32
    %swap3A_1866 = arith.index_cast %swap3A_1865 : i32 to index
    %swap3A_1867 = arith.constant 400 : index
    %swap3A_1868 = tpu.vector_load %arg5[%swap3A_1866, %swap3A_1867] {strides = array<i32>} : memref<32x512xf32, #tpu.memory_space<vmem>>, vector<1x16xf32>,
    %swap3A_1869 = vector.shape_cast %swap3A_1868 : vector<1x16xf32> to vector<16xf32>
    %swap3A_1870 = vector.shape_cast %get3A_1756 : vector<16xf32> to vector<1x16xf32>
    tpu.vector_store %arg5[%swap3A_1866, %swap3A_1867], %swap3A_1870 {strides = array<i32>} : memref<32x512xf32, #tpu.memory_space<vmem>>, vector<1x16xf32>,
    %swap3A_1871 = arith.constant 19 : i32
    %swap3A_1872 = arith.index_cast %swap3A_1871 : i32 to index
    %swap3A_1873 = arith.constant 400 : index
    %swap3A_1874 = tpu.vector_load %arg5[%swap3A_1872, %swap3A_1873] {strides = array<i32>} : memref<32x512xf32, #tpu.memory_space<vmem>>, vector<1x16xf32>,
    %swap3A_1875 = vector.shape_cast %swap3A_1874 : vector<1x16xf32> to vector<16xf32>
    %swap3A_1876 = vector.shape_cast %get3A_1756 : vector<16xf32> to vector<1x16xf32>
    tpu.vector_store %arg5[%swap3A_1872, %swap3A_1873], %swap3A_1876 {strides = array<i32>} : memref<32x512xf32, #tpu.memory_space<vmem>>, vector<1x16xf32>,
    %swap3A_1877 = arith.constant 20 : i32
    %swap3A_1878 = arith.index_cast %swap3A_1877 : i32 to index
    %swap3A_1879 = arith.constant 400 : index
    %swap3A_1880 = tpu.vector_load %arg5[%swap3A_1878, %swap3A_1879] {strides = array<i32>} : memref<32x512xf32, #tpu.memory_space<vmem>>, vector<1x16xf32>,
    %swap3A_1881 = vector.shape_cast %swap3A_1880 : vector<1x16xf32> to vector<16xf32>
    %swap3A_1882 = vector.shape_cast %get3A_1756 : vector<16xf32> to vector<1x16xf32>
    tpu.vector_store %arg5[%swap3A_1878, %swap3A_1879], %swap3A_1882 {strides = array<i32>} : memref<32x512xf32, #tpu.memory_space<vmem>>, vector<1x16xf32>,
    %swap3A_1883 = arith.constant 21 : i32
    %swap3A_1884 = arith.index_cast %swap3A_1883 : i32 to index
    %swap3A_1885 = arith.constant 400 : index
    %swap3A_1886 = tpu.vector_load %arg5[%swap3A_1884, %swap3A_1885] {strides = array<i32>} : memref<32x512xf32, #tpu.memory_space<vmem>>, vector<1x16xf32>,
    %swap3A_1887 = vector.shape_cast %swap3A_1886 : vector<1x16xf32> to vector<16xf32>
    %swap3A_1888 = vector.shape_cast %get3A_1756 : vector<16xf32> to vector<1x16xf32>
    tpu.vector_store %arg5[%swap3A_1884, %swap3A_1885], %swap3A_1888 {strides = array<i32>} : memref<32x512xf32, #tpu.memory_space<vmem>>, vector<1x16xf32>,
    %swap3A_1889 = arith.constant 22 : i32
    %swap3A_1890 = arith.index_cast %swap3A_1889 : i32 to index
    %swap3A_1891 = arith.constant 400 : index
    %swap3A_1892 = tpu.vector_load %arg5[%swap3A_1890, %swap3A_1891] {strides = array<i32>} : memref<32x512xf32, #tpu.memory_space<vmem>>, vector<1x16xf32>,
    %swap3A_1893 = vector.shape_cast %swap3A_1892 : vector<1x16xf32> to vector<16xf32>
    %swap3A_1894 = vector.shape_cast %get3A_1756 : vector<16xf32> to vector<1x16xf32>
    tpu.vector_store %arg5[%swap3A_1890, %swap3A_1891], %swap3A_1894 {strides = array<i32>} : memref<32x512xf32, #tpu.memory_space<vmem>>, vector<1x16xf32>,
    %swap3A_1895 = arith.constant 23 : i32
    %swap3A_1896 = arith.index_cast %swap3A_1895 : i32 to index
    %swap3A_1897 = arith.constant 400 : index
    %swap3A_1898 = tpu.vector_load %arg5[%swap3A_1896, %swap3A_1897] {strides = array<i32>} : memref<32x512xf32, #tpu.memory_space<vmem>>, vector<1x16xf32>,
    %swap3A_1899 = vector.shape_cast %swap3A_1898 : vector<1x16xf32> to vector<16xf32>
    %swap3A_1900 = vector.shape_cast %get3A_1756 : vector<16xf32> to vector<1x16xf32>
    tpu.vector_store %arg5[%swap3A_1896, %swap3A_1897], %swap3A_1900 {strides = array<i32>} : memref<32x512xf32, #tpu.memory_space<vmem>>, vector<1x16xf32>,
    %swap3A_1901 = arith.constant 24 : i32
    %swap3A_1902 = arith.index_cast %swap3A_1901 : i32 to index
    %swap3A_1903 = arith.constant 400 : index
    %swap3A_1904 = tpu.vector_load %arg5[%swap3A_1902, %swap3A_1903] {strides = array<i32>} : memref<32x512xf32, #tpu.memory_space<vmem>>, vector<1x16xf32>,
    %swap3A_1905 = vector.shape_cast %swap3A_1904 : vector<1x16xf32> to vector<16xf32>
    %swap3A_1906 = vector.shape_cast %get3A_1756 : vector<16xf32> to vector<1x16xf32>
    tpu.vector_store %arg5[%swap3A_1902, %swap3A_1903], %swap3A_1906 {strides = array<i32>} : memref<32x512xf32, #tpu.memory_space<vmem>>, vector<1x16xf32>,
    %swap3A_1907 = arith.constant 25 : i32
    %swap3A_1908 = arith.index_cast %swap3A_1907 : i32 to index
    %swap3A_1909 = arith.constant 400 : index
    %swap3A_1910 = tpu.vector_load %arg5[%swap3A_1908, %swap3A_1909] {strides = array<i32>} : memref<32x512xf32, #tpu.memory_space<vmem>>, vector<1x16xf32>,
    %swap3A_1911 = vector.shape_cast %swap3A_1910 : vector<1x16xf32> to vector<16xf32>
    %swap3A_1912 = vector.shape_cast %get3A_1756 : vector<16xf32> to vector<1x16xf32>
    tpu.vector_store %arg5[%swap3A_1908, %swap3A_1909], %swap3A_1912 {strides = array<i32>} : memref<32x512xf32, #tpu.memory_space<vmem>>, vector<1x16xf32>,
    %swap3A_1913 = arith.constant 26 : i32
    %swap3A_1914 = arith.index_cast %swap3A_1913 : i32 to index
    %swap3A_1915 = arith.constant 400 : index
    %swap3A_1916 = tpu.vector_load %arg5[%swap3A_1914, %swap3A_1915] {strides = array<i32>} : memref<32x512xf32, #tpu.memory_space<vmem>>, vector<1x16xf32>,
    %swap3A_1917 = vector.shape_cast %swap3A_1916 : vector<1x16xf32> to vector<16xf32>
    %swap3A_1918 = vector.shape_cast %get3A_1756 : vector<16xf32> to vector<1x16xf32>
    tpu.vector_store %arg5[%swap3A_1914, %swap3A_1915], %swap3A_1918 {strides = array<i32>} : memref<32x512xf32, #tpu.memory_space<vmem>>, vector<1x16xf32>,
    %swap3A_1919 = arith.constant 27 : i32
    %swap3A_1920 = arith.index_cast %swap3A_1919 : i32 to index
    %swap3A_1921 = arith.constant 400 : index
    %swap3A_1922 = tpu.vector_load %arg5[%swap3A_1920, %swap3A_1921] {strides = array<i32>} : memref<32x512xf32, #tpu.memory_space<vmem>>, vector<1x16xf32>,
    %swap3A_1923 = vector.shape_cast %swap3A_1922 : vector<1x16xf32> to vector<16xf32>
    %swap3A_1924 = vector.shape_cast %get3A_1756 : vector<16xf32> to vector<1x16xf32>
    tpu.vector_store %arg5[%swap3A_1920, %swap3A_1921], %swap3A_1924 {strides = array<i32>} : memref<32x512xf32, #tpu.memory_space<vmem>>, vector<1x16xf32>,
    %swap3A_1925 = arith.constant 28 : i32
    %swap3A_1926 = arith.index_cast %swap3A_1925 : i32 to index
    %swap3A_1927 = arith.constant 400 : index
    %swap3A_1928 = tpu.vector_load %arg5[%swap3A_1926, %swap3A_1927] {strides = array<i32>} : memref<32x512xf32, #tpu.memory_space<vmem>>, vector<1x16xf32>,
    %swap3A_1929 = vector.shape_cast %swap3A_1928 : vector<1x16xf32> to vector<16xf32>
    %swap3A_1930 = vector.shape_cast %get3A_1756 : vector<16xf32> to vector<1x16xf32>
    tpu.vector_store %arg5[%swap3A_1926, %swap3A_1927], %swap3A_1930 {strides = array<i32>} : memref<32x512xf32, #tpu.memory_space<vmem>>, vector<1x16xf32>,
    %swap3A_1931 = arith.constant 29 : i32
    %swap3A_1932 = arith.index_cast %swap3A_1931 : i32 to index
    %swap3A_1933 = arith.constant 400 : index
    %swap3A_1934 = tpu.vector_load %arg5[%swap3A_1932, %swap3A_1933] {strides = array<i32>} : memref<32x512xf32, #tpu.memory_space<vmem>>, vector<1x16xf32>,
    %swap3A_1935 = vector.shape_cast %swap3A_1934 : vector<1x16xf32> to vector<16xf32>
    %swap3A_1936 = vector.shape_cast %get3A_1756 : vector<16xf32> to vector<1x16xf32>
    tpu.vector_store %arg5[%swap3A_1932, %swap3A_1933], %swap3A_1936 {strides = array<i32>} : memref<32x512xf32, #tpu.memory_space<vmem>>, vector<1x16xf32>,
    %swap3A_1937 = arith.constant 30 : i32
    %swap3A_1938 = arith.index_cast %swap3A_1937 : i32 to index
    %swap3A_1939 = arith.constant 400 : index
    %swap3A_1940 = tpu.vector_load %arg5[%swap3A_1938, %swap3A_1939] {strides = array<i32>} : memref<32x512xf32, #tpu.memory_space<vmem>>, vector<1x16xf32>,
    %swap3A_1941 = vector.shape_cast %swap3A_1940 : vector<1x16xf32> to vector<16xf32>
    %swap3A_1942 = vector.shape_cast %get3A_1756 : vector<16xf32> to vector<1x16xf32>
    tpu.vector_store %arg5[%swap3A_1938, %swap3A_1939], %swap3A_1942 {strides = array<i32>} : memref<32x512xf32, #tpu.memory_space<vmem>>, vector<1x16xf32>,
    %swap3A_1943 = arith.constant 31 : i32
    %swap3A_1944 = arith.index_cast %swap3A_1943 : i32 to index
    %swap3A_1945 = arith.constant 400 : index
    %swap3A_1946 = tpu.vector_load %arg5[%swap3A_1944, %swap3A_1945] {strides = array<i32>} : memref<32x512xf32, #tpu.memory_space<vmem>>, vector<1x16xf32>,
    %swap3A_1947 = vector.shape_cast %swap3A_1946 : vector<1x16xf32> to vector<16xf32>
    %swap3A_1948 = vector.shape_cast %get3A_1756 : vector<16xf32> to vector<1x16xf32>
    tpu.vector_store %arg5[%swap3A_1944, %swap3A_1945], %swap3A_1948 {strides = array<i32>} : memref<32x512xf32, #tpu.memory_space<vmem>>, vector<1x16xf32>,
    %get3A_1949 = arith.constant 160 : index
    %get3A_1950 = tpu.vector_load %arg6[%get3A_1949] {strides = array<i32>} : memref<256xf32, #tpu.memory_space<vmem>>, vector<16xf32>,
    %get3A_1951 = vector.shape_cast %get3A_1950 : vector<16xf32> to vector<16xf32>
    %swap3A_1952 = arith.constant 0 : i32
    %swap3A_1953 = arith.index_cast %swap3A_1952 : i32 to index
    %swap3A_1954 = arith.constant 416 : index
    %swap3A_1955 = tpu.vector_load %arg5[%swap3A_1953, %swap3A_1954] {strides = array<i32>} : memref<32x512xf32, #tpu.memory_space<vmem>>, vector<1x16xf32>,
    %swap3A_1956 = vector.shape_cast %swap3A_1955 : vector<1x16xf32> to vector<16xf32>
    %swap3A_1957 = vector.shape_cast %get3A_1951 : vector<16xf32> to vector<1x16xf32>
    tpu.vector_store %arg5[%swap3A_1953, %swap3A_1954], %swap3A_1957 {strides = array<i32>} : memref<32x512xf32, #tpu.memory_space<vmem>>, vector<1x16xf32>,
    %swap3A_1958 = arith.constant 1 : i32
    %swap3A_1959 = arith.index_cast %swap3A_1958 : i32 to index
    %swap3A_1960 = arith.constant 416 : index
    %swap3A_1961 = tpu.vector_load %arg5[%swap3A_1959, %swap3A_1960] {strides = array<i32>} : memref<32x512xf32, #tpu.memory_space<vmem>>, vector<1x16xf32>,
    %swap3A_1962 = vector.shape_cast %swap3A_1961 : vector<1x16xf32> to vector<16xf32>
    %swap3A_1963 = vector.shape_cast %get3A_1951 : vector<16xf32> to vector<1x16xf32>
    tpu.vector_store %arg5[%swap3A_1959, %swap3A_1960], %swap3A_1963 {strides = array<i32>} : memref<32x512xf32, #tpu.memory_space<vmem>>, vector<1x16xf32>,
    %swap3A_1964 = arith.constant 2 : i32
    %swap3A_1965 = arith.index_cast %swap3A_1964 : i32 to index
    %swap3A_1966 = arith.constant 416 : index
    %swap3A_1967 = tpu.vector_load %arg5[%swap3A_1965, %swap3A_1966] {strides = array<i32>} : memref<32x512xf32, #tpu.memory_space<vmem>>, vector<1x16xf32>,
    %swap3A_1968 = vector.shape_cast %swap3A_1967 : vector<1x16xf32> to vector<16xf32>
    %swap3A_1969 = vector.shape_cast %get3A_1951 : vector<16xf32> to vector<1x16xf32>
    tpu.vector_store %arg5[%swap3A_1965, %swap3A_1966], %swap3A_1969 {strides = array<i32>} : memref<32x512xf32, #tpu.memory_space<vmem>>, vector<1x16xf32>,
    %swap3A_1970 = arith.constant 3 : i32
    %swap3A_1971 = arith.index_cast %swap3A_1970 : i32 to index
    %swap3A_1972 = arith.constant 416 : index
    %swap3A_1973 = tpu.vector_load %arg5[%swap3A_1971, %swap3A_1972] {strides = array<i32>} : memref<32x512xf32, #tpu.memory_space<vmem>>, vector<1x16xf32>,
    %swap3A_1974 = vector.shape_cast %swap3A_1973 : vector<1x16xf32> to vector<16xf32>
    %swap3A_1975 = vector.shape_cast %get3A_1951 : vector<16xf32> to vector<1x16xf32>
    tpu.vector_store %arg5[%swap3A_1971, %swap3A_1972], %swap3A_1975 {strides = array<i32>} : memref<32x512xf32, #tpu.memory_space<vmem>>, vector<1x16xf32>,
    %swap3A_1976 = arith.constant 4 : i32
    %swap3A_1977 = arith.index_cast %swap3A_1976 : i32 to index
    %swap3A_1978 = arith.constant 416 : index
    %swap3A_1979 = tpu.vector_load %arg5[%swap3A_1977, %swap3A_1978] {strides = array<i32>} : memref<32x512xf32, #tpu.memory_space<vmem>>, vector<1x16xf32>,
    %swap3A_1980 = vector.shape_cast %swap3A_1979 : vector<1x16xf32> to vector<16xf32>
    %swap3A_1981 = vector.shape_cast %get3A_1951 : vector<16xf32> to vector<1x16xf32>
    tpu.vector_store %arg5[%swap3A_1977, %swap3A_1978], %swap3A_1981 {strides = array<i32>} : memref<32x512xf32, #tpu.memory_space<vmem>>, vector<1x16xf32>,
    %swap3A_1982 = arith.constant 5 : i32
    %swap3A_1983 = arith.index_cast %swap3A_1982 : i32 to index
    %swap3A_1984 = arith.constant 416 : index
    %swap3A_1985 = tpu.vector_load %arg5[%swap3A_1983, %swap3A_1984] {strides = array<i32>} : memref<32x512xf32, #tpu.memory_space<vmem>>, vector<1x16xf32>,
    %swap3A_1986 = vector.shape_cast %swap3A_1985 : vector<1x16xf32> to vector<16xf32>
    %swap3A_1987 = vector.shape_cast %get3A_1951 : vector<16xf32> to vector<1x16xf32>
    tpu.vector_store %arg5[%swap3A_1983, %swap3A_1984], %swap3A_1987 {strides = array<i32>} : memref<32x512xf32, #tpu.memory_space<vmem>>, vector<1x16xf32>,
    %swap3A_1988 = arith.constant 6 : i32
    %swap3A_1989 = arith.index_cast %swap3A_1988 : i32 to index
    %swap3A_1990 = arith.constant 416 : index
    %swap3A_1991 = tpu.vector_load %arg5[%swap3A_1989, %swap3A_1990] {strides = array<i32>} : memref<32x512xf32, #tpu.memory_space<vmem>>, vector<1x16xf32>,
    %swap3A_1992 = vector.shape_cast %swap3A_1991 : vector<1x16xf32> to vector<16xf32>
    %swap3A_1993 = vector.shape_cast %get3A_1951 : vector<16xf32> to vector<1x16xf32>
    tpu.vector_store %arg5[%swap3A_1989, %swap3A_1990], %swap3A_1993 {strides = array<i32>} : memref<32x512xf32, #tpu.memory_space<vmem>>, vector<1x16xf32>,
    %swap3A_1994 = arith.constant 7 : i32
    %swap3A_1995 = arith.index_cast %swap3A_1994 : i32 to index
    %swap3A_1996 = arith.constant 416 : index
    %swap3A_1997 = tpu.vector_load %arg5[%swap3A_1995, %swap3A_1996] {strides = array<i32>} : memref<32x512xf32, #tpu.memory_space<vmem>>, vector<1x16xf32>,
    %swap3A_1998 = vector.shape_cast %swap3A_1997 : vector<1x16xf32> to vector<16xf32>
    %swap3A_1999 = vector.shape_cast %get3A_1951 : vector<16xf32> to vector<1x16xf32>
    tpu.vector_store %arg5[%swap3A_1995, %swap3A_1996], %swap3A_1999 {strides = array<i32>} : memref<32x512xf32, #tpu.memory_space<vmem>>, vector<1x16xf32>,
    %swap3A_2000 = arith.constant 8 : i32
    %swap3A_2001 = arith.index_cast %swap3A_2000 : i32 to index
    %swap3A_2002 = arith.constant 416 : index
    %swap3A_2003 = tpu.vector_load %arg5[%swap3A_2001, %swap3A_2002] {strides = array<i32>} : memref<32x512xf32, #tpu.memory_space<vmem>>, vector<1x16xf32>,
    %swap3A_2004 = vector.shape_cast %swap3A_2003 : vector<1x16xf32> to vector<16xf32>
    %swap3A_2005 = vector.shape_cast %get3A_1951 : vector<16xf32> to vector<1x16xf32>
    tpu.vector_store %arg5[%swap3A_2001, %swap3A_2002], %swap3A_2005 {strides = array<i32>} : memref<32x512xf32, #tpu.memory_space<vmem>>, vector<1x16xf32>,
    %swap3A_2006 = arith.constant 9 : i32
    %swap3A_2007 = arith.index_cast %swap3A_2006 : i32 to index
    %swap3A_2008 = arith.constant 416 : index
    %swap3A_2009 = tpu.vector_load %arg5[%swap3A_2007, %swap3A_2008] {strides = array<i32>} : memref<32x512xf32, #tpu.memory_space<vmem>>, vector<1x16xf32>,
    %swap3A_2010 = vector.shape_cast %swap3A_2009 : vector<1x16xf32> to vector<16xf32>
    %swap3A_2011 = vector.shape_cast %get3A_1951 : vector<16xf32> to vector<1x16xf32>
    tpu.vector_store %arg5[%swap3A_2007, %swap3A_2008], %swap3A_2011 {strides = array<i32>} : memref<32x512xf32, #tpu.memory_space<vmem>>, vector<1x16xf32>,
    %swap3A_2012 = arith.constant 10 : i32
    %swap3A_2013 = arith.index_cast %swap3A_2012 : i32 to index
    %swap3A_2014 = arith.constant 416 : index
    %swap3A_2015 = tpu.vector_load %arg5[%swap3A_2013, %swap3A_2014] {strides = array<i32>} : memref<32x512xf32, #tpu.memory_space<vmem>>, vector<1x16xf32>,
    %swap3A_2016 = vector.shape_cast %swap3A_2015 : vector<1x16xf32> to vector<16xf32>
    %swap3A_2017 = vector.shape_cast %get3A_1951 : vector<16xf32> to vector<1x16xf32>
    tpu.vector_store %arg5[%swap3A_2013, %swap3A_2014], %swap3A_2017 {strides = array<i32>} : memref<32x512xf32, #tpu.memory_space<vmem>>, vector<1x16xf32>,
    %swap3A_2018 = arith.constant 11 : i32
    %swap3A_2019 = arith.index_cast %swap3A_2018 : i32 to index
    %swap3A_2020 = arith.constant 416 : index
    %swap3A_2021 = tpu.vector_load %arg5[%swap3A_2019, %swap3A_2020] {strides = array<i32>} : memref<32x512xf32, #tpu.memory_space<vmem>>, vector<1x16xf32>,
    %swap3A_2022 = vector.shape_cast %swap3A_2021 : vector<1x16xf32> to vector<16xf32>
    %swap3A_2023 = vector.shape_cast %get3A_1951 : vector<16xf32> to vector<1x16xf32>
    tpu.vector_store %arg5[%swap3A_2019, %swap3A_2020], %swap3A_2023 {strides = array<i32>} : memref<32x512xf32, #tpu.memory_space<vmem>>, vector<1x16xf32>,
    %swap3A_2024 = arith.constant 12 : i32
    %swap3A_2025 = arith.index_cast %swap3A_2024 : i32 to index
    %swap3A_2026 = arith.constant 416 : index
    %swap3A_2027 = tpu.vector_load %arg5[%swap3A_2025, %swap3A_2026] {strides = array<i32>} : memref<32x512xf32, #tpu.memory_space<vmem>>, vector<1x16xf32>,
    %swap3A_2028 = vector.shape_cast %swap3A_2027 : vector<1x16xf32> to vector<16xf32>
    %swap3A_2029 = vector.shape_cast %get3A_1951 : vector<16xf32> to vector<1x16xf32>
    tpu.vector_store %arg5[%swap3A_2025, %swap3A_2026], %swap3A_2029 {strides = array<i32>} : memref<32x512xf32, #tpu.memory_space<vmem>>, vector<1x16xf32>,
    %swap3A_2030 = arith.constant 13 : i32
    %swap3A_2031 = arith.index_cast %swap3A_2030 : i32 to index
    %swap3A_2032 = arith.constant 416 : index
    %swap3A_2033 = tpu.vector_load %arg5[%swap3A_2031, %swap3A_2032] {strides = array<i32>} : memref<32x512xf32, #tpu.memory_space<vmem>>, vector<1x16xf32>,
    %swap3A_2034 = vector.shape_cast %swap3A_2033 : vector<1x16xf32> to vector<16xf32>
    %swap3A_2035 = vector.shape_cast %get3A_1951 : vector<16xf32> to vector<1x16xf32>
    tpu.vector_store %arg5[%swap3A_2031, %swap3A_2032], %swap3A_2035 {strides = array<i32>} : memref<32x512xf32, #tpu.memory_space<vmem>>, vector<1x16xf32>,
    %swap3A_2036 = arith.constant 14 : i32
    %swap3A_2037 = arith.index_cast %swap3A_2036 : i32 to index
    %swap3A_2038 = arith.constant 416 : index
    %swap3A_2039 = tpu.vector_load %arg5[%swap3A_2037, %swap3A_2038] {strides = array<i32>} : memref<32x512xf32, #tpu.memory_space<vmem>>, vector<1x16xf32>,
    %swap3A_2040 = vector.shape_cast %swap3A_2039 : vector<1x16xf32> to vector<16xf32>
    %swap3A_2041 = vector.shape_cast %get3A_1951 : vector<16xf32> to vector<1x16xf32>
    tpu.vector_store %arg5[%swap3A_2037, %swap3A_2038], %swap3A_2041 {strides = array<i32>} : memref<32x512xf32, #tpu.memory_space<vmem>>, vector<1x16xf32>,
    %swap3A_2042 = arith.constant 15 : i32
    %swap3A_2043 = arith.index_cast %swap3A_2042 : i32 to index
    %swap3A_2044 = arith.constant 416 : index
    %swap3A_2045 = tpu.vector_load %arg5[%swap3A_2043, %swap3A_2044] {strides = array<i32>} : memref<32x512xf32, #tpu.memory_space<vmem>>, vector<1x16xf32>,
    %swap3A_2046 = vector.shape_cast %swap3A_2045 : vector<1x16xf32> to vector<16xf32>
    %swap3A_2047 = vector.shape_cast %get3A_1951 : vector<16xf32> to vector<1x16xf32>
    tpu.vector_store %arg5[%swap3A_2043, %swap3A_2044], %swap3A_2047 {strides = array<i32>} : memref<32x512xf32, #tpu.memory_space<vmem>>, vector<1x16xf32>,
    %swap3A_2048 = arith.constant 16 : i32
    %swap3A_2049 = arith.index_cast %swap3A_2048 : i32 to index
    %swap3A_2050 = arith.constant 416 : index
    %swap3A_2051 = tpu.vector_load %arg5[%swap3A_2049, %swap3A_2050] {strides = array<i32>} : memref<32x512xf32, #tpu.memory_space<vmem>>, vector<1x16xf32>,
    %swap3A_2052 = vector.shape_cast %swap3A_2051 : vector<1x16xf32> to vector<16xf32>
    %swap3A_2053 = vector.shape_cast %get3A_1951 : vector<16xf32> to vector<1x16xf32>
    tpu.vector_store %arg5[%swap3A_2049, %swap3A_2050], %swap3A_2053 {strides = array<i32>} : memref<32x512xf32, #tpu.memory_space<vmem>>, vector<1x16xf32>,
    %swap3A_2054 = arith.constant 17 : i32
    %swap3A_2055 = arith.index_cast %swap3A_2054 : i32 to index
    %swap3A_2056 = arith.constant 416 : index
    %swap3A_2057 = tpu.vector_load %arg5[%swap3A_2055, %swap3A_2056] {strides = array<i32>} : memref<32x512xf32, #tpu.memory_space<vmem>>, vector<1x16xf32>,
    %swap3A_2058 = vector.shape_cast %swap3A_2057 : vector<1x16xf32> to vector<16xf32>
    %swap3A_2059 = vector.shape_cast %get3A_1951 : vector<16xf32> to vector<1x16xf32>
    tpu.vector_store %arg5[%swap3A_2055, %swap3A_2056], %swap3A_2059 {strides = array<i32>} : memref<32x512xf32, #tpu.memory_space<vmem>>, vector<1x16xf32>,
    %swap3A_2060 = arith.constant 18 : i32
    %swap3A_2061 = arith.index_cast %swap3A_2060 : i32 to index
    %swap3A_2062 = arith.constant 416 : index
    %swap3A_2063 = tpu.vector_load %arg5[%swap3A_2061, %swap3A_2062] {strides = array<i32>} : memref<32x512xf32, #tpu.memory_space<vmem>>, vector<1x16xf32>,
    %swap3A_2064 = vector.shape_cast %swap3A_2063 : vector<1x16xf32> to vector<16xf32>
    %swap3A_2065 = vector.shape_cast %get3A_1951 : vector<16xf32> to vector<1x16xf32>
    tpu.vector_store %arg5[%swap3A_2061, %swap3A_2062], %swap3A_2065 {strides = array<i32>} : memref<32x512xf32, #tpu.memory_space<vmem>>, vector<1x16xf32>,
    %swap3A_2066 = arith.constant 19 : i32
    %swap3A_2067 = arith.index_cast %swap3A_2066 : i32 to index
    %swap3A_2068 = arith.constant 416 : index
    %swap3A_2069 = tpu.vector_load %arg5[%swap3A_2067, %swap3A_2068] {strides = array<i32>} : memref<32x512xf32, #tpu.memory_space<vmem>>, vector<1x16xf32>,
    %swap3A_2070 = vector.shape_cast %swap3A_2069 : vector<1x16xf32> to vector<16xf32>
    %swap3A_2071 = vector.shape_cast %get3A_1951 : vector<16xf32> to vector<1x16xf32>
    tpu.vector_store %arg5[%swap3A_2067, %swap3A_2068], %swap3A_2071 {strides = array<i32>} : memref<32x512xf32, #tpu.memory_space<vmem>>, vector<1x16xf32>,
    %swap3A_2072 = arith.constant 20 : i32
    %swap3A_2073 = arith.index_cast %swap3A_2072 : i32 to index
    %swap3A_2074 = arith.constant 416 : index
    %swap3A_2075 = tpu.vector_load %arg5[%swap3A_2073, %swap3A_2074] {strides = array<i32>} : memref<32x512xf32, #tpu.memory_space<vmem>>, vector<1x16xf32>,
    %swap3A_2076 = vector.shape_cast %swap3A_2075 : vector<1x16xf32> to vector<16xf32>
    %swap3A_2077 = vector.shape_cast %get3A_1951 : vector<16xf32> to vector<1x16xf32>
    tpu.vector_store %arg5[%swap3A_2073, %swap3A_2074], %swap3A_2077 {strides = array<i32>} : memref<32x512xf32, #tpu.memory_space<vmem>>, vector<1x16xf32>,
    %swap3A_2078 = arith.constant 21 : i32
    %swap3A_2079 = arith.index_cast %swap3A_2078 : i32 to index
    %swap3A_2080 = arith.constant 416 : index
    %swap3A_2081 = tpu.vector_load %arg5[%swap3A_2079, %swap3A_2080] {strides = array<i32>} : memref<32x512xf32, #tpu.memory_space<vmem>>, vector<1x16xf32>,
    %swap3A_2082 = vector.shape_cast %swap3A_2081 : vector<1x16xf32> to vector<16xf32>
    %swap3A_2083 = vector.shape_cast %get3A_1951 : vector<16xf32> to vector<1x16xf32>
    tpu.vector_store %arg5[%swap3A_2079, %swap3A_2080], %swap3A_2083 {strides = array<i32>} : memref<32x512xf32, #tpu.memory_space<vmem>>, vector<1x16xf32>,
    %swap3A_2084 = arith.constant 22 : i32
    %swap3A_2085 = arith.index_cast %swap3A_2084 : i32 to index
    %swap3A_2086 = arith.constant 416 : index
    %swap3A_2087 = tpu.vector_load %arg5[%swap3A_2085, %swap3A_2086] {strides = array<i32>} : memref<32x512xf32, #tpu.memory_space<vmem>>, vector<1x16xf32>,
    %swap3A_2088 = vector.shape_cast %swap3A_2087 : vector<1x16xf32> to vector<16xf32>
    %swap3A_2089 = vector.shape_cast %get3A_1951 : vector<16xf32> to vector<1x16xf32>
    tpu.vector_store %arg5[%swap3A_2085, %swap3A_2086], %swap3A_2089 {strides = array<i32>} : memref<32x512xf32, #tpu.memory_space<vmem>>, vector<1x16xf32>,
    %swap3A_2090 = arith.constant 23 : i32
    %swap3A_2091 = arith.index_cast %swap3A_2090 : i32 to index
    %swap3A_2092 = arith.constant 416 : index
    %swap3A_2093 = tpu.vector_load %arg5[%swap3A_2091, %swap3A_2092] {strides = array<i32>} : memref<32x512xf32, #tpu.memory_space<vmem>>, vector<1x16xf32>,
    %swap3A_2094 = vector.shape_cast %swap3A_2093 : vector<1x16xf32> to vector<16xf32>
    %swap3A_2095 = vector.shape_cast %get3A_1951 : vector<16xf32> to vector<1x16xf32>
    tpu.vector_store %arg5[%swap3A_2091, %swap3A_2092], %swap3A_2095 {strides = array<i32>} : memref<32x512xf32, #tpu.memory_space<vmem>>, vector<1x16xf32>,
    %swap3A_2096 = arith.constant 24 : i32
    %swap3A_2097 = arith.index_cast %swap3A_2096 : i32 to index
    %swap3A_2098 = arith.constant 416 : index
    %swap3A_2099 = tpu.vector_load %arg5[%swap3A_2097, %swap3A_2098] {strides = array<i32>} : memref<32x512xf32, #tpu.memory_space<vmem>>, vector<1x16xf32>,
    %swap3A_2100 = vector.shape_cast %swap3A_2099 : vector<1x16xf32> to vector<16xf32>
    %swap3A_2101 = vector.shape_cast %get3A_1951 : vector<16xf32> to vector<1x16xf32>
    tpu.vector_store %arg5[%swap3A_2097, %swap3A_2098], %swap3A_2101 {strides = array<i32>} : memref<32x512xf32, #tpu.memory_space<vmem>>, vector<1x16xf32>,
    %swap3A_2102 = arith.constant 25 : i32
    %swap3A_2103 = arith.index_cast %swap3A_2102 : i32 to index
    %swap3A_2104 = arith.constant 416 : index
    %swap3A_2105 = tpu.vector_load %arg5[%swap3A_2103, %swap3A_2104] {strides = array<i32>} : memref<32x512xf32, #tpu.memory_space<vmem>>, vector<1x16xf32>,
    %swap3A_2106 = vector.shape_cast %swap3A_2105 : vector<1x16xf32> to vector<16xf32>
    %swap3A_2107 = vector.shape_cast %get3A_1951 : vector<16xf32> to vector<1x16xf32>
    tpu.vector_store %arg5[%swap3A_2103, %swap3A_2104], %swap3A_2107 {strides = array<i32>} : memref<32x512xf32, #tpu.memory_space<vmem>>, vector<1x16xf32>,
    %swap3A_2108 = arith.constant 26 : i32
    %swap3A_2109 = arith.index_cast %swap3A_2108 : i32 to index
    %swap3A_2110 = arith.constant 416 : index
    %swap3A_2111 = tpu.vector_load %arg5[%swap3A_2109, %swap3A_2110] {strides = array<i32>} : memref<32x512xf32, #tpu.memory_space<vmem>>, vector<1x16xf32>,
    %swap3A_2112 = vector.shape_cast %swap3A_2111 : vector<1x16xf32> to vector<16xf32>
    %swap3A_2113 = vector.shape_cast %get3A_1951 : vector<16xf32> to vector<1x16xf32>
    tpu.vector_store %arg5[%swap3A_2109, %swap3A_2110], %swap3A_2113 {strides = array<i32>} : memref<32x512xf32, #tpu.memory_space<vmem>>, vector<1x16xf32>,
    %swap3A_2114 = arith.constant 27 : i32
    %swap3A_2115 = arith.index_cast %swap3A_2114 : i32 to index
    %swap3A_2116 = arith.constant 416 : index
    %swap3A_2117 = tpu.vector_load %arg5[%swap3A_2115, %swap3A_2116] {strides = array<i32>} : memref<32x512xf32, #tpu.memory_space<vmem>>, vector<1x16xf32>,
    %swap3A_2118 = vector.shape_cast %swap3A_2117 : vector<1x16xf32> to vector<16xf32>
    %swap3A_2119 = vector.shape_cast %get3A_1951 : vector<16xf32> to vector<1x16xf32>
    tpu.vector_store %arg5[%swap3A_2115, %swap3A_2116], %swap3A_2119 {strides = array<i32>} : memref<32x512xf32, #tpu.memory_space<vmem>>, vector<1x16xf32>,
    %swap3A_2120 = arith.constant 28 : i32
    %swap3A_2121 = arith.index_cast %swap3A_2120 : i32 to index
    %swap3A_2122 = arith.constant 416 : index
    %swap3A_2123 = tpu.vector_load %arg5[%swap3A_2121, %swap3A_2122] {strides = array<i32>} : memref<32x512xf32, #tpu.memory_space<vmem>>, vector<1x16xf32>,
    %swap3A_2124 = vector.shape_cast %swap3A_2123 : vector<1x16xf32> to vector<16xf32>
    %swap3A_2125 = vector.shape_cast %get3A_1951 : vector<16xf32> to vector<1x16xf32>
    tpu.vector_store %arg5[%swap3A_2121, %swap3A_2122], %swap3A_2125 {strides = array<i32>} : memref<32x512xf32, #tpu.memory_space<vmem>>, vector<1x16xf32>,
    %swap3A_2126 = arith.constant 29 : i32
    %swap3A_2127 = arith.index_cast %swap3A_2126 : i32 to index
    %swap3A_2128 = arith.constant 416 : index
    %swap3A_2129 = tpu.vector_load %arg5[%swap3A_2127, %swap3A_2128] {strides = array<i32>} : memref<32x512xf32, #tpu.memory_space<vmem>>, vector<1x16xf32>,
    %swap3A_2130 = vector.shape_cast %swap3A_2129 : vector<1x16xf32> to vector<16xf32>
    %swap3A_2131 = vector.shape_cast %get3A_1951 : vector<16xf32> to vector<1x16xf32>
    tpu.vector_store %arg5[%swap3A_2127, %swap3A_2128], %swap3A_2131 {strides = array<i32>} : memref<32x512xf32, #tpu.memory_space<vmem>>, vector<1x16xf32>,
    %swap3A_2132 = arith.constant 30 : i32
    %swap3A_2133 = arith.index_cast %swap3A_2132 : i32 to index
    %swap3A_2134 = arith.constant 416 : index
    %swap3A_2135 = tpu.vector_load %arg5[%swap3A_2133, %swap3A_2134] {strides = array<i32>} : memref<32x512xf32, #tpu.memory_space<vmem>>, vector<1x16xf32>,
    %swap3A_2136 = vector.shape_cast %swap3A_2135 : vector<1x16xf32> to vector<16xf32>
    %swap3A_2137 = vector.shape_cast %get3A_1951 : vector<16xf32> to vector<1x16xf32>
    tpu.vector_store %arg5[%swap3A_2133, %swap3A_2134], %swap3A_2137 {strides = array<i32>} : memref<32x512xf32, #tpu.memory_space<vmem>>, vector<1x16xf32>,
    %swap3A_2138 = arith.constant 31 : i32
    %swap3A_2139 = arith.index_cast %swap3A_2138 : i32 to index
    %swap3A_2140 = arith.constant 416 : index
    %swap3A_2141 = tpu.vector_load %arg5[%swap3A_2139, %swap3A_2140] {strides = array<i32>} : memref<32x512xf32, #tpu.memory_space<vmem>>, vector<1x16xf32>,
    %swap3A_2142 = vector.shape_cast %swap3A_2141 : vector<1x16xf32> to vector<16xf32>
    %swap3A_2143 = vector.shape_cast %get3A_1951 : vector<16xf32> to vector<1x16xf32>
    tpu.vector_store %arg5[%swap3A_2139, %swap3A_2140], %swap3A_2143 {strides = array<i32>} : memref<32x512xf32, #tpu.memory_space<vmem>>, vector<1x16xf32>,
    %get3A_2144 = arith.constant 176 : index
    %get3A_2145 = tpu.vector_load %arg6[%get3A_2144] {strides = array<i32>} : memref<256xf32, #tpu.memory_space<vmem>>, vector<16xf32>,
    %get3A_2146 = vector.shape_cast %get3A_2145 : vector<16xf32> to vector<16xf32>
    %swap3A_2147 = arith.constant 0 : i32
    %swap3A_2148 = arith.index_cast %swap3A_2147 : i32 to index
    %swap3A_2149 = arith.constant 432 : index
    %swap3A_2150 = tpu.vector_load %arg5[%swap3A_2148, %swap3A_2149] {strides = array<i32>} : memref<32x512xf32, #tpu.memory_space<vmem>>, vector<1x16xf32>,
    %swap3A_2151 = vector.shape_cast %swap3A_2150 : vector<1x16xf32> to vector<16xf32>
    %swap3A_2152 = vector.shape_cast %get3A_2146 : vector<16xf32> to vector<1x16xf32>
    tpu.vector_store %arg5[%swap3A_2148, %swap3A_2149], %swap3A_2152 {strides = array<i32>} : memref<32x512xf32, #tpu.memory_space<vmem>>, vector<1x16xf32>,
    %swap3A_2153 = arith.constant 1 : i32
    %swap3A_2154 = arith.index_cast %swap3A_2153 : i32 to index
    %swap3A_2155 = arith.constant 432 : index
    %swap3A_2156 = tpu.vector_load %arg5[%swap3A_2154, %swap3A_2155] {strides = array<i32>} : memref<32x512xf32, #tpu.memory_space<vmem>>, vector<1x16xf32>,
    %swap3A_2157 = vector.shape_cast %swap3A_2156 : vector<1x16xf32> to vector<16xf32>
    %swap3A_2158 = vector.shape_cast %get3A_2146 : vector<16xf32> to vector<1x16xf32>
    tpu.vector_store %arg5[%swap3A_2154, %swap3A_2155], %swap3A_2158 {strides = array<i32>} : memref<32x512xf32, #tpu.memory_space<vmem>>, vector<1x16xf32>,
    %swap3A_2159 = arith.constant 2 : i32
    %swap3A_2160 = arith.index_cast %swap3A_2159 : i32 to index
    %swap3A_2161 = arith.constant 432 : index
    %swap3A_2162 = tpu.vector_load %arg5[%swap3A_2160, %swap3A_2161] {strides = array<i32>} : memref<32x512xf32, #tpu.memory_space<vmem>>, vector<1x16xf32>,
    %swap3A_2163 = vector.shape_cast %swap3A_2162 : vector<1x16xf32> to vector<16xf32>
    %swap3A_2164 = vector.shape_cast %get3A_2146 : vector<16xf32> to vector<1x16xf32>
    tpu.vector_store %arg5[%swap3A_2160, %swap3A_2161], %swap3A_2164 {strides = array<i32>} : memref<32x512xf32, #tpu.memory_space<vmem>>, vector<1x16xf32>,
    %swap3A_2165 = arith.constant 3 : i32
    %swap3A_2166 = arith.index_cast %swap3A_2165 : i32 to index
    %swap3A_2167 = arith.constant 432 : index
    %swap3A_2168 = tpu.vector_load %arg5[%swap3A_2166, %swap3A_2167] {strides = array<i32>} : memref<32x512xf32, #tpu.memory_space<vmem>>, vector<1x16xf32>,
    %swap3A_2169 = vector.shape_cast %swap3A_2168 : vector<1x16xf32> to vector<16xf32>
    %swap3A_2170 = vector.shape_cast %get3A_2146 : vector<16xf32> to vector<1x16xf32>
    tpu.vector_store %arg5[%swap3A_2166, %swap3A_2167], %swap3A_2170 {strides = array<i32>} : memref<32x512xf32, #tpu.memory_space<vmem>>, vector<1x16xf32>,
    %swap3A_2171 = arith.constant 4 : i32
    %swap3A_2172 = arith.index_cast %swap3A_2171 : i32 to index
    %swap3A_2173 = arith.constant 432 : index
    %swap3A_2174 = tpu.vector_load %arg5[%swap3A_2172, %swap3A_2173] {strides = array<i32>} : memref<32x512xf32, #tpu.memory_space<vmem>>, vector<1x16xf32>,
    %swap3A_2175 = vector.shape_cast %swap3A_2174 : vector<1x16xf32> to vector<16xf32>
    %swap3A_2176 = vector.shape_cast %get3A_2146 : vector<16xf32> to vector<1x16xf32>
    tpu.vector_store %arg5[%swap3A_2172, %swap3A_2173], %swap3A_2176 {strides = array<i32>} : memref<32x512xf32, #tpu.memory_space<vmem>>, vector<1x16xf32>,
    %swap3A_2177 = arith.constant 5 : i32
    %swap3A_2178 = arith.index_cast %swap3A_2177 : i32 to index
    %swap3A_2179 = arith.constant 432 : index
    %swap3A_2180 = tpu.vector_load %arg5[%swap3A_2178, %swap3A_2179] {strides = array<i32>} : memref<32x512xf32, #tpu.memory_space<vmem>>, vector<1x16xf32>,
    %swap3A_2181 = vector.shape_cast %swap3A_2180 : vector<1x16xf32> to vector<16xf32>
    %swap3A_2182 = vector.shape_cast %get3A_2146 : vector<16xf32> to vector<1x16xf32>
    tpu.vector_store %arg5[%swap3A_2178, %swap3A_2179], %swap3A_2182 {strides = array<i32>} : memref<32x512xf32, #tpu.memory_space<vmem>>, vector<1x16xf32>,
    %swap3A_2183 = arith.constant 6 : i32
    %swap3A_2184 = arith.index_cast %swap3A_2183 : i32 to index
    %swap3A_2185 = arith.constant 432 : index
    %swap3A_2186 = tpu.vector_load %arg5[%swap3A_2184, %swap3A_2185] {strides = array<i32>} : memref<32x512xf32, #tpu.memory_space<vmem>>, vector<1x16xf32>,
    %swap3A_2187 = vector.shape_cast %swap3A_2186 : vector<1x16xf32> to vector<16xf32>
    %swap3A_2188 = vector.shape_cast %get3A_2146 : vector<16xf32> to vector<1x16xf32>
    tpu.vector_store %arg5[%swap3A_2184, %swap3A_2185], %swap3A_2188 {strides = array<i32>} : memref<32x512xf32, #tpu.memory_space<vmem>>, vector<1x16xf32>,
    %swap3A_2189 = arith.constant 7 : i32
    %swap3A_2190 = arith.index_cast %swap3A_2189 : i32 to index
    %swap3A_2191 = arith.constant 432 : index
    %swap3A_2192 = tpu.vector_load %arg5[%swap3A_2190, %swap3A_2191] {strides = array<i32>} : memref<32x512xf32, #tpu.memory_space<vmem>>, vector<1x16xf32>,
    %swap3A_2193 = vector.shape_cast %swap3A_2192 : vector<1x16xf32> to vector<16xf32>
    %swap3A_2194 = vector.shape_cast %get3A_2146 : vector<16xf32> to vector<1x16xf32>
    tpu.vector_store %arg5[%swap3A_2190, %swap3A_2191], %swap3A_2194 {strides = array<i32>} : memref<32x512xf32, #tpu.memory_space<vmem>>, vector<1x16xf32>,
    %swap3A_2195 = arith.constant 8 : i32
    %swap3A_2196 = arith.index_cast %swap3A_2195 : i32 to index
    %swap3A_2197 = arith.constant 432 : index
    %swap3A_2198 = tpu.vector_load %arg5[%swap3A_2196, %swap3A_2197] {strides = array<i32>} : memref<32x512xf32, #tpu.memory_space<vmem>>, vector<1x16xf32>,
    %swap3A_2199 = vector.shape_cast %swap3A_2198 : vector<1x16xf32> to vector<16xf32>
    %swap3A_2200 = vector.shape_cast %get3A_2146 : vector<16xf32> to vector<1x16xf32>
    tpu.vector_store %arg5[%swap3A_2196, %swap3A_2197], %swap3A_2200 {strides = array<i32>} : memref<32x512xf32, #tpu.memory_space<vmem>>, vector<1x16xf32>,
    %swap3A_2201 = arith.constant 9 : i32
    %swap3A_2202 = arith.index_cast %swap3A_2201 : i32 to index
    %swap3A_2203 = arith.constant 432 : index
    %swap3A_2204 = tpu.vector_load %arg5[%swap3A_2202, %swap3A_2203] {strides = array<i32>} : memref<32x512xf32, #tpu.memory_space<vmem>>, vector<1x16xf32>,
    %swap3A_2205 = vector.shape_cast %swap3A_2204 : vector<1x16xf32> to vector<16xf32>
    %swap3A_2206 = vector.shape_cast %get3A_2146 : vector<16xf32> to vector<1x16xf32>
    tpu.vector_store %arg5[%swap3A_2202, %swap3A_2203], %swap3A_2206 {strides = array<i32>} : memref<32x512xf32, #tpu.memory_space<vmem>>, vector<1x16xf32>,
    %swap3A_2207 = arith.constant 10 : i32
    %swap3A_2208 = arith.index_cast %swap3A_2207 : i32 to index
    %swap3A_2209 = arith.constant 432 : index
    %swap3A_2210 = tpu.vector_load %arg5[%swap3A_2208, %swap3A_2209] {strides = array<i32>} : memref<32x512xf32, #tpu.memory_space<vmem>>, vector<1x16xf32>,
    %swap3A_2211 = vector.shape_cast %swap3A_2210 : vector<1x16xf32> to vector<16xf32>
    %swap3A_2212 = vector.shape_cast %get3A_2146 : vector<16xf32> to vector<1x16xf32>
    tpu.vector_store %arg5[%swap3A_2208, %swap3A_2209], %swap3A_2212 {strides = array<i32>} : memref<32x512xf32, #tpu.memory_space<vmem>>, vector<1x16xf32>,
    %swap3A_2213 = arith.constant 11 : i32
    %swap3A_2214 = arith.index_cast %swap3A_2213 : i32 to index
    %swap3A_2215 = arith.constant 432 : index
    %swap3A_2216 = tpu.vector_load %arg5[%swap3A_2214, %swap3A_2215] {strides = array<i32>} : memref<32x512xf32, #tpu.memory_space<vmem>>, vector<1x16xf32>,
    %swap3A_2217 = vector.shape_cast %swap3A_2216 : vector<1x16xf32> to vector<16xf32>
    %swap3A_2218 = vector.shape_cast %get3A_2146 : vector<16xf32> to vector<1x16xf32>
    tpu.vector_store %arg5[%swap3A_2214, %swap3A_2215], %swap3A_2218 {strides = array<i32>} : memref<32x512xf32, #tpu.memory_space<vmem>>, vector<1x16xf32>,
    %swap3A_2219 = arith.constant 12 : i32
    %swap3A_2220 = arith.index_cast %swap3A_2219 : i32 to index
    %swap3A_2221 = arith.constant 432 : index
    %swap3A_2222 = tpu.vector_load %arg5[%swap3A_2220, %swap3A_2221] {strides = array<i32>} : memref<32x512xf32, #tpu.memory_space<vmem>>, vector<1x16xf32>,
    %swap3A_2223 = vector.shape_cast %swap3A_2222 : vector<1x16xf32> to vector<16xf32>
    %swap3A_2224 = vector.shape_cast %get3A_2146 : vector<16xf32> to vector<1x16xf32>
    tpu.vector_store %arg5[%swap3A_2220, %swap3A_2221], %swap3A_2224 {strides = array<i32>} : memref<32x512xf32, #tpu.memory_space<vmem>>, vector<1x16xf32>,
    %swap3A_2225 = arith.constant 13 : i32
    %swap3A_2226 = arith.index_cast %swap3A_2225 : i32 to index
    %swap3A_2227 = arith.constant 432 : index
    %swap3A_2228 = tpu.vector_load %arg5[%swap3A_2226, %swap3A_2227] {strides = array<i32>} : memref<32x512xf32, #tpu.memory_space<vmem>>, vector<1x16xf32>,
    %swap3A_2229 = vector.shape_cast %swap3A_2228 : vector<1x16xf32> to vector<16xf32>
    %swap3A_2230 = vector.shape_cast %get3A_2146 : vector<16xf32> to vector<1x16xf32>
    tpu.vector_store %arg5[%swap3A_2226, %swap3A_2227], %swap3A_2230 {strides = array<i32>} : memref<32x512xf32, #tpu.memory_space<vmem>>, vector<1x16xf32>,
    %swap3A_2231 = arith.constant 14 : i32
    %swap3A_2232 = arith.index_cast %swap3A_2231 : i32 to index
    %swap3A_2233 = arith.constant 432 : index
    %swap3A_2234 = tpu.vector_load %arg5[%swap3A_2232, %swap3A_2233] {strides = array<i32>} : memref<32x512xf32, #tpu.memory_space<vmem>>, vector<1x16xf32>,
    %swap3A_2235 = vector.shape_cast %swap3A_2234 : vector<1x16xf32> to vector<16xf32>
    %swap3A_2236 = vector.shape_cast %get3A_2146 : vector<16xf32> to vector<1x16xf32>
    tpu.vector_store %arg5[%swap3A_2232, %swap3A_2233], %swap3A_2236 {strides = array<i32>} : memref<32x512xf32, #tpu.memory_space<vmem>>, vector<1x16xf32>,
    %swap3A_2237 = arith.constant 15 : i32
    %swap3A_2238 = arith.index_cast %swap3A_2237 : i32 to index
    %swap3A_2239 = arith.constant 432 : index
    %swap3A_2240 = tpu.vector_load %arg5[%swap3A_2238, %swap3A_2239] {strides = array<i32>} : memref<32x512xf32, #tpu.memory_space<vmem>>, vector<1x16xf32>,
    %swap3A_2241 = vector.shape_cast %swap3A_2240 : vector<1x16xf32> to vector<16xf32>
    %swap3A_2242 = vector.shape_cast %get3A_2146 : vector<16xf32> to vector<1x16xf32>
    tpu.vector_store %arg5[%swap3A_2238, %swap3A_2239], %swap3A_2242 {strides = array<i32>} : memref<32x512xf32, #tpu.memory_space<vmem>>, vector<1x16xf32>,
    %swap3A_2243 = arith.constant 16 : i32
    %swap3A_2244 = arith.index_cast %swap3A_2243 : i32 to index
    %swap3A_2245 = arith.constant 432 : index
    %swap3A_2246 = tpu.vector_load %arg5[%swap3A_2244, %swap3A_2245] {strides = array<i32>} : memref<32x512xf32, #tpu.memory_space<vmem>>, vector<1x16xf32>,
    %swap3A_2247 = vector.shape_cast %swap3A_2246 : vector<1x16xf32> to vector<16xf32>
    %swap3A_2248 = vector.shape_cast %get3A_2146 : vector<16xf32> to vector<1x16xf32>
    tpu.vector_store %arg5[%swap3A_2244, %swap3A_2245], %swap3A_2248 {strides = array<i32>} : memref<32x512xf32, #tpu.memory_space<vmem>>, vector<1x16xf32>,
    %swap3A_2249 = arith.constant 17 : i32
    %swap3A_2250 = arith.index_cast %swap3A_2249 : i32 to index
    %swap3A_2251 = arith.constant 432 : index
    %swap3A_2252 = tpu.vector_load %arg5[%swap3A_2250, %swap3A_2251] {strides = array<i32>} : memref<32x512xf32, #tpu.memory_space<vmem>>, vector<1x16xf32>,
    %swap3A_2253 = vector.shape_cast %swap3A_2252 : vector<1x16xf32> to vector<16xf32>
    %swap3A_2254 = vector.shape_cast %get3A_2146 : vector<16xf32> to vector<1x16xf32>
    tpu.vector_store %arg5[%swap3A_2250, %swap3A_2251], %swap3A_2254 {strides = array<i32>} : memref<32x512xf32, #tpu.memory_space<vmem>>, vector<1x16xf32>,
    %swap3A_2255 = arith.constant 18 : i32
    %swap3A_2256 = arith.index_cast %swap3A_2255 : i32 to index
    %swap3A_2257 = arith.constant 432 : index
    %swap3A_2258 = tpu.vector_load %arg5[%swap3A_2256, %swap3A_2257] {strides = array<i32>} : memref<32x512xf32, #tpu.memory_space<vmem>>, vector<1x16xf32>,
    %swap3A_2259 = vector.shape_cast %swap3A_2258 : vector<1x16xf32> to vector<16xf32>
    %swap3A_2260 = vector.shape_cast %get3A_2146 : vector<16xf32> to vector<1x16xf32>
    tpu.vector_store %arg5[%swap3A_2256, %swap3A_2257], %swap3A_2260 {strides = array<i32>} : memref<32x512xf32, #tpu.memory_space<vmem>>, vector<1x16xf32>,
    %swap3A_2261 = arith.constant 19 : i32
    %swap3A_2262 = arith.index_cast %swap3A_2261 : i32 to index
    %swap3A_2263 = arith.constant 432 : index
    %swap3A_2264 = tpu.vector_load %arg5[%swap3A_2262, %swap3A_2263] {strides = array<i32>} : memref<32x512xf32, #tpu.memory_space<vmem>>, vector<1x16xf32>,
    %swap3A_2265 = vector.shape_cast %swap3A_2264 : vector<1x16xf32> to vector<16xf32>
    %swap3A_2266 = vector.shape_cast %get3A_2146 : vector<16xf32> to vector<1x16xf32>
    tpu.vector_store %arg5[%swap3A_2262, %swap3A_2263], %swap3A_2266 {strides = array<i32>} : memref<32x512xf32, #tpu.memory_space<vmem>>, vector<1x16xf32>,
    %swap3A_2267 = arith.constant 20 : i32
    %swap3A_2268 = arith.index_cast %swap3A_2267 : i32 to index
    %swap3A_2269 = arith.constant 432 : index
    %swap3A_2270 = tpu.vector_load %arg5[%swap3A_2268, %swap3A_2269] {strides = array<i32>} : memref<32x512xf32, #tpu.memory_space<vmem>>, vector<1x16xf32>,
    %swap3A_2271 = vector.shape_cast %swap3A_2270 : vector<1x16xf32> to vector<16xf32>
    %swap3A_2272 = vector.shape_cast %get3A_2146 : vector<16xf32> to vector<1x16xf32>
    tpu.vector_store %arg5[%swap3A_2268, %swap3A_2269], %swap3A_2272 {strides = array<i32>} : memref<32x512xf32, #tpu.memory_space<vmem>>, vector<1x16xf32>,
    %swap3A_2273 = arith.constant 21 : i32
    %swap3A_2274 = arith.index_cast %swap3A_2273 : i32 to index
    %swap3A_2275 = arith.constant 432 : index
    %swap3A_2276 = tpu.vector_load %arg5[%swap3A_2274, %swap3A_2275] {strides = array<i32>} : memref<32x512xf32, #tpu.memory_space<vmem>>, vector<1x16xf32>,
    %swap3A_2277 = vector.shape_cast %swap3A_2276 : vector<1x16xf32> to vector<16xf32>
    %swap3A_2278 = vector.shape_cast %get3A_2146 : vector<16xf32> to vector<1x16xf32>
    tpu.vector_store %arg5[%swap3A_2274, %swap3A_2275], %swap3A_2278 {strides = array<i32>} : memref<32x512xf32, #tpu.memory_space<vmem>>, vector<1x16xf32>,
    %swap3A_2279 = arith.constant 22 : i32
    %swap3A_2280 = arith.index_cast %swap3A_2279 : i32 to index
    %swap3A_2281 = arith.constant 432 : index
    %swap3A_2282 = tpu.vector_load %arg5[%swap3A_2280, %swap3A_2281] {strides = array<i32>} : memref<32x512xf32, #tpu.memory_space<vmem>>, vector<1x16xf32>,
    %swap3A_2283 = vector.shape_cast %swap3A_2282 : vector<1x16xf32> to vector<16xf32>
    %swap3A_2284 = vector.shape_cast %get3A_2146 : vector<16xf32> to vector<1x16xf32>
    tpu.vector_store %arg5[%swap3A_2280, %swap3A_2281], %swap3A_2284 {strides = array<i32>} : memref<32x512xf32, #tpu.memory_space<vmem>>, vector<1x16xf32>,
    %swap3A_2285 = arith.constant 23 : i32
    %swap3A_2286 = arith.index_cast %swap3A_2285 : i32 to index
    %swap3A_2287 = arith.constant 432 : index
    %swap3A_2288 = tpu.vector_load %arg5[%swap3A_2286, %swap3A_2287] {strides = array<i32>} : memref<32x512xf32, #tpu.memory_space<vmem>>, vector<1x16xf32>,
    %swap3A_2289 = vector.shape_cast %swap3A_2288 : vector<1x16xf32> to vector<16xf32>
    %swap3A_2290 = vector.shape_cast %get3A_2146 : vector<16xf32> to vector<1x16xf32>
    tpu.vector_store %arg5[%swap3A_2286, %swap3A_2287], %swap3A_2290 {strides = array<i32>} : memref<32x512xf32, #tpu.memory_space<vmem>>, vector<1x16xf32>,
    %swap3A_2291 = arith.constant 24 : i32
    %swap3A_2292 = arith.index_cast %swap3A_2291 : i32 to index
    %swap3A_2293 = arith.constant 432 : index
    %swap3A_2294 = tpu.vector_load %arg5[%swap3A_2292, %swap3A_2293] {strides = array<i32>} : memref<32x512xf32, #tpu.memory_space<vmem>>, vector<1x16xf32>,
    %swap3A_2295 = vector.shape_cast %swap3A_2294 : vector<1x16xf32> to vector<16xf32>
    %swap3A_2296 = vector.shape_cast %get3A_2146 : vector<16xf32> to vector<1x16xf32>
    tpu.vector_store %arg5[%swap3A_2292, %swap3A_2293], %swap3A_2296 {strides = array<i32>} : memref<32x512xf32, #tpu.memory_space<vmem>>, vector<1x16xf32>,
    %swap3A_2297 = arith.constant 25 : i32
    %swap3A_2298 = arith.index_cast %swap3A_2297 : i32 to index
    %swap3A_2299 = arith.constant 432 : index
    %swap3A_2300 = tpu.vector_load %arg5[%swap3A_2298, %swap3A_2299] {strides = array<i32>} : memref<32x512xf32, #tpu.memory_space<vmem>>, vector<1x16xf32>,
    %swap3A_2301 = vector.shape_cast %swap3A_2300 : vector<1x16xf32> to vector<16xf32>
    %swap3A_2302 = vector.shape_cast %get3A_2146 : vector<16xf32> to vector<1x16xf32>
    tpu.vector_store %arg5[%swap3A_2298, %swap3A_2299], %swap3A_2302 {strides = array<i32>} : memref<32x512xf32, #tpu.memory_space<vmem>>, vector<1x16xf32>,
    %swap3A_2303 = arith.constant 26 : i32
    %swap3A_2304 = arith.index_cast %swap3A_2303 : i32 to index
    %swap3A_2305 = arith.constant 432 : index
    %swap3A_2306 = tpu.vector_load %arg5[%swap3A_2304, %swap3A_2305] {strides = array<i32>} : memref<32x512xf32, #tpu.memory_space<vmem>>, vector<1x16xf32>,
    %swap3A_2307 = vector.shape_cast %swap3A_2306 : vector<1x16xf32> to vector<16xf32>
    %swap3A_2308 = vector.shape_cast %get3A_2146 : vector<16xf32> to vector<1x16xf32>
    tpu.vector_store %arg5[%swap3A_2304, %swap3A_2305], %swap3A_2308 {strides = array<i32>} : memref<32x512xf32, #tpu.memory_space<vmem>>, vector<1x16xf32>,
    %swap3A_2309 = arith.constant 27 : i32
    %swap3A_2310 = arith.index_cast %swap3A_2309 : i32 to index
    %swap3A_2311 = arith.constant 432 : index
    %swap3A_2312 = tpu.vector_load %arg5[%swap3A_2310, %swap3A_2311] {strides = array<i32>} : memref<32x512xf32, #tpu.memory_space<vmem>>, vector<1x16xf32>,
    %swap3A_2313 = vector.shape_cast %swap3A_2312 : vector<1x16xf32> to vector<16xf32>
    %swap3A_2314 = vector.shape_cast %get3A_2146 : vector<16xf32> to vector<1x16xf32>
    tpu.vector_store %arg5[%swap3A_2310, %swap3A_2311], %swap3A_2314 {strides = array<i32>} : memref<32x512xf32, #tpu.memory_space<vmem>>, vector<1x16xf32>,
    %swap3A_2315 = arith.constant 28 : i32
    %swap3A_2316 = arith.index_cast %swap3A_2315 : i32 to index
    %swap3A_2317 = arith.constant 432 : index
    %swap3A_2318 = tpu.vector_load %arg5[%swap3A_2316, %swap3A_2317] {strides = array<i32>} : memref<32x512xf32, #tpu.memory_space<vmem>>, vector<1x16xf32>,
    %swap3A_2319 = vector.shape_cast %swap3A_2318 : vector<1x16xf32> to vector<16xf32>
    %swap3A_2320 = vector.shape_cast %get3A_2146 : vector<16xf32> to vector<1x16xf32>
    tpu.vector_store %arg5[%swap3A_2316, %swap3A_2317], %swap3A_2320 {strides = array<i32>} : memref<32x512xf32, #tpu.memory_space<vmem>>, vector<1x16xf32>,
    %swap3A_2321 = arith.constant 29 : i32
    %swap3A_2322 = arith.index_cast %swap3A_2321 : i32 to index
    %swap3A_2323 = arith.constant 432 : index
    %swap3A_2324 = tpu.vector_load %arg5[%swap3A_2322, %swap3A_2323] {strides = array<i32>} : memref<32x512xf32, #tpu.memory_space<vmem>>, vector<1x16xf32>,
    %swap3A_2325 = vector.shape_cast %swap3A_2324 : vector<1x16xf32> to vector<16xf32>
    %swap3A_2326 = vector.shape_cast %get3A_2146 : vector<16xf32> to vector<1x16xf32>
    tpu.vector_store %arg5[%swap3A_2322, %swap3A_2323], %swap3A_2326 {strides = array<i32>} : memref<32x512xf32, #tpu.memory_space<vmem>>, vector<1x16xf32>,
    %swap3A_2327 = arith.constant 30 : i32
    %swap3A_2328 = arith.index_cast %swap3A_2327 : i32 to index
    %swap3A_2329 = arith.constant 432 : index
    %swap3A_2330 = tpu.vector_load %arg5[%swap3A_2328, %swap3A_2329] {strides = array<i32>} : memref<32x512xf32, #tpu.memory_space<vmem>>, vector<1x16xf32>,
    %swap3A_2331 = vector.shape_cast %swap3A_2330 : vector<1x16xf32> to vector<16xf32>
    %swap3A_2332 = vector.shape_cast %get3A_2146 : vector<16xf32> to vector<1x16xf32>
    tpu.vector_store %arg5[%swap3A_2328, %swap3A_2329], %swap3A_2332 {strides = array<i32>} : memref<32x512xf32, #tpu.memory_space<vmem>>, vector<1x16xf32>,
    %swap3A_2333 = arith.constant 31 : i32
    %swap3A_2334 = arith.index_cast %swap3A_2333 : i32 to index
    %swap3A_2335 = arith.constant 432 : index
    %swap3A_2336 = tpu.vector_load %arg5[%swap3A_2334, %swap3A_2335] {strides = array<i32>} : memref<32x512xf32, #tpu.memory_space<vmem>>, vector<1x16xf32>,
    %swap3A_2337 = vector.shape_cast %swap3A_2336 : vector<1x16xf32> to vector<16xf32>
    %swap3A_2338 = vector.shape_cast %get3A_2146 : vector<16xf32> to vector<1x16xf32>
    tpu.vector_store %arg5[%swap3A_2334, %swap3A_2335], %swap3A_2338 {strides = array<i32>} : memref<32x512xf32, #tpu.memory_space<vmem>>, vector<1x16xf32>,
    %get3A_2339 = arith.constant 192 : index
    %get3A_2340 = tpu.vector_load %arg6[%get3A_2339] {strides = array<i32>} : memref<256xf32, #tpu.memory_space<vmem>>, vector<16xf32>,
    %get3A_2341 = vector.shape_cast %get3A_2340 : vector<16xf32> to vector<16xf32>
    %swap3A_2342 = arith.constant 0 : i32
    %swap3A_2343 = arith.index_cast %swap3A_2342 : i32 to index
    %swap3A_2344 = arith.constant 448 : index
    %swap3A_2345 = tpu.vector_load %arg5[%swap3A_2343, %swap3A_2344] {strides = array<i32>} : memref<32x512xf32, #tpu.memory_space<vmem>>, vector<1x16xf32>,
    %swap3A_2346 = vector.shape_cast %swap3A_2345 : vector<1x16xf32> to vector<16xf32>
    %swap3A_2347 = vector.shape_cast %get3A_2341 : vector<16xf32> to vector<1x16xf32>
    tpu.vector_store %arg5[%swap3A_2343, %swap3A_2344], %swap3A_2347 {strides = array<i32>} : memref<32x512xf32, #tpu.memory_space<vmem>>, vector<1x16xf32>,
    %swap3A_2348 = arith.constant 1 : i32
    %swap3A_2349 = arith.index_cast %swap3A_2348 : i32 to index
    %swap3A_2350 = arith.constant 448 : index
    %swap3A_2351 = tpu.vector_load %arg5[%swap3A_2349, %swap3A_2350] {strides = array<i32>} : memref<32x512xf32, #tpu.memory_space<vmem>>, vector<1x16xf32>,
    %swap3A_2352 = vector.shape_cast %swap3A_2351 : vector<1x16xf32> to vector<16xf32>
    %swap3A_2353 = vector.shape_cast %get3A_2341 : vector<16xf32> to vector<1x16xf32>
    tpu.vector_store %arg5[%swap3A_2349, %swap3A_2350], %swap3A_2353 {strides = array<i32>} : memref<32x512xf32, #tpu.memory_space<vmem>>, vector<1x16xf32>,
    %swap3A_2354 = arith.constant 2 : i32
    %swap3A_2355 = arith.index_cast %swap3A_2354 : i32 to index
    %swap3A_2356 = arith.constant 448 : index
    %swap3A_2357 = tpu.vector_load %arg5[%swap3A_2355, %swap3A_2356] {strides = array<i32>} : memref<32x512xf32, #tpu.memory_space<vmem>>, vector<1x16xf32>,
    %swap3A_2358 = vector.shape_cast %swap3A_2357 : vector<1x16xf32> to vector<16xf32>
    %swap3A_2359 = vector.shape_cast %get3A_2341 : vector<16xf32> to vector<1x16xf32>
    tpu.vector_store %arg5[%swap3A_2355, %swap3A_2356], %swap3A_2359 {strides = array<i32>} : memref<32x512xf32, #tpu.memory_space<vmem>>, vector<1x16xf32>,
    %swap3A_2360 = arith.constant 3 : i32
    %swap3A_2361 = arith.index_cast %swap3A_2360 : i32 to index
    %swap3A_2362 = arith.constant 448 : index
    %swap3A_2363 = tpu.vector_load %arg5[%swap3A_2361, %swap3A_2362] {strides = array<i32>} : memref<32x512xf32, #tpu.memory_space<vmem>>, vector<1x16xf32>,
    %swap3A_2364 = vector.shape_cast %swap3A_2363 : vector<1x16xf32> to vector<16xf32>
    %swap3A_2365 = vector.shape_cast %get3A_2341 : vector<16xf32> to vector<1x16xf32>
    tpu.vector_store %arg5[%swap3A_2361, %swap3A_2362], %swap3A_2365 {strides = array<i32>} : memref<32x512xf32, #tpu.memory_space<vmem>>, vector<1x16xf32>,
    %swap3A_2366 = arith.constant 4 : i32
    %swap3A_2367 = arith.index_cast %swap3A_2366 : i32 to index
    %swap3A_2368 = arith.constant 448 : index
    %swap3A_2369 = tpu.vector_load %arg5[%swap3A_2367, %swap3A_2368] {strides = array<i32>} : memref<32x512xf32, #tpu.memory_space<vmem>>, vector<1x16xf32>,
    %swap3A_2370 = vector.shape_cast %swap3A_2369 : vector<1x16xf32> to vector<16xf32>
    %swap3A_2371 = vector.shape_cast %get3A_2341 : vector<16xf32> to vector<1x16xf32>
    tpu.vector_store %arg5[%swap3A_2367, %swap3A_2368], %swap3A_2371 {strides = array<i32>} : memref<32x512xf32, #tpu.memory_space<vmem>>, vector<1x16xf32>,
    %swap3A_2372 = arith.constant 5 : i32
    %swap3A_2373 = arith.index_cast %swap3A_2372 : i32 to index
    %swap3A_2374 = arith.constant 448 : index
    %swap3A_2375 = tpu.vector_load %arg5[%swap3A_2373, %swap3A_2374] {strides = array<i32>} : memref<32x512xf32, #tpu.memory_space<vmem>>, vector<1x16xf32>,
    %swap3A_2376 = vector.shape_cast %swap3A_2375 : vector<1x16xf32> to vector<16xf32>
    %swap3A_2377 = vector.shape_cast %get3A_2341 : vector<16xf32> to vector<1x16xf32>
    tpu.vector_store %arg5[%swap3A_2373, %swap3A_2374], %swap3A_2377 {strides = array<i32>} : memref<32x512xf32, #tpu.memory_space<vmem>>, vector<1x16xf32>,
    %swap3A_2378 = arith.constant 6 : i32
    %swap3A_2379 = arith.index_cast %swap3A_2378 : i32 to index
    %swap3A_2380 = arith.constant 448 : index
    %swap3A_2381 = tpu.vector_load %arg5[%swap3A_2379, %swap3A_2380] {strides = array<i32>} : memref<32x512xf32, #tpu.memory_space<vmem>>, vector<1x16xf32>,
    %swap3A_2382 = vector.shape_cast %swap3A_2381 : vector<1x16xf32> to vector<16xf32>
    %swap3A_2383 = vector.shape_cast %get3A_2341 : vector<16xf32> to vector<1x16xf32>
    tpu.vector_store %arg5[%swap3A_2379, %swap3A_2380], %swap3A_2383 {strides = array<i32>} : memref<32x512xf32, #tpu.memory_space<vmem>>, vector<1x16xf32>,
    %swap3A_2384 = arith.constant 7 : i32
    %swap3A_2385 = arith.index_cast %swap3A_2384 : i32 to index
    %swap3A_2386 = arith.constant 448 : index
    %swap3A_2387 = tpu.vector_load %arg5[%swap3A_2385, %swap3A_2386] {strides = array<i32>} : memref<32x512xf32, #tpu.memory_space<vmem>>, vector<1x16xf32>,
    %swap3A_2388 = vector.shape_cast %swap3A_2387 : vector<1x16xf32> to vector<16xf32>
    %swap3A_2389 = vector.shape_cast %get3A_2341 : vector<16xf32> to vector<1x16xf32>
    tpu.vector_store %arg5[%swap3A_2385, %swap3A_2386], %swap3A_2389 {strides = array<i32>} : memref<32x512xf32, #tpu.memory_space<vmem>>, vector<1x16xf32>,
    %swap3A_2390 = arith.constant 8 : i32
    %swap3A_2391 = arith.index_cast %swap3A_2390 : i32 to index
    %swap3A_2392 = arith.constant 448 : index
    %swap3A_2393 = tpu.vector_load %arg5[%swap3A_2391, %swap3A_2392] {strides = array<i32>} : memref<32x512xf32, #tpu.memory_space<vmem>>, vector<1x16xf32>,
    %swap3A_2394 = vector.shape_cast %swap3A_2393 : vector<1x16xf32> to vector<16xf32>
    %swap3A_2395 = vector.shape_cast %get3A_2341 : vector<16xf32> to vector<1x16xf32>
    tpu.vector_store %arg5[%swap3A_2391, %swap3A_2392], %swap3A_2395 {strides = array<i32>} : memref<32x512xf32, #tpu.memory_space<vmem>>, vector<1x16xf32>,
    %swap3A_2396 = arith.constant 9 : i32
    %swap3A_2397 = arith.index_cast %swap3A_2396 : i32 to index
    %swap3A_2398 = arith.constant 448 : index
    %swap3A_2399 = tpu.vector_load %arg5[%swap3A_2397, %swap3A_2398] {strides = array<i32>} : memref<32x512xf32, #tpu.memory_space<vmem>>, vector<1x16xf32>,
    %swap3A_2400 = vector.shape_cast %swap3A_2399 : vector<1x16xf32> to vector<16xf32>
    %swap3A_2401 = vector.shape_cast %get3A_2341 : vector<16xf32> to vector<1x16xf32>
    tpu.vector_store %arg5[%swap3A_2397, %swap3A_2398], %swap3A_2401 {strides = array<i32>} : memref<32x512xf32, #tpu.memory_space<vmem>>, vector<1x16xf32>,
    %swap3A_2402 = arith.constant 10 : i32
    %swap3A_2403 = arith.index_cast %swap3A_2402 : i32 to index
    %swap3A_2404 = arith.constant 448 : index
    %swap3A_2405 = tpu.vector_load %arg5[%swap3A_2403, %swap3A_2404] {strides = array<i32>} : memref<32x512xf32, #tpu.memory_space<vmem>>, vector<1x16xf32>,
    %swap3A_2406 = vector.shape_cast %swap3A_2405 : vector<1x16xf32> to vector<16xf32>
    %swap3A_2407 = vector.shape_cast %get3A_2341 : vector<16xf32> to vector<1x16xf32>
    tpu.vector_store %arg5[%swap3A_2403, %swap3A_2404], %swap3A_2407 {strides = array<i32>} : memref<32x512xf32, #tpu.memory_space<vmem>>, vector<1x16xf32>,
    %swap3A_2408 = arith.constant 11 : i32
    %swap3A_2409 = arith.index_cast %swap3A_2408 : i32 to index
    %swap3A_2410 = arith.constant 448 : index
    %swap3A_2411 = tpu.vector_load %arg5[%swap3A_2409, %swap3A_2410] {strides = array<i32>} : memref<32x512xf32, #tpu.memory_space<vmem>>, vector<1x16xf32>,
    %swap3A_2412 = vector.shape_cast %swap3A_2411 : vector<1x16xf32> to vector<16xf32>
    %swap3A_2413 = vector.shape_cast %get3A_2341 : vector<16xf32> to vector<1x16xf32>
    tpu.vector_store %arg5[%swap3A_2409, %swap3A_2410], %swap3A_2413 {strides = array<i32>} : memref<32x512xf32, #tpu.memory_space<vmem>>, vector<1x16xf32>,
    %swap3A_2414 = arith.constant 12 : i32
    %swap3A_2415 = arith.index_cast %swap3A_2414 : i32 to index
    %swap3A_2416 = arith.constant 448 : index
    %swap3A_2417 = tpu.vector_load %arg5[%swap3A_2415, %swap3A_2416] {strides = array<i32>} : memref<32x512xf32, #tpu.memory_space<vmem>>, vector<1x16xf32>,
    %swap3A_2418 = vector.shape_cast %swap3A_2417 : vector<1x16xf32> to vector<16xf32>
    %swap3A_2419 = vector.shape_cast %get3A_2341 : vector<16xf32> to vector<1x16xf32>
    tpu.vector_store %arg5[%swap3A_2415, %swap3A_2416], %swap3A_2419 {strides = array<i32>} : memref<32x512xf32, #tpu.memory_space<vmem>>, vector<1x16xf32>,
    %swap3A_2420 = arith.constant 13 : i32
    %swap3A_2421 = arith.index_cast %swap3A_2420 : i32 to index
    %swap3A_2422 = arith.constant 448 : index
    %swap3A_2423 = tpu.vector_load %arg5[%swap3A_2421, %swap3A_2422] {strides = array<i32>} : memref<32x512xf32, #tpu.memory_space<vmem>>, vector<1x16xf32>,
    %swap3A_2424 = vector.shape_cast %swap3A_2423 : vector<1x16xf32> to vector<16xf32>
    %swap3A_2425 = vector.shape_cast %get3A_2341 : vector<16xf32> to vector<1x16xf32>
    tpu.vector_store %arg5[%swap3A_2421, %swap3A_2422], %swap3A_2425 {strides = array<i32>} : memref<32x512xf32, #tpu.memory_space<vmem>>, vector<1x16xf32>,
    %swap3A_2426 = arith.constant 14 : i32
    %swap3A_2427 = arith.index_cast %swap3A_2426 : i32 to index
    %swap3A_2428 = arith.constant 448 : index
    %swap3A_2429 = tpu.vector_load %arg5[%swap3A_2427, %swap3A_2428] {strides = array<i32>} : memref<32x512xf32, #tpu.memory_space<vmem>>, vector<1x16xf32>,
    %swap3A_2430 = vector.shape_cast %swap3A_2429 : vector<1x16xf32> to vector<16xf32>
    %swap3A_2431 = vector.shape_cast %get3A_2341 : vector<16xf32> to vector<1x16xf32>
    tpu.vector_store %arg5[%swap3A_2427, %swap3A_2428], %swap3A_2431 {strides = array<i32>} : memref<32x512xf32, #tpu.memory_space<vmem>>, vector<1x16xf32>,
    %swap3A_2432 = arith.constant 15 : i32
    %swap3A_2433 = arith.index_cast %swap3A_2432 : i32 to index
    %swap3A_2434 = arith.constant 448 : index
    %swap3A_2435 = tpu.vector_load %arg5[%swap3A_2433, %swap3A_2434] {strides = array<i32>} : memref<32x512xf32, #tpu.memory_space<vmem>>, vector<1x16xf32>,
    %swap3A_2436 = vector.shape_cast %swap3A_2435 : vector<1x16xf32> to vector<16xf32>
    %swap3A_2437 = vector.shape_cast %get3A_2341 : vector<16xf32> to vector<1x16xf32>
    tpu.vector_store %arg5[%swap3A_2433, %swap3A_2434], %swap3A_2437 {strides = array<i32>} : memref<32x512xf32, #tpu.memory_space<vmem>>, vector<1x16xf32>,
    %swap3A_2438 = arith.constant 16 : i32
    %swap3A_2439 = arith.index_cast %swap3A_2438 : i32 to index
    %swap3A_2440 = arith.constant 448 : index
    %swap3A_2441 = tpu.vector_load %arg5[%swap3A_2439, %swap3A_2440] {strides = array<i32>} : memref<32x512xf32, #tpu.memory_space<vmem>>, vector<1x16xf32>,
    %swap3A_2442 = vector.shape_cast %swap3A_2441 : vector<1x16xf32> to vector<16xf32>
    %swap3A_2443 = vector.shape_cast %get3A_2341 : vector<16xf32> to vector<1x16xf32>
    tpu.vector_store %arg5[%swap3A_2439, %swap3A_2440], %swap3A_2443 {strides = array<i32>} : memref<32x512xf32, #tpu.memory_space<vmem>>, vector<1x16xf32>,
    %swap3A_2444 = arith.constant 17 : i32
    %swap3A_2445 = arith.index_cast %swap3A_2444 : i32 to index
    %swap3A_2446 = arith.constant 448 : index
    %swap3A_2447 = tpu.vector_load %arg5[%swap3A_2445, %swap3A_2446] {strides = array<i32>} : memref<32x512xf32, #tpu.memory_space<vmem>>, vector<1x16xf32>,
    %swap3A_2448 = vector.shape_cast %swap3A_2447 : vector<1x16xf32> to vector<16xf32>
    %swap3A_2449 = vector.shape_cast %get3A_2341 : vector<16xf32> to vector<1x16xf32>
    tpu.vector_store %arg5[%swap3A_2445, %swap3A_2446], %swap3A_2449 {strides = array<i32>} : memref<32x512xf32, #tpu.memory_space<vmem>>, vector<1x16xf32>,
    %swap3A_2450 = arith.constant 18 : i32
    %swap3A_2451 = arith.index_cast %swap3A_2450 : i32 to index
    %swap3A_2452 = arith.constant 448 : index
    %swap3A_2453 = tpu.vector_load %arg5[%swap3A_2451, %swap3A_2452] {strides = array<i32>} : memref<32x512xf32, #tpu.memory_space<vmem>>, vector<1x16xf32>,
    %swap3A_2454 = vector.shape_cast %swap3A_2453 : vector<1x16xf32> to vector<16xf32>
    %swap3A_2455 = vector.shape_cast %get3A_2341 : vector<16xf32> to vector<1x16xf32>
    tpu.vector_store %arg5[%swap3A_2451, %swap3A_2452], %swap3A_2455 {strides = array<i32>} : memref<32x512xf32, #tpu.memory_space<vmem>>, vector<1x16xf32>,
    %swap3A_2456 = arith.constant 19 : i32
    %swap3A_2457 = arith.index_cast %swap3A_2456 : i32 to index
    %swap3A_2458 = arith.constant 448 : index
    %swap3A_2459 = tpu.vector_load %arg5[%swap3A_2457, %swap3A_2458] {strides = array<i32>} : memref<32x512xf32, #tpu.memory_space<vmem>>, vector<1x16xf32>,
    %swap3A_2460 = vector.shape_cast %swap3A_2459 : vector<1x16xf32> to vector<16xf32>
    %swap3A_2461 = vector.shape_cast %get3A_2341 : vector<16xf32> to vector<1x16xf32>
    tpu.vector_store %arg5[%swap3A_2457, %swap3A_2458], %swap3A_2461 {strides = array<i32>} : memref<32x512xf32, #tpu.memory_space<vmem>>, vector<1x16xf32>,
    %swap3A_2462 = arith.constant 20 : i32
    %swap3A_2463 = arith.index_cast %swap3A_2462 : i32 to index
    %swap3A_2464 = arith.constant 448 : index
    %swap3A_2465 = tpu.vector_load %arg5[%swap3A_2463, %swap3A_2464] {strides = array<i32>} : memref<32x512xf32, #tpu.memory_space<vmem>>, vector<1x16xf32>,
    %swap3A_2466 = vector.shape_cast %swap3A_2465 : vector<1x16xf32> to vector<16xf32>
    %swap3A_2467 = vector.shape_cast %get3A_2341 : vector<16xf32> to vector<1x16xf32>
    tpu.vector_store %arg5[%swap3A_2463, %swap3A_2464], %swap3A_2467 {strides = array<i32>} : memref<32x512xf32, #tpu.memory_space<vmem>>, vector<1x16xf32>,
    %swap3A_2468 = arith.constant 21 : i32
    %swap3A_2469 = arith.index_cast %swap3A_2468 : i32 to index
    %swap3A_2470 = arith.constant 448 : index
    %swap3A_2471 = tpu.vector_load %arg5[%swap3A_2469, %swap3A_2470] {strides = array<i32>} : memref<32x512xf32, #tpu.memory_space<vmem>>, vector<1x16xf32>,
    %swap3A_2472 = vector.shape_cast %swap3A_2471 : vector<1x16xf32> to vector<16xf32>
    %swap3A_2473 = vector.shape_cast %get3A_2341 : vector<16xf32> to vector<1x16xf32>
    tpu.vector_store %arg5[%swap3A_2469, %swap3A_2470], %swap3A_2473 {strides = array<i32>} : memref<32x512xf32, #tpu.memory_space<vmem>>, vector<1x16xf32>,
    %swap3A_2474 = arith.constant 22 : i32
    %swap3A_2475 = arith.index_cast %swap3A_2474 : i32 to index
    %swap3A_2476 = arith.constant 448 : index
    %swap3A_2477 = tpu.vector_load %arg5[%swap3A_2475, %swap3A_2476] {strides = array<i32>} : memref<32x512xf32, #tpu.memory_space<vmem>>, vector<1x16xf32>,
    %swap3A_2478 = vector.shape_cast %swap3A_2477 : vector<1x16xf32> to vector<16xf32>
    %swap3A_2479 = vector.shape_cast %get3A_2341 : vector<16xf32> to vector<1x16xf32>
    tpu.vector_store %arg5[%swap3A_2475, %swap3A_2476], %swap3A_2479 {strides = array<i32>} : memref<32x512xf32, #tpu.memory_space<vmem>>, vector<1x16xf32>,
    %swap3A_2480 = arith.constant 23 : i32
    %swap3A_2481 = arith.index_cast %swap3A_2480 : i32 to index
    %swap3A_2482 = arith.constant 448 : index
    %swap3A_2483 = tpu.vector_load %arg5[%swap3A_2481, %swap3A_2482] {strides = array<i32>} : memref<32x512xf32, #tpu.memory_space<vmem>>, vector<1x16xf32>,
    %swap3A_2484 = vector.shape_cast %swap3A_2483 : vector<1x16xf32> to vector<16xf32>
    %swap3A_2485 = vector.shape_cast %get3A_2341 : vector<16xf32> to vector<1x16xf32>
    tpu.vector_store %arg5[%swap3A_2481, %swap3A_2482], %swap3A_2485 {strides = array<i32>} : memref<32x512xf32, #tpu.memory_space<vmem>>, vector<1x16xf32>,
    %swap3A_2486 = arith.constant 24 : i32
    %swap3A_2487 = arith.index_cast %swap3A_2486 : i32 to index
    %swap3A_2488 = arith.constant 448 : index
    %swap3A_2489 = tpu.vector_load %arg5[%swap3A_2487, %swap3A_2488] {strides = array<i32>} : memref<32x512xf32, #tpu.memory_space<vmem>>, vector<1x16xf32>,
    %swap3A_2490 = vector.shape_cast %swap3A_2489 : vector<1x16xf32> to vector<16xf32>
    %swap3A_2491 = vector.shape_cast %get3A_2341 : vector<16xf32> to vector<1x16xf32>
    tpu.vector_store %arg5[%swap3A_2487, %swap3A_2488], %swap3A_2491 {strides = array<i32>} : memref<32x512xf32, #tpu.memory_space<vmem>>, vector<1x16xf32>,
    %swap3A_2492 = arith.constant 25 : i32
    %swap3A_2493 = arith.index_cast %swap3A_2492 : i32 to index
    %swap3A_2494 = arith.constant 448 : index
    %swap3A_2495 = tpu.vector_load %arg5[%swap3A_2493, %swap3A_2494] {strides = array<i32>} : memref<32x512xf32, #tpu.memory_space<vmem>>, vector<1x16xf32>,
    %swap3A_2496 = vector.shape_cast %swap3A_2495 : vector<1x16xf32> to vector<16xf32>
    %swap3A_2497 = vector.shape_cast %get3A_2341 : vector<16xf32> to vector<1x16xf32>
    tpu.vector_store %arg5[%swap3A_2493, %swap3A_2494], %swap3A_2497 {strides = array<i32>} : memref<32x512xf32, #tpu.memory_space<vmem>>, vector<1x16xf32>,
    %swap3A_2498 = arith.constant 26 : i32
    %swap3A_2499 = arith.index_cast %swap3A_2498 : i32 to index
    %swap3A_2500 = arith.constant 448 : index
    %swap3A_2501 = tpu.vector_load %arg5[%swap3A_2499, %swap3A_2500] {strides = array<i32>} : memref<32x512xf32, #tpu.memory_space<vmem>>, vector<1x16xf32>,
    %swap3A_2502 = vector.shape_cast %swap3A_2501 : vector<1x16xf32> to vector<16xf32>
    %swap3A_2503 = vector.shape_cast %get3A_2341 : vector<16xf32> to vector<1x16xf32>
    tpu.vector_store %arg5[%swap3A_2499, %swap3A_2500], %swap3A_2503 {strides = array<i32>} : memref<32x512xf32, #tpu.memory_space<vmem>>, vector<1x16xf32>,
    %swap3A_2504 = arith.constant 27 : i32
    %swap3A_2505 = arith.index_cast %swap3A_2504 : i32 to index
    %swap3A_2506 = arith.constant 448 : index
    %swap3A_2507 = tpu.vector_load %arg5[%swap3A_2505, %swap3A_2506] {strides = array<i32>} : memref<32x512xf32, #tpu.memory_space<vmem>>, vector<1x16xf32>,
    %swap3A_2508 = vector.shape_cast %swap3A_2507 : vector<1x16xf32> to vector<16xf32>
    %swap3A_2509 = vector.shape_cast %get3A_2341 : vector<16xf32> to vector<1x16xf32>
    tpu.vector_store %arg5[%swap3A_2505, %swap3A_2506], %swap3A_2509 {strides = array<i32>} : memref<32x512xf32, #tpu.memory_space<vmem>>, vector<1x16xf32>,
    %swap3A_2510 = arith.constant 28 : i32
    %swap3A_2511 = arith.index_cast %swap3A_2510 : i32 to index
    %swap3A_2512 = arith.constant 448 : index
    %swap3A_2513 = tpu.vector_load %arg5[%swap3A_2511, %swap3A_2512] {strides = array<i32>} : memref<32x512xf32, #tpu.memory_space<vmem>>, vector<1x16xf32>,
    %swap3A_2514 = vector.shape_cast %swap3A_2513 : vector<1x16xf32> to vector<16xf32>
    %swap3A_2515 = vector.shape_cast %get3A_2341 : vector<16xf32> to vector<1x16xf32>
    tpu.vector_store %arg5[%swap3A_2511, %swap3A_2512], %swap3A_2515 {strides = array<i32>} : memref<32x512xf32, #tpu.memory_space<vmem>>, vector<1x16xf32>,
    %swap3A_2516 = arith.constant 29 : i32
    %swap3A_2517 = arith.index_cast %swap3A_2516 : i32 to index
    %swap3A_2518 = arith.constant 448 : index
    %swap3A_2519 = tpu.vector_load %arg5[%swap3A_2517, %swap3A_2518] {strides = array<i32>} : memref<32x512xf32, #tpu.memory_space<vmem>>, vector<1x16xf32>,
    %swap3A_2520 = vector.shape_cast %swap3A_2519 : vector<1x16xf32> to vector<16xf32>
    %swap3A_2521 = vector.shape_cast %get3A_2341 : vector<16xf32> to vector<1x16xf32>
    tpu.vector_store %arg5[%swap3A_2517, %swap3A_2518], %swap3A_2521 {strides = array<i32>} : memref<32x512xf32, #tpu.memory_space<vmem>>, vector<1x16xf32>,
    %swap3A_2522 = arith.constant 30 : i32
    %swap3A_2523 = arith.index_cast %swap3A_2522 : i32 to index
    %swap3A_2524 = arith.constant 448 : index
    %swap3A_2525 = tpu.vector_load %arg5[%swap3A_2523, %swap3A_2524] {strides = array<i32>} : memref<32x512xf32, #tpu.memory_space<vmem>>, vector<1x16xf32>,
    %swap3A_2526 = vector.shape_cast %swap3A_2525 : vector<1x16xf32> to vector<16xf32>
    %swap3A_2527 = vector.shape_cast %get3A_2341 : vector<16xf32> to vector<1x16xf32>
    tpu.vector_store %arg5[%swap3A_2523, %swap3A_2524], %swap3A_2527 {strides = array<i32>} : memref<32x512xf32, #tpu.memory_space<vmem>>, vector<1x16xf32>,
    %swap3A_2528 = arith.constant 31 : i32
    %swap3A_2529 = arith.index_cast %swap3A_2528 : i32 to index
    %swap3A_2530 = arith.constant 448 : index
    %swap3A_2531 = tpu.vector_load %arg5[%swap3A_2529, %swap3A_2530] {strides = array<i32>} : memref<32x512xf32, #tpu.memory_space<vmem>>, vector<1x16xf32>,
    %swap3A_2532 = vector.shape_cast %swap3A_2531 : vector<1x16xf32> to vector<16xf32>
    %swap3A_2533 = vector.shape_cast %get3A_2341 : vector<16xf32> to vector<1x16xf32>
    tpu.vector_store %arg5[%swap3A_2529, %swap3A_2530], %swap3A_2533 {strides = array<i32>} : memref<32x512xf32, #tpu.memory_space<vmem>>, vector<1x16xf32>,
    %get3A_2534 = arith.constant 208 : index
    %get3A_2535 = tpu.vector_load %arg6[%get3A_2534] {strides = array<i32>} : memref<256xf32, #tpu.memory_space<vmem>>, vector<16xf32>,
    %get3A_2536 = vector.shape_cast %get3A_2535 : vector<16xf32> to vector<16xf32>
    %swap3A_2537 = arith.constant 0 : i32
    %swap3A_2538 = arith.index_cast %swap3A_2537 : i32 to index
    %swap3A_2539 = arith.constant 464 : index
    %swap3A_2540 = tpu.vector_load %arg5[%swap3A_2538, %swap3A_2539] {strides = array<i32>} : memref<32x512xf32, #tpu.memory_space<vmem>>, vector<1x16xf32>,
    %swap3A_2541 = vector.shape_cast %swap3A_2540 : vector<1x16xf32> to vector<16xf32>
    %swap3A_2542 = vector.shape_cast %get3A_2536 : vector<16xf32> to vector<1x16xf32>
    tpu.vector_store %arg5[%swap3A_2538, %swap3A_2539], %swap3A_2542 {strides = array<i32>} : memref<32x512xf32, #tpu.memory_space<vmem>>, vector<1x16xf32>,
    %swap3A_2543 = arith.constant 1 : i32
    %swap3A_2544 = arith.index_cast %swap3A_2543 : i32 to index
    %swap3A_2545 = arith.constant 464 : index
    %swap3A_2546 = tpu.vector_load %arg5[%swap3A_2544, %swap3A_2545] {strides = array<i32>} : memref<32x512xf32, #tpu.memory_space<vmem>>, vector<1x16xf32>,
    %swap3A_2547 = vector.shape_cast %swap3A_2546 : vector<1x16xf32> to vector<16xf32>
    %swap3A_2548 = vector.shape_cast %get3A_2536 : vector<16xf32> to vector<1x16xf32>
    tpu.vector_store %arg5[%swap3A_2544, %swap3A_2545], %swap3A_2548 {strides = array<i32>} : memref<32x512xf32, #tpu.memory_space<vmem>>, vector<1x16xf32>,
    %swap3A_2549 = arith.constant 2 : i32
    %swap3A_2550 = arith.index_cast %swap3A_2549 : i32 to index
    %swap3A_2551 = arith.constant 464 : index
    %swap3A_2552 = tpu.vector_load %arg5[%swap3A_2550, %swap3A_2551] {strides = array<i32>} : memref<32x512xf32, #tpu.memory_space<vmem>>, vector<1x16xf32>,
    %swap3A_2553 = vector.shape_cast %swap3A_2552 : vector<1x16xf32> to vector<16xf32>
    %swap3A_2554 = vector.shape_cast %get3A_2536 : vector<16xf32> to vector<1x16xf32>
    tpu.vector_store %arg5[%swap3A_2550, %swap3A_2551], %swap3A_2554 {strides = array<i32>} : memref<32x512xf32, #tpu.memory_space<vmem>>, vector<1x16xf32>,
    %swap3A_2555 = arith.constant 3 : i32
    %swap3A_2556 = arith.index_cast %swap3A_2555 : i32 to index
    %swap3A_2557 = arith.constant 464 : index
    %swap3A_2558 = tpu.vector_load %arg5[%swap3A_2556, %swap3A_2557] {strides = array<i32>} : memref<32x512xf32, #tpu.memory_space<vmem>>, vector<1x16xf32>,
    %swap3A_2559 = vector.shape_cast %swap3A_2558 : vector<1x16xf32> to vector<16xf32>
    %swap3A_2560 = vector.shape_cast %get3A_2536 : vector<16xf32> to vector<1x16xf32>
    tpu.vector_store %arg5[%swap3A_2556, %swap3A_2557], %swap3A_2560 {strides = array<i32>} : memref<32x512xf32, #tpu.memory_space<vmem>>, vector<1x16xf32>,
    %swap3A_2561 = arith.constant 4 : i32
    %swap3A_2562 = arith.index_cast %swap3A_2561 : i32 to index
    %swap3A_2563 = arith.constant 464 : index
    %swap3A_2564 = tpu.vector_load %arg5[%swap3A_2562, %swap3A_2563] {strides = array<i32>} : memref<32x512xf32, #tpu.memory_space<vmem>>, vector<1x16xf32>,
    %swap3A_2565 = vector.shape_cast %swap3A_2564 : vector<1x16xf32> to vector<16xf32>
    %swap3A_2566 = vector.shape_cast %get3A_2536 : vector<16xf32> to vector<1x16xf32>
    tpu.vector_store %arg5[%swap3A_2562, %swap3A_2563], %swap3A_2566 {strides = array<i32>} : memref<32x512xf32, #tpu.memory_space<vmem>>, vector<1x16xf32>,
    %swap3A_2567 = arith.constant 5 : i32
    %swap3A_2568 = arith.index_cast %swap3A_2567 : i32 to index
    %swap3A_2569 = arith.constant 464 : index
    %swap3A_2570 = tpu.vector_load %arg5[%swap3A_2568, %swap3A_2569] {strides = array<i32>} : memref<32x512xf32, #tpu.memory_space<vmem>>, vector<1x16xf32>,
    %swap3A_2571 = vector.shape_cast %swap3A_2570 : vector<1x16xf32> to vector<16xf32>
    %swap3A_2572 = vector.shape_cast %get3A_2536 : vector<16xf32> to vector<1x16xf32>
    tpu.vector_store %arg5[%swap3A_2568, %swap3A_2569], %swap3A_2572 {strides = array<i32>} : memref<32x512xf32, #tpu.memory_space<vmem>>, vector<1x16xf32>,
    %swap3A_2573 = arith.constant 6 : i32
    %swap3A_2574 = arith.index_cast %swap3A_2573 : i32 to index
    %swap3A_2575 = arith.constant 464 : index
    %swap3A_2576 = tpu.vector_load %arg5[%swap3A_2574, %swap3A_2575] {strides = array<i32>} : memref<32x512xf32, #tpu.memory_space<vmem>>, vector<1x16xf32>,
    %swap3A_2577 = vector.shape_cast %swap3A_2576 : vector<1x16xf32> to vector<16xf32>
    %swap3A_2578 = vector.shape_cast %get3A_2536 : vector<16xf32> to vector<1x16xf32>
    tpu.vector_store %arg5[%swap3A_2574, %swap3A_2575], %swap3A_2578 {strides = array<i32>} : memref<32x512xf32, #tpu.memory_space<vmem>>, vector<1x16xf32>,
    %swap3A_2579 = arith.constant 7 : i32
    %swap3A_2580 = arith.index_cast %swap3A_2579 : i32 to index
    %swap3A_2581 = arith.constant 464 : index
    %swap3A_2582 = tpu.vector_load %arg5[%swap3A_2580, %swap3A_2581] {strides = array<i32>} : memref<32x512xf32, #tpu.memory_space<vmem>>, vector<1x16xf32>,
    %swap3A_2583 = vector.shape_cast %swap3A_2582 : vector<1x16xf32> to vector<16xf32>
    %swap3A_2584 = vector.shape_cast %get3A_2536 : vector<16xf32> to vector<1x16xf32>
    tpu.vector_store %arg5[%swap3A_2580, %swap3A_2581], %swap3A_2584 {strides = array<i32>} : memref<32x512xf32, #tpu.memory_space<vmem>>, vector<1x16xf32>,
    %swap3A_2585 = arith.constant 8 : i32
    %swap3A_2586 = arith.index_cast %swap3A_2585 : i32 to index
    %swap3A_2587 = arith.constant 464 : index
    %swap3A_2588 = tpu.vector_load %arg5[%swap3A_2586, %swap3A_2587] {strides = array<i32>} : memref<32x512xf32, #tpu.memory_space<vmem>>, vector<1x16xf32>,
    %swap3A_2589 = vector.shape_cast %swap3A_2588 : vector<1x16xf32> to vector<16xf32>
    %swap3A_2590 = vector.shape_cast %get3A_2536 : vector<16xf32> to vector<1x16xf32>
    tpu.vector_store %arg5[%swap3A_2586, %swap3A_2587], %swap3A_2590 {strides = array<i32>} : memref<32x512xf32, #tpu.memory_space<vmem>>, vector<1x16xf32>,
    %swap3A_2591 = arith.constant 9 : i32
    %swap3A_2592 = arith.index_cast %swap3A_2591 : i32 to index
    %swap3A_2593 = arith.constant 464 : index
    %swap3A_2594 = tpu.vector_load %arg5[%swap3A_2592, %swap3A_2593] {strides = array<i32>} : memref<32x512xf32, #tpu.memory_space<vmem>>, vector<1x16xf32>,
    %swap3A_2595 = vector.shape_cast %swap3A_2594 : vector<1x16xf32> to vector<16xf32>
    %swap3A_2596 = vector.shape_cast %get3A_2536 : vector<16xf32> to vector<1x16xf32>
    tpu.vector_store %arg5[%swap3A_2592, %swap3A_2593], %swap3A_2596 {strides = array<i32>} : memref<32x512xf32, #tpu.memory_space<vmem>>, vector<1x16xf32>,
    %swap3A_2597 = arith.constant 10 : i32
    %swap3A_2598 = arith.index_cast %swap3A_2597 : i32 to index
    %swap3A_2599 = arith.constant 464 : index
    %swap3A_2600 = tpu.vector_load %arg5[%swap3A_2598, %swap3A_2599] {strides = array<i32>} : memref<32x512xf32, #tpu.memory_space<vmem>>, vector<1x16xf32>,
    %swap3A_2601 = vector.shape_cast %swap3A_2600 : vector<1x16xf32> to vector<16xf32>
    %swap3A_2602 = vector.shape_cast %get3A_2536 : vector<16xf32> to vector<1x16xf32>
    tpu.vector_store %arg5[%swap3A_2598, %swap3A_2599], %swap3A_2602 {strides = array<i32>} : memref<32x512xf32, #tpu.memory_space<vmem>>, vector<1x16xf32>,
    %swap3A_2603 = arith.constant 11 : i32
    %swap3A_2604 = arith.index_cast %swap3A_2603 : i32 to index
    %swap3A_2605 = arith.constant 464 : index
    %swap3A_2606 = tpu.vector_load %arg5[%swap3A_2604, %swap3A_2605] {strides = array<i32>} : memref<32x512xf32, #tpu.memory_space<vmem>>, vector<1x16xf32>,
    %swap3A_2607 = vector.shape_cast %swap3A_2606 : vector<1x16xf32> to vector<16xf32>
    %swap3A_2608 = vector.shape_cast %get3A_2536 : vector<16xf32> to vector<1x16xf32>
    tpu.vector_store %arg5[%swap3A_2604, %swap3A_2605], %swap3A_2608 {strides = array<i32>} : memref<32x512xf32, #tpu.memory_space<vmem>>, vector<1x16xf32>,
    %swap3A_2609 = arith.constant 12 : i32
    %swap3A_2610 = arith.index_cast %swap3A_2609 : i32 to index
    %swap3A_2611 = arith.constant 464 : index
    %swap3A_2612 = tpu.vector_load %arg5[%swap3A_2610, %swap3A_2611] {strides = array<i32>} : memref<32x512xf32, #tpu.memory_space<vmem>>, vector<1x16xf32>,
    %swap3A_2613 = vector.shape_cast %swap3A_2612 : vector<1x16xf32> to vector<16xf32>
    %swap3A_2614 = vector.shape_cast %get3A_2536 : vector<16xf32> to vector<1x16xf32>
    tpu.vector_store %arg5[%swap3A_2610, %swap3A_2611], %swap3A_2614 {strides = array<i32>} : memref<32x512xf32, #tpu.memory_space<vmem>>, vector<1x16xf32>,
    %swap3A_2615 = arith.constant 13 : i32
    %swap3A_2616 = arith.index_cast %swap3A_2615 : i32 to index
    %swap3A_2617 = arith.constant 464 : index
    %swap3A_2618 = tpu.vector_load %arg5[%swap3A_2616, %swap3A_2617] {strides = array<i32>} : memref<32x512xf32, #tpu.memory_space<vmem>>, vector<1x16xf32>,
    %swap3A_2619 = vector.shape_cast %swap3A_2618 : vector<1x16xf32> to vector<16xf32>
    %swap3A_2620 = vector.shape_cast %get3A_2536 : vector<16xf32> to vector<1x16xf32>
    tpu.vector_store %arg5[%swap3A_2616, %swap3A_2617], %swap3A_2620 {strides = array<i32>} : memref<32x512xf32, #tpu.memory_space<vmem>>, vector<1x16xf32>,
    %swap3A_2621 = arith.constant 14 : i32
    %swap3A_2622 = arith.index_cast %swap3A_2621 : i32 to index
    %swap3A_2623 = arith.constant 464 : index
    %swap3A_2624 = tpu.vector_load %arg5[%swap3A_2622, %swap3A_2623] {strides = array<i32>} : memref<32x512xf32, #tpu.memory_space<vmem>>, vector<1x16xf32>,
    %swap3A_2625 = vector.shape_cast %swap3A_2624 : vector<1x16xf32> to vector<16xf32>
    %swap3A_2626 = vector.shape_cast %get3A_2536 : vector<16xf32> to vector<1x16xf32>
    tpu.vector_store %arg5[%swap3A_2622, %swap3A_2623], %swap3A_2626 {strides = array<i32>} : memref<32x512xf32, #tpu.memory_space<vmem>>, vector<1x16xf32>,
    %swap3A_2627 = arith.constant 15 : i32
    %swap3A_2628 = arith.index_cast %swap3A_2627 : i32 to index
    %swap3A_2629 = arith.constant 464 : index
    %swap3A_2630 = tpu.vector_load %arg5[%swap3A_2628, %swap3A_2629] {strides = array<i32>} : memref<32x512xf32, #tpu.memory_space<vmem>>, vector<1x16xf32>,
    %swap3A_2631 = vector.shape_cast %swap3A_2630 : vector<1x16xf32> to vector<16xf32>
    %swap3A_2632 = vector.shape_cast %get3A_2536 : vector<16xf32> to vector<1x16xf32>
    tpu.vector_store %arg5[%swap3A_2628, %swap3A_2629], %swap3A_2632 {strides = array<i32>} : memref<32x512xf32, #tpu.memory_space<vmem>>, vector<1x16xf32>,
    %swap3A_2633 = arith.constant 16 : i32
    %swap3A_2634 = arith.index_cast %swap3A_2633 : i32 to index
    %swap3A_2635 = arith.constant 464 : index
    %swap3A_2636 = tpu.vector_load %arg5[%swap3A_2634, %swap3A_2635] {strides = array<i32>} : memref<32x512xf32, #tpu.memory_space<vmem>>, vector<1x16xf32>,
    %swap3A_2637 = vector.shape_cast %swap3A_2636 : vector<1x16xf32> to vector<16xf32>
    %swap3A_2638 = vector.shape_cast %get3A_2536 : vector<16xf32> to vector<1x16xf32>
    tpu.vector_store %arg5[%swap3A_2634, %swap3A_2635], %swap3A_2638 {strides = array<i32>} : memref<32x512xf32, #tpu.memory_space<vmem>>, vector<1x16xf32>,
    %swap3A_2639 = arith.constant 17 : i32
    %swap3A_2640 = arith.index_cast %swap3A_2639 : i32 to index
    %swap3A_2641 = arith.constant 464 : index
    %swap3A_2642 = tpu.vector_load %arg5[%swap3A_2640, %swap3A_2641] {strides = array<i32>} : memref<32x512xf32, #tpu.memory_space<vmem>>, vector<1x16xf32>,
    %swap3A_2643 = vector.shape_cast %swap3A_2642 : vector<1x16xf32> to vector<16xf32>
    %swap3A_2644 = vector.shape_cast %get3A_2536 : vector<16xf32> to vector<1x16xf32>
    tpu.vector_store %arg5[%swap3A_2640, %swap3A_2641], %swap3A_2644 {strides = array<i32>} : memref<32x512xf32, #tpu.memory_space<vmem>>, vector<1x16xf32>,
    %swap3A_2645 = arith.constant 18 : i32
    %swap3A_2646 = arith.index_cast %swap3A_2645 : i32 to index
    %swap3A_2647 = arith.constant 464 : index
    %swap3A_2648 = tpu.vector_load %arg5[%swap3A_2646, %swap3A_2647] {strides = array<i32>} : memref<32x512xf32, #tpu.memory_space<vmem>>, vector<1x16xf32>,
    %swap3A_2649 = vector.shape_cast %swap3A_2648 : vector<1x16xf32> to vector<16xf32>
    %swap3A_2650 = vector.shape_cast %get3A_2536 : vector<16xf32> to vector<1x16xf32>
    tpu.vector_store %arg5[%swap3A_2646, %swap3A_2647], %swap3A_2650 {strides = array<i32>} : memref<32x512xf32, #tpu.memory_space<vmem>>, vector<1x16xf32>,
    %swap3A_2651 = arith.constant 19 : i32
    %swap3A_2652 = arith.index_cast %swap3A_2651 : i32 to index
    %swap3A_2653 = arith.constant 464 : index
    %swap3A_2654 = tpu.vector_load %arg5[%swap3A_2652, %swap3A_2653] {strides = array<i32>} : memref<32x512xf32, #tpu.memory_space<vmem>>, vector<1x16xf32>,
    %swap3A_2655 = vector.shape_cast %swap3A_2654 : vector<1x16xf32> to vector<16xf32>
    %swap3A_2656 = vector.shape_cast %get3A_2536 : vector<16xf32> to vector<1x16xf32>
    tpu.vector_store %arg5[%swap3A_2652, %swap3A_2653], %swap3A_2656 {strides = array<i32>} : memref<32x512xf32, #tpu.memory_space<vmem>>, vector<1x16xf32>,
    %swap3A_2657 = arith.constant 20 : i32
    %swap3A_2658 = arith.index_cast %swap3A_2657 : i32 to index
    %swap3A_2659 = arith.constant 464 : index
    %swap3A_2660 = tpu.vector_load %arg5[%swap3A_2658, %swap3A_2659] {strides = array<i32>} : memref<32x512xf32, #tpu.memory_space<vmem>>, vector<1x16xf32>,
    %swap3A_2661 = vector.shape_cast %swap3A_2660 : vector<1x16xf32> to vector<16xf32>
    %swap3A_2662 = vector.shape_cast %get3A_2536 : vector<16xf32> to vector<1x16xf32>
    tpu.vector_store %arg5[%swap3A_2658, %swap3A_2659], %swap3A_2662 {strides = array<i32>} : memref<32x512xf32, #tpu.memory_space<vmem>>, vector<1x16xf32>,
    %swap3A_2663 = arith.constant 21 : i32
    %swap3A_2664 = arith.index_cast %swap3A_2663 : i32 to index
    %swap3A_2665 = arith.constant 464 : index
    %swap3A_2666 = tpu.vector_load %arg5[%swap3A_2664, %swap3A_2665] {strides = array<i32>} : memref<32x512xf32, #tpu.memory_space<vmem>>, vector<1x16xf32>,
    %swap3A_2667 = vector.shape_cast %swap3A_2666 : vector<1x16xf32> to vector<16xf32>
    %swap3A_2668 = vector.shape_cast %get3A_2536 : vector<16xf32> to vector<1x16xf32>
    tpu.vector_store %arg5[%swap3A_2664, %swap3A_2665], %swap3A_2668 {strides = array<i32>} : memref<32x512xf32, #tpu.memory_space<vmem>>, vector<1x16xf32>,
    %swap3A_2669 = arith.constant 22 : i32
    %swap3A_2670 = arith.index_cast %swap3A_2669 : i32 to index
    %swap3A_2671 = arith.constant 464 : index
    %swap3A_2672 = tpu.vector_load %arg5[%swap3A_2670, %swap3A_2671] {strides = array<i32>} : memref<32x512xf32, #tpu.memory_space<vmem>>, vector<1x16xf32>,
    %swap3A_2673 = vector.shape_cast %swap3A_2672 : vector<1x16xf32> to vector<16xf32>
    %swap3A_2674 = vector.shape_cast %get3A_2536 : vector<16xf32> to vector<1x16xf32>
    tpu.vector_store %arg5[%swap3A_2670, %swap3A_2671], %swap3A_2674 {strides = array<i32>} : memref<32x512xf32, #tpu.memory_space<vmem>>, vector<1x16xf32>,
    %swap3A_2675 = arith.constant 23 : i32
    %swap3A_2676 = arith.index_cast %swap3A_2675 : i32 to index
    %swap3A_2677 = arith.constant 464 : index
    %swap3A_2678 = tpu.vector_load %arg5[%swap3A_2676, %swap3A_2677] {strides = array<i32>} : memref<32x512xf32, #tpu.memory_space<vmem>>, vector<1x16xf32>,
    %swap3A_2679 = vector.shape_cast %swap3A_2678 : vector<1x16xf32> to vector<16xf32>
    %swap3A_2680 = vector.shape_cast %get3A_2536 : vector<16xf32> to vector<1x16xf32>
    tpu.vector_store %arg5[%swap3A_2676, %swap3A_2677], %swap3A_2680 {strides = array<i32>} : memref<32x512xf32, #tpu.memory_space<vmem>>, vector<1x16xf32>,
    %swap3A_2681 = arith.constant 24 : i32
    %swap3A_2682 = arith.index_cast %swap3A_2681 : i32 to index
    %swap3A_2683 = arith.constant 464 : index
    %swap3A_2684 = tpu.vector_load %arg5[%swap3A_2682, %swap3A_2683] {strides = array<i32>} : memref<32x512xf32, #tpu.memory_space<vmem>>, vector<1x16xf32>,
    %swap3A_2685 = vector.shape_cast %swap3A_2684 : vector<1x16xf32> to vector<16xf32>
    %swap3A_2686 = vector.shape_cast %get3A_2536 : vector<16xf32> to vector<1x16xf32>
    tpu.vector_store %arg5[%swap3A_2682, %swap3A_2683], %swap3A_2686 {strides = array<i32>} : memref<32x512xf32, #tpu.memory_space<vmem>>, vector<1x16xf32>,
    %swap3A_2687 = arith.constant 25 : i32
    %swap3A_2688 = arith.index_cast %swap3A_2687 : i32 to index
    %swap3A_2689 = arith.constant 464 : index
    %swap3A_2690 = tpu.vector_load %arg5[%swap3A_2688, %swap3A_2689] {strides = array<i32>} : memref<32x512xf32, #tpu.memory_space<vmem>>, vector<1x16xf32>,
    %swap3A_2691 = vector.shape_cast %swap3A_2690 : vector<1x16xf32> to vector<16xf32>
    %swap3A_2692 = vector.shape_cast %get3A_2536 : vector<16xf32> to vector<1x16xf32>
    tpu.vector_store %arg5[%swap3A_2688, %swap3A_2689], %swap3A_2692 {strides = array<i32>} : memref<32x512xf32, #tpu.memory_space<vmem>>, vector<1x16xf32>,
    %swap3A_2693 = arith.constant 26 : i32
    %swap3A_2694 = arith.index_cast %swap3A_2693 : i32 to index
    %swap3A_2695 = arith.constant 464 : index
    %swap3A_2696 = tpu.vector_load %arg5[%swap3A_2694, %swap3A_2695] {strides = array<i32>} : memref<32x512xf32, #tpu.memory_space<vmem>>, vector<1x16xf32>,
    %swap3A_2697 = vector.shape_cast %swap3A_2696 : vector<1x16xf32> to vector<16xf32>
    %swap3A_2698 = vector.shape_cast %get3A_2536 : vector<16xf32> to vector<1x16xf32>
    tpu.vector_store %arg5[%swap3A_2694, %swap3A_2695], %swap3A_2698 {strides = array<i32>} : memref<32x512xf32, #tpu.memory_space<vmem>>, vector<1x16xf32>,
    %swap3A_2699 = arith.constant 27 : i32
    %swap3A_2700 = arith.index_cast %swap3A_2699 : i32 to index
    %swap3A_2701 = arith.constant 464 : index
    %swap3A_2702 = tpu.vector_load %arg5[%swap3A_2700, %swap3A_2701] {strides = array<i32>} : memref<32x512xf32, #tpu.memory_space<vmem>>, vector<1x16xf32>,
    %swap3A_2703 = vector.shape_cast %swap3A_2702 : vector<1x16xf32> to vector<16xf32>
    %swap3A_2704 = vector.shape_cast %get3A_2536 : vector<16xf32> to vector<1x16xf32>
    tpu.vector_store %arg5[%swap3A_2700, %swap3A_2701], %swap3A_2704 {strides = array<i32>} : memref<32x512xf32, #tpu.memory_space<vmem>>, vector<1x16xf32>,
    %swap3A_2705 = arith.constant 28 : i32
    %swap3A_2706 = arith.index_cast %swap3A_2705 : i32 to index
    %swap3A_2707 = arith.constant 464 : index
    %swap3A_2708 = tpu.vector_load %arg5[%swap3A_2706, %swap3A_2707] {strides = array<i32>} : memref<32x512xf32, #tpu.memory_space<vmem>>, vector<1x16xf32>,
    %swap3A_2709 = vector.shape_cast %swap3A_2708 : vector<1x16xf32> to vector<16xf32>
    %swap3A_2710 = vector.shape_cast %get3A_2536 : vector<16xf32> to vector<1x16xf32>
    tpu.vector_store %arg5[%swap3A_2706, %swap3A_2707], %swap3A_2710 {strides = array<i32>} : memref<32x512xf32, #tpu.memory_space<vmem>>, vector<1x16xf32>,
    %swap3A_2711 = arith.constant 29 : i32
    %swap3A_2712 = arith.index_cast %swap3A_2711 : i32 to index
    %swap3A_2713 = arith.constant 464 : index
    %swap3A_2714 = tpu.vector_load %arg5[%swap3A_2712, %swap3A_2713] {strides = array<i32>} : memref<32x512xf32, #tpu.memory_space<vmem>>, vector<1x16xf32>,
    %swap3A_2715 = vector.shape_cast %swap3A_2714 : vector<1x16xf32> to vector<16xf32>
    %swap3A_2716 = vector.shape_cast %get3A_2536 : vector<16xf32> to vector<1x16xf32>
    tpu.vector_store %arg5[%swap3A_2712, %swap3A_2713], %swap3A_2716 {strides = array<i32>} : memref<32x512xf32, #tpu.memory_space<vmem>>, vector<1x16xf32>,
    %swap3A_2717 = arith.constant 30 : i32
    %swap3A_2718 = arith.index_cast %swap3A_2717 : i32 to index
    %swap3A_2719 = arith.constant 464 : index
    %swap3A_2720 = tpu.vector_load %arg5[%swap3A_2718, %swap3A_2719] {strides = array<i32>} : memref<32x512xf32, #tpu.memory_space<vmem>>, vector<1x16xf32>,
    %swap3A_2721 = vector.shape_cast %swap3A_2720 : vector<1x16xf32> to vector<16xf32>
    %swap3A_2722 = vector.shape_cast %get3A_2536 : vector<16xf32> to vector<1x16xf32>
    tpu.vector_store %arg5[%swap3A_2718, %swap3A_2719], %swap3A_2722 {strides = array<i32>} : memref<32x512xf32, #tpu.memory_space<vmem>>, vector<1x16xf32>,
    %swap3A_2723 = arith.constant 31 : i32
    %swap3A_2724 = arith.index_cast %swap3A_2723 : i32 to index
    %swap3A_2725 = arith.constant 464 : index
    %swap3A_2726 = tpu.vector_load %arg5[%swap3A_2724, %swap3A_2725] {strides = array<i32>} : memref<32x512xf32, #tpu.memory_space<vmem>>, vector<1x16xf32>,
    %swap3A_2727 = vector.shape_cast %swap3A_2726 : vector<1x16xf32> to vector<16xf32>
    %swap3A_2728 = vector.shape_cast %get3A_2536 : vector<16xf32> to vector<1x16xf32>
    tpu.vector_store %arg5[%swap3A_2724, %swap3A_2725], %swap3A_2728 {strides = array<i32>} : memref<32x512xf32, #tpu.memory_space<vmem>>, vector<1x16xf32>,
    %get3A_2729 = arith.constant 224 : index
    %get3A_2730 = tpu.vector_load %arg6[%get3A_2729] {strides = array<i32>} : memref<256xf32, #tpu.memory_space<vmem>>, vector<16xf32>,
    %get3A_2731 = vector.shape_cast %get3A_2730 : vector<16xf32> to vector<16xf32>
    %swap3A_2732 = arith.constant 0 : i32
    %swap3A_2733 = arith.index_cast %swap3A_2732 : i32 to index
    %swap3A_2734 = arith.constant 480 : index
    %swap3A_2735 = tpu.vector_load %arg5[%swap3A_2733, %swap3A_2734] {strides = array<i32>} : memref<32x512xf32, #tpu.memory_space<vmem>>, vector<1x16xf32>,
    %swap3A_2736 = vector.shape_cast %swap3A_2735 : vector<1x16xf32> to vector<16xf32>
    %swap3A_2737 = vector.shape_cast %get3A_2731 : vector<16xf32> to vector<1x16xf32>
    tpu.vector_store %arg5[%swap3A_2733, %swap3A_2734], %swap3A_2737 {strides = array<i32>} : memref<32x512xf32, #tpu.memory_space<vmem>>, vector<1x16xf32>,
    %swap3A_2738 = arith.constant 1 : i32
    %swap3A_2739 = arith.index_cast %swap3A_2738 : i32 to index
    %swap3A_2740 = arith.constant 480 : index
    %swap3A_2741 = tpu.vector_load %arg5[%swap3A_2739, %swap3A_2740] {strides = array<i32>} : memref<32x512xf32, #tpu.memory_space<vmem>>, vector<1x16xf32>,
    %swap3A_2742 = vector.shape_cast %swap3A_2741 : vector<1x16xf32> to vector<16xf32>
    %swap3A_2743 = vector.shape_cast %get3A_2731 : vector<16xf32> to vector<1x16xf32>
    tpu.vector_store %arg5[%swap3A_2739, %swap3A_2740], %swap3A_2743 {strides = array<i32>} : memref<32x512xf32, #tpu.memory_space<vmem>>, vector<1x16xf32>,
    %swap3A_2744 = arith.constant 2 : i32
    %swap3A_2745 = arith.index_cast %swap3A_2744 : i32 to index
    %swap3A_2746 = arith.constant 480 : index
    %swap3A_2747 = tpu.vector_load %arg5[%swap3A_2745, %swap3A_2746] {strides = array<i32>} : memref<32x512xf32, #tpu.memory_space<vmem>>, vector<1x16xf32>,
    %swap3A_2748 = vector.shape_cast %swap3A_2747 : vector<1x16xf32> to vector<16xf32>
    %swap3A_2749 = vector.shape_cast %get3A_2731 : vector<16xf32> to vector<1x16xf32>
    tpu.vector_store %arg5[%swap3A_2745, %swap3A_2746], %swap3A_2749 {strides = array<i32>} : memref<32x512xf32, #tpu.memory_space<vmem>>, vector<1x16xf32>,
    %swap3A_2750 = arith.constant 3 : i32
    %swap3A_2751 = arith.index_cast %swap3A_2750 : i32 to index
    %swap3A_2752 = arith.constant 480 : index
    %swap3A_2753 = tpu.vector_load %arg5[%swap3A_2751, %swap3A_2752] {strides = array<i32>} : memref<32x512xf32, #tpu.memory_space<vmem>>, vector<1x16xf32>,
    %swap3A_2754 = vector.shape_cast %swap3A_2753 : vector<1x16xf32> to vector<16xf32>
    %swap3A_2755 = vector.shape_cast %get3A_2731 : vector<16xf32> to vector<1x16xf32>
    tpu.vector_store %arg5[%swap3A_2751, %swap3A_2752], %swap3A_2755 {strides = array<i32>} : memref<32x512xf32, #tpu.memory_space<vmem>>, vector<1x16xf32>,
    %swap3A_2756 = arith.constant 4 : i32
    %swap3A_2757 = arith.index_cast %swap3A_2756 : i32 to index
    %swap3A_2758 = arith.constant 480 : index
    %swap3A_2759 = tpu.vector_load %arg5[%swap3A_2757, %swap3A_2758] {strides = array<i32>} : memref<32x512xf32, #tpu.memory_space<vmem>>, vector<1x16xf32>,
    %swap3A_2760 = vector.shape_cast %swap3A_2759 : vector<1x16xf32> to vector<16xf32>
    %swap3A_2761 = vector.shape_cast %get3A_2731 : vector<16xf32> to vector<1x16xf32>
    tpu.vector_store %arg5[%swap3A_2757, %swap3A_2758], %swap3A_2761 {strides = array<i32>} : memref<32x512xf32, #tpu.memory_space<vmem>>, vector<1x16xf32>,
    %swap3A_2762 = arith.constant 5 : i32
    %swap3A_2763 = arith.index_cast %swap3A_2762 : i32 to index
    %swap3A_2764 = arith.constant 480 : index
    %swap3A_2765 = tpu.vector_load %arg5[%swap3A_2763, %swap3A_2764] {strides = array<i32>} : memref<32x512xf32, #tpu.memory_space<vmem>>, vector<1x16xf32>,
    %swap3A_2766 = vector.shape_cast %swap3A_2765 : vector<1x16xf32> to vector<16xf32>
    %swap3A_2767 = vector.shape_cast %get3A_2731 : vector<16xf32> to vector<1x16xf32>
    tpu.vector_store %arg5[%swap3A_2763, %swap3A_2764], %swap3A_2767 {strides = array<i32>} : memref<32x512xf32, #tpu.memory_space<vmem>>, vector<1x16xf32>,
    %swap3A_2768 = arith.constant 6 : i32
    %swap3A_2769 = arith.index_cast %swap3A_2768 : i32 to index
    %swap3A_2770 = arith.constant 480 : index
    %swap3A_2771 = tpu.vector_load %arg5[%swap3A_2769, %swap3A_2770] {strides = array<i32>} : memref<32x512xf32, #tpu.memory_space<vmem>>, vector<1x16xf32>,
    %swap3A_2772 = vector.shape_cast %swap3A_2771 : vector<1x16xf32> to vector<16xf32>
    %swap3A_2773 = vector.shape_cast %get3A_2731 : vector<16xf32> to vector<1x16xf32>
    tpu.vector_store %arg5[%swap3A_2769, %swap3A_2770], %swap3A_2773 {strides = array<i32>} : memref<32x512xf32, #tpu.memory_space<vmem>>, vector<1x16xf32>,
    %swap3A_2774 = arith.constant 7 : i32
    %swap3A_2775 = arith.index_cast %swap3A_2774 : i32 to index
    %swap3A_2776 = arith.constant 480 : index
    %swap3A_2777 = tpu.vector_load %arg5[%swap3A_2775, %swap3A_2776] {strides = array<i32>} : memref<32x512xf32, #tpu.memory_space<vmem>>, vector<1x16xf32>,
    %swap3A_2778 = vector.shape_cast %swap3A_2777 : vector<1x16xf32> to vector<16xf32>
    %swap3A_2779 = vector.shape_cast %get3A_2731 : vector<16xf32> to vector<1x16xf32>
    tpu.vector_store %arg5[%swap3A_2775, %swap3A_2776], %swap3A_2779 {strides = array<i32>} : memref<32x512xf32, #tpu.memory_space<vmem>>, vector<1x16xf32>,
    %swap3A_2780 = arith.constant 8 : i32
    %swap3A_2781 = arith.index_cast %swap3A_2780 : i32 to index
    %swap3A_2782 = arith.constant 480 : index
    %swap3A_2783 = tpu.vector_load %arg5[%swap3A_2781, %swap3A_2782] {strides = array<i32>} : memref<32x512xf32, #tpu.memory_space<vmem>>, vector<1x16xf32>,
    %swap3A_2784 = vector.shape_cast %swap3A_2783 : vector<1x16xf32> to vector<16xf32>
    %swap3A_2785 = vector.shape_cast %get3A_2731 : vector<16xf32> to vector<1x16xf32>
    tpu.vector_store %arg5[%swap3A_2781, %swap3A_2782], %swap3A_2785 {strides = array<i32>} : memref<32x512xf32, #tpu.memory_space<vmem>>, vector<1x16xf32>,
    %swap3A_2786 = arith.constant 9 : i32
    %swap3A_2787 = arith.index_cast %swap3A_2786 : i32 to index
    %swap3A_2788 = arith.constant 480 : index
    %swap3A_2789 = tpu.vector_load %arg5[%swap3A_2787, %swap3A_2788] {strides = array<i32>} : memref<32x512xf32, #tpu.memory_space<vmem>>, vector<1x16xf32>,
    %swap3A_2790 = vector.shape_cast %swap3A_2789 : vector<1x16xf32> to vector<16xf32>
    %swap3A_2791 = vector.shape_cast %get3A_2731 : vector<16xf32> to vector<1x16xf32>
    tpu.vector_store %arg5[%swap3A_2787, %swap3A_2788], %swap3A_2791 {strides = array<i32>} : memref<32x512xf32, #tpu.memory_space<vmem>>, vector<1x16xf32>,
    %swap3A_2792 = arith.constant 10 : i32
    %swap3A_2793 = arith.index_cast %swap3A_2792 : i32 to index
    %swap3A_2794 = arith.constant 480 : index
    %swap3A_2795 = tpu.vector_load %arg5[%swap3A_2793, %swap3A_2794] {strides = array<i32>} : memref<32x512xf32, #tpu.memory_space<vmem>>, vector<1x16xf32>,
    %swap3A_2796 = vector.shape_cast %swap3A_2795 : vector<1x16xf32> to vector<16xf32>
    %swap3A_2797 = vector.shape_cast %get3A_2731 : vector<16xf32> to vector<1x16xf32>
    tpu.vector_store %arg5[%swap3A_2793, %swap3A_2794], %swap3A_2797 {strides = array<i32>} : memref<32x512xf32, #tpu.memory_space<vmem>>, vector<1x16xf32>,
    %swap3A_2798 = arith.constant 11 : i32
    %swap3A_2799 = arith.index_cast %swap3A_2798 : i32 to index
    %swap3A_2800 = arith.constant 480 : index
    %swap3A_2801 = tpu.vector_load %arg5[%swap3A_2799, %swap3A_2800] {strides = array<i32>} : memref<32x512xf32, #tpu.memory_space<vmem>>, vector<1x16xf32>,
    %swap3A_2802 = vector.shape_cast %swap3A_2801 : vector<1x16xf32> to vector<16xf32>
    %swap3A_2803 = vector.shape_cast %get3A_2731 : vector<16xf32> to vector<1x16xf32>
    tpu.vector_store %arg5[%swap3A_2799, %swap3A_2800], %swap3A_2803 {strides = array<i32>} : memref<32x512xf32, #tpu.memory_space<vmem>>, vector<1x16xf32>,
    %swap3A_2804 = arith.constant 12 : i32
    %swap3A_2805 = arith.index_cast %swap3A_2804 : i32 to index
    %swap3A_2806 = arith.constant 480 : index
    %swap3A_2807 = tpu.vector_load %arg5[%swap3A_2805, %swap3A_2806] {strides = array<i32>} : memref<32x512xf32, #tpu.memory_space<vmem>>, vector<1x16xf32>,
    %swap3A_2808 = vector.shape_cast %swap3A_2807 : vector<1x16xf32> to vector<16xf32>
    %swap3A_2809 = vector.shape_cast %get3A_2731 : vector<16xf32> to vector<1x16xf32>
    tpu.vector_store %arg5[%swap3A_2805, %swap3A_2806], %swap3A_2809 {strides = array<i32>} : memref<32x512xf32, #tpu.memory_space<vmem>>, vector<1x16xf32>,
    %swap3A_2810 = arith.constant 13 : i32
    %swap3A_2811 = arith.index_cast %swap3A_2810 : i32 to index
    %swap3A_2812 = arith.constant 480 : index
    %swap3A_2813 = tpu.vector_load %arg5[%swap3A_2811, %swap3A_2812] {strides = array<i32>} : memref<32x512xf32, #tpu.memory_space<vmem>>, vector<1x16xf32>,
    %swap3A_2814 = vector.shape_cast %swap3A_2813 : vector<1x16xf32> to vector<16xf32>
    %swap3A_2815 = vector.shape_cast %get3A_2731 : vector<16xf32> to vector<1x16xf32>
    tpu.vector_store %arg5[%swap3A_2811, %swap3A_2812], %swap3A_2815 {strides = array<i32>} : memref<32x512xf32, #tpu.memory_space<vmem>>, vector<1x16xf32>,
    %swap3A_2816 = arith.constant 14 : i32
    %swap3A_2817 = arith.index_cast %swap3A_2816 : i32 to index
    %swap3A_2818 = arith.constant 480 : index
    %swap3A_2819 = tpu.vector_load %arg5[%swap3A_2817, %swap3A_2818] {strides = array<i32>} : memref<32x512xf32, #tpu.memory_space<vmem>>, vector<1x16xf32>,
    %swap3A_2820 = vector.shape_cast %swap3A_2819 : vector<1x16xf32> to vector<16xf32>
    %swap3A_2821 = vector.shape_cast %get3A_2731 : vector<16xf32> to vector<1x16xf32>
    tpu.vector_store %arg5[%swap3A_2817, %swap3A_2818], %swap3A_2821 {strides = array<i32>} : memref<32x512xf32, #tpu.memory_space<vmem>>, vector<1x16xf32>,
    %swap3A_2822 = arith.constant 15 : i32
    %swap3A_2823 = arith.index_cast %swap3A_2822 : i32 to index
    %swap3A_2824 = arith.constant 480 : index
    %swap3A_2825 = tpu.vector_load %arg5[%swap3A_2823, %swap3A_2824] {strides = array<i32>} : memref<32x512xf32, #tpu.memory_space<vmem>>, vector<1x16xf32>,
    %swap3A_2826 = vector.shape_cast %swap3A_2825 : vector<1x16xf32> to vector<16xf32>
    %swap3A_2827 = vector.shape_cast %get3A_2731 : vector<16xf32> to vector<1x16xf32>
    tpu.vector_store %arg5[%swap3A_2823, %swap3A_2824], %swap3A_2827 {strides = array<i32>} : memref<32x512xf32, #tpu.memory_space<vmem>>, vector<1x16xf32>,
    %swap3A_2828 = arith.constant 16 : i32
    %swap3A_2829 = arith.index_cast %swap3A_2828 : i32 to index
    %swap3A_2830 = arith.constant 480 : index
    %swap3A_2831 = tpu.vector_load %arg5[%swap3A_2829, %swap3A_2830] {strides = array<i32>} : memref<32x512xf32, #tpu.memory_space<vmem>>, vector<1x16xf32>,
    %swap3A_2832 = vector.shape_cast %swap3A_2831 : vector<1x16xf32> to vector<16xf32>
    %swap3A_2833 = vector.shape_cast %get3A_2731 : vector<16xf32> to vector<1x16xf32>
    tpu.vector_store %arg5[%swap3A_2829, %swap3A_2830], %swap3A_2833 {strides = array<i32>} : memref<32x512xf32, #tpu.memory_space<vmem>>, vector<1x16xf32>,
    %swap3A_2834 = arith.constant 17 : i32
    %swap3A_2835 = arith.index_cast %swap3A_2834 : i32 to index
    %swap3A_2836 = arith.constant 480 : index
    %swap3A_2837 = tpu.vector_load %arg5[%swap3A_2835, %swap3A_2836] {strides = array<i32>} : memref<32x512xf32, #tpu.memory_space<vmem>>, vector<1x16xf32>,
    %swap3A_2838 = vector.shape_cast %swap3A_2837 : vector<1x16xf32> to vector<16xf32>
    %swap3A_2839 = vector.shape_cast %get3A_2731 : vector<16xf32> to vector<1x16xf32>
    tpu.vector_store %arg5[%swap3A_2835, %swap3A_2836], %swap3A_2839 {strides = array<i32>} : memref<32x512xf32, #tpu.memory_space<vmem>>, vector<1x16xf32>,
    %swap3A_2840 = arith.constant 18 : i32
    %swap3A_2841 = arith.index_cast %swap3A_2840 : i32 to index
    %swap3A_2842 = arith.constant 480 : index
    %swap3A_2843 = tpu.vector_load %arg5[%swap3A_2841, %swap3A_2842] {strides = array<i32>} : memref<32x512xf32, #tpu.memory_space<vmem>>, vector<1x16xf32>,
    %swap3A_2844 = vector.shape_cast %swap3A_2843 : vector<1x16xf32> to vector<16xf32>
    %swap3A_2845 = vector.shape_cast %get3A_2731 : vector<16xf32> to vector<1x16xf32>
    tpu.vector_store %arg5[%swap3A_2841, %swap3A_2842], %swap3A_2845 {strides = array<i32>} : memref<32x512xf32, #tpu.memory_space<vmem>>, vector<1x16xf32>,
    %swap3A_2846 = arith.constant 19 : i32
    %swap3A_2847 = arith.index_cast %swap3A_2846 : i32 to index
    %swap3A_2848 = arith.constant 480 : index
    %swap3A_2849 = tpu.vector_load %arg5[%swap3A_2847, %swap3A_2848] {strides = array<i32>} : memref<32x512xf32, #tpu.memory_space<vmem>>, vector<1x16xf32>,
    %swap3A_2850 = vector.shape_cast %swap3A_2849 : vector<1x16xf32> to vector<16xf32>
    %swap3A_2851 = vector.shape_cast %get3A_2731 : vector<16xf32> to vector<1x16xf32>
    tpu.vector_store %arg5[%swap3A_2847, %swap3A_2848], %swap3A_2851 {strides = array<i32>} : memref<32x512xf32, #tpu.memory_space<vmem>>, vector<1x16xf32>,
    %swap3A_2852 = arith.constant 20 : i32
    %swap3A_2853 = arith.index_cast %swap3A_2852 : i32 to index
    %swap3A_2854 = arith.constant 480 : index
    %swap3A_2855 = tpu.vector_load %arg5[%swap3A_2853, %swap3A_2854] {strides = array<i32>} : memref<32x512xf32, #tpu.memory_space<vmem>>, vector<1x16xf32>,
    %swap3A_2856 = vector.shape_cast %swap3A_2855 : vector<1x16xf32> to vector<16xf32>
    %swap3A_2857 = vector.shape_cast %get3A_2731 : vector<16xf32> to vector<1x16xf32>
    tpu.vector_store %arg5[%swap3A_2853, %swap3A_2854], %swap3A_2857 {strides = array<i32>} : memref<32x512xf32, #tpu.memory_space<vmem>>, vector<1x16xf32>,
    %swap3A_2858 = arith.constant 21 : i32
    %swap3A_2859 = arith.index_cast %swap3A_2858 : i32 to index
    %swap3A_2860 = arith.constant 480 : index
    %swap3A_2861 = tpu.vector_load %arg5[%swap3A_2859, %swap3A_2860] {strides = array<i32>} : memref<32x512xf32, #tpu.memory_space<vmem>>, vector<1x16xf32>,
    %swap3A_2862 = vector.shape_cast %swap3A_2861 : vector<1x16xf32> to vector<16xf32>
    %swap3A_2863 = vector.shape_cast %get3A_2731 : vector<16xf32> to vector<1x16xf32>
    tpu.vector_store %arg5[%swap3A_2859, %swap3A_2860], %swap3A_2863 {strides = array<i32>} : memref<32x512xf32, #tpu.memory_space<vmem>>, vector<1x16xf32>,
    %swap3A_2864 = arith.constant 22 : i32
    %swap3A_2865 = arith.index_cast %swap3A_2864 : i32 to index
    %swap3A_2866 = arith.constant 480 : index
    %swap3A_2867 = tpu.vector_load %arg5[%swap3A_2865, %swap3A_2866] {strides = array<i32>} : memref<32x512xf32, #tpu.memory_space<vmem>>, vector<1x16xf32>,
    %swap3A_2868 = vector.shape_cast %swap3A_2867 : vector<1x16xf32> to vector<16xf32>
    %swap3A_2869 = vector.shape_cast %get3A_2731 : vector<16xf32> to vector<1x16xf32>
    tpu.vector_store %arg5[%swap3A_2865, %swap3A_2866], %swap3A_2869 {strides = array<i32>} : memref<32x512xf32, #tpu.memory_space<vmem>>, vector<1x16xf32>,
    %swap3A_2870 = arith.constant 23 : i32
    %swap3A_2871 = arith.index_cast %swap3A_2870 : i32 to index
    %swap3A_2872 = arith.constant 480 : index
    %swap3A_2873 = tpu.vector_load %arg5[%swap3A_2871, %swap3A_2872] {strides = array<i32>} : memref<32x512xf32, #tpu.memory_space<vmem>>, vector<1x16xf32>,
    %swap3A_2874 = vector.shape_cast %swap3A_2873 : vector<1x16xf32> to vector<16xf32>
    %swap3A_2875 = vector.shape_cast %get3A_2731 : vector<16xf32> to vector<1x16xf32>
    tpu.vector_store %arg5[%swap3A_2871, %swap3A_2872], %swap3A_2875 {strides = array<i32>} : memref<32x512xf32, #tpu.memory_space<vmem>>, vector<1x16xf32>,
    %swap3A_2876 = arith.constant 24 : i32
    %swap3A_2877 = arith.index_cast %swap3A_2876 : i32 to index
    %swap3A_2878 = arith.constant 480 : index
    %swap3A_2879 = tpu.vector_load %arg5[%swap3A_2877, %swap3A_2878] {strides = array<i32>} : memref<32x512xf32, #tpu.memory_space<vmem>>, vector<1x16xf32>,
    %swap3A_2880 = vector.shape_cast %swap3A_2879 : vector<1x16xf32> to vector<16xf32>
    %swap3A_2881 = vector.shape_cast %get3A_2731 : vector<16xf32> to vector<1x16xf32>
    tpu.vector_store %arg5[%swap3A_2877, %swap3A_2878], %swap3A_2881 {strides = array<i32>} : memref<32x512xf32, #tpu.memory_space<vmem>>, vector<1x16xf32>,
    %swap3A_2882 = arith.constant 25 : i32
    %swap3A_2883 = arith.index_cast %swap3A_2882 : i32 to index
    %swap3A_2884 = arith.constant 480 : index
    %swap3A_2885 = tpu.vector_load %arg5[%swap3A_2883, %swap3A_2884] {strides = array<i32>} : memref<32x512xf32, #tpu.memory_space<vmem>>, vector<1x16xf32>,
    %swap3A_2886 = vector.shape_cast %swap3A_2885 : vector<1x16xf32> to vector<16xf32>
    %swap3A_2887 = vector.shape_cast %get3A_2731 : vector<16xf32> to vector<1x16xf32>
    tpu.vector_store %arg5[%swap3A_2883, %swap3A_2884], %swap3A_2887 {strides = array<i32>} : memref<32x512xf32, #tpu.memory_space<vmem>>, vector<1x16xf32>,
    %swap3A_2888 = arith.constant 26 : i32
    %swap3A_2889 = arith.index_cast %swap3A_2888 : i32 to index
    %swap3A_2890 = arith.constant 480 : index
    %swap3A_2891 = tpu.vector_load %arg5[%swap3A_2889, %swap3A_2890] {strides = array<i32>} : memref<32x512xf32, #tpu.memory_space<vmem>>, vector<1x16xf32>,
    %swap3A_2892 = vector.shape_cast %swap3A_2891 : vector<1x16xf32> to vector<16xf32>
    %swap3A_2893 = vector.shape_cast %get3A_2731 : vector<16xf32> to vector<1x16xf32>
    tpu.vector_store %arg5[%swap3A_2889, %swap3A_2890], %swap3A_2893 {strides = array<i32>} : memref<32x512xf32, #tpu.memory_space<vmem>>, vector<1x16xf32>,
    %swap3A_2894 = arith.constant 27 : i32
    %swap3A_2895 = arith.index_cast %swap3A_2894 : i32 to index
    %swap3A_2896 = arith.constant 480 : index
    %swap3A_2897 = tpu.vector_load %arg5[%swap3A_2895, %swap3A_2896] {strides = array<i32>} : memref<32x512xf32, #tpu.memory_space<vmem>>, vector<1x16xf32>,
    %swap3A_2898 = vector.shape_cast %swap3A_2897 : vector<1x16xf32> to vector<16xf32>
    %swap3A_2899 = vector.shape_cast %get3A_2731 : vector<16xf32> to vector<1x16xf32>
    tpu.vector_store %arg5[%swap3A_2895, %swap3A_2896], %swap3A_2899 {strides = array<i32>} : memref<32x512xf32, #tpu.memory_space<vmem>>, vector<1x16xf32>,
    %swap3A_2900 = arith.constant 28 : i32
    %swap3A_2901 = arith.index_cast %swap3A_2900 : i32 to index
    %swap3A_2902 = arith.constant 480 : index
    %swap3A_2903 = tpu.vector_load %arg5[%swap3A_2901, %swap3A_2902] {strides = array<i32>} : memref<32x512xf32, #tpu.memory_space<vmem>>, vector<1x16xf32>,
    %swap3A_2904 = vector.shape_cast %swap3A_2903 : vector<1x16xf32> to vector<16xf32>
    %swap3A_2905 = vector.shape_cast %get3A_2731 : vector<16xf32> to vector<1x16xf32>
    tpu.vector_store %arg5[%swap3A_2901, %swap3A_2902], %swap3A_2905 {strides = array<i32>} : memref<32x512xf32, #tpu.memory_space<vmem>>, vector<1x16xf32>,
    %swap3A_2906 = arith.constant 29 : i32
    %swap3A_2907 = arith.index_cast %swap3A_2906 : i32 to index
    %swap3A_2908 = arith.constant 480 : index
    %swap3A_2909 = tpu.vector_load %arg5[%swap3A_2907, %swap3A_2908] {strides = array<i32>} : memref<32x512xf32, #tpu.memory_space<vmem>>, vector<1x16xf32>,
    %swap3A_2910 = vector.shape_cast %swap3A_2909 : vector<1x16xf32> to vector<16xf32>
    %swap3A_2911 = vector.shape_cast %get3A_2731 : vector<16xf32> to vector<1x16xf32>
    tpu.vector_store %arg5[%swap3A_2907, %swap3A_2908], %swap3A_2911 {strides = array<i32>} : memref<32x512xf32, #tpu.memory_space<vmem>>, vector<1x16xf32>,
    %swap3A_2912 = arith.constant 30 : i32
    %swap3A_2913 = arith.index_cast %swap3A_2912 : i32 to index
    %swap3A_2914 = arith.constant 480 : index
    %swap3A_2915 = tpu.vector_load %arg5[%swap3A_2913, %swap3A_2914] {strides = array<i32>} : memref<32x512xf32, #tpu.memory_space<vmem>>, vector<1x16xf32>,
    %swap3A_2916 = vector.shape_cast %swap3A_2915 : vector<1x16xf32> to vector<16xf32>
    %swap3A_2917 = vector.shape_cast %get3A_2731 : vector<16xf32> to vector<1x16xf32>
    tpu.vector_store %arg5[%swap3A_2913, %swap3A_2914], %swap3A_2917 {strides = array<i32>} : memref<32x512xf32, #tpu.memory_space<vmem>>, vector<1x16xf32>,
    %swap3A_2918 = arith.constant 31 : i32
    %swap3A_2919 = arith.index_cast %swap3A_2918 : i32 to index
    %swap3A_2920 = arith.constant 480 : index
    %swap3A_2921 = tpu.vector_load %arg5[%swap3A_2919, %swap3A_2920] {strides = array<i32>} : memref<32x512xf32, #tpu.memory_space<vmem>>, vector<1x16xf32>,
    %swap3A_2922 = vector.shape_cast %swap3A_2921 : vector<1x16xf32> to vector<16xf32>
    %swap3A_2923 = vector.shape_cast %get3A_2731 : vector<16xf32> to vector<1x16xf32>
    tpu.vector_store %arg5[%swap3A_2919, %swap3A_2920], %swap3A_2923 {strides = array<i32>} : memref<32x512xf32, #tpu.memory_space<vmem>>, vector<1x16xf32>,
    %get3A_2924 = arith.constant 240 : index
    %get3A_2925 = tpu.vector_load %arg6[%get3A_2924] {strides = array<i32>} : memref<256xf32, #tpu.memory_space<vmem>>, vector<16xf32>,
    %get3A_2926 = vector.shape_cast %get3A_2925 : vector<16xf32> to vector<16xf32>
    %swap3A_2927 = arith.constant 0 : i32
    %swap3A_2928 = arith.index_cast %swap3A_2927 : i32 to index
    %swap3A_2929 = arith.constant 496 : index
    %swap3A_2930 = tpu.vector_load %arg5[%swap3A_2928, %swap3A_2929] {strides = array<i32>} : memref<32x512xf32, #tpu.memory_space<vmem>>, vector<1x16xf32>,
    %swap3A_2931 = vector.shape_cast %swap3A_2930 : vector<1x16xf32> to vector<16xf32>
    %swap3A_2932 = vector.shape_cast %get3A_2926 : vector<16xf32> to vector<1x16xf32>
    tpu.vector_store %arg5[%swap3A_2928, %swap3A_2929], %swap3A_2932 {strides = array<i32>} : memref<32x512xf32, #tpu.memory_space<vmem>>, vector<1x16xf32>,
    %swap3A_2933 = arith.constant 1 : i32
    %swap3A_2934 = arith.index_cast %swap3A_2933 : i32 to index
    %swap3A_2935 = arith.constant 496 : index
    %swap3A_2936 = tpu.vector_load %arg5[%swap3A_2934, %swap3A_2935] {strides = array<i32>} : memref<32x512xf32, #tpu.memory_space<vmem>>, vector<1x16xf32>,
    %swap3A_2937 = vector.shape_cast %swap3A_2936 : vector<1x16xf32> to vector<16xf32>
    %swap3A_2938 = vector.shape_cast %get3A_2926 : vector<16xf32> to vector<1x16xf32>
    tpu.vector_store %arg5[%swap3A_2934, %swap3A_2935], %swap3A_2938 {strides = array<i32>} : memref<32x512xf32, #tpu.memory_space<vmem>>, vector<1x16xf32>,
    %swap3A_2939 = arith.constant 2 : i32
    %swap3A_2940 = arith.index_cast %swap3A_2939 : i32 to index
    %swap3A_2941 = arith.constant 496 : index
    %swap3A_2942 = tpu.vector_load %arg5[%swap3A_2940, %swap3A_2941] {strides = array<i32>} : memref<32x512xf32, #tpu.memory_space<vmem>>, vector<1x16xf32>,
    %swap3A_2943 = vector.shape_cast %swap3A_2942 : vector<1x16xf32> to vector<16xf32>
    %swap3A_2944 = vector.shape_cast %get3A_2926 : vector<16xf32> to vector<1x16xf32>
    tpu.vector_store %arg5[%swap3A_2940, %swap3A_2941], %swap3A_2944 {strides = array<i32>} : memref<32x512xf32, #tpu.memory_space<vmem>>, vector<1x16xf32>,
    %swap3A_2945 = arith.constant 3 : i32
    %swap3A_2946 = arith.index_cast %swap3A_2945 : i32 to index
    %swap3A_2947 = arith.constant 496 : index
    %swap3A_2948 = tpu.vector_load %arg5[%swap3A_2946, %swap3A_2947] {strides = array<i32>} : memref<32x512xf32, #tpu.memory_space<vmem>>, vector<1x16xf32>,
    %swap3A_2949 = vector.shape_cast %swap3A_2948 : vector<1x16xf32> to vector<16xf32>
    %swap3A_2950 = vector.shape_cast %get3A_2926 : vector<16xf32> to vector<1x16xf32>
    tpu.vector_store %arg5[%swap3A_2946, %swap3A_2947], %swap3A_2950 {strides = array<i32>} : memref<32x512xf32, #tpu.memory_space<vmem>>, vector<1x16xf32>,
    %swap3A_2951 = arith.constant 4 : i32
    %swap3A_2952 = arith.index_cast %swap3A_2951 : i32 to index
    %swap3A_2953 = arith.constant 496 : index
    %swap3A_2954 = tpu.vector_load %arg5[%swap3A_2952, %swap3A_2953] {strides = array<i32>} : memref<32x512xf32, #tpu.memory_space<vmem>>, vector<1x16xf32>,
    %swap3A_2955 = vector.shape_cast %swap3A_2954 : vector<1x16xf32> to vector<16xf32>
    %swap3A_2956 = vector.shape_cast %get3A_2926 : vector<16xf32> to vector<1x16xf32>
    tpu.vector_store %arg5[%swap3A_2952, %swap3A_2953], %swap3A_2956 {strides = array<i32>} : memref<32x512xf32, #tpu.memory_space<vmem>>, vector<1x16xf32>,
    %swap3A_2957 = arith.constant 5 : i32
    %swap3A_2958 = arith.index_cast %swap3A_2957 : i32 to index
    %swap3A_2959 = arith.constant 496 : index
    %swap3A_2960 = tpu.vector_load %arg5[%swap3A_2958, %swap3A_2959] {strides = array<i32>} : memref<32x512xf32, #tpu.memory_space<vmem>>, vector<1x16xf32>,
    %swap3A_2961 = vector.shape_cast %swap3A_2960 : vector<1x16xf32> to vector<16xf32>
    %swap3A_2962 = vector.shape_cast %get3A_2926 : vector<16xf32> to vector<1x16xf32>
    tpu.vector_store %arg5[%swap3A_2958, %swap3A_2959], %swap3A_2962 {strides = array<i32>} : memref<32x512xf32, #tpu.memory_space<vmem>>, vector<1x16xf32>,
    %swap3A_2963 = arith.constant 6 : i32
    %swap3A_2964 = arith.index_cast %swap3A_2963 : i32 to index
    %swap3A_2965 = arith.constant 496 : index
    %swap3A_2966 = tpu.vector_load %arg5[%swap3A_2964, %swap3A_2965] {strides = array<i32>} : memref<32x512xf32, #tpu.memory_space<vmem>>, vector<1x16xf32>,
    %swap3A_2967 = vector.shape_cast %swap3A_2966 : vector<1x16xf32> to vector<16xf32>
    %swap3A_2968 = vector.shape_cast %get3A_2926 : vector<16xf32> to vector<1x16xf32>
    tpu.vector_store %arg5[%swap3A_2964, %swap3A_2965], %swap3A_2968 {strides = array<i32>} : memref<32x512xf32, #tpu.memory_space<vmem>>, vector<1x16xf32>,
    %swap3A_2969 = arith.constant 7 : i32
    %swap3A_2970 = arith.index_cast %swap3A_2969 : i32 to index
    %swap3A_2971 = arith.constant 496 : index
    %swap3A_2972 = tpu.vector_load %arg5[%swap3A_2970, %swap3A_2971] {strides = array<i32>} : memref<32x512xf32, #tpu.memory_space<vmem>>, vector<1x16xf32>,
    %swap3A_2973 = vector.shape_cast %swap3A_2972 : vector<1x16xf32> to vector<16xf32>
    %swap3A_2974 = vector.shape_cast %get3A_2926 : vector<16xf32> to vector<1x16xf32>
    tpu.vector_store %arg5[%swap3A_2970, %swap3A_2971], %swap3A_2974 {strides = array<i32>} : memref<32x512xf32, #tpu.memory_space<vmem>>, vector<1x16xf32>,
    %swap3A_2975 = arith.constant 8 : i32
    %swap3A_2976 = arith.index_cast %swap3A_2975 : i32 to index
    %swap3A_2977 = arith.constant 496 : index
    %swap3A_2978 = tpu.vector_load %arg5[%swap3A_2976, %swap3A_2977] {strides = array<i32>} : memref<32x512xf32, #tpu.memory_space<vmem>>, vector<1x16xf32>,
    %swap3A_2979 = vector.shape_cast %swap3A_2978 : vector<1x16xf32> to vector<16xf32>
    %swap3A_2980 = vector.shape_cast %get3A_2926 : vector<16xf32> to vector<1x16xf32>
    tpu.vector_store %arg5[%swap3A_2976, %swap3A_2977], %swap3A_2980 {strides = array<i32>} : memref<32x512xf32, #tpu.memory_space<vmem>>, vector<1x16xf32>,
    %swap3A_2981 = arith.constant 9 : i32
    %swap3A_2982 = arith.index_cast %swap3A_2981 : i32 to index
    %swap3A_2983 = arith.constant 496 : index
    %swap3A_2984 = tpu.vector_load %arg5[%swap3A_2982, %swap3A_2983] {strides = array<i32>} : memref<32x512xf32, #tpu.memory_space<vmem>>, vector<1x16xf32>,
    %swap3A_2985 = vector.shape_cast %swap3A_2984 : vector<1x16xf32> to vector<16xf32>
    %swap3A_2986 = vector.shape_cast %get3A_2926 : vector<16xf32> to vector<1x16xf32>
    tpu.vector_store %arg5[%swap3A_2982, %swap3A_2983], %swap3A_2986 {strides = array<i32>} : memref<32x512xf32, #tpu.memory_space<vmem>>, vector<1x16xf32>,
    %swap3A_2987 = arith.constant 10 : i32
    %swap3A_2988 = arith.index_cast %swap3A_2987 : i32 to index
    %swap3A_2989 = arith.constant 496 : index
    %swap3A_2990 = tpu.vector_load %arg5[%swap3A_2988, %swap3A_2989] {strides = array<i32>} : memref<32x512xf32, #tpu.memory_space<vmem>>, vector<1x16xf32>,
    %swap3A_2991 = vector.shape_cast %swap3A_2990 : vector<1x16xf32> to vector<16xf32>
    %swap3A_2992 = vector.shape_cast %get3A_2926 : vector<16xf32> to vector<1x16xf32>
    tpu.vector_store %arg5[%swap3A_2988, %swap3A_2989], %swap3A_2992 {strides = array<i32>} : memref<32x512xf32, #tpu.memory_space<vmem>>, vector<1x16xf32>,
    %swap3A_2993 = arith.constant 11 : i32
    %swap3A_2994 = arith.index_cast %swap3A_2993 : i32 to index
    %swap3A_2995 = arith.constant 496 : index
    %swap3A_2996 = tpu.vector_load %arg5[%swap3A_2994, %swap3A_2995] {strides = array<i32>} : memref<32x512xf32, #tpu.memory_space<vmem>>, vector<1x16xf32>,
    %swap3A_2997 = vector.shape_cast %swap3A_2996 : vector<1x16xf32> to vector<16xf32>
    %swap3A_2998 = vector.shape_cast %get3A_2926 : vector<16xf32> to vector<1x16xf32>
    tpu.vector_store %arg5[%swap3A_2994, %swap3A_2995], %swap3A_2998 {strides = array<i32>} : memref<32x512xf32, #tpu.memory_space<vmem>>, vector<1x16xf32>,
    %swap3A_2999 = arith.constant 12 : i32
    %swap3A_3000 = arith.index_cast %swap3A_2999 : i32 to index
    %swap3A_3001 = arith.constant 496 : index
    %swap3A_3002 = tpu.vector_load %arg5[%swap3A_3000, %swap3A_3001] {strides = array<i32>} : memref<32x512xf32, #tpu.memory_space<vmem>>, vector<1x16xf32>,
    %swap3A_3003 = vector.shape_cast %swap3A_3002 : vector<1x16xf32> to vector<16xf32>
    %swap3A_3004 = vector.shape_cast %get3A_2926 : vector<16xf32> to vector<1x16xf32>
    tpu.vector_store %arg5[%swap3A_3000, %swap3A_3001], %swap3A_3004 {strides = array<i32>} : memref<32x512xf32, #tpu.memory_space<vmem>>, vector<1x16xf32>,
    %swap3A_3005 = arith.constant 13 : i32
    %swap3A_3006 = arith.index_cast %swap3A_3005 : i32 to index
    %swap3A_3007 = arith.constant 496 : index
    %swap3A_3008 = tpu.vector_load %arg5[%swap3A_3006, %swap3A_3007] {strides = array<i32>} : memref<32x512xf32, #tpu.memory_space<vmem>>, vector<1x16xf32>,
    %swap3A_3009 = vector.shape_cast %swap3A_3008 : vector<1x16xf32> to vector<16xf32>
    %swap3A_3010 = vector.shape_cast %get3A_2926 : vector<16xf32> to vector<1x16xf32>
    tpu.vector_store %arg5[%swap3A_3006, %swap3A_3007], %swap3A_3010 {strides = array<i32>} : memref<32x512xf32, #tpu.memory_space<vmem>>, vector<1x16xf32>,
    %swap3A_3011 = arith.constant 14 : i32
    %swap3A_3012 = arith.index_cast %swap3A_3011 : i32 to index
    %swap3A_3013 = arith.constant 496 : index
    %swap3A_3014 = tpu.vector_load %arg5[%swap3A_3012, %swap3A_3013] {strides = array<i32>} : memref<32x512xf32, #tpu.memory_space<vmem>>, vector<1x16xf32>,
    %swap3A_3015 = vector.shape_cast %swap3A_3014 : vector<1x16xf32> to vector<16xf32>
    %swap3A_3016 = vector.shape_cast %get3A_2926 : vector<16xf32> to vector<1x16xf32>
    tpu.vector_store %arg5[%swap3A_3012, %swap3A_3013], %swap3A_3016 {strides = array<i32>} : memref<32x512xf32, #tpu.memory_space<vmem>>, vector<1x16xf32>,
    %swap3A_3017 = arith.constant 15 : i32
    %swap3A_3018 = arith.index_cast %swap3A_3017 : i32 to index
    %swap3A_3019 = arith.constant 496 : index
    %swap3A_3020 = tpu.vector_load %arg5[%swap3A_3018, %swap3A_3019] {strides = array<i32>} : memref<32x512xf32, #tpu.memory_space<vmem>>, vector<1x16xf32>,
    %swap3A_3021 = vector.shape_cast %swap3A_3020 : vector<1x16xf32> to vector<16xf32>
    %swap3A_3022 = vector.shape_cast %get3A_2926 : vector<16xf32> to vector<1x16xf32>
    tpu.vector_store %arg5[%swap3A_3018, %swap3A_3019], %swap3A_3022 {strides = array<i32>} : memref<32x512xf32, #tpu.memory_space<vmem>>, vector<1x16xf32>,
    %swap3A_3023 = arith.constant 16 : i32
    %swap3A_3024 = arith.index_cast %swap3A_3023 : i32 to index
    %swap3A_3025 = arith.constant 496 : index
    %swap3A_3026 = tpu.vector_load %arg5[%swap3A_3024, %swap3A_3025] {strides = array<i32>} : memref<32x512xf32, #tpu.memory_space<vmem>>, vector<1x16xf32>,
    %swap3A_3027 = vector.shape_cast %swap3A_3026 : vector<1x16xf32> to vector<16xf32>
    %swap3A_3028 = vector.shape_cast %get3A_2926 : vector<16xf32> to vector<1x16xf32>
    tpu.vector_store %arg5[%swap3A_3024, %swap3A_3025], %swap3A_3028 {strides = array<i32>} : memref<32x512xf32, #tpu.memory_space<vmem>>, vector<1x16xf32>,
    %swap3A_3029 = arith.constant 17 : i32
    %swap3A_3030 = arith.index_cast %swap3A_3029 : i32 to index
    %swap3A_3031 = arith.constant 496 : index
    %swap3A_3032 = tpu.vector_load %arg5[%swap3A_3030, %swap3A_3031] {strides = array<i32>} : memref<32x512xf32, #tpu.memory_space<vmem>>, vector<1x16xf32>,
    %swap3A_3033 = vector.shape_cast %swap3A_3032 : vector<1x16xf32> to vector<16xf32>
    %swap3A_3034 = vector.shape_cast %get3A_2926 : vector<16xf32> to vector<1x16xf32>
    tpu.vector_store %arg5[%swap3A_3030, %swap3A_3031], %swap3A_3034 {strides = array<i32>} : memref<32x512xf32, #tpu.memory_space<vmem>>, vector<1x16xf32>,
    %swap3A_3035 = arith.constant 18 : i32
    %swap3A_3036 = arith.index_cast %swap3A_3035 : i32 to index
    %swap3A_3037 = arith.constant 496 : index
    %swap3A_3038 = tpu.vector_load %arg5[%swap3A_3036, %swap3A_3037] {strides = array<i32>} : memref<32x512xf32, #tpu.memory_space<vmem>>, vector<1x16xf32>,
    %swap3A_3039 = vector.shape_cast %swap3A_3038 : vector<1x16xf32> to vector<16xf32>
    %swap3A_3040 = vector.shape_cast %get3A_2926 : vector<16xf32> to vector<1x16xf32>
    tpu.vector_store %arg5[%swap3A_3036, %swap3A_3037], %swap3A_3040 {strides = array<i32>} : memref<32x512xf32, #tpu.memory_space<vmem>>, vector<1x16xf32>,
    %swap3A_3041 = arith.constant 19 : i32
    %swap3A_3042 = arith.index_cast %swap3A_3041 : i32 to index
    %swap3A_3043 = arith.constant 496 : index
    %swap3A_3044 = tpu.vector_load %arg5[%swap3A_3042, %swap3A_3043] {strides = array<i32>} : memref<32x512xf32, #tpu.memory_space<vmem>>, vector<1x16xf32>,
    %swap3A_3045 = vector.shape_cast %swap3A_3044 : vector<1x16xf32> to vector<16xf32>
    %swap3A_3046 = vector.shape_cast %get3A_2926 : vector<16xf32> to vector<1x16xf32>
    tpu.vector_store %arg5[%swap3A_3042, %swap3A_3043], %swap3A_3046 {strides = array<i32>} : memref<32x512xf32, #tpu.memory_space<vmem>>, vector<1x16xf32>,
    %swap3A_3047 = arith.constant 20 : i32
    %swap3A_3048 = arith.index_cast %swap3A_3047 : i32 to index
    %swap3A_3049 = arith.constant 496 : index
    %swap3A_3050 = tpu.vector_load %arg5[%swap3A_3048, %swap3A_3049] {strides = array<i32>} : memref<32x512xf32, #tpu.memory_space<vmem>>, vector<1x16xf32>,
    %swap3A_3051 = vector.shape_cast %swap3A_3050 : vector<1x16xf32> to vector<16xf32>
    %swap3A_3052 = vector.shape_cast %get3A_2926 : vector<16xf32> to vector<1x16xf32>
    tpu.vector_store %arg5[%swap3A_3048, %swap3A_3049], %swap3A_3052 {strides = array<i32>} : memref<32x512xf32, #tpu.memory_space<vmem>>, vector<1x16xf32>,
    %swap3A_3053 = arith.constant 21 : i32
    %swap3A_3054 = arith.index_cast %swap3A_3053 : i32 to index
    %swap3A_3055 = arith.constant 496 : index
    %swap3A_3056 = tpu.vector_load %arg5[%swap3A_3054, %swap3A_3055] {strides = array<i32>} : memref<32x512xf32, #tpu.memory_space<vmem>>, vector<1x16xf32>,
    %swap3A_3057 = vector.shape_cast %swap3A_3056 : vector<1x16xf32> to vector<16xf32>
    %swap3A_3058 = vector.shape_cast %get3A_2926 : vector<16xf32> to vector<1x16xf32>
    tpu.vector_store %arg5[%swap3A_3054, %swap3A_3055], %swap3A_3058 {strides = array<i32>} : memref<32x512xf32, #tpu.memory_space<vmem>>, vector<1x16xf32>,
    %swap3A_3059 = arith.constant 22 : i32
    %swap3A_3060 = arith.index_cast %swap3A_3059 : i32 to index
    %swap3A_3061 = arith.constant 496 : index
    %swap3A_3062 = tpu.vector_load %arg5[%swap3A_3060, %swap3A_3061] {strides = array<i32>} : memref<32x512xf32, #tpu.memory_space<vmem>>, vector<1x16xf32>,
    %swap3A_3063 = vector.shape_cast %swap3A_3062 : vector<1x16xf32> to vector<16xf32>
    %swap3A_3064 = vector.shape_cast %get3A_2926 : vector<16xf32> to vector<1x16xf32>
    tpu.vector_store %arg5[%swap3A_3060, %swap3A_3061], %swap3A_3064 {strides = array<i32>} : memref<32x512xf32, #tpu.memory_space<vmem>>, vector<1x16xf32>,
    %swap3A_3065 = arith.constant 23 : i32
    %swap3A_3066 = arith.index_cast %swap3A_3065 : i32 to index
    %swap3A_3067 = arith.constant 496 : index
    %swap3A_3068 = tpu.vector_load %arg5[%swap3A_3066, %swap3A_3067] {strides = array<i32>} : memref<32x512xf32, #tpu.memory_space<vmem>>, vector<1x16xf32>,
    %swap3A_3069 = vector.shape_cast %swap3A_3068 : vector<1x16xf32> to vector<16xf32>
    %swap3A_3070 = vector.shape_cast %get3A_2926 : vector<16xf32> to vector<1x16xf32>
    tpu.vector_store %arg5[%swap3A_3066, %swap3A_3067], %swap3A_3070 {strides = array<i32>} : memref<32x512xf32, #tpu.memory_space<vmem>>, vector<1x16xf32>,
    %swap3A_3071 = arith.constant 24 : i32
    %swap3A_3072 = arith.index_cast %swap3A_3071 : i32 to index
    %swap3A_3073 = arith.constant 496 : index
    %swap3A_3074 = tpu.vector_load %arg5[%swap3A_3072, %swap3A_3073] {strides = array<i32>} : memref<32x512xf32, #tpu.memory_space<vmem>>, vector<1x16xf32>,
    %swap3A_3075 = vector.shape_cast %swap3A_3074 : vector<1x16xf32> to vector<16xf32>
    %swap3A_3076 = vector.shape_cast %get3A_2926 : vector<16xf32> to vector<1x16xf32>
    tpu.vector_store %arg5[%swap3A_3072, %swap3A_3073], %swap3A_3076 {strides = array<i32>} : memref<32x512xf32, #tpu.memory_space<vmem>>, vector<1x16xf32>,
    %swap3A_3077 = arith.constant 25 : i32
    %swap3A_3078 = arith.index_cast %swap3A_3077 : i32 to index
    %swap3A_3079 = arith.constant 496 : index
    %swap3A_3080 = tpu.vector_load %arg5[%swap3A_3078, %swap3A_3079] {strides = array<i32>} : memref<32x512xf32, #tpu.memory_space<vmem>>, vector<1x16xf32>,
    %swap3A_3081 = vector.shape_cast %swap3A_3080 : vector<1x16xf32> to vector<16xf32>
    %swap3A_3082 = vector.shape_cast %get3A_2926 : vector<16xf32> to vector<1x16xf32>
    tpu.vector_store %arg5[%swap3A_3078, %swap3A_3079], %swap3A_3082 {strides = array<i32>} : memref<32x512xf32, #tpu.memory_space<vmem>>, vector<1x16xf32>,
    %swap3A_3083 = arith.constant 26 : i32
    %swap3A_3084 = arith.index_cast %swap3A_3083 : i32 to index
    %swap3A_3085 = arith.constant 496 : index
    %swap3A_3086 = tpu.vector_load %arg5[%swap3A_3084, %swap3A_3085] {strides = array<i32>} : memref<32x512xf32, #tpu.memory_space<vmem>>, vector<1x16xf32>,
    %swap3A_3087 = vector.shape_cast %swap3A_3086 : vector<1x16xf32> to vector<16xf32>
    %swap3A_3088 = vector.shape_cast %get3A_2926 : vector<16xf32> to vector<1x16xf32>
    tpu.vector_store %arg5[%swap3A_3084, %swap3A_3085], %swap3A_3088 {strides = array<i32>} : memref<32x512xf32, #tpu.memory_space<vmem>>, vector<1x16xf32>,
    %swap3A_3089 = arith.constant 27 : i32
    %swap3A_3090 = arith.index_cast %swap3A_3089 : i32 to index
    %swap3A_3091 = arith.constant 496 : index
    %swap3A_3092 = tpu.vector_load %arg5[%swap3A_3090, %swap3A_3091] {strides = array<i32>} : memref<32x512xf32, #tpu.memory_space<vmem>>, vector<1x16xf32>,
    %swap3A_3093 = vector.shape_cast %swap3A_3092 : vector<1x16xf32> to vector<16xf32>
    %swap3A_3094 = vector.shape_cast %get3A_2926 : vector<16xf32> to vector<1x16xf32>
    tpu.vector_store %arg5[%swap3A_3090, %swap3A_3091], %swap3A_3094 {strides = array<i32>} : memref<32x512xf32, #tpu.memory_space<vmem>>, vector<1x16xf32>,
    %swap3A_3095 = arith.constant 28 : i32
    %swap3A_3096 = arith.index_cast %swap3A_3095 : i32 to index
    %swap3A_3097 = arith.constant 496 : index
    %swap3A_3098 = tpu.vector_load %arg5[%swap3A_3096, %swap3A_3097] {strides = array<i32>} : memref<32x512xf32, #tpu.memory_space<vmem>>, vector<1x16xf32>,
    %swap3A_3099 = vector.shape_cast %swap3A_3098 : vector<1x16xf32> to vector<16xf32>
    %swap3A_3100 = vector.shape_cast %get3A_2926 : vector<16xf32> to vector<1x16xf32>
    tpu.vector_store %arg5[%swap3A_3096, %swap3A_3097], %swap3A_3100 {strides = array<i32>} : memref<32x512xf32, #tpu.memory_space<vmem>>, vector<1x16xf32>,
    %swap3A_3101 = arith.constant 29 : i32
    %swap3A_3102 = arith.index_cast %swap3A_3101 : i32 to index
    %swap3A_3103 = arith.constant 496 : index
    %swap3A_3104 = tpu.vector_load %arg5[%swap3A_3102, %swap3A_3103] {strides = array<i32>} : memref<32x512xf32, #tpu.memory_space<vmem>>, vector<1x16xf32>,
    %swap3A_3105 = vector.shape_cast %swap3A_3104 : vector<1x16xf32> to vector<16xf32>
    %swap3A_3106 = vector.shape_cast %get3A_2926 : vector<16xf32> to vector<1x16xf32>
    tpu.vector_store %arg5[%swap3A_3102, %swap3A_3103], %swap3A_3106 {strides = array<i32>} : memref<32x512xf32, #tpu.memory_space<vmem>>, vector<1x16xf32>,
    %swap3A_3107 = arith.constant 30 : i32
    %swap3A_3108 = arith.index_cast %swap3A_3107 : i32 to index
    %swap3A_3109 = arith.constant 496 : index
    %swap3A_3110 = tpu.vector_load %arg5[%swap3A_3108, %swap3A_3109] {strides = array<i32>} : memref<32x512xf32, #tpu.memory_space<vmem>>, vector<1x16xf32>,
    %swap3A_3111 = vector.shape_cast %swap3A_3110 : vector<1x16xf32> to vector<16xf32>
    %swap3A_3112 = vector.shape_cast %get3A_2926 : vector<16xf32> to vector<1x16xf32>
    tpu.vector_store %arg5[%swap3A_3108, %swap3A_3109], %swap3A_3112 {strides = array<i32>} : memref<32x512xf32, #tpu.memory_space<vmem>>, vector<1x16xf32>,
    %swap3A_3113 = arith.constant 31 : i32
    %swap3A_3114 = arith.index_cast %swap3A_3113 : i32 to index
    %swap3A_3115 = arith.constant 496 : index
    %swap3A_3116 = tpu.vector_load %arg5[%swap3A_3114, %swap3A_3115] {strides = array<i32>} : memref<32x512xf32, #tpu.memory_space<vmem>>, vector<1x16xf32>,
    %swap3A_3117 = vector.shape_cast %swap3A_3116 : vector<1x16xf32> to vector<16xf32>
    %swap3A_3118 = vector.shape_cast %get3A_2926 : vector<16xf32> to vector<1x16xf32>
    tpu.vector_store %arg5[%swap3A_3114, %swap3A_3115], %swap3A_3118 {strides = array<i32>} : memref<32x512xf32, #tpu.memory_space<vmem>>, vector<1x16xf32>,
    %dma_start3A = arith.constant 0 : i32
    %dma_start3A_3119 = arith.constant 0 : i32
    %dma_start3A_3120 = tpu.memref_slice %arg4[%add3A, %dma_start3A, %dma_start3A_3119] : memref<32x32x512xf32, #tpu.memory_space<hbm>> -> memref<1x32x512xf32, #tpu.memory_space<hbm>>
    %dma_start3A_3121 = tpu.memref_squeeze %dma_start3A_3120 : memref<1x32x512xf32, #tpu.memory_space<hbm>> -> memref<32x512xf32, #tpu.memory_space<hbm>>
    %dma_start3A_3122 = arith.constant 0 : i32
    %dma_start3A_3123 = arith.constant 0 : i32
    %dma_start3A_3124 = tpu.memref_slice %arg4[%add3A, %dma_start3A_3122, %dma_start3A_3123] : memref<32x32x512xf32, #tpu.memory_space<hbm>> -> memref<1x32x512xf32, #tpu.memory_space<hbm>>
    %dma_start3A_3125 = tpu.memref_squeeze %dma_start3A_3124 : memref<1x32x512xf32, #tpu.memory_space<hbm>> -> memref<32x512xf32, #tpu.memory_space<hbm>>
    tpu.enqueue_dma source(%arg5 : memref<32x512xf32, #tpu.memory_space<vmem>>) target(%dma_start3A_3125 : memref<32x512xf32, #tpu.memory_space<hbm>>) target_semaphore(%arg7 : memref<!tpu.dma_semaphore, #tpu.memory_space<semaphore_mem>>)
    %dma_wait3A = arith.constant 0 : i32
    %dma_wait3A_3126 = arith.constant 0 : i32
    %dma_wait3A_3127 = tpu.memref_slice %arg4[%add3A, %dma_wait3A, %dma_wait3A_3126] : memref<32x32x512xf32, #tpu.memory_space<hbm>> -> memref<1x32x512xf32, #tpu.memory_space<hbm>>
    %dma_wait3A_3128 = tpu.memref_squeeze %dma_wait3A_3127 : memref<1x32x512xf32, #tpu.memory_space<hbm>> -> memref<32x512xf32, #tpu.memory_space<hbm>>
    %dma_wait3A_3129 = arith.constant 0 : i32
    %dma_wait3A_3130 = arith.constant 0 : i32
    %dma_wait3A_3131 = tpu.memref_slice %arg4[%add3A, %dma_wait3A_3129, %dma_wait3A_3130] : memref<32x32x512xf32, #tpu.memory_space<hbm>> -> memref<1x32x512xf32, #tpu.memory_space<hbm>>
    %dma_wait3A_3132 = tpu.memref_squeeze %dma_wait3A_3131 : memref<1x32x512xf32, #tpu.memory_space<hbm>> -> memref<32x512xf32, #tpu.memory_space<hbm>>
    tpu.wait_dma2 semaphore(%arg7 : memref<!tpu.dma_semaphore, #tpu.memory_space<semaphore_mem>>) src(%arg5 : memref<32x512xf32, #tpu.memory_space<vmem>>) dst(%dma_wait3A_3132 : memref<32x512xf32, #tpu.memory_space<hbm>>)
    return
  }
}

module attributes {stable_mosaic.version = 14 : i64} {
  func.func @_tc_rep_body(%arg0: memref<32x32x512xf32, #tpu.memory_space<vmem>>, %arg1: memref<16x32x32x512xf32, #tpu.memory_space<any>>, %arg2: memref<8x!tpu.dma_semaphore, #tpu.memory_space<semaphore_mem>>) attributes {dimension_semantics = [], scalar_prefetch = 0 : i64, scratch_operands = 1 : i64, tpu.core_type = #tpu.core_type<tc>} {
    %dma_start3A = arith.constant 0 : i32
    %dma_start3A_0 = arith.constant 0 : i32
    %dma_start3A_1 = tpu.memref_slice %arg2[%dma_start3A_0] : memref<8x!tpu.dma_semaphore, #tpu.memory_space<semaphore_mem>> -> memref<1x!tpu.dma_semaphore, #tpu.memory_space<semaphore_mem>>
    %dma_start3A_2 = tpu.memref_squeeze %dma_start3A_1 : memref<1x!tpu.dma_semaphore, #tpu.memory_space<semaphore_mem>> -> memref<!tpu.dma_semaphore, #tpu.memory_space<semaphore_mem>>
    %dma_start3A_3 = arith.constant 0 : i32
    %dma_start3A_4 = arith.constant 0 : i32
    %dma_start3A_5 = arith.constant 0 : i32
    %dma_start3A_6 = tpu.memref_slice %arg1[%dma_start3A, %dma_start3A_3, %dma_start3A_4, %dma_start3A_5] : memref<16x32x32x512xf32, #tpu.memory_space<any>> -> memref<1x32x32x512xf32, #tpu.memory_space<any>>
    %dma_start3A_7 = tpu.memref_squeeze %dma_start3A_6 : memref<1x32x32x512xf32, #tpu.memory_space<any>> -> memref<32x32x512xf32, #tpu.memory_space<any>>
    tpu.enqueue_dma source(%arg0 : memref<32x32x512xf32, #tpu.memory_space<vmem>>) target(%dma_start3A_7 : memref<32x32x512xf32, #tpu.memory_space<any>>) target_semaphore(%dma_start3A_2 : memref<!tpu.dma_semaphore, #tpu.memory_space<semaphore_mem>>)
    %dma_start3A_8 = arith.constant 1 : i32
    %dma_start3A_9 = arith.constant 1 : i32
    %dma_start3A_10 = tpu.memref_slice %arg2[%dma_start3A_9] : memref<8x!tpu.dma_semaphore, #tpu.memory_space<semaphore_mem>> -> memref<1x!tpu.dma_semaphore, #tpu.memory_space<semaphore_mem>>
    %dma_start3A_11 = tpu.memref_squeeze %dma_start3A_10 : memref<1x!tpu.dma_semaphore, #tpu.memory_space<semaphore_mem>> -> memref<!tpu.dma_semaphore, #tpu.memory_space<semaphore_mem>>
    %dma_start3A_12 = arith.constant 0 : i32
    %dma_start3A_13 = arith.constant 0 : i32
    %dma_start3A_14 = arith.constant 0 : i32
    %dma_start3A_15 = tpu.memref_slice %arg1[%dma_start3A_8, %dma_start3A_12, %dma_start3A_13, %dma_start3A_14] : memref<16x32x32x512xf32, #tpu.memory_space<any>> -> memref<1x32x32x512xf32, #tpu.memory_space<any>>
    %dma_start3A_16 = tpu.memref_squeeze %dma_start3A_15 : memref<1x32x32x512xf32, #tpu.memory_space<any>> -> memref<32x32x512xf32, #tpu.memory_space<any>>
    tpu.enqueue_dma source(%arg0 : memref<32x32x512xf32, #tpu.memory_space<vmem>>) target(%dma_start3A_16 : memref<32x32x512xf32, #tpu.memory_space<any>>) target_semaphore(%dma_start3A_11 : memref<!tpu.dma_semaphore, #tpu.memory_space<semaphore_mem>>)
    %dma_start3A_17 = arith.constant 2 : i32
    %dma_start3A_18 = arith.constant 2 : i32
    %dma_start3A_19 = tpu.memref_slice %arg2[%dma_start3A_18] : memref<8x!tpu.dma_semaphore, #tpu.memory_space<semaphore_mem>> -> memref<1x!tpu.dma_semaphore, #tpu.memory_space<semaphore_mem>>
    %dma_start3A_20 = tpu.memref_squeeze %dma_start3A_19 : memref<1x!tpu.dma_semaphore, #tpu.memory_space<semaphore_mem>> -> memref<!tpu.dma_semaphore, #tpu.memory_space<semaphore_mem>>
    %dma_start3A_21 = arith.constant 0 : i32
    %dma_start3A_22 = arith.constant 0 : i32
    %dma_start3A_23 = arith.constant 0 : i32
    %dma_start3A_24 = tpu.memref_slice %arg1[%dma_start3A_17, %dma_start3A_21, %dma_start3A_22, %dma_start3A_23] : memref<16x32x32x512xf32, #tpu.memory_space<any>> -> memref<1x32x32x512xf32, #tpu.memory_space<any>>
    %dma_start3A_25 = tpu.memref_squeeze %dma_start3A_24 : memref<1x32x32x512xf32, #tpu.memory_space<any>> -> memref<32x32x512xf32, #tpu.memory_space<any>>
    tpu.enqueue_dma source(%arg0 : memref<32x32x512xf32, #tpu.memory_space<vmem>>) target(%dma_start3A_25 : memref<32x32x512xf32, #tpu.memory_space<any>>) target_semaphore(%dma_start3A_20 : memref<!tpu.dma_semaphore, #tpu.memory_space<semaphore_mem>>)
    %dma_start3A_26 = arith.constant 3 : i32
    %dma_start3A_27 = arith.constant 3 : i32
    %dma_start3A_28 = tpu.memref_slice %arg2[%dma_start3A_27] : memref<8x!tpu.dma_semaphore, #tpu.memory_space<semaphore_mem>> -> memref<1x!tpu.dma_semaphore, #tpu.memory_space<semaphore_mem>>
    %dma_start3A_29 = tpu.memref_squeeze %dma_start3A_28 : memref<1x!tpu.dma_semaphore, #tpu.memory_space<semaphore_mem>> -> memref<!tpu.dma_semaphore, #tpu.memory_space<semaphore_mem>>
    %dma_start3A_30 = arith.constant 0 : i32
    %dma_start3A_31 = arith.constant 0 : i32
    %dma_start3A_32 = arith.constant 0 : i32
    %dma_start3A_33 = tpu.memref_slice %arg1[%dma_start3A_26, %dma_start3A_30, %dma_start3A_31, %dma_start3A_32] : memref<16x32x32x512xf32, #tpu.memory_space<any>> -> memref<1x32x32x512xf32, #tpu.memory_space<any>>
    %dma_start3A_34 = tpu.memref_squeeze %dma_start3A_33 : memref<1x32x32x512xf32, #tpu.memory_space<any>> -> memref<32x32x512xf32, #tpu.memory_space<any>>
    tpu.enqueue_dma source(%arg0 : memref<32x32x512xf32, #tpu.memory_space<vmem>>) target(%dma_start3A_34 : memref<32x32x512xf32, #tpu.memory_space<any>>) target_semaphore(%dma_start3A_29 : memref<!tpu.dma_semaphore, #tpu.memory_space<semaphore_mem>>)
    %dma_start3A_35 = arith.constant 4 : i32
    %dma_start3A_36 = arith.constant 4 : i32
    %dma_start3A_37 = tpu.memref_slice %arg2[%dma_start3A_36] : memref<8x!tpu.dma_semaphore, #tpu.memory_space<semaphore_mem>> -> memref<1x!tpu.dma_semaphore, #tpu.memory_space<semaphore_mem>>
    %dma_start3A_38 = tpu.memref_squeeze %dma_start3A_37 : memref<1x!tpu.dma_semaphore, #tpu.memory_space<semaphore_mem>> -> memref<!tpu.dma_semaphore, #tpu.memory_space<semaphore_mem>>
    %dma_start3A_39 = arith.constant 0 : i32
    %dma_start3A_40 = arith.constant 0 : i32
    %dma_start3A_41 = arith.constant 0 : i32
    %dma_start3A_42 = tpu.memref_slice %arg1[%dma_start3A_35, %dma_start3A_39, %dma_start3A_40, %dma_start3A_41] : memref<16x32x32x512xf32, #tpu.memory_space<any>> -> memref<1x32x32x512xf32, #tpu.memory_space<any>>
    %dma_start3A_43 = tpu.memref_squeeze %dma_start3A_42 : memref<1x32x32x512xf32, #tpu.memory_space<any>> -> memref<32x32x512xf32, #tpu.memory_space<any>>
    tpu.enqueue_dma source(%arg0 : memref<32x32x512xf32, #tpu.memory_space<vmem>>) target(%dma_start3A_43 : memref<32x32x512xf32, #tpu.memory_space<any>>) target_semaphore(%dma_start3A_38 : memref<!tpu.dma_semaphore, #tpu.memory_space<semaphore_mem>>)
    %dma_start3A_44 = arith.constant 5 : i32
    %dma_start3A_45 = arith.constant 5 : i32
    %dma_start3A_46 = tpu.memref_slice %arg2[%dma_start3A_45] : memref<8x!tpu.dma_semaphore, #tpu.memory_space<semaphore_mem>> -> memref<1x!tpu.dma_semaphore, #tpu.memory_space<semaphore_mem>>
    %dma_start3A_47 = tpu.memref_squeeze %dma_start3A_46 : memref<1x!tpu.dma_semaphore, #tpu.memory_space<semaphore_mem>> -> memref<!tpu.dma_semaphore, #tpu.memory_space<semaphore_mem>>
    %dma_start3A_48 = arith.constant 0 : i32
    %dma_start3A_49 = arith.constant 0 : i32
    %dma_start3A_50 = arith.constant 0 : i32
    %dma_start3A_51 = tpu.memref_slice %arg1[%dma_start3A_44, %dma_start3A_48, %dma_start3A_49, %dma_start3A_50] : memref<16x32x32x512xf32, #tpu.memory_space<any>> -> memref<1x32x32x512xf32, #tpu.memory_space<any>>
    %dma_start3A_52 = tpu.memref_squeeze %dma_start3A_51 : memref<1x32x32x512xf32, #tpu.memory_space<any>> -> memref<32x32x512xf32, #tpu.memory_space<any>>
    tpu.enqueue_dma source(%arg0 : memref<32x32x512xf32, #tpu.memory_space<vmem>>) target(%dma_start3A_52 : memref<32x32x512xf32, #tpu.memory_space<any>>) target_semaphore(%dma_start3A_47 : memref<!tpu.dma_semaphore, #tpu.memory_space<semaphore_mem>>)
    %dma_start3A_53 = arith.constant 6 : i32
    %dma_start3A_54 = arith.constant 6 : i32
    %dma_start3A_55 = tpu.memref_slice %arg2[%dma_start3A_54] : memref<8x!tpu.dma_semaphore, #tpu.memory_space<semaphore_mem>> -> memref<1x!tpu.dma_semaphore, #tpu.memory_space<semaphore_mem>>
    %dma_start3A_56 = tpu.memref_squeeze %dma_start3A_55 : memref<1x!tpu.dma_semaphore, #tpu.memory_space<semaphore_mem>> -> memref<!tpu.dma_semaphore, #tpu.memory_space<semaphore_mem>>
    %dma_start3A_57 = arith.constant 0 : i32
    %dma_start3A_58 = arith.constant 0 : i32
    %dma_start3A_59 = arith.constant 0 : i32
    %dma_start3A_60 = tpu.memref_slice %arg1[%dma_start3A_53, %dma_start3A_57, %dma_start3A_58, %dma_start3A_59] : memref<16x32x32x512xf32, #tpu.memory_space<any>> -> memref<1x32x32x512xf32, #tpu.memory_space<any>>
    %dma_start3A_61 = tpu.memref_squeeze %dma_start3A_60 : memref<1x32x32x512xf32, #tpu.memory_space<any>> -> memref<32x32x512xf32, #tpu.memory_space<any>>
    tpu.enqueue_dma source(%arg0 : memref<32x32x512xf32, #tpu.memory_space<vmem>>) target(%dma_start3A_61 : memref<32x32x512xf32, #tpu.memory_space<any>>) target_semaphore(%dma_start3A_56 : memref<!tpu.dma_semaphore, #tpu.memory_space<semaphore_mem>>)
    %dma_start3A_62 = arith.constant 7 : i32
    %dma_start3A_63 = arith.constant 7 : i32
    %dma_start3A_64 = tpu.memref_slice %arg2[%dma_start3A_63] : memref<8x!tpu.dma_semaphore, #tpu.memory_space<semaphore_mem>> -> memref<1x!tpu.dma_semaphore, #tpu.memory_space<semaphore_mem>>
    %dma_start3A_65 = tpu.memref_squeeze %dma_start3A_64 : memref<1x!tpu.dma_semaphore, #tpu.memory_space<semaphore_mem>> -> memref<!tpu.dma_semaphore, #tpu.memory_space<semaphore_mem>>
    %dma_start3A_66 = arith.constant 0 : i32
    %dma_start3A_67 = arith.constant 0 : i32
    %dma_start3A_68 = arith.constant 0 : i32
    %dma_start3A_69 = tpu.memref_slice %arg1[%dma_start3A_62, %dma_start3A_66, %dma_start3A_67, %dma_start3A_68] : memref<16x32x32x512xf32, #tpu.memory_space<any>> -> memref<1x32x32x512xf32, #tpu.memory_space<any>>
    %dma_start3A_70 = tpu.memref_squeeze %dma_start3A_69 : memref<1x32x32x512xf32, #tpu.memory_space<any>> -> memref<32x32x512xf32, #tpu.memory_space<any>>
    tpu.enqueue_dma source(%arg0 : memref<32x32x512xf32, #tpu.memory_space<vmem>>) target(%dma_start3A_70 : memref<32x32x512xf32, #tpu.memory_space<any>>) target_semaphore(%dma_start3A_65 : memref<!tpu.dma_semaphore, #tpu.memory_space<semaphore_mem>>)
    %dma_start3A_71 = arith.constant 8 : i32
    %dma_start3A_72 = arith.constant 0 : i32
    %dma_start3A_73 = tpu.memref_slice %arg2[%dma_start3A_72] : memref<8x!tpu.dma_semaphore, #tpu.memory_space<semaphore_mem>> -> memref<1x!tpu.dma_semaphore, #tpu.memory_space<semaphore_mem>>
    %dma_start3A_74 = tpu.memref_squeeze %dma_start3A_73 : memref<1x!tpu.dma_semaphore, #tpu.memory_space<semaphore_mem>> -> memref<!tpu.dma_semaphore, #tpu.memory_space<semaphore_mem>>
    %dma_start3A_75 = arith.constant 0 : i32
    %dma_start3A_76 = arith.constant 0 : i32
    %dma_start3A_77 = arith.constant 0 : i32
    %dma_start3A_78 = tpu.memref_slice %arg1[%dma_start3A_71, %dma_start3A_75, %dma_start3A_76, %dma_start3A_77] : memref<16x32x32x512xf32, #tpu.memory_space<any>> -> memref<1x32x32x512xf32, #tpu.memory_space<any>>
    %dma_start3A_79 = tpu.memref_squeeze %dma_start3A_78 : memref<1x32x32x512xf32, #tpu.memory_space<any>> -> memref<32x32x512xf32, #tpu.memory_space<any>>
    tpu.enqueue_dma source(%arg0 : memref<32x32x512xf32, #tpu.memory_space<vmem>>) target(%dma_start3A_79 : memref<32x32x512xf32, #tpu.memory_space<any>>) target_semaphore(%dma_start3A_74 : memref<!tpu.dma_semaphore, #tpu.memory_space<semaphore_mem>>)
    %dma_start3A_80 = arith.constant 9 : i32
    %dma_start3A_81 = arith.constant 1 : i32
    %dma_start3A_82 = tpu.memref_slice %arg2[%dma_start3A_81] : memref<8x!tpu.dma_semaphore, #tpu.memory_space<semaphore_mem>> -> memref<1x!tpu.dma_semaphore, #tpu.memory_space<semaphore_mem>>
    %dma_start3A_83 = tpu.memref_squeeze %dma_start3A_82 : memref<1x!tpu.dma_semaphore, #tpu.memory_space<semaphore_mem>> -> memref<!tpu.dma_semaphore, #tpu.memory_space<semaphore_mem>>
    %dma_start3A_84 = arith.constant 0 : i32
    %dma_start3A_85 = arith.constant 0 : i32
    %dma_start3A_86 = arith.constant 0 : i32
    %dma_start3A_87 = tpu.memref_slice %arg1[%dma_start3A_80, %dma_start3A_84, %dma_start3A_85, %dma_start3A_86] : memref<16x32x32x512xf32, #tpu.memory_space<any>> -> memref<1x32x32x512xf32, #tpu.memory_space<any>>
    %dma_start3A_88 = tpu.memref_squeeze %dma_start3A_87 : memref<1x32x32x512xf32, #tpu.memory_space<any>> -> memref<32x32x512xf32, #tpu.memory_space<any>>
    tpu.enqueue_dma source(%arg0 : memref<32x32x512xf32, #tpu.memory_space<vmem>>) target(%dma_start3A_88 : memref<32x32x512xf32, #tpu.memory_space<any>>) target_semaphore(%dma_start3A_83 : memref<!tpu.dma_semaphore, #tpu.memory_space<semaphore_mem>>)
    %dma_start3A_89 = arith.constant 10 : i32
    %dma_start3A_90 = arith.constant 2 : i32
    %dma_start3A_91 = tpu.memref_slice %arg2[%dma_start3A_90] : memref<8x!tpu.dma_semaphore, #tpu.memory_space<semaphore_mem>> -> memref<1x!tpu.dma_semaphore, #tpu.memory_space<semaphore_mem>>
    %dma_start3A_92 = tpu.memref_squeeze %dma_start3A_91 : memref<1x!tpu.dma_semaphore, #tpu.memory_space<semaphore_mem>> -> memref<!tpu.dma_semaphore, #tpu.memory_space<semaphore_mem>>
    %dma_start3A_93 = arith.constant 0 : i32
    %dma_start3A_94 = arith.constant 0 : i32
    %dma_start3A_95 = arith.constant 0 : i32
    %dma_start3A_96 = tpu.memref_slice %arg1[%dma_start3A_89, %dma_start3A_93, %dma_start3A_94, %dma_start3A_95] : memref<16x32x32x512xf32, #tpu.memory_space<any>> -> memref<1x32x32x512xf32, #tpu.memory_space<any>>
    %dma_start3A_97 = tpu.memref_squeeze %dma_start3A_96 : memref<1x32x32x512xf32, #tpu.memory_space<any>> -> memref<32x32x512xf32, #tpu.memory_space<any>>
    tpu.enqueue_dma source(%arg0 : memref<32x32x512xf32, #tpu.memory_space<vmem>>) target(%dma_start3A_97 : memref<32x32x512xf32, #tpu.memory_space<any>>) target_semaphore(%dma_start3A_92 : memref<!tpu.dma_semaphore, #tpu.memory_space<semaphore_mem>>)
    %dma_start3A_98 = arith.constant 11 : i32
    %dma_start3A_99 = arith.constant 3 : i32
    %dma_start3A_100 = tpu.memref_slice %arg2[%dma_start3A_99] : memref<8x!tpu.dma_semaphore, #tpu.memory_space<semaphore_mem>> -> memref<1x!tpu.dma_semaphore, #tpu.memory_space<semaphore_mem>>
    %dma_start3A_101 = tpu.memref_squeeze %dma_start3A_100 : memref<1x!tpu.dma_semaphore, #tpu.memory_space<semaphore_mem>> -> memref<!tpu.dma_semaphore, #tpu.memory_space<semaphore_mem>>
    %dma_start3A_102 = arith.constant 0 : i32
    %dma_start3A_103 = arith.constant 0 : i32
    %dma_start3A_104 = arith.constant 0 : i32
    %dma_start3A_105 = tpu.memref_slice %arg1[%dma_start3A_98, %dma_start3A_102, %dma_start3A_103, %dma_start3A_104] : memref<16x32x32x512xf32, #tpu.memory_space<any>> -> memref<1x32x32x512xf32, #tpu.memory_space<any>>
    %dma_start3A_106 = tpu.memref_squeeze %dma_start3A_105 : memref<1x32x32x512xf32, #tpu.memory_space<any>> -> memref<32x32x512xf32, #tpu.memory_space<any>>
    tpu.enqueue_dma source(%arg0 : memref<32x32x512xf32, #tpu.memory_space<vmem>>) target(%dma_start3A_106 : memref<32x32x512xf32, #tpu.memory_space<any>>) target_semaphore(%dma_start3A_101 : memref<!tpu.dma_semaphore, #tpu.memory_space<semaphore_mem>>)
    %dma_start3A_107 = arith.constant 12 : i32
    %dma_start3A_108 = arith.constant 4 : i32
    %dma_start3A_109 = tpu.memref_slice %arg2[%dma_start3A_108] : memref<8x!tpu.dma_semaphore, #tpu.memory_space<semaphore_mem>> -> memref<1x!tpu.dma_semaphore, #tpu.memory_space<semaphore_mem>>
    %dma_start3A_110 = tpu.memref_squeeze %dma_start3A_109 : memref<1x!tpu.dma_semaphore, #tpu.memory_space<semaphore_mem>> -> memref<!tpu.dma_semaphore, #tpu.memory_space<semaphore_mem>>
    %dma_start3A_111 = arith.constant 0 : i32
    %dma_start3A_112 = arith.constant 0 : i32
    %dma_start3A_113 = arith.constant 0 : i32
    %dma_start3A_114 = tpu.memref_slice %arg1[%dma_start3A_107, %dma_start3A_111, %dma_start3A_112, %dma_start3A_113] : memref<16x32x32x512xf32, #tpu.memory_space<any>> -> memref<1x32x32x512xf32, #tpu.memory_space<any>>
    %dma_start3A_115 = tpu.memref_squeeze %dma_start3A_114 : memref<1x32x32x512xf32, #tpu.memory_space<any>> -> memref<32x32x512xf32, #tpu.memory_space<any>>
    tpu.enqueue_dma source(%arg0 : memref<32x32x512xf32, #tpu.memory_space<vmem>>) target(%dma_start3A_115 : memref<32x32x512xf32, #tpu.memory_space<any>>) target_semaphore(%dma_start3A_110 : memref<!tpu.dma_semaphore, #tpu.memory_space<semaphore_mem>>)
    %dma_start3A_116 = arith.constant 13 : i32
    %dma_start3A_117 = arith.constant 5 : i32
    %dma_start3A_118 = tpu.memref_slice %arg2[%dma_start3A_117] : memref<8x!tpu.dma_semaphore, #tpu.memory_space<semaphore_mem>> -> memref<1x!tpu.dma_semaphore, #tpu.memory_space<semaphore_mem>>
    %dma_start3A_119 = tpu.memref_squeeze %dma_start3A_118 : memref<1x!tpu.dma_semaphore, #tpu.memory_space<semaphore_mem>> -> memref<!tpu.dma_semaphore, #tpu.memory_space<semaphore_mem>>
    %dma_start3A_120 = arith.constant 0 : i32
    %dma_start3A_121 = arith.constant 0 : i32
    %dma_start3A_122 = arith.constant 0 : i32
    %dma_start3A_123 = tpu.memref_slice %arg1[%dma_start3A_116, %dma_start3A_120, %dma_start3A_121, %dma_start3A_122] : memref<16x32x32x512xf32, #tpu.memory_space<any>> -> memref<1x32x32x512xf32, #tpu.memory_space<any>>
    %dma_start3A_124 = tpu.memref_squeeze %dma_start3A_123 : memref<1x32x32x512xf32, #tpu.memory_space<any>> -> memref<32x32x512xf32, #tpu.memory_space<any>>
    tpu.enqueue_dma source(%arg0 : memref<32x32x512xf32, #tpu.memory_space<vmem>>) target(%dma_start3A_124 : memref<32x32x512xf32, #tpu.memory_space<any>>) target_semaphore(%dma_start3A_119 : memref<!tpu.dma_semaphore, #tpu.memory_space<semaphore_mem>>)
    %dma_start3A_125 = arith.constant 14 : i32
    %dma_start3A_126 = arith.constant 6 : i32
    %dma_start3A_127 = tpu.memref_slice %arg2[%dma_start3A_126] : memref<8x!tpu.dma_semaphore, #tpu.memory_space<semaphore_mem>> -> memref<1x!tpu.dma_semaphore, #tpu.memory_space<semaphore_mem>>
    %dma_start3A_128 = tpu.memref_squeeze %dma_start3A_127 : memref<1x!tpu.dma_semaphore, #tpu.memory_space<semaphore_mem>> -> memref<!tpu.dma_semaphore, #tpu.memory_space<semaphore_mem>>
    %dma_start3A_129 = arith.constant 0 : i32
    %dma_start3A_130 = arith.constant 0 : i32
    %dma_start3A_131 = arith.constant 0 : i32
    %dma_start3A_132 = tpu.memref_slice %arg1[%dma_start3A_125, %dma_start3A_129, %dma_start3A_130, %dma_start3A_131] : memref<16x32x32x512xf32, #tpu.memory_space<any>> -> memref<1x32x32x512xf32, #tpu.memory_space<any>>
    %dma_start3A_133 = tpu.memref_squeeze %dma_start3A_132 : memref<1x32x32x512xf32, #tpu.memory_space<any>> -> memref<32x32x512xf32, #tpu.memory_space<any>>
    tpu.enqueue_dma source(%arg0 : memref<32x32x512xf32, #tpu.memory_space<vmem>>) target(%dma_start3A_133 : memref<32x32x512xf32, #tpu.memory_space<any>>) target_semaphore(%dma_start3A_128 : memref<!tpu.dma_semaphore, #tpu.memory_space<semaphore_mem>>)
    %dma_start3A_134 = arith.constant 15 : i32
    %dma_start3A_135 = arith.constant 7 : i32
    %dma_start3A_136 = tpu.memref_slice %arg2[%dma_start3A_135] : memref<8x!tpu.dma_semaphore, #tpu.memory_space<semaphore_mem>> -> memref<1x!tpu.dma_semaphore, #tpu.memory_space<semaphore_mem>>
    %dma_start3A_137 = tpu.memref_squeeze %dma_start3A_136 : memref<1x!tpu.dma_semaphore, #tpu.memory_space<semaphore_mem>> -> memref<!tpu.dma_semaphore, #tpu.memory_space<semaphore_mem>>
    %dma_start3A_138 = arith.constant 0 : i32
    %dma_start3A_139 = arith.constant 0 : i32
    %dma_start3A_140 = arith.constant 0 : i32
    %dma_start3A_141 = tpu.memref_slice %arg1[%dma_start3A_134, %dma_start3A_138, %dma_start3A_139, %dma_start3A_140] : memref<16x32x32x512xf32, #tpu.memory_space<any>> -> memref<1x32x32x512xf32, #tpu.memory_space<any>>
    %dma_start3A_142 = tpu.memref_squeeze %dma_start3A_141 : memref<1x32x32x512xf32, #tpu.memory_space<any>> -> memref<32x32x512xf32, #tpu.memory_space<any>>
    tpu.enqueue_dma source(%arg0 : memref<32x32x512xf32, #tpu.memory_space<vmem>>) target(%dma_start3A_142 : memref<32x32x512xf32, #tpu.memory_space<any>>) target_semaphore(%dma_start3A_137 : memref<!tpu.dma_semaphore, #tpu.memory_space<semaphore_mem>>)
    %dma_wait3A = arith.constant 0 : i32
    %dma_wait3A_143 = arith.constant 0 : i32
    %dma_wait3A_144 = tpu.memref_slice %arg2[%dma_wait3A_143] : memref<8x!tpu.dma_semaphore, #tpu.memory_space<semaphore_mem>> -> memref<1x!tpu.dma_semaphore, #tpu.memory_space<semaphore_mem>>
    %dma_wait3A_145 = tpu.memref_squeeze %dma_wait3A_144 : memref<1x!tpu.dma_semaphore, #tpu.memory_space<semaphore_mem>> -> memref<!tpu.dma_semaphore, #tpu.memory_space<semaphore_mem>>
    %dma_wait3A_146 = arith.constant 0 : i32
    %dma_wait3A_147 = arith.constant 0 : i32
    %dma_wait3A_148 = arith.constant 0 : i32
    %dma_wait3A_149 = tpu.memref_slice %arg1[%dma_wait3A, %dma_wait3A_146, %dma_wait3A_147, %dma_wait3A_148] : memref<16x32x32x512xf32, #tpu.memory_space<any>> -> memref<1x32x32x512xf32, #tpu.memory_space<any>>
    %dma_wait3A_150 = tpu.memref_squeeze %dma_wait3A_149 : memref<1x32x32x512xf32, #tpu.memory_space<any>> -> memref<32x32x512xf32, #tpu.memory_space<any>>
    tpu.wait_dma2 semaphore(%dma_wait3A_145 : memref<!tpu.dma_semaphore, #tpu.memory_space<semaphore_mem>>) src(%arg0 : memref<32x32x512xf32, #tpu.memory_space<vmem>>) dst(%dma_wait3A_150 : memref<32x32x512xf32, #tpu.memory_space<any>>)
    %dma_wait3A_151 = arith.constant 1 : i32
    %dma_wait3A_152 = arith.constant 1 : i32
    %dma_wait3A_153 = tpu.memref_slice %arg2[%dma_wait3A_152] : memref<8x!tpu.dma_semaphore, #tpu.memory_space<semaphore_mem>> -> memref<1x!tpu.dma_semaphore, #tpu.memory_space<semaphore_mem>>
    %dma_wait3A_154 = tpu.memref_squeeze %dma_wait3A_153 : memref<1x!tpu.dma_semaphore, #tpu.memory_space<semaphore_mem>> -> memref<!tpu.dma_semaphore, #tpu.memory_space<semaphore_mem>>
    %dma_wait3A_155 = arith.constant 0 : i32
    %dma_wait3A_156 = arith.constant 0 : i32
    %dma_wait3A_157 = arith.constant 0 : i32
    %dma_wait3A_158 = tpu.memref_slice %arg1[%dma_wait3A_151, %dma_wait3A_155, %dma_wait3A_156, %dma_wait3A_157] : memref<16x32x32x512xf32, #tpu.memory_space<any>> -> memref<1x32x32x512xf32, #tpu.memory_space<any>>
    %dma_wait3A_159 = tpu.memref_squeeze %dma_wait3A_158 : memref<1x32x32x512xf32, #tpu.memory_space<any>> -> memref<32x32x512xf32, #tpu.memory_space<any>>
    tpu.wait_dma2 semaphore(%dma_wait3A_154 : memref<!tpu.dma_semaphore, #tpu.memory_space<semaphore_mem>>) src(%arg0 : memref<32x32x512xf32, #tpu.memory_space<vmem>>) dst(%dma_wait3A_159 : memref<32x32x512xf32, #tpu.memory_space<any>>)
    %dma_wait3A_160 = arith.constant 2 : i32
    %dma_wait3A_161 = arith.constant 2 : i32
    %dma_wait3A_162 = tpu.memref_slice %arg2[%dma_wait3A_161] : memref<8x!tpu.dma_semaphore, #tpu.memory_space<semaphore_mem>> -> memref<1x!tpu.dma_semaphore, #tpu.memory_space<semaphore_mem>>
    %dma_wait3A_163 = tpu.memref_squeeze %dma_wait3A_162 : memref<1x!tpu.dma_semaphore, #tpu.memory_space<semaphore_mem>> -> memref<!tpu.dma_semaphore, #tpu.memory_space<semaphore_mem>>
    %dma_wait3A_164 = arith.constant 0 : i32
    %dma_wait3A_165 = arith.constant 0 : i32
    %dma_wait3A_166 = arith.constant 0 : i32
    %dma_wait3A_167 = tpu.memref_slice %arg1[%dma_wait3A_160, %dma_wait3A_164, %dma_wait3A_165, %dma_wait3A_166] : memref<16x32x32x512xf32, #tpu.memory_space<any>> -> memref<1x32x32x512xf32, #tpu.memory_space<any>>
    %dma_wait3A_168 = tpu.memref_squeeze %dma_wait3A_167 : memref<1x32x32x512xf32, #tpu.memory_space<any>> -> memref<32x32x512xf32, #tpu.memory_space<any>>
    tpu.wait_dma2 semaphore(%dma_wait3A_163 : memref<!tpu.dma_semaphore, #tpu.memory_space<semaphore_mem>>) src(%arg0 : memref<32x32x512xf32, #tpu.memory_space<vmem>>) dst(%dma_wait3A_168 : memref<32x32x512xf32, #tpu.memory_space<any>>)
    %dma_wait3A_169 = arith.constant 3 : i32
    %dma_wait3A_170 = arith.constant 3 : i32
    %dma_wait3A_171 = tpu.memref_slice %arg2[%dma_wait3A_170] : memref<8x!tpu.dma_semaphore, #tpu.memory_space<semaphore_mem>> -> memref<1x!tpu.dma_semaphore, #tpu.memory_space<semaphore_mem>>
    %dma_wait3A_172 = tpu.memref_squeeze %dma_wait3A_171 : memref<1x!tpu.dma_semaphore, #tpu.memory_space<semaphore_mem>> -> memref<!tpu.dma_semaphore, #tpu.memory_space<semaphore_mem>>
    %dma_wait3A_173 = arith.constant 0 : i32
    %dma_wait3A_174 = arith.constant 0 : i32
    %dma_wait3A_175 = arith.constant 0 : i32
    %dma_wait3A_176 = tpu.memref_slice %arg1[%dma_wait3A_169, %dma_wait3A_173, %dma_wait3A_174, %dma_wait3A_175] : memref<16x32x32x512xf32, #tpu.memory_space<any>> -> memref<1x32x32x512xf32, #tpu.memory_space<any>>
    %dma_wait3A_177 = tpu.memref_squeeze %dma_wait3A_176 : memref<1x32x32x512xf32, #tpu.memory_space<any>> -> memref<32x32x512xf32, #tpu.memory_space<any>>
    tpu.wait_dma2 semaphore(%dma_wait3A_172 : memref<!tpu.dma_semaphore, #tpu.memory_space<semaphore_mem>>) src(%arg0 : memref<32x32x512xf32, #tpu.memory_space<vmem>>) dst(%dma_wait3A_177 : memref<32x32x512xf32, #tpu.memory_space<any>>)
    %dma_wait3A_178 = arith.constant 4 : i32
    %dma_wait3A_179 = arith.constant 4 : i32
    %dma_wait3A_180 = tpu.memref_slice %arg2[%dma_wait3A_179] : memref<8x!tpu.dma_semaphore, #tpu.memory_space<semaphore_mem>> -> memref<1x!tpu.dma_semaphore, #tpu.memory_space<semaphore_mem>>
    %dma_wait3A_181 = tpu.memref_squeeze %dma_wait3A_180 : memref<1x!tpu.dma_semaphore, #tpu.memory_space<semaphore_mem>> -> memref<!tpu.dma_semaphore, #tpu.memory_space<semaphore_mem>>
    %dma_wait3A_182 = arith.constant 0 : i32
    %dma_wait3A_183 = arith.constant 0 : i32
    %dma_wait3A_184 = arith.constant 0 : i32
    %dma_wait3A_185 = tpu.memref_slice %arg1[%dma_wait3A_178, %dma_wait3A_182, %dma_wait3A_183, %dma_wait3A_184] : memref<16x32x32x512xf32, #tpu.memory_space<any>> -> memref<1x32x32x512xf32, #tpu.memory_space<any>>
    %dma_wait3A_186 = tpu.memref_squeeze %dma_wait3A_185 : memref<1x32x32x512xf32, #tpu.memory_space<any>> -> memref<32x32x512xf32, #tpu.memory_space<any>>
    tpu.wait_dma2 semaphore(%dma_wait3A_181 : memref<!tpu.dma_semaphore, #tpu.memory_space<semaphore_mem>>) src(%arg0 : memref<32x32x512xf32, #tpu.memory_space<vmem>>) dst(%dma_wait3A_186 : memref<32x32x512xf32, #tpu.memory_space<any>>)
    %dma_wait3A_187 = arith.constant 5 : i32
    %dma_wait3A_188 = arith.constant 5 : i32
    %dma_wait3A_189 = tpu.memref_slice %arg2[%dma_wait3A_188] : memref<8x!tpu.dma_semaphore, #tpu.memory_space<semaphore_mem>> -> memref<1x!tpu.dma_semaphore, #tpu.memory_space<semaphore_mem>>
    %dma_wait3A_190 = tpu.memref_squeeze %dma_wait3A_189 : memref<1x!tpu.dma_semaphore, #tpu.memory_space<semaphore_mem>> -> memref<!tpu.dma_semaphore, #tpu.memory_space<semaphore_mem>>
    %dma_wait3A_191 = arith.constant 0 : i32
    %dma_wait3A_192 = arith.constant 0 : i32
    %dma_wait3A_193 = arith.constant 0 : i32
    %dma_wait3A_194 = tpu.memref_slice %arg1[%dma_wait3A_187, %dma_wait3A_191, %dma_wait3A_192, %dma_wait3A_193] : memref<16x32x32x512xf32, #tpu.memory_space<any>> -> memref<1x32x32x512xf32, #tpu.memory_space<any>>
    %dma_wait3A_195 = tpu.memref_squeeze %dma_wait3A_194 : memref<1x32x32x512xf32, #tpu.memory_space<any>> -> memref<32x32x512xf32, #tpu.memory_space<any>>
    tpu.wait_dma2 semaphore(%dma_wait3A_190 : memref<!tpu.dma_semaphore, #tpu.memory_space<semaphore_mem>>) src(%arg0 : memref<32x32x512xf32, #tpu.memory_space<vmem>>) dst(%dma_wait3A_195 : memref<32x32x512xf32, #tpu.memory_space<any>>)
    %dma_wait3A_196 = arith.constant 6 : i32
    %dma_wait3A_197 = arith.constant 6 : i32
    %dma_wait3A_198 = tpu.memref_slice %arg2[%dma_wait3A_197] : memref<8x!tpu.dma_semaphore, #tpu.memory_space<semaphore_mem>> -> memref<1x!tpu.dma_semaphore, #tpu.memory_space<semaphore_mem>>
    %dma_wait3A_199 = tpu.memref_squeeze %dma_wait3A_198 : memref<1x!tpu.dma_semaphore, #tpu.memory_space<semaphore_mem>> -> memref<!tpu.dma_semaphore, #tpu.memory_space<semaphore_mem>>
    %dma_wait3A_200 = arith.constant 0 : i32
    %dma_wait3A_201 = arith.constant 0 : i32
    %dma_wait3A_202 = arith.constant 0 : i32
    %dma_wait3A_203 = tpu.memref_slice %arg1[%dma_wait3A_196, %dma_wait3A_200, %dma_wait3A_201, %dma_wait3A_202] : memref<16x32x32x512xf32, #tpu.memory_space<any>> -> memref<1x32x32x512xf32, #tpu.memory_space<any>>
    %dma_wait3A_204 = tpu.memref_squeeze %dma_wait3A_203 : memref<1x32x32x512xf32, #tpu.memory_space<any>> -> memref<32x32x512xf32, #tpu.memory_space<any>>
    tpu.wait_dma2 semaphore(%dma_wait3A_199 : memref<!tpu.dma_semaphore, #tpu.memory_space<semaphore_mem>>) src(%arg0 : memref<32x32x512xf32, #tpu.memory_space<vmem>>) dst(%dma_wait3A_204 : memref<32x32x512xf32, #tpu.memory_space<any>>)
    %dma_wait3A_205 = arith.constant 7 : i32
    %dma_wait3A_206 = arith.constant 7 : i32
    %dma_wait3A_207 = tpu.memref_slice %arg2[%dma_wait3A_206] : memref<8x!tpu.dma_semaphore, #tpu.memory_space<semaphore_mem>> -> memref<1x!tpu.dma_semaphore, #tpu.memory_space<semaphore_mem>>
    %dma_wait3A_208 = tpu.memref_squeeze %dma_wait3A_207 : memref<1x!tpu.dma_semaphore, #tpu.memory_space<semaphore_mem>> -> memref<!tpu.dma_semaphore, #tpu.memory_space<semaphore_mem>>
    %dma_wait3A_209 = arith.constant 0 : i32
    %dma_wait3A_210 = arith.constant 0 : i32
    %dma_wait3A_211 = arith.constant 0 : i32
    %dma_wait3A_212 = tpu.memref_slice %arg1[%dma_wait3A_205, %dma_wait3A_209, %dma_wait3A_210, %dma_wait3A_211] : memref<16x32x32x512xf32, #tpu.memory_space<any>> -> memref<1x32x32x512xf32, #tpu.memory_space<any>>
    %dma_wait3A_213 = tpu.memref_squeeze %dma_wait3A_212 : memref<1x32x32x512xf32, #tpu.memory_space<any>> -> memref<32x32x512xf32, #tpu.memory_space<any>>
    tpu.wait_dma2 semaphore(%dma_wait3A_208 : memref<!tpu.dma_semaphore, #tpu.memory_space<semaphore_mem>>) src(%arg0 : memref<32x32x512xf32, #tpu.memory_space<vmem>>) dst(%dma_wait3A_213 : memref<32x32x512xf32, #tpu.memory_space<any>>)
    %dma_wait3A_214 = arith.constant 8 : i32
    %dma_wait3A_215 = arith.constant 0 : i32
    %dma_wait3A_216 = tpu.memref_slice %arg2[%dma_wait3A_215] : memref<8x!tpu.dma_semaphore, #tpu.memory_space<semaphore_mem>> -> memref<1x!tpu.dma_semaphore, #tpu.memory_space<semaphore_mem>>
    %dma_wait3A_217 = tpu.memref_squeeze %dma_wait3A_216 : memref<1x!tpu.dma_semaphore, #tpu.memory_space<semaphore_mem>> -> memref<!tpu.dma_semaphore, #tpu.memory_space<semaphore_mem>>
    %dma_wait3A_218 = arith.constant 0 : i32
    %dma_wait3A_219 = arith.constant 0 : i32
    %dma_wait3A_220 = arith.constant 0 : i32
    %dma_wait3A_221 = tpu.memref_slice %arg1[%dma_wait3A_214, %dma_wait3A_218, %dma_wait3A_219, %dma_wait3A_220] : memref<16x32x32x512xf32, #tpu.memory_space<any>> -> memref<1x32x32x512xf32, #tpu.memory_space<any>>
    %dma_wait3A_222 = tpu.memref_squeeze %dma_wait3A_221 : memref<1x32x32x512xf32, #tpu.memory_space<any>> -> memref<32x32x512xf32, #tpu.memory_space<any>>
    tpu.wait_dma2 semaphore(%dma_wait3A_217 : memref<!tpu.dma_semaphore, #tpu.memory_space<semaphore_mem>>) src(%arg0 : memref<32x32x512xf32, #tpu.memory_space<vmem>>) dst(%dma_wait3A_222 : memref<32x32x512xf32, #tpu.memory_space<any>>)
    %dma_wait3A_223 = arith.constant 9 : i32
    %dma_wait3A_224 = arith.constant 1 : i32
    %dma_wait3A_225 = tpu.memref_slice %arg2[%dma_wait3A_224] : memref<8x!tpu.dma_semaphore, #tpu.memory_space<semaphore_mem>> -> memref<1x!tpu.dma_semaphore, #tpu.memory_space<semaphore_mem>>
    %dma_wait3A_226 = tpu.memref_squeeze %dma_wait3A_225 : memref<1x!tpu.dma_semaphore, #tpu.memory_space<semaphore_mem>> -> memref<!tpu.dma_semaphore, #tpu.memory_space<semaphore_mem>>
    %dma_wait3A_227 = arith.constant 0 : i32
    %dma_wait3A_228 = arith.constant 0 : i32
    %dma_wait3A_229 = arith.constant 0 : i32
    %dma_wait3A_230 = tpu.memref_slice %arg1[%dma_wait3A_223, %dma_wait3A_227, %dma_wait3A_228, %dma_wait3A_229] : memref<16x32x32x512xf32, #tpu.memory_space<any>> -> memref<1x32x32x512xf32, #tpu.memory_space<any>>
    %dma_wait3A_231 = tpu.memref_squeeze %dma_wait3A_230 : memref<1x32x32x512xf32, #tpu.memory_space<any>> -> memref<32x32x512xf32, #tpu.memory_space<any>>
    tpu.wait_dma2 semaphore(%dma_wait3A_226 : memref<!tpu.dma_semaphore, #tpu.memory_space<semaphore_mem>>) src(%arg0 : memref<32x32x512xf32, #tpu.memory_space<vmem>>) dst(%dma_wait3A_231 : memref<32x32x512xf32, #tpu.memory_space<any>>)
    %dma_wait3A_232 = arith.constant 10 : i32
    %dma_wait3A_233 = arith.constant 2 : i32
    %dma_wait3A_234 = tpu.memref_slice %arg2[%dma_wait3A_233] : memref<8x!tpu.dma_semaphore, #tpu.memory_space<semaphore_mem>> -> memref<1x!tpu.dma_semaphore, #tpu.memory_space<semaphore_mem>>
    %dma_wait3A_235 = tpu.memref_squeeze %dma_wait3A_234 : memref<1x!tpu.dma_semaphore, #tpu.memory_space<semaphore_mem>> -> memref<!tpu.dma_semaphore, #tpu.memory_space<semaphore_mem>>
    %dma_wait3A_236 = arith.constant 0 : i32
    %dma_wait3A_237 = arith.constant 0 : i32
    %dma_wait3A_238 = arith.constant 0 : i32
    %dma_wait3A_239 = tpu.memref_slice %arg1[%dma_wait3A_232, %dma_wait3A_236, %dma_wait3A_237, %dma_wait3A_238] : memref<16x32x32x512xf32, #tpu.memory_space<any>> -> memref<1x32x32x512xf32, #tpu.memory_space<any>>
    %dma_wait3A_240 = tpu.memref_squeeze %dma_wait3A_239 : memref<1x32x32x512xf32, #tpu.memory_space<any>> -> memref<32x32x512xf32, #tpu.memory_space<any>>
    tpu.wait_dma2 semaphore(%dma_wait3A_235 : memref<!tpu.dma_semaphore, #tpu.memory_space<semaphore_mem>>) src(%arg0 : memref<32x32x512xf32, #tpu.memory_space<vmem>>) dst(%dma_wait3A_240 : memref<32x32x512xf32, #tpu.memory_space<any>>)
    %dma_wait3A_241 = arith.constant 11 : i32
    %dma_wait3A_242 = arith.constant 3 : i32
    %dma_wait3A_243 = tpu.memref_slice %arg2[%dma_wait3A_242] : memref<8x!tpu.dma_semaphore, #tpu.memory_space<semaphore_mem>> -> memref<1x!tpu.dma_semaphore, #tpu.memory_space<semaphore_mem>>
    %dma_wait3A_244 = tpu.memref_squeeze %dma_wait3A_243 : memref<1x!tpu.dma_semaphore, #tpu.memory_space<semaphore_mem>> -> memref<!tpu.dma_semaphore, #tpu.memory_space<semaphore_mem>>
    %dma_wait3A_245 = arith.constant 0 : i32
    %dma_wait3A_246 = arith.constant 0 : i32
    %dma_wait3A_247 = arith.constant 0 : i32
    %dma_wait3A_248 = tpu.memref_slice %arg1[%dma_wait3A_241, %dma_wait3A_245, %dma_wait3A_246, %dma_wait3A_247] : memref<16x32x32x512xf32, #tpu.memory_space<any>> -> memref<1x32x32x512xf32, #tpu.memory_space<any>>
    %dma_wait3A_249 = tpu.memref_squeeze %dma_wait3A_248 : memref<1x32x32x512xf32, #tpu.memory_space<any>> -> memref<32x32x512xf32, #tpu.memory_space<any>>
    tpu.wait_dma2 semaphore(%dma_wait3A_244 : memref<!tpu.dma_semaphore, #tpu.memory_space<semaphore_mem>>) src(%arg0 : memref<32x32x512xf32, #tpu.memory_space<vmem>>) dst(%dma_wait3A_249 : memref<32x32x512xf32, #tpu.memory_space<any>>)
    %dma_wait3A_250 = arith.constant 12 : i32
    %dma_wait3A_251 = arith.constant 4 : i32
    %dma_wait3A_252 = tpu.memref_slice %arg2[%dma_wait3A_251] : memref<8x!tpu.dma_semaphore, #tpu.memory_space<semaphore_mem>> -> memref<1x!tpu.dma_semaphore, #tpu.memory_space<semaphore_mem>>
    %dma_wait3A_253 = tpu.memref_squeeze %dma_wait3A_252 : memref<1x!tpu.dma_semaphore, #tpu.memory_space<semaphore_mem>> -> memref<!tpu.dma_semaphore, #tpu.memory_space<semaphore_mem>>
    %dma_wait3A_254 = arith.constant 0 : i32
    %dma_wait3A_255 = arith.constant 0 : i32
    %dma_wait3A_256 = arith.constant 0 : i32
    %dma_wait3A_257 = tpu.memref_slice %arg1[%dma_wait3A_250, %dma_wait3A_254, %dma_wait3A_255, %dma_wait3A_256] : memref<16x32x32x512xf32, #tpu.memory_space<any>> -> memref<1x32x32x512xf32, #tpu.memory_space<any>>
    %dma_wait3A_258 = tpu.memref_squeeze %dma_wait3A_257 : memref<1x32x32x512xf32, #tpu.memory_space<any>> -> memref<32x32x512xf32, #tpu.memory_space<any>>
    tpu.wait_dma2 semaphore(%dma_wait3A_253 : memref<!tpu.dma_semaphore, #tpu.memory_space<semaphore_mem>>) src(%arg0 : memref<32x32x512xf32, #tpu.memory_space<vmem>>) dst(%dma_wait3A_258 : memref<32x32x512xf32, #tpu.memory_space<any>>)
    %dma_wait3A_259 = arith.constant 13 : i32
    %dma_wait3A_260 = arith.constant 5 : i32
    %dma_wait3A_261 = tpu.memref_slice %arg2[%dma_wait3A_260] : memref<8x!tpu.dma_semaphore, #tpu.memory_space<semaphore_mem>> -> memref<1x!tpu.dma_semaphore, #tpu.memory_space<semaphore_mem>>
    %dma_wait3A_262 = tpu.memref_squeeze %dma_wait3A_261 : memref<1x!tpu.dma_semaphore, #tpu.memory_space<semaphore_mem>> -> memref<!tpu.dma_semaphore, #tpu.memory_space<semaphore_mem>>
    %dma_wait3A_263 = arith.constant 0 : i32
    %dma_wait3A_264 = arith.constant 0 : i32
    %dma_wait3A_265 = arith.constant 0 : i32
    %dma_wait3A_266 = tpu.memref_slice %arg1[%dma_wait3A_259, %dma_wait3A_263, %dma_wait3A_264, %dma_wait3A_265] : memref<16x32x32x512xf32, #tpu.memory_space<any>> -> memref<1x32x32x512xf32, #tpu.memory_space<any>>
    %dma_wait3A_267 = tpu.memref_squeeze %dma_wait3A_266 : memref<1x32x32x512xf32, #tpu.memory_space<any>> -> memref<32x32x512xf32, #tpu.memory_space<any>>
    tpu.wait_dma2 semaphore(%dma_wait3A_262 : memref<!tpu.dma_semaphore, #tpu.memory_space<semaphore_mem>>) src(%arg0 : memref<32x32x512xf32, #tpu.memory_space<vmem>>) dst(%dma_wait3A_267 : memref<32x32x512xf32, #tpu.memory_space<any>>)
    %dma_wait3A_268 = arith.constant 14 : i32
    %dma_wait3A_269 = arith.constant 6 : i32
    %dma_wait3A_270 = tpu.memref_slice %arg2[%dma_wait3A_269] : memref<8x!tpu.dma_semaphore, #tpu.memory_space<semaphore_mem>> -> memref<1x!tpu.dma_semaphore, #tpu.memory_space<semaphore_mem>>
    %dma_wait3A_271 = tpu.memref_squeeze %dma_wait3A_270 : memref<1x!tpu.dma_semaphore, #tpu.memory_space<semaphore_mem>> -> memref<!tpu.dma_semaphore, #tpu.memory_space<semaphore_mem>>
    %dma_wait3A_272 = arith.constant 0 : i32
    %dma_wait3A_273 = arith.constant 0 : i32
    %dma_wait3A_274 = arith.constant 0 : i32
    %dma_wait3A_275 = tpu.memref_slice %arg1[%dma_wait3A_268, %dma_wait3A_272, %dma_wait3A_273, %dma_wait3A_274] : memref<16x32x32x512xf32, #tpu.memory_space<any>> -> memref<1x32x32x512xf32, #tpu.memory_space<any>>
    %dma_wait3A_276 = tpu.memref_squeeze %dma_wait3A_275 : memref<1x32x32x512xf32, #tpu.memory_space<any>> -> memref<32x32x512xf32, #tpu.memory_space<any>>
    tpu.wait_dma2 semaphore(%dma_wait3A_271 : memref<!tpu.dma_semaphore, #tpu.memory_space<semaphore_mem>>) src(%arg0 : memref<32x32x512xf32, #tpu.memory_space<vmem>>) dst(%dma_wait3A_276 : memref<32x32x512xf32, #tpu.memory_space<any>>)
    %dma_wait3A_277 = arith.constant 15 : i32
    %dma_wait3A_278 = arith.constant 7 : i32
    %dma_wait3A_279 = tpu.memref_slice %arg2[%dma_wait3A_278] : memref<8x!tpu.dma_semaphore, #tpu.memory_space<semaphore_mem>> -> memref<1x!tpu.dma_semaphore, #tpu.memory_space<semaphore_mem>>
    %dma_wait3A_280 = tpu.memref_squeeze %dma_wait3A_279 : memref<1x!tpu.dma_semaphore, #tpu.memory_space<semaphore_mem>> -> memref<!tpu.dma_semaphore, #tpu.memory_space<semaphore_mem>>
    %dma_wait3A_281 = arith.constant 0 : i32
    %dma_wait3A_282 = arith.constant 0 : i32
    %dma_wait3A_283 = arith.constant 0 : i32
    %dma_wait3A_284 = tpu.memref_slice %arg1[%dma_wait3A_277, %dma_wait3A_281, %dma_wait3A_282, %dma_wait3A_283] : memref<16x32x32x512xf32, #tpu.memory_space<any>> -> memref<1x32x32x512xf32, #tpu.memory_space<any>>
    %dma_wait3A_285 = tpu.memref_squeeze %dma_wait3A_284 : memref<1x32x32x512xf32, #tpu.memory_space<any>> -> memref<32x32x512xf32, #tpu.memory_space<any>>
    tpu.wait_dma2 semaphore(%dma_wait3A_280 : memref<!tpu.dma_semaphore, #tpu.memory_space<semaphore_mem>>) src(%arg0 : memref<32x32x512xf32, #tpu.memory_space<vmem>>) dst(%dma_wait3A_285 : memref<32x32x512xf32, #tpu.memory_space<any>>)
    return
  }
}

</mosaic_0001>

<sc_bundles>
// kernel: kernel.4.cloned.1.call-start
scs
__scs_entry_jumppad:
0x0: {  	(pc) =	sbr.rel $0x88, $3  }
0x1: {  	(tag) =	ssettag $0x0;
	lr =	simm.s32 $0x1  }
0x2: {  	[smem:$0x3F9F] =	sst lr;
	_ =	strace $0xD0000000  }
0x3: {  	_ = 	snop  }
0x4: {  	_ = 	snop  }
0x5: {  	_ = 	snop  }
0x6: {  	_ = 	snop  }
0x7: {  	_ = 	snop  }
__scs_overlays_trampoline_lowered:
0x8: {  	[smem:$0x3FAE] =	sst s0  }
0x9: {  	[smem:$0x3FAF] =	sst s1  }
0xa: {  	[smem:$0x3FB0] =	sst s2  }
0xb: {  	[smem:$0x3FB1] =	sst s3  }
0xc: {  	[smem:$0x3FB2] =	sst s4  }
0xd: {  	[smem:$0x3FB3] =	sst s5  }
0xe: {  	[smem:$0x3FB4] =	sst s6  }
0xf: {  	[smem:$0x3FB5] =	sst s7  }
0x10: {  	[smem:$0x3FB6] =	sst s8  }
0x11: {  	[smem:$0x3FB7] =	sst s9;
	s0 =	simm.s32 @!p0 $0x0  }
0x12: {  	s1 =	sld [smem:$0x3F9D];
	s0 =	simm.s32 @p0 $0x1  }
0x13: {  	[smem:$0x3FB8] =	sst s0;
	s0 =	simm.s32 @!p1 $0x0  }
0x14: {  	s2 =	sld [smem:$0x3F9C];
	s0 =	simm.s32 @p1 $0x1  }
0x15: {  	[smem:$0x3FB9] =	sst s0;
	s0 =	simm.s32 @!p2 $0x0  }
0x16: {  	s3 =	sld [smem:$0x3FDB];
	s0 =	simm.s32 @p2 $0x1  }
0x17: {  	s4 =	simm.s32 $0x1BF5;
	[smem:$0x3FBB] =	sst s0  }
0x18: {  	s0 =	sld [smem:$0x3F9E];
	_ =	swait.ge [sflag:s4], $0x0  }
0x19: {  	s7 =	sld [smem:$0x3F9F]  }
0x1a: {  	s8 =	sadd.s32 $0xFFFFE003, lr  }
0x1b: {  	s9 =	sadd.s32 $0xFFFFFEF7, lr;
	s5 =	simm.s32 $0xFFFFFFFF;
	p2 =	slt.u32 s8, $0xFFFFF086  }
0x1c: {  	p1 =	slt.u32 s9, $0xF7A;
	s5 =	simm.s32 @!p2 $0x0  }
0x1d: {  	s5 =	simm.s32 @p1 $0x1;
	p0 =	seq.s32 s7, s2  }
0x1e: {  	s7 =	smul.u32 @!p0 $0xF7A, s2;
	p2 =	seq.s32 @!p0 s5, $0x0  }
0x1f: {  	s9 =	smul.u32 $0xF7A, s1;
	s8 =	simm.s32 @!p0 $0x1BF5;
	p2 =	por !p2, p0  }
0x20: {  	[sflag:s8] =	ssyncset.s32 @!p0 $0xFFFFF086;
	s6 =	sadd.s32 @!p0 s3, s7;
	s7 =	simm.s32 @!p0 $0x108  }
0x21: {  	s3 =	sadd.s32 s3, s9;
	s6 =	sadd.s32 @!p0 $0x88, s6;
	s7 =	simm.s32 @p2 $0x1082  }
0x22: {  	[simem:s7], [sflag:s8] =	dma.local @!p0 [hbm:s6], $0xF7A  }
0x23: {  	s9 =	sor.u32 $0xD0000000, s2;
	s6 =	simm.s32 $0x108;
	_ =	swait.ge @!p0 [sflag:s8], $0x0  }
0x24: {  	s3 =	sadd.s32 $0x88, s3;
	s6 =	simm.s32 @!p1 $0x1082;
	[sflag:s4] =	ssyncset.s32 $0xFFFFF086  }
0x25: {  	[simem:s6], [sflag:s4] =	dma.local [hbm:s3], $0xF7A  }
0x26: {  	[smem:$0x3F9F] =	sst s1;
	(tag) =	ssettag s2;
	_ =	strace s9  }
0x27: {  	s1 =	sld [smem:$0x3FAF]  }
0x28: {  	s2 =	sld [smem:$0x3FB0]  }
0x29: {  	s4 =	sld [smem:$0x3FB2]  }
0x2a: {  	p0 =	seq.s32 s5, $0x0;
	s5 =	sld [smem:$0x3FB3]  }
0x2b: {  	s6 =	sld [smem:$0x3FB4]  }
0x2c: {  	s7 =	sld [smem:$0x3FB5]  }
0x2d: {  	s3 =	simm.s32 $0x108;
	s8 =	sld [smem:$0x3FB6]  }
0x2e: {  	s3 =	simm.s32 @!p0 $0x1082;
	s9 =	sld [smem:$0x3FB7]  }
0x2f: {  	lr =	sadd.s32 s0, s3;
	s0 =	sld [smem:$0x3FAE]  }
0x30: {  	s3 =	sld [smem:$0x3FB1]  }
0x31: {  	[smem:$0x3FBA] =	sst s10  }
0x32: {  	s10 =	sld [smem:$0x3FB8];
	_ =	sdelay $0x3  }
0x33: {  	p0 =	seq.s32 s10, $0x1;
	s10 =	sld [smem:$0x3FBA];
	_ =	sdelay $0x3  }
0x34: {  	[smem:$0x3FBA] =	sst s10  }
0x35: {  	s10 =	sld [smem:$0x3FB9];
	_ =	sdelay $0x3  }
0x36: {  	p1 =	seq.s32 s10, $0x1;
	s10 =	sld [smem:$0x3FBA];
	_ =	sdelay $0x3  }
0x37: {  	[smem:$0x3FBA] =	sst s10  }
0x38: {  	s10 =	sld [smem:$0x3FBB]  }
0x39: {  	_ = 	snop;
	(pc) =	sbr.ind lr, $3  }
0x3a: {  	_ = 	snop  }
0x3b: {  	_ = 	snop  }
0x3c: {  	p2 =	seq.s32 s10, $0x1;
	s10 =	sld [smem:$0x3FBA]  }
0x3d: {  	_ =	shalt  }
0x3e: {  	_ =	shalt  }
0x3f: {  	_ =	shalt  }
0x40: {  	_ =	shalt  }
0x41: {  	_ =	shalt  }
0x42: {  	_ =	shalt  }
0x43: {  	_ =	shalt  }
0x44: {  	_ =	shalt  }
0x45: {  	_ =	shalt  }
0x46: {  	_ =	shalt  }
0x47: {  	_ =	shalt  }
0x48: {  	_ =	shalt  }
0x49: {  	_ =	shalt  }
0x4a: {  	_ =	shalt  }
0x4b: {  	_ =	shalt  }
0x4c: {  	_ =	shalt  }
0x4d: {  	_ =	shalt  }
0x4e: {  	_ =	shalt  }
0x4f: {  	_ =	shalt  }
0x50: {  	_ =	shalt  }
0x51: {  	_ =	shalt  }
0x52: {  	_ =	shalt  }
0x53: {  	_ =	shalt  }
0x54: {  	_ =	shalt  }
0x55: {  	_ =	shalt  }
0x56: {  	_ =	shalt  }
0x57: {  	_ =	shalt  }
0x58: {  	_ =	shalt  }
0x59: {  	_ =	shalt  }
0x5a: {  	_ =	shalt  }
0x5b: {  	_ =	shalt  }
0x5c: {  	_ =	shalt  }
0x5d: {  	_ =	shalt  }
0x5e: {  	_ =	shalt  }
0x5f: {  	_ =	shalt  }
0x60: {  	_ =	shalt  }
0x61: {  	_ =	shalt  }
0x62: {  	_ =	shalt  }
0x63: {  	_ =	shalt  }
0x64: {  	_ =	shalt  }
0x65: {  	_ =	shalt  }
0x66: {  	_ =	shalt  }
0x67: {  	_ =	shalt  }
0x68: {  	_ =	shalt  }
0x69: {  	_ =	shalt  }
0x6a: {  	_ =	shalt  }
0x6b: {  	_ =	shalt  }
0x6c: {  	_ =	shalt  }
0x6d: {  	_ =	shalt  }
0x6e: {  	_ =	shalt  }
0x6f: {  	_ =	shalt  }
0x70: {  	_ =	shalt  }
0x71: {  	_ =	shalt  }
0x72: {  	_ =	shalt  }
0x73: {  	_ =	shalt  }
0x74: {  	_ =	shalt  }
0x75: {  	_ =	shalt  }
0x76: {  	_ =	shalt  }
0x77: {  	_ =	shalt  }
0x78: {  	_ =	shalt  }
0x79: {  	_ =	shalt  }
0x7a: {  	_ =	shalt  }
0x7b: {  	_ =	shalt  }
0x7c: {  	_ =	shalt  }
0x7d: {  	_ =	shalt  }
0x7e: {  	_ =	shalt  }
0x7f: {  	_ =	shalt  }
0x80: {  	_ =	shalt  }
0x81: {  	_ =	shalt  }
0x82: {  	_ =	shalt  }
0x83: {  	_ =	shalt  }
0x84: {  	_ =	shalt  }
0x85: {  	_ =	shalt  }
0x86: {  	_ =	shalt  }
0x87: {  	_ =	shalt  }
.Lfunc_end0:
.L_simem_size_0:
called_computation_lowered:
.L_overlay_start_0:
0x88: {  	s2 =	sld [smem:$0x3FD9]  }
0x89: {  	s3 =	sld [smem:$0x3FFE];
	_ =	sdelay $0x1  }
0x8a: {  	s1 =	srdreg.scid  }
0x8b: {  	s0 =	sand.u32 $0x1, s1  }
0x8c: {  	s18 =	sshll.u32 s0, $0xA;
	s2 =	sadd.s32 s3, s2  }
0x8d: {  	s2 =	sadd.s32 s2, s18  }
0x8e: {  	[smem:$0x3FC6] =	sst s2  }
0x8f: {  	_ = 	snop  }
0x90: {  	s2 =	sld [smem:$0x3FC9]  }
0x91: {  	s19 =	sld [smem:$0x3FC8]  }
0x92: {  	s4 =	sld [smem:$0x3FD0];
	(tm) =	ssettm $0x1  }
0x93: {  	s5 =	sld [smem:$0x3FFB];
	_ =	sdelay $0x3  }
0x94: {  	_ =	strace s5  }
0x95: {  	s5 =	sld [smem:$0x3FFC];
	_ =	sdelay $0x3  }
0x96: {  	_ =	strace s5  }
0x97: {  	s5 =	sld [smem:$0x3FFD];
	_ =	sdelay $0x3  }
0x98: {  	_ =	strace s5  }
0x99: {  	_ =	strace $0x8FFFFFFF  }
0x9a: {  	s20 =	sld [smem:$0x3FDB];
	_ =	sdelay $0x1  }
0x9b: {  	s6 =	simm.s32 $_scs_section_size  }
0x9c: {  	s7 =	simm.s32 $_size__tile_overlayer_lowered;
	s8 =	simm.s32 $_tile_overlayer_lowered  }
0x9d: {  	s23 =	simm.s32 $0x1BFF;
	s22 =	sshll.u32 s8, $0x1;
	s5 =	sadd.s32 s6, s20  }
0x9e: {  	s9 =	simm.s32 $0x0;
	s21 =	sshll.u32 s7, $0x1;
	s7 =	sadd.s32 s22, s5  }
0x9f: {  	[timem:s9], [sflag:s23] =	dma.local [hbm:s7], s21  }
0xa0: {  	_ =	swait.ge [sflag:s23], s21  }
0xa1: {  	s6 =	ssub.s32 $0x0, s21;
	[sflag:s23] =	ssyncset.done $0x0  }
0xa2: {  	[sflag:s23] =	ssyncadd.s32 s6;
	_ =	sdelay $0x1  }
0xa3: {  	s24 =	simm.s32 $0x1B8B  }
0xa4: {  	_ =	swait.ge [sflag:s24], $0x1  }
0xa5: {  	[sflag:s24] =	ssyncset.done $0x0  }
0xa6: {  	s25 =	simm.s32 $0x1B8E;
	[sflag:s24] =	ssyncadd.s32 $0xFFFFFFFF  }
0xa7: {  	s26 =	simm.s32 $execute0_lowered;
	[smem:$0x3FD2] =	sst s25  }
0xa8: {  	s6 =	sshll.u32 s26, $0x1;
	_ =	strace $0x80000046;
	[dreg:$0x1] =	wrdreg $0xFFFFFFFF  }
0xa9: {  	s28 =	simm.s32 $_size_execute0_lowered;
	s5 =	sadd.s32 s5, s6;
	[dreg:$0x0] =	wrdreg $0x0  }
0xaa: {  	s6 =	sshll.u32 s28, $0x1;
	[dreg:$0x2] =	wrdreg s5  }
0xab: {  	[dreg:$0x3] =	wrdreg s6  }
0xac: {  	[dreg:$0x4] =	wrdreg $0xC0  }
0xad: {  	_ =	task [dreg:s9], $0x5FFFF  }
0xae: {  	[dreg:$0x1] =	wrdreg $0xFFFFFFFF  }
0xaf: {  	[dreg:$0x0] =	wrdreg $0x60  }
0xb0: {  	[dreg:$0x2] =	wrdreg s19  }
0xb1: {  	[dreg:$0x3] =	wrdreg s2  }
0xb2: {  	[dreg:$0x4] =	wrdreg s4  }
0xb3: {  	[dreg:$0x5] =	wrdreg $0x9  }
0xb4: {  	_ =	task.clear_ibuf [dreg:s9], $0x6FFFF;
	_ =	strace $0x90000046  }
0xb5: {  	s29 =	simm.s32 $0x9;
	_ =	strace $0x80000048  }
0xb6: {  	_ =	swait.ge [sflag:s29], $0x1  }
0xb7: {  	[sflag:s29] =	ssyncadd.s32 $0xFFFFFFFF  }
0xb8: {  	_ =	strace $0x90000048  }
0xb9: {  	_ =	sfence  }
0xba: {  	s30 =	sld [smem:$0x0];
	_ =	sdelay $0x2  }
0xbb: {  	s31 =	sshll.u32 s1, $0xD;
	s1 =	sshrl.u32 s1, $0x2  }
0xbc: {  	s3 =	sand.u32 $0x4000, s31;
	s1 =	sadd.s32 s1, s30  }
0xbd: {  	s0 =	sor.u32 s3, s0;
	s1 =	sshll.u32 s1, $0x11  }
0xbe: {  	s0 =	sor.u32 s1, s0  }
0xbf: {  	s0 =	sadd.s32 $0x8F2B, s0  }
0xc0: {  	[sflag:s0] =	ssyncadd.remote.s32 $0x1  }
0xc1: {  	_ =	sfence.sel $0xFFFF  }
0xc2: {  	[dreg:$0x0] =	wrdreg $0xFFFFFFFF;
	(pc) =	sbr.abs _section_cstart, $3  }
0xc3: {  	[dreg:$0x1] =	wrdreg $0xFFFFFFFF  }
0xc4: {  	_ =	task.clear_ibuf [dreg:s9], $0x2FFFF;
	_ =	strace $0x9FFFFFFF  }
0xc5: {  	(tm) =	ssettm $0x7FFFFFFF  }
tec
execute0_lowered:
.L_overlay_start_1:
0x0: {  	(tag) =	ssettag $0x1  }
0x1: {  	s1 =	rddreg [dreg:$0x0]  }
0x2: {  	s4 =	rddreg [dreg:$0x1]  }
0x3: {  	s5 =	rddreg [dreg:$0x2]  }
0x4: {  	s0 =	rddreg [dreg:$0x3];
	s3 =	simm.s32 $0x0  }
0x5: {  	s6 =	srdreg.scid;
	s2 =	stileid.u32;
	s11 =	simm.s32 $0x2000  }
0x6: {  	s12 =	simm.s32 $0x3000;
	s13 =	simm.s32 $0x2;
	s14 =	simm.s32 $0x80  }
0x7: {  	s15 =	simm.s32 $0x400;
	s16 =	simm.s32 $0x4000;
	s17 =	simm.s32 $0x1  }
0x8: {  	[smem:$0x7FF] =	sst s3;
	s6 =	sand.u32 $0x1, s6;
	s7 =	sshll.u32 s2, $0x1  }
0x9: {  	s30 =	sshll.u32 s2, $0x6;
	_ =	strace $0x80000047;
	s8 =	ssub.s32 $0x2, s6  }
0xa: {  	s6 =	sor.u32 s6, s7;
	s7 =	sand.u32 $0x300, s30;
	s9 =	sshrl.u32 s8, $0x1  }
0xb: {  	s10 =	sshll.u32 s6, $0x4;
	s4 =	sadd.s32 s4, s7;
	s6 =	sshll.u32 s6, $0xB  }
0xc: {  	s7 =	sadd.s32 $0x100, s1;
	s10 =	sand.u32 $0x70, s10;
	s31 =	ssub.s32 s8, s9  }
0xd: {  	s5 =	sadd.s32 s5, s6;
	s8 =	sadd.s32 $0x200, s1;
	s9 =	sadd.s32 $0x300, s1  }
0xe: {  	s4 =	sadd.s32 s10, s4;
	s6 =	smax.u32 s31, $0x1;
	s10 =	simm.s32 $0x1000  }
.LBB2_1:
0xf: {  	[tilespmem:s3], [sflag:$0x2] =	stream.linear.gather [hbm4b:s1+s3], $0x800, $0x38;
	[tilespmem:$0x4100] =	vst v63  }
0x10: {  	_ = 	snop  }
0x11: {  	[tilespmem:s10], [sflag:$0x2] =	stream.linear.gather [hbm4b:s7+s3], $0x800, $0x38;
	[tilespmem:$0x4100] =	vst v63  }
0x12: {  	_ = 	snop  }
0x13: {  	[tilespmem:s11], [sflag:$0x2] =	stream.linear.gather [hbm4b:s8+s3], $0x800, $0x38;
	[tilespmem:$0x4100] =	vst v63  }
0x14: {  	_ = 	snop  }
0x15: {  	[tilespmem:s12], [sflag:$0x2] =	stream.linear.gather [hbm4b:s9+s3], $0x800, $0x38;
	[tilespmem:$0x4100] =	vst v63  }
0x16: {  	_ =	swait.ge [sflag:s13], $0x2000  }
0x17: {  	[sflag:s13] =	ssyncset.done $0x0  }
0x18: {  	[sflag:s13] =	ssyncadd.s32 $0xFFFFE000  }
0x19: {  	[tilespmem:s16], [sflag:$0x2] =	stream.strided.gather [hbm4b:s4+s14], $0x100, s15, s14, $0x38;
	[tilespmem:$0x4100] =	vst v63  }
0x1a: {  	_ =	swait.ge [sflag:s13], $0x100  }
0x1b: {  	[sflag:s13] =	ssyncset.done $0x0  }
0x1c: {  	[sflag:s13] =	ssyncadd.s32 $0xFFFFFF00  }
0x1d: {  	v0 =	vld [tilespmem:$0x4000];
	_ =	sdelay $0x4  }
0x1e: {  	[tilespmem:$0x800] =	vst v0  }
0x1f: {  	[tilespmem:$0x880] =	vst v0  }
0x20: {  	[tilespmem:$0x900] =	vst v0  }
0x21: {  	[tilespmem:$0x980] =	vst v0  }
0x22: {  	[tilespmem:$0xA00] =	vst v0  }
0x23: {  	[tilespmem:$0xA80] =	vst v0  }
0x24: {  	[tilespmem:$0xB00] =	vst v0  }
0x25: {  	[tilespmem:$0xB80] =	vst v0  }
0x26: {  	[tilespmem:$0x1800] =	vst v0  }
0x27: {  	[tilespmem:$0x1880] =	vst v0  }
0x28: {  	[tilespmem:$0x1900] =	vst v0  }
0x29: {  	[tilespmem:$0x1980] =	vst v0  }
0x2a: {  	[tilespmem:$0x1A00] =	vst v0  }
0x2b: {  	[tilespmem:$0x1A80] =	vst v0  }
0x2c: {  	[tilespmem:$0x1B00] =	vst v0  }
0x2d: {  	[tilespmem:$0x1B80] =	vst v0  }
0x2e: {  	[tilespmem:$0x2800] =	vst v0  }
0x2f: {  	[tilespmem:$0x2880] =	vst v0  }
0x30: {  	[tilespmem:$0x2900] =	vst v0  }
0x31: {  	[tilespmem:$0x2980] =	vst v0  }
0x32: {  	[tilespmem:$0x2A00] =	vst v0  }
0x33: {  	[tilespmem:$0x2A80] =	vst v0  }
0x34: {  	[tilespmem:$0x2B00] =	vst v0  }
0x35: {  	[tilespmem:$0x2B80] =	vst v0  }
0x36: {  	[tilespmem:$0x3800] =	vst v0  }
0x37: {  	[tilespmem:$0x3880] =	vst v0  }
0x38: {  	[tilespmem:$0x3900] =	vst v0  }
0x39: {  	[tilespmem:$0x3980] =	vst v0  }
0x3a: {  	[tilespmem:$0x3A00] =	vst v0  }
0x3b: {  	[tilespmem:$0x3A80] =	vst v0  }
0x3c: {  	[tilespmem:$0x3B00] =	vst v0  }
0x3d: {  	v1 =	vld [tilespmem:$0x4010];
	_ =	sdelay $0x3  }
0x3e: {  	[tilespmem:$0x3B80] =	vst v0  }
0x3f: {  	[tilespmem:$0x810] =	vst v1  }
0x40: {  	[tilespmem:$0x890] =	vst v1  }
0x41: {  	[tilespmem:$0x910] =	vst v1  }
0x42: {  	[tilespmem:$0x990] =	vst v1  }
0x43: {  	[tilespmem:$0xA10] =	vst v1  }
0x44: {  	[tilespmem:$0xA90] =	vst v1  }
0x45: {  	[tilespmem:$0xB10] =	vst v1  }
0x46: {  	[tilespmem:$0xB90] =	vst v1  }
0x47: {  	[tilespmem:$0x1810] =	vst v1  }
0x48: {  	[tilespmem:$0x1890] =	vst v1  }
0x49: {  	[tilespmem:$0x1910] =	vst v1  }
0x4a: {  	[tilespmem:$0x1990] =	vst v1  }
0x4b: {  	[tilespmem:$0x1A10] =	vst v1  }
0x4c: {  	[tilespmem:$0x1A90] =	vst v1  }
0x4d: {  	[tilespmem:$0x1B10] =	vst v1  }
0x4e: {  	[tilespmem:$0x1B90] =	vst v1  }
0x4f: {  	[tilespmem:$0x2810] =	vst v1  }
0x50: {  	[tilespmem:$0x2890] =	vst v1  }
0x51: {  	[tilespmem:$0x2910] =	vst v1  }
0x52: {  	[tilespmem:$0x2990] =	vst v1  }
0x53: {  	[tilespmem:$0x2A10] =	vst v1  }
0x54: {  	[tilespmem:$0x2A90] =	vst v1  }
0x55: {  	[tilespmem:$0x2B10] =	vst v1  }
0x56: {  	[tilespmem:$0x2B90] =	vst v1  }
0x57: {  	[tilespmem:$0x3810] =	vst v1  }
0x58: {  	[tilespmem:$0x3890] =	vst v1  }
0x59: {  	[tilespmem:$0x3910] =	vst v1  }
0x5a: {  	v52 =	vld [tilespmem:$0x4020];
	[tilespmem:$0x3990] =	vst v1  }
0x5b: {  	[tilespmem:$0x3A10] =	vst v1  }
0x5c: {  	[tilespmem:$0x3A90] =	vst v1  }
0x5d: {  	[tilespmem:$0x3B10] =	vst v1  }
0x5e: {  	[tilespmem:$0x3B90] =	vst v1  }
0x5f: {  	[tilespmem:$0x820] =	vst v52  }
0x60: {  	[tilespmem:$0x8A0] =	vst v52  }
0x61: {  	[tilespmem:$0x920] =	vst v52  }
0x62: {  	[tilespmem:$0x9A0] =	vst v52  }
0x63: {  	[tilespmem:$0xA20] =	vst v52  }
0x64: {  	[tilespmem:$0xAA0] =	vst v52  }
0x65: {  	[tilespmem:$0xB20] =	vst v52  }
0x66: {  	[tilespmem:$0xBA0] =	vst v52  }
0x67: {  	[tilespmem:$0x1820] =	vst v52  }
0x68: {  	[tilespmem:$0x18A0] =	vst v52  }
0x69: {  	[tilespmem:$0x1920] =	vst v52  }
0x6a: {  	[tilespmem:$0x19A0] =	vst v52  }
0x6b: {  	[tilespmem:$0x1A20] =	vst v52  }
0x6c: {  	[tilespmem:$0x1AA0] =	vst v52  }
0x6d: {  	[tilespmem:$0x1B20] =	vst v52  }
0x6e: {  	[tilespmem:$0x1BA0] =	vst v52  }
0x6f: {  	[tilespmem:$0x2820] =	vst v52  }
0x70: {  	[tilespmem:$0x28A0] =	vst v52  }
0x71: {  	[tilespmem:$0x2920] =	vst v52  }
0x72: {  	[tilespmem:$0x29A0] =	vst v52  }
0x73: {  	[tilespmem:$0x2A20] =	vst v52  }
0x74: {  	[tilespmem:$0x2AA0] =	vst v52  }
0x75: {  	[tilespmem:$0x2B20] =	vst v52  }
0x76: {  	[tilespmem:$0x2BA0] =	vst v52  }
0x77: {  	[tilespmem:$0x3820] =	vst v52  }
0x78: {  	[tilespmem:$0x38A0] =	vst v52  }
0x79: {  	[tilespmem:$0x3920] =	vst v52  }
0x7a: {  	v53 =	vld [tilespmem:$0x4030];
	[tilespmem:$0x39A0] =	vst v52  }
0x7b: {  	[tilespmem:$0x3A20] =	vst v52  }
0x7c: {  	[tilespmem:$0x3AA0] =	vst v52  }
0x7d: {  	[tilespmem:$0x3B20] =	vst v52  }
0x7e: {  	[tilespmem:$0x3BA0] =	vst v52  }
0x7f: {  	[tilespmem:$0x830] =	vst v53  }
0x80: {  	[tilespmem:$0x8B0] =	vst v53  }
0x81: {  	[tilespmem:$0x930] =	vst v53  }
0x82: {  	[tilespmem:$0x9B0] =	vst v53  }
0x83: {  	[tilespmem:$0xA30] =	vst v53  }
0x84: {  	[tilespmem:$0xAB0] =	vst v53  }
0x85: {  	[tilespmem:$0xB30] =	vst v53  }
0x86: {  	[tilespmem:$0xBB0] =	vst v53  }
0x87: {  	[tilespmem:$0x1830] =	vst v53  }
0x88: {  	[tilespmem:$0x18B0] =	vst v53  }
0x89: {  	[tilespmem:$0x1930] =	vst v53  }
0x8a: {  	[tilespmem:$0x19B0] =	vst v53  }
0x8b: {  	[tilespmem:$0x1A30] =	vst v53  }
0x8c: {  	[tilespmem:$0x1AB0] =	vst v53  }
0x8d: {  	[tilespmem:$0x1B30] =	vst v53  }
0x8e: {  	[tilespmem:$0x1BB0] =	vst v53  }
0x8f: {  	[tilespmem:$0x2830] =	vst v53  }
0x90: {  	[tilespmem:$0x28B0] =	vst v53  }
0x91: {  	[tilespmem:$0x2930] =	vst v53  }
0x92: {  	[tilespmem:$0x29B0] =	vst v53  }
0x93: {  	[tilespmem:$0x2A30] =	vst v53  }
0x94: {  	[tilespmem:$0x2AB0] =	vst v53  }
0x95: {  	[tilespmem:$0x2B30] =	vst v53  }
0x96: {  	[tilespmem:$0x2BB0] =	vst v53  }
0x97: {  	[tilespmem:$0x3830] =	vst v53  }
0x98: {  	[tilespmem:$0x38B0] =	vst v53  }
0x99: {  	[tilespmem:$0x3930] =	vst v53  }
0x9a: {  	v54 =	vld [tilespmem:$0x4040];
	[tilespmem:$0x39B0] =	vst v53  }
0x9b: {  	[tilespmem:$0x3A30] =	vst v53  }
0x9c: {  	[tilespmem:$0x3AB0] =	vst v53  }
0x9d: {  	[tilespmem:$0x3B30] =	vst v53  }
0x9e: {  	[tilespmem:$0x3BB0] =	vst v53  }
0x9f: {  	[tilespmem:$0x840] =	vst v54  }
0xa0: {  	[tilespmem:$0x8C0] =	vst v54  }
0xa1: {  	[tilespmem:$0x940] =	vst v54  }
0xa2: {  	[tilespmem:$0x9C0] =	vst v54  }
0xa3: {  	[tilespmem:$0xA40] =	vst v54  }
0xa4: {  	[tilespmem:$0xAC0] =	vst v54  }
0xa5: {  	[tilespmem:$0xB40] =	vst v54  }
0xa6: {  	[tilespmem:$0xBC0] =	vst v54  }
0xa7: {  	[tilespmem:$0x1840] =	vst v54  }
0xa8: {  	[tilespmem:$0x18C0] =	vst v54  }
0xa9: {  	[tilespmem:$0x1940] =	vst v54  }
0xaa: {  	[tilespmem:$0x19C0] =	vst v54  }
0xab: {  	[tilespmem:$0x1A40] =	vst v54  }
0xac: {  	[tilespmem:$0x1AC0] =	vst v54  }
0xad: {  	[tilespmem:$0x1B40] =	vst v54  }
0xae: {  	[tilespmem:$0x1BC0] =	vst v54  }
0xaf: {  	[tilespmem:$0x2840] =	vst v54  }
0xb0: {  	[tilespmem:$0x28C0] =	vst v54  }
0xb1: {  	[tilespmem:$0x2940] =	vst v54  }
0xb2: {  	[tilespmem:$0x29C0] =	vst v54  }
0xb3: {  	[tilespmem:$0x2A40] =	vst v54  }
0xb4: {  	[tilespmem:$0x2AC0] =	vst v54  }
0xb5: {  	[tilespmem:$0x2B40] =	vst v54  }
0xb6: {  	[tilespmem:$0x2BC0] =	vst v54  }
0xb7: {  	[tilespmem:$0x3840] =	vst v54  }
0xb8: {  	[tilespmem:$0x38C0] =	vst v54  }
0xb9: {  	[tilespmem:$0x3940] =	vst v54  }
0xba: {  	v55 =	vld [tilespmem:$0x4050];
	[tilespmem:$0x39C0] =	vst v54  }
0xbb: {  	[tilespmem:$0x3A40] =	vst v54  }
0xbc: {  	[tilespmem:$0x3AC0] =	vst v54  }
0xbd: {  	[tilespmem:$0x3B40] =	vst v54  }
0xbe: {  	[tilespmem:$0x3BC0] =	vst v54  }
0xbf: {  	[tilespmem:$0x850] =	vst v55  }
0xc0: {  	[tilespmem:$0x8D0] =	vst v55  }
0xc1: {  	[tilespmem:$0x950] =	vst v55  }
0xc2: {  	[tilespmem:$0x9D0] =	vst v55  }
0xc3: {  	[tilespmem:$0xA50] =	vst v55  }
0xc4: {  	[tilespmem:$0xAD0] =	vst v55  }
0xc5: {  	[tilespmem:$0xB50] =	vst v55  }
0xc6: {  	[tilespmem:$0xBD0] =	vst v55  }
0xc7: {  	[tilespmem:$0x1850] =	vst v55  }
0xc8: {  	[tilespmem:$0x18D0] =	vst v55  }
0xc9: {  	[tilespmem:$0x1950] =	vst v55  }
0xca: {  	[tilespmem:$0x19D0] =	vst v55  }
0xcb: {  	[tilespmem:$0x1A50] =	vst v55  }
0xcc: {  	[tilespmem:$0x1AD0] =	vst v55  }
0xcd: {  	[tilespmem:$0x1B50] =	vst v55  }
0xce: {  	[tilespmem:$0x1BD0] =	vst v55  }
0xcf: {  	[tilespmem:$0x2850] =	vst v55  }
0xd0: {  	[tilespmem:$0x28D0] =	vst v55  }
0xd1: {  	[tilespmem:$0x2950] =	vst v55  }
0xd2: {  	[tilespmem:$0x29D0] =	vst v55  }
0xd3: {  	[tilespmem:$0x2A50] =	vst v55  }
0xd4: {  	[tilespmem:$0x2AD0] =	vst v55  }
0xd5: {  	[tilespmem:$0x2B50] =	vst v55  }
0xd6: {  	[tilespmem:$0x2BD0] =	vst v55  }
0xd7: {  	[tilespmem:$0x3850] =	vst v55  }
0xd8: {  	[tilespmem:$0x38D0] =	vst v55  }
0xd9: {  	[tilespmem:$0x3950] =	vst v55  }
0xda: {  	v56 =	vld [tilespmem:$0x4060];
	[tilespmem:$0x39D0] =	vst v55  }
0xdb: {  	[tilespmem:$0x3A50] =	vst v55  }
0xdc: {  	[tilespmem:$0x3AD0] =	vst v55  }
0xdd: {  	[tilespmem:$0x3B50] =	vst v55  }
0xde: {  	[tilespmem:$0x3BD0] =	vst v55  }
0xdf: {  	[tilespmem:$0x860] =	vst v56  }
0xe0: {  	[tilespmem:$0x8E0] =	vst v56  }
0xe1: {  	[tilespmem:$0x960] =	vst v56  }
0xe2: {  	[tilespmem:$0x9E0] =	vst v56  }
0xe3: {  	[tilespmem:$0xA60] =	vst v56  }
0xe4: {  	[tilespmem:$0xAE0] =	vst v56  }
0xe5: {  	[tilespmem:$0xB60] =	vst v56  }
0xe6: {  	[tilespmem:$0xBE0] =	vst v56  }
0xe7: {  	[tilespmem:$0x1860] =	vst v56  }
0xe8: {  	[tilespmem:$0x18E0] =	vst v56  }
0xe9: {  	[tilespmem:$0x1960] =	vst v56  }
0xea: {  	[tilespmem:$0x19E0] =	vst v56  }
0xeb: {  	[tilespmem:$0x1A60] =	vst v56  }
0xec: {  	[tilespmem:$0x1AE0] =	vst v56  }
0xed: {  	[tilespmem:$0x1B60] =	vst v56  }
0xee: {  	[tilespmem:$0x1BE0] =	vst v56  }
0xef: {  	[tilespmem:$0x2860] =	vst v56  }
0xf0: {  	[tilespmem:$0x28E0] =	vst v56  }
0xf1: {  	[tilespmem:$0x2960] =	vst v56  }
0xf2: {  	[tilespmem:$0x29E0] =	vst v56  }
0xf3: {  	[tilespmem:$0x2A60] =	vst v56  }
0xf4: {  	[tilespmem:$0x2AE0] =	vst v56  }
0xf5: {  	[tilespmem:$0x2B60] =	vst v56  }
0xf6: {  	[tilespmem:$0x2BE0] =	vst v56  }
0xf7: {  	[tilespmem:$0x3860] =	vst v56  }
0xf8: {  	[tilespmem:$0x38E0] =	vst v56  }
0xf9: {  	[tilespmem:$0x3960] =	vst v56  }
0xfa: {  	v57 =	vld [tilespmem:$0x4070];
	[tilespmem:$0x39E0] =	vst v56  }
0xfb: {  	[tilespmem:$0x3A60] =	vst v56  }
0xfc: {  	[tilespmem:$0x3AE0] =	vst v56  }
0xfd: {  	[tilespmem:$0x3B60] =	vst v56  }
0xfe: {  	[tilespmem:$0x3BE0] =	vst v56  }
0xff: {  	[tilespmem:$0x870] =	vst v57  }
0x100: {  	[tilespmem:$0x8F0] =	vst v57  }
0x101: {  	[tilespmem:$0x970] =	vst v57  }
0x102: {  	[tilespmem:$0x9F0] =	vst v57  }
0x103: {  	[tilespmem:$0xA70] =	vst v57  }
0x104: {  	[tilespmem:$0xAF0] =	vst v57  }
0x105: {  	[tilespmem:$0xB70] =	vst v57  }
0x106: {  	[tilespmem:$0xBF0] =	vst v57  }
0x107: {  	[tilespmem:$0x1870] =	vst v57  }
0x108: {  	[tilespmem:$0x18F0] =	vst v57  }
0x109: {  	[tilespmem:$0x1970] =	vst v57  }
0x10a: {  	[tilespmem:$0x19F0] =	vst v57  }
0x10b: {  	[tilespmem:$0x1A70] =	vst v57  }
0x10c: {  	[tilespmem:$0x1AF0] =	vst v57  }
0x10d: {  	[tilespmem:$0x1B70] =	vst v57  }
0x10e: {  	[tilespmem:$0x1BF0] =	vst v57  }
0x10f: {  	[tilespmem:$0x2870] =	vst v57  }
0x110: {  	[tilespmem:$0x28F0] =	vst v57  }
0x111: {  	[tilespmem:$0x2970] =	vst v57  }
0x112: {  	[tilespmem:$0x29F0] =	vst v57  }
0x113: {  	[tilespmem:$0x2A70] =	vst v57  }
0x114: {  	[tilespmem:$0x2AF0] =	vst v57  }
0x115: {  	[tilespmem:$0x2B70] =	vst v57  }
0x116: {  	[tilespmem:$0x2BF0] =	vst v57  }
0x117: {  	[tilespmem:$0x3870] =	vst v57  }
0x118: {  	[tilespmem:$0x38F0] =	vst v57  }
0x119: {  	[tilespmem:$0x3970] =	vst v57  }
0x11a: {  	v2 =	vld [tilespmem:$0x40D0];
	[tilespmem:$0x39F0] =	vst v57  }
0x11b: {  	[tilespmem:$0x3A70] =	vst v57  }
0x11c: {  	[tilespmem:$0x3AF0] =	vst v57  }
0x11d: {  	[tilespmem:$0x3B70] =	vst v57  }
0x11e: {  	[tilespmem:$0x3BF0] =	vst v57  }
0x11f: {  	[tilespmem:$0xC50] =	vst v2  }
0x120: {  	[tilespmem:$0xCD0] =	vst v2  }
0x121: {  	[tilespmem:$0xD50] =	vst v2  }
0x122: {  	[tilespmem:$0xDD0] =	vst v2  }
0x123: {  	[tilespmem:$0xE50] =	vst v2  }
0x124: {  	[tilespmem:$0xED0] =	vst v2  }
0x125: {  	[tilespmem:$0xF50] =	vst v2  }
0x126: {  	[tilespmem:$0xFD0] =	vst v2  }
0x127: {  	[tilespmem:$0x1C50] =	vst v2  }
0x128: {  	[tilespmem:$0x1CD0] =	vst v2  }
0x129: {  	[tilespmem:$0x1D50] =	vst v2  }
0x12a: {  	[tilespmem:$0x1DD0] =	vst v2  }
0x12b: {  	[tilespmem:$0x1E50] =	vst v2  }
0x12c: {  	[tilespmem:$0x1ED0] =	vst v2  }
0x12d: {  	[tilespmem:$0x1F50] =	vst v2  }
0x12e: {  	[tilespmem:$0x1FD0] =	vst v2  }
0x12f: {  	[tilespmem:$0x2C50] =	vst v2  }
0x130: {  	[tilespmem:$0x2CD0] =	vst v2  }
0x131: {  	[tilespmem:$0x2D50] =	vst v2  }
0x132: {  	[tilespmem:$0x2DD0] =	vst v2  }
0x133: {  	[tilespmem:$0x2E50] =	vst v2  }
0x134: {  	[tilespmem:$0x2ED0] =	vst v2  }
0x135: {  	[tilespmem:$0x2F50] =	vst v2  }
0x136: {  	[tilespmem:$0x2FD0] =	vst v2  }
0x137: {  	v59 =	vld [tilespmem:$0x40F0];
	[tilespmem:$0x3C50] =	vst v2  }
0x138: {  	v62 =	vld [tilespmem:$0x4090];
	[tilespmem:$0x3CD0] =	vst v2  }
0x139: {  	v63 =	vld [tilespmem:$0x4080];
	[tilespmem:$0x3D50] =	vst v2  }
0x13a: {  	[tilespmem:$0x3DD0] =	vst v2  }
0x13b: {  	[tilespmem:$0x3E50] =	vst v2  }
0x13c: {  	[tilespmem:$0x3F70] =	vst v59  }
0x13d: {  	[tilespmem:$0x3F10] =	vst v62  }
0x13e: {  	[tilespmem:$0x3F00] =	vst v63  }
0x13f: {  	[tilespmem:$0x3F80] =	vst v63  }
0x140: {  	[tilespmem:$0x3E80] =	vst v63  }
0x141: {  	[tilespmem:$0x3E00] =	vst v63  }
0x142: {  	[tilespmem:$0x3D80] =	vst v63  }
0x143: {  	[tilespmem:$0x3D00] =	vst v63  }
0x144: {  	[tilespmem:$0x3C80] =	vst v63  }
0x145: {  	[tilespmem:$0x3C00] =	vst v63  }
0x146: {  	[tilespmem:$0x2F80] =	vst v63  }
0x147: {  	[tilespmem:$0x2F00] =	vst v63  }
0x148: {  	[tilespmem:$0x2E80] =	vst v63  }
0x149: {  	[tilespmem:$0x2E00] =	vst v63  }
0x14a: {  	[tilespmem:$0x2D80] =	vst v63  }
0x14b: {  	[tilespmem:$0x2D00] =	vst v63  }
0x14c: {  	[tilespmem:$0x2C80] =	vst v63  }
0x14d: {  	[tilespmem:$0x2C00] =	vst v63  }
0x14e: {  	[tilespmem:$0x1F80] =	vst v63  }
0x14f: {  	[tilespmem:$0x1F00] =	vst v63  }
0x150: {  	[tilespmem:$0x1E80] =	vst v63  }
0x151: {  	[tilespmem:$0x1E00] =	vst v63  }
0x152: {  	[tilespmem:$0x1D80] =	vst v63  }
0x153: {  	[tilespmem:$0x1D00] =	vst v63  }
0x154: {  	[tilespmem:$0x1C80] =	vst v63  }
0x155: {  	[tilespmem:$0x1C00] =	vst v63  }
0x156: {  	[tilespmem:$0xF80] =	vst v63  }
0x157: {  	[tilespmem:$0xF00] =	vst v63  }
0x158: {  	[tilespmem:$0xE80] =	vst v63  }
0x159: {  	[tilespmem:$0xE00] =	vst v63  }
0x15a: {  	[tilespmem:$0xD80] =	vst v63  }
0x15b: {  	[tilespmem:$0xD00] =	vst v63  }
0x15c: {  	[tilespmem:$0xC80] =	vst v63  }
0x15d: {  	[tilespmem:$0xC00] =	vst v63  }
0x15e: {  	v60 =	vld [tilespmem:$0x40A0];
	[tilespmem:$0x1C10] =	vst v62  }
0x15f: {  	[tilespmem:$0x3F90] =	vst v62  }
0x160: {  	[tilespmem:$0x3E90] =	vst v62  }
0x161: {  	[tilespmem:$0x1C90] =	vst v62  }
0x162: {  	[tilespmem:$0x3E10] =	vst v62  }
0x163: {  	[tilespmem:$0xDA0] =	vst v60  }
0x164: {  	[tilespmem:$0xE20] =	vst v60  }
0x165: {  	[tilespmem:$0xEA0] =	vst v60  }
0x166: {  	[tilespmem:$0xF20] =	vst v60  }
0x167: {  	[tilespmem:$0xFA0] =	vst v60  }
0x168: {  	[tilespmem:$0x1C20] =	vst v60  }
0x169: {  	[tilespmem:$0x1CA0] =	vst v60  }
0x16a: {  	[tilespmem:$0x1D20] =	vst v60  }
0x16b: {  	[tilespmem:$0x1DA0] =	vst v60  }
0x16c: {  	[tilespmem:$0x1E20] =	vst v60  }
0x16d: {  	[tilespmem:$0x1EA0] =	vst v60  }
0x16e: {  	[tilespmem:$0x1F20] =	vst v60  }
0x16f: {  	[tilespmem:$0x1FA0] =	vst v60  }
0x170: {  	[tilespmem:$0x2C20] =	vst v60  }
0x171: {  	[tilespmem:$0x2CA0] =	vst v60  }
0x172: {  	[tilespmem:$0x2D20] =	vst v60  }
0x173: {  	[tilespmem:$0x2DA0] =	vst v60  }
0x174: {  	[tilespmem:$0x2E20] =	vst v60  }
0x175: {  	[tilespmem:$0x2EA0] =	vst v60  }
0x176: {  	[tilespmem:$0x2F20] =	vst v60  }
0x177: {  	[tilespmem:$0x2FA0] =	vst v60  }
0x178: {  	[tilespmem:$0x3C20] =	vst v60  }
0x179: {  	[tilespmem:$0x3CA0] =	vst v60  }
0x17a: {  	[tilespmem:$0x3D20] =	vst v60  }
0x17b: {  	[tilespmem:$0x3DA0] =	vst v60  }
0x17c: {  	[tilespmem:$0x3E20] =	vst v60  }
0x17d: {  	[tilespmem:$0x3EA0] =	vst v60  }
0x17e: {  	[tilespmem:$0x3F20] =	vst v60  }
0x17f: {  	[tilespmem:$0x3FA0] =	vst v60  }
0x180: {  	[tilespmem:$0xD20] =	vst v60  }
0x181: {  	[tilespmem:$0xC20] =	vst v60  }
0x182: {  	[tilespmem:$0x3D90] =	vst v62  }
0x183: {  	[tilespmem:$0x3D10] =	vst v62  }
0x184: {  	[tilespmem:$0x3C90] =	vst v62  }
0x185: {  	[tilespmem:$0x3C10] =	vst v62  }
0x186: {  	[tilespmem:$0x2F90] =	vst v62  }
0x187: {  	[tilespmem:$0x2F10] =	vst v62  }
0x188: {  	[tilespmem:$0x2E90] =	vst v62  }
0x189: {  	[tilespmem:$0x2E10] =	vst v62  }
0x18a: {  	[tilespmem:$0x2D90] =	vst v62  }
0x18b: {  	[tilespmem:$0x2D10] =	vst v62  }
0x18c: {  	[tilespmem:$0x2C90] =	vst v62  }
0x18d: {  	[tilespmem:$0x2C10] =	vst v62  }
0x18e: {  	[tilespmem:$0x1F90] =	vst v62  }
0x18f: {  	[tilespmem:$0x1F10] =	vst v62  }
0x190: {  	[tilespmem:$0x1E90] =	vst v62  }
0x191: {  	[tilespmem:$0x1E10] =	vst v62  }
0x192: {  	[tilespmem:$0x1D90] =	vst v62  }
0x193: {  	[tilespmem:$0x1D10] =	vst v62  }
0x194: {  	v61 =	vld [tilespmem:$0x40B0];
	[tilespmem:$0xD90] =	vst v62  }
0x195: {  	[tilespmem:$0xF90] =	vst v62  }
0x196: {  	[tilespmem:$0xF10] =	vst v62  }
0x197: {  	[tilespmem:$0xE90] =	vst v62  }
0x198: {  	[tilespmem:$0xE10] =	vst v62  }
0x199: {  	v58 =	vld [tilespmem:$0x40E0];
	[tilespmem:$0x3EB0] =	vst v61  }
0x19a: {  	[tilespmem:$0xD10] =	vst v62  }
0x19b: {  	[tilespmem:$0xC90] =	vst v62  }
0x19c: {  	[tilespmem:$0xC10] =	vst v62  }
0x19d: {  	[tilespmem:$0x3F30] =	vst v61  }
0x19e: {  	v3 =	vld [tilespmem:$0x40C0];
	[tilespmem:$0xE60] =	vst v58  }
0x19f: {  	[tilespmem:$0x3FB0] =	vst v61  }
0x1a0: {  	[tilespmem:$0x3E30] =	vst v61  }
0x1a1: {  	[tilespmem:$0xD60] =	vst v58  }
0x1a2: {  	[tilespmem:$0x3DB0] =	vst v61  }
0x1a3: {  	[tilespmem:$0xDC0] =	vst v3  }
0x1a4: {  	[tilespmem:$0xE40] =	vst v3  }
0x1a5: {  	[tilespmem:$0xEC0] =	vst v3  }
0x1a6: {  	[tilespmem:$0xF40] =	vst v3  }
0x1a7: {  	[tilespmem:$0xFC0] =	vst v3  }
0x1a8: {  	[tilespmem:$0x1C40] =	vst v3  }
0x1a9: {  	[tilespmem:$0x1CC0] =	vst v3  }
0x1aa: {  	[tilespmem:$0x1D40] =	vst v3  }
0x1ab: {  	[tilespmem:$0x1DC0] =	vst v3  }
0x1ac: {  	[tilespmem:$0x1E40] =	vst v3  }
0x1ad: {  	[tilespmem:$0x1EC0] =	vst v3  }
0x1ae: {  	[tilespmem:$0x1F40] =	vst v3  }
0x1af: {  	[tilespmem:$0x1FC0] =	vst v3  }
0x1b0: {  	[tilespmem:$0x2C40] =	vst v3  }
0x1b1: {  	[tilespmem:$0x2CC0] =	vst v3  }
0x1b2: {  	[tilespmem:$0x2D40] =	vst v3  }
0x1b3: {  	[tilespmem:$0x2DC0] =	vst v3  }
0x1b4: {  	[tilespmem:$0x2E40] =	vst v3  }
0x1b5: {  	[tilespmem:$0x2EC0] =	vst v3  }
0x1b6: {  	[tilespmem:$0x2F40] =	vst v3  }
0x1b7: {  	[tilespmem:$0x2FC0] =	vst v3  }
0x1b8: {  	[tilespmem:$0x3C40] =	vst v3  }
0x1b9: {  	[tilespmem:$0x3CC0] =	vst v3  }
0x1ba: {  	[tilespmem:$0x3D40] =	vst v3  }
0x1bb: {  	[tilespmem:$0x3DC0] =	vst v3  }
0x1bc: {  	[tilespmem:$0x3E40] =	vst v3  }
0x1bd: {  	[tilespmem:$0x3EC0] =	vst v3  }
0x1be: {  	[tilespmem:$0x3F40] =	vst v3  }
0x1bf: {  	[tilespmem:$0x3FC0] =	vst v3  }
0x1c0: {  	[tilespmem:$0xD40] =	vst v3  }
0x1c1: {  	[tilespmem:$0xC40] =	vst v3  }
0x1c2: {  	[tilespmem:$0x3D30] =	vst v61  }
0x1c3: {  	[tilespmem:$0x3CB0] =	vst v61  }
0x1c4: {  	[tilespmem:$0x3C30] =	vst v61  }
0x1c5: {  	[tilespmem:$0x2FB0] =	vst v61  }
0x1c6: {  	[tilespmem:$0x2F30] =	vst v61  }
0x1c7: {  	[tilespmem:$0x2EB0] =	vst v61  }
0x1c8: {  	[tilespmem:$0x2E30] =	vst v61  }
0x1c9: {  	[tilespmem:$0x2DB0] =	vst v61  }
0x1ca: {  	[tilespmem:$0x2D30] =	vst v61  }
0x1cb: {  	[tilespmem:$0x2CB0] =	vst v61  }
0x1cc: {  	[tilespmem:$0x2C30] =	vst v61  }
0x1cd: {  	[tilespmem:$0x1FB0] =	vst v61  }
0x1ce: {  	[tilespmem:$0x1F30] =	vst v61  }
0x1cf: {  	[tilespmem:$0x1EB0] =	vst v61  }
0x1d0: {  	[tilespmem:$0x1E30] =	vst v61  }
0x1d1: {  	[tilespmem:$0x1DB0] =	vst v61  }
0x1d2: {  	[tilespmem:$0x1D30] =	vst v61  }
0x1d3: {  	[tilespmem:$0x1CB0] =	vst v61  }
0x1d4: {  	[tilespmem:$0x1C30] =	vst v61  }
0x1d5: {  	[tilespmem:$0xFB0] =	vst v61  }
0x1d6: {  	[tilespmem:$0xF30] =	vst v61  }
0x1d7: {  	[tilespmem:$0xEB0] =	vst v61  }
0x1d8: {  	[tilespmem:$0xE30] =	vst v61  }
0x1d9: {  	[tilespmem:$0xDB0] =	vst v61  }
0x1da: {  	[tilespmem:$0xD30] =	vst v61  }
0x1db: {  	[tilespmem:$0xCB0] =	vst v61  }
0x1dc: {  	[tilespmem:$0xC30] =	vst v61  }
0x1dd: {  	[tilespmem:$0xCA0] =	vst v60  }
0x1de: {  	[tilespmem:$0xCC0] =	vst v3  }
0x1df: {  	[tilespmem:$0x3EF0] =	vst v59  }
0x1e0: {  	[tilespmem:$0x3E70] =	vst v59  }
0x1e1: {  	[tilespmem:$0x3FD0] =	vst v2  }
0x1e2: {  	[tilespmem:$0x3ED0] =	vst v2  }
0x1e3: {  	[tilespmem:$0xCE0] =	vst v58  }
0x1e4: {  	[tilespmem:$0xDE0] =	vst v58  }
0x1e5: {  	[tilespmem:$0xEE0] =	vst v58  }
0x1e6: {  	[tilespmem:$0xF60] =	vst v58  }
0x1e7: {  	[tilespmem:$0xFE0] =	vst v58  }
0x1e8: {  	[tilespmem:$0x1C60] =	vst v58  }
0x1e9: {  	[tilespmem:$0x1CE0] =	vst v58  }
0x1ea: {  	[tilespmem:$0x1D60] =	vst v58  }
0x1eb: {  	[tilespmem:$0x1DE0] =	vst v58  }
0x1ec: {  	[tilespmem:$0x1E60] =	vst v58  }
0x1ed: {  	[tilespmem:$0x1EE0] =	vst v58  }
0x1ee: {  	[tilespmem:$0x1F60] =	vst v58  }
0x1ef: {  	[tilespmem:$0x1FE0] =	vst v58  }
0x1f0: {  	[tilespmem:$0x2C60] =	vst v58  }
0x1f1: {  	[tilespmem:$0x2CE0] =	vst v58  }
0x1f2: {  	[tilespmem:$0x2D60] =	vst v58  }
0x1f3: {  	[tilespmem:$0x2DE0] =	vst v58  }
0x1f4: {  	[tilespmem:$0x2E60] =	vst v58  }
0x1f5: {  	[tilespmem:$0x2EE0] =	vst v58  }
0x1f6: {  	[tilespmem:$0x2F60] =	vst v58  }
0x1f7: {  	[tilespmem:$0x2FE0] =	vst v58  }
0x1f8: {  	[tilespmem:$0x3C60] =	vst v58  }
0x1f9: {  	[tilespmem:$0x3CE0] =	vst v58  }
0x1fa: {  	[tilespmem:$0x3D60] =	vst v58  }
0x1fb: {  	[tilespmem:$0x3DE0] =	vst v58  }
0x1fc: {  	[tilespmem:$0x3E60] =	vst v58  }
0x1fd: {  	[tilespmem:$0x3EE0] =	vst v58  }
0x1fe: {  	[tilespmem:$0x3F60] =	vst v58  }
0x1ff: {  	[tilespmem:$0x3FE0] =	vst v58  }
0x200: {  	[tilespmem:$0xC70] =	vst v59  }
0x201: {  	[tilespmem:$0xCF0] =	vst v59  }
0x202: {  	[tilespmem:$0xD70] =	vst v59  }
0x203: {  	[tilespmem:$0xDF0] =	vst v59  }
0x204: {  	[tilespmem:$0xE70] =	vst v59  }
0x205: {  	[tilespmem:$0xEF0] =	vst v59  }
0x206: {  	[tilespmem:$0xF70] =	vst v59  }
0x207: {  	[tilespmem:$0xFF0] =	vst v59  }
0x208: {  	[tilespmem:$0x1C70] =	vst v59  }
0x209: {  	[tilespmem:$0x1CF0] =	vst v59  }
0x20a: {  	[tilespmem:$0x1D70] =	vst v59  }
0x20b: {  	[tilespmem:$0x1DF0] =	vst v59  }
0x20c: {  	[tilespmem:$0x1E70] =	vst v59  }
0x20d: {  	[tilespmem:$0x1EF0] =	vst v59  }
0x20e: {  	[tilespmem:$0x1F70] =	vst v59  }
0x20f: {  	[tilespmem:$0x1FF0] =	vst v59  }
0x210: {  	[tilespmem:$0x2C70] =	vst v59  }
0x211: {  	[tilespmem:$0x2CF0] =	vst v59  }
0x212: {  	[tilespmem:$0x2D70] =	vst v59  }
0x213: {  	[tilespmem:$0x2DF0] =	vst v59  }
0x214: {  	[tilespmem:$0x2E70] =	vst v59  }
0x215: {  	[tilespmem:$0x2EF0] =	vst v59  }
0x216: {  	[tilespmem:$0x2F70] =	vst v59  }
0x217: {  	[tilespmem:$0x2FF0] =	vst v59  }
0x218: {  	[tilespmem:$0x3C70] =	vst v59  }
0x219: {  	[tilespmem:$0x3CF0] =	vst v59  }
0x21a: {  	[tilespmem:$0x3D70] =	vst v59  }
0x21b: {  	[tilespmem:$0x3DF0] =	vst v59  }
0x21c: {  	[tilespmem:$0xC60] =	vst v58  }
0x21d: {  	p0 =	sne.s32 s6, $0x1;
	[tilespmem:$0x3F50] =	vst v2  }
.Ltmp0:
0x21e: {  	[tilespmem:$0x3FF0] =	vst v59;
	(pc) =	sbr.rel @p0 .LBB2_1-.Ltmp0, $4  }
0x21f: {  	[hbm4b:s5+s3] =	stream.linear.scatter [tilespmem:s3], [sflag:$0x1], $0x4000, $0x38;
	[tilespmem:$0x4100] =	vst v63  }
0x220: {  	_ =	swait.ge [sflag:s17], $0x4000  }
0x221: {  	[sflag:s17] =	ssyncset.done $0x0  }
0x222: {  	s6 =	sadd.s32 $0xFFFFFFFF, s6;
	[sflag:s17] =	ssyncadd.s32 $0xFFFFC000  }
0x223: {  	_ =	sfence.sel $0x180000  }
0x224: {  	[bflag:$0x0] =	sbarrier.arrive $0xFFFF  }
0x225: {  	p0 =	sne.s32 s2, $0x0;
	_ =	strace $0x90000047  }
0x226: {  	s0 =	sadd.s32 @!p0 $0x100000, s0;
	[bflag:$0x2] =	sbarrier.arrive $0xFFFF  }
0x227: {  	[sflag:s0] =	ssyncadd.tile.s32 @!p0 $0x1;
	_ =	shalt  }
.Lfunc_end2:
_tile_overlayer_lowered:
.L_overlay_start_2:
0x228: {  	(tag) =	ssettag $0x2  }
0x229: {  	s0 =	rddreg [dreg:$0x0];
	s2 =	stileid.u32  }
0x22a: {  	s1 =	rddreg [dreg:$0x1];
	p0 =	sne.s32 s2, $0x0  }
0x22b: {  	s3 =	rddreg [dreg:$0x2];
	[bflag:$0x3] =	sbarrier.arrive $0xFFFF;
	s2 =	simm.s32 @!p0 $0x1C02  }
0x22c: {  	[timem:s3], [sflag:s2] =	dma.local @!p0 [hbm:s0], s1  }
0x22d: {  	s0 =	simm.s32 @!p0 $0x2  }
0x22e: {  	_ =	swait.ge @!p0 [sflag:s0], s1  }
0x22f: {  	s1 =	ssub.s32 @!p0 $0x0, s1;
	[sflag:s0] =	ssyncset.done @!p0 $0x0  }
0x230: {  	[sflag:s0] =	ssyncadd.s32 @!p0 s1  }
0x231: {  	[bflag:$0x3] =	sbarrier.arrive $0xFFFF  }
0x232: {  	_ =	shalt  }

</sc_bundles>
